<compile_context>
chip_gen: v7x
topology: tpu7x:2x2x1
jax: 0.10.2.dev20260603
libtpu: 0.0.44.dev20260713+nightly
codegen_flags: <defaults>
</compile_context>

<pallas_src>
import functools

import jax
import jax.numpy as jnp
from jax import lax
from jax.experimental import pallas as pl
from jax.experimental.pallas import tpu as pltpu
from jax.experimental.pallas import tpu_sc as plsc

N = 10000
E = 320000
D = 128
H = 64
G = 16
OUT = 64

NC = 2
NS = 16
NW = NC * NS
L = 16

K = 500
CH = 20
EW = K * CH
EP = EW * NW
NP = 10240
RPT = NP // NS
R1 = 5120
GP = NP // R1

_mesh = plsc.VectorSubcoreMesh(
    core_axis_name="c", subcore_axis_name="s", num_cores=NC, num_subcores=NS)

_sc_params = pltpu.CompilerParams(use_tc_tiling_on_sc=False)

_zeros16 = functools.partial(jnp.zeros, (L,), jnp.float32)



def _deg_body(dst_hbm, out_hbm, dst_v, ones_v, zbuf_v, deg_sh):
    cid = lax.axis_index("c")
    sid = lax.axis_index("s")
    wid = sid * NC + cid

    for t in range(512 // L):
        ones_v[pl.ds(t * L, L)] = jnp.ones((L,), jnp.float32)

    def zstore(i, _):
        zbuf_v[pl.ds(i * L, L)] = _zeros16()
        return 0
    lax.fori_loop(0, RPT // L, zstore, 0)

    base = sid * RPT
    pltpu.sync_copy(zbuf_v, deg_sh.at[pl.ds(base, RPT)])
    pltpu.sync_copy(dst_hbm.at[wid], dst_v)
    plsc.subcore_barrier()

    def chunk(j, _):
        pltpu.sync_copy(ones_v.at[pl.ds(0, K)], deg_sh.at[dst_v.at[j]],
                        add=True)
        return 0
    lax.fori_loop(0, CH, chunk, 0)

    plsc.subcore_barrier()
    pltpu.sync_copy(deg_sh.at[pl.ds(base, RPT)],
                    out_hbm.at[cid, pl.ds(base, RPT)])


_deg_call = pl.kernel(
    _deg_body,
    out_type=jax.ShapeDtypeStruct((NC, NP), jnp.float32),
    mesh=_mesh,
    scratch_types=[
        pltpu.VMEM((CH, K), jnp.int32),
        pltpu.VMEM((512,), jnp.float32),
        pltpu.VMEM((RPT,), jnp.float32),
        pltpu.VMEM_SHARED((NP,), jnp.float32),
    ],
    compiler_params=_sc_params,
)


def _agg_body(src_hbm, dst_hbm, y_hbm, out_hbm, src_v, dst_v, rows_v, agg_sh,
              gs0, gs1, gs2, gs3, ss0, ss1, ss2, ss3):
    gsem = [gs0, gs1, gs2, gs3]
    ssem = [ss0, ss1, ss2, ss3]
    cid = lax.axis_index("c")
    sid = lax.axis_index("s")
    wid = sid * NC + cid

    def zstore(r, _):
        for c in range(H // (2 * L)):
            rows_v[0, r, pl.ds(c * 2 * L, 2 * L)] = jnp.zeros(
                (2 * L,), jnp.bfloat16)
        return 0
    lax.fori_loop(0, 128, zstore, 0)

    base = sid * RPT
    for t in range(RPT // 128):
        pltpu.sync_copy(rows_v.at[0, pl.ds(0, 128)],
                        agg_sh.at[pl.ds(base + t * 128, 128)])
    pltpu.sync_copy(src_hbm.at[wid], src_v)
    pltpu.sync_copy(dst_hbm.at[wid], dst_v)
    plsc.subcore_barrier()

    def gather(j, buf):
        pltpu.async_copy(y_hbm.at[src_v.at[j]], rows_v.at[buf], gsem[buf])

    def gwait(buf):
        pltpu.make_async_copy(y_hbm.at[src_v.at[0]], rows_v.at[buf],
                              gsem[buf]).wait()

    def scat(j, buf):
        pltpu.async_copy(rows_v.at[buf], agg_sh.at[dst_v.at[j]], ssem[buf],
                         add=True)

    def swait(buf):
        pltpu.make_async_copy(rows_v.at[buf], agg_sh.at[pl.ds(0, K)],
                              ssem[buf]).wait()

    NB = 4
    gather(0, 0)
    gather(1, 1)

    def chunk4(jj, _):
        j = jj * NB
        for u in range(NB):
            b = u
            gwait(b)
            scat(j + u, b)
            bn = (u + 2) % NB
            if u >= 2:
                swait(bn)
            else:
                @pl.when(jj > 0)
                def _():
                    swait(bn)
            gather((j + u + 2) % CH, bn)
        return 0
    lax.fori_loop(0, CH // NB, chunk4, 0)

    gwait(0)
    gwait(1)
    swait(2)
    swait(3)

    plsc.subcore_barrier()
    pltpu.sync_copy(agg_sh.at[pl.ds(base, RPT)],
                    out_hbm.at[cid, pl.ds(base, RPT)])


_agg_call = pl.kernel(
    _agg_body,
    out_type=jax.ShapeDtypeStruct((NC, NP, H), jnp.bfloat16),
    mesh=_mesh,
    scratch_types=[
        pltpu.VMEM((CH, K), jnp.int32),
        pltpu.VMEM((CH, K), jnp.int32),
        pltpu.VMEM((4, K, H), jnp.bfloat16),
        pltpu.VMEM_SHARED((NP, H), jnp.bfloat16),
    ] + [pltpu.SemaphoreType.DMA] * 8,
    compiler_params=_sc_params,
)



RW = R1 // 128

_deg_spec = pl.BlockSpec((NC, RW, 128), lambda i: (0, i, 0))


def _col(mat):
    ident = (lax.broadcasted_iota(jnp.int32, (128, 128), 0) ==
             lax.broadcasted_iota(jnp.int32, (128, 128), 1)
             ).astype(jnp.float32)
    mt = lax.dot_general(ident, mat, (((1,), (1,)), ((), ())),
                         preferred_element_type=jnp.float32)
    return jnp.concatenate([mt[:, a:a + 1] for a in range(RW)], axis=0)


def _dinv_col(deg_ref):
    return _col(lax.rsqrt(deg_ref[0] + deg_ref[1] + 1.0))


def _mm_scale_body(x_ref, w_ref, deg_ref, outh_ref):
    dinv = _dinv_col(deg_ref)
    y = jnp.dot(x_ref[...], w_ref[...],
                preferred_element_type=jnp.float32) * dinv
    outh_ref[...] = y.astype(jnp.bfloat16)


def _mm_scale(xp, W1, deg2d):
    return pl.pallas_call(
        _mm_scale_body,
        grid=(GP,),
        in_specs=[
            pl.BlockSpec((R1, D), lambda i: (i, 0)),
            pl.BlockSpec((D, H), lambda i: (0, 0)),
            _deg_spec,
        ],
        out_specs=pl.BlockSpec((R1, H), lambda i: (i, 0)),
        out_shape=jax.ShapeDtypeStruct((NP, H), jnp.bfloat16),
    )(xp, W1, deg2d)


def _layer_body(agg_ref, y_ref, deg_ref, b_ref, w_ref, outh_ref):
    dinv = _dinv_col(deg_ref)
    agg = (agg_ref[0].astype(jnp.float32) + agg_ref[1].astype(jnp.float32)
           + y_ref[...].astype(jnp.float32))
    h = jnp.maximum(agg * dinv + b_ref[...], 0.0)
    y2 = jnp.dot(h, w_ref[...], preferred_element_type=jnp.float32) * dinv
    outh_ref[...] = y2.astype(jnp.bfloat16)


def _layer(agg, yh, deg2d, b_row, W2):
    return pl.pallas_call(
        _layer_body,
        grid=(GP,),
        in_specs=[
            pl.BlockSpec((NC, R1, H), lambda i: (0, i, 0)),
            pl.BlockSpec((R1, H), lambda i: (i, 0)),
            _deg_spec,
            pl.BlockSpec((1, H), lambda i: (0, 0)),
            pl.BlockSpec((H, H), lambda i: (0, 0)),
        ],
        out_specs=pl.BlockSpec((R1, H), lambda i: (i, 0)),
        out_shape=jax.ShapeDtypeStruct((NP, H), jnp.bfloat16),
    )(agg, yh, deg2d, b_row, W2)


def _final_body(agg_ref, y_ref, deg_ref, b_ref, batch_ref, wo_ref, bo_ref,
                out_ref, sums_ref, cnts_ref):
    i = pl.program_id(0)

    @pl.when(i == 0)
    def _():
        sums_ref[...] = jnp.zeros_like(sums_ref)
        cnts_ref[...] = jnp.zeros_like(cnts_ref)

    dinv = _dinv_col(deg_ref)
    agg = (agg_ref[0].astype(jnp.float32) + agg_ref[1].astype(jnp.float32)
           + y_ref[...].astype(jnp.float32))
    h = jnp.maximum(agg * dinv + b_ref[...], 0.0)
    seg = _col(batch_ref[...].astype(jnp.float32))
    gids = lax.broadcasted_iota(jnp.int32, (1, G), 1).astype(jnp.float32)
    oh = (seg == gids).astype(jnp.float32)
    sums_ref[...] += lax.dot_general(
        oh, h, (((0,), (0,)), ((), ())), preferred_element_type=jnp.float32)
    cnts_ref[...] += lax.dot_general(
        oh, jnp.ones((R1, 1), jnp.float32), (((0,), (0,)), ((), ())),
        preferred_element_type=jnp.float32)

    @pl.when(i == GP - 1)
    def _():
        pooled = sums_ref[...] / jnp.maximum(cnts_ref[...], 1.0)
        out_ref[...] = jnp.dot(
            pooled, wo_ref[...], preferred_element_type=jnp.float32
        ) + bo_ref[...]


def _final(agg, y, deg2d, b_row, batch2d, Wo, bo_row):
    return pl.pallas_call(
        _final_body,
        grid=(GP,),
        in_specs=[
            pl.BlockSpec((NC, R1, H), lambda i: (0, i, 0)),
            pl.BlockSpec((R1, H), lambda i: (i, 0)),
            _deg_spec,
            pl.BlockSpec((1, H), lambda i: (0, 0)),
            pl.BlockSpec((RW, 128), lambda i: (i, 0)),
            pl.BlockSpec((H, OUT), lambda i: (0, 0)),
            pl.BlockSpec((1, OUT), lambda i: (0, 0)),
        ],
        out_specs=pl.BlockSpec((G, OUT), lambda i: (0, 0)),
        out_shape=jax.ShapeDtypeStruct((G, OUT), jnp.float32),
        scratch_shapes=[
            pltpu.VMEM((G, H), jnp.float32),
            pltpu.VMEM((G, 1), jnp.float32),
        ],
    )(agg, y, deg2d, b_row, batch2d, Wo, bo_row)



def kernel(x, edge_index, batch, W1, b1, W2, b2, Wo, bo):
    xp = jnp.pad(x, ((0, NP - N), (0, 0)))
    srcp = edge_index[0].reshape(NW, CH, K)
    dstp = edge_index[1].reshape(NW, CH, K)
    batch2d = jnp.concatenate(
        [batch, jnp.full((NP - N,), G, jnp.int32)]).reshape(NP // 128, 128)

    deg_part = _deg_call(dstp)
    deg2d = deg_part.reshape(NC, NP // 128, 128)
    y1h = _mm_scale(xp, W1, deg2d)
    agg1 = _agg_call(srcp, dstp, y1h)
    y2h = _layer(agg1, y1h, deg2d, b1.reshape(1, H), W2)
    agg2 = _agg_call(srcp, dstp, y2h)
    return _final(agg2, y2h, deg2d, b2.reshape(1, H), batch2d,
                  Wo, bo.reshape(1, OUT))

# --- scband reference (transcript-rebuilt; emitter-appended) ---
"""Pipeline reference for scband-structure-gnn-15341623181529 (READ-ONLY COPY).

The authoritative reference and input builder live on the scoring server;
editing this copy changes nothing except your own understanding.
"""

import jax, jax.numpy as jnp
import numpy as np

N = 10000
E = 320000
D = 128
H = 64
G = 16
OUT = 64


def setup_inputs(seed: int = 0) -> dict:
    key = jax.random.key(seed)
    ks = jax.random.split(key, 10)
    x = jax.random.normal(ks[0], (N, D), dtype=jnp.float32)
    edge_index = jax.random.randint(ks[1], (2, E), 0, N, dtype=jnp.int32)
    batch = jnp.sort(jax.random.randint(ks[2], (N,), 0, G, dtype=jnp.int32))
    W1 = jax.random.normal(ks[3], (D, H), dtype=jnp.float32) * 0.05
    b1 = jnp.zeros((H,), dtype=jnp.float32)
    W2 = jax.random.normal(ks[4], (H, H), dtype=jnp.float32) * 0.05
    b2 = jnp.zeros((H,), dtype=jnp.float32)
    Wo = jax.random.normal(ks[5], (H, OUT), dtype=jnp.float32) * 0.05
    bo = jnp.zeros((OUT,), dtype=jnp.float32)
    return {"x": x, "edge_index": edge_index, "batch": batch,
            "W1": W1, "b1": b1, "W2": W2, "b2": b2, "Wo": Wo, "bo": bo}


def _gcn_conv(x, edge_index, W, b):
    # GCNConv: add self-loops, symmetric normalization D^{-1/2}(A+I)D^{-1/2} X W + b
    self_loop = jnp.arange(N, dtype=edge_index.dtype)
    src = jnp.concatenate([edge_index[0], self_loop])
    dst = jnp.concatenate([edge_index[1], self_loop])
    xw = x @ W
    deg = jnp.zeros((N,), dtype=x.dtype).at[dst].add(1.0)
    dinv = jax.lax.rsqrt(jnp.maximum(deg, 1.0))
    norm = dinv[src] * dinv[dst]
    msg = xw[src] * norm[:, None]
    out = jnp.zeros((N, W.shape[1]), dtype=x.dtype).at[dst].add(msg)
    return out + b


def reference(x, edge_index, batch, W1, b1, W2, b2, Wo, bo):
    h = jax.nn.relu(_gcn_conv(x, edge_index, W1, b1))
    h = jax.nn.relu(_gcn_conv(h, edge_index, W2, b2))
    sums = jax.ops.segment_sum(h, batch, num_segments=G)
    cnts = jax.ops.segment_sum(jnp.ones((N, 1), dtype=h.dtype), batch, num_segments=G)
    pooled = sums / jnp.maximum(cnts, 1.0)
    return pooled @ Wo + bo

if __name__ == "__main__":
    import jax
    _d = setup_inputs()
    print(jax.jit(kernel)(*tuple(_d.values())))

</pallas_src>

<mosaic_0001>
#map = affine_map<(d0, d1) -> (0, 0, 0)>
#map1 = affine_map<(d0, d1) -> (0, 0)>
module attributes {stable_mosaic.version = 14 : i64} {
  func.func @_deg_body(%arg0: i32, %arg1: i32, %arg2: memref<32x20x500xi32, #tpu.memory_space<hbm>>, %arg3: memref<2x10240xf32, #tpu.memory_space<hbm>>, %arg4: memref<20x500xi32, #tpu.memory_space<vmem>>, %arg5: memref<512xf32, #tpu.memory_space<vmem>>, %arg6: memref<640xf32, #tpu.memory_space<vmem>>, %arg7: memref<10240xf32, #tpu.memory_space<vmem_shared>>) attributes {dimension_semantics = [#tpu.dimension_semantics<core_parallel>, #tpu.dimension_semantics<subcore_parallel>], iteration_bounds = array<i64: 2, 16>, scalar_prefetch = 0 : i64, scratch_operands = 4 : i64, tpu.core_type = #tpu.core_type<sc_vector_subcore>, window_params = [{transform_indices = #map}, {transform_indices = #map1}]} {
    %mul3A = arith.constant 2 : i32
    %mul3A_0 = arith.muli %arg1, %mul3A : i32
    %add3A = arith.addi %mul3A_0, %arg0 : i32
    %broadcast_in_dim3A = arith.constant 1.000000e+00 : f32
    %broadcast_in_dim3A_1 = vector.broadcast %broadcast_in_dim3A : f32 to vector<16xf32>
    %swap3A = arith.constant 0 : index
    %swap3A_2 = tpu.vector_load %arg5[%swap3A] {strides = array<i32>} : memref<512xf32, #tpu.memory_space<vmem>>, vector<16xf32>,
    %swap3A_3 = vector.shape_cast %swap3A_2 : vector<16xf32> to vector<16xf32>
    %swap3A_4 = vector.shape_cast %broadcast_in_dim3A_1 : vector<16xf32> to vector<16xf32>
    tpu.vector_store %arg5[%swap3A], %swap3A_4 {strides = array<i32>} : memref<512xf32, #tpu.memory_space<vmem>>, vector<16xf32>,
    %broadcast_in_dim3A_5 = arith.constant 1.000000e+00 : f32
    %broadcast_in_dim3A_6 = vector.broadcast %broadcast_in_dim3A_5 : f32 to vector<16xf32>
    %swap3A_7 = arith.constant 16 : index
    %swap3A_8 = tpu.vector_load %arg5[%swap3A_7] {strides = array<i32>} : memref<512xf32, #tpu.memory_space<vmem>>, vector<16xf32>,
    %swap3A_9 = vector.shape_cast %swap3A_8 : vector<16xf32> to vector<16xf32>
    %swap3A_10 = vector.shape_cast %broadcast_in_dim3A_6 : vector<16xf32> to vector<16xf32>
    tpu.vector_store %arg5[%swap3A_7], %swap3A_10 {strides = array<i32>} : memref<512xf32, #tpu.memory_space<vmem>>, vector<16xf32>,
    %broadcast_in_dim3A_11 = arith.constant 1.000000e+00 : f32
    %broadcast_in_dim3A_12 = vector.broadcast %broadcast_in_dim3A_11 : f32 to vector<16xf32>
    %swap3A_13 = arith.constant 32 : index
    %swap3A_14 = tpu.vector_load %arg5[%swap3A_13] {strides = array<i32>} : memref<512xf32, #tpu.memory_space<vmem>>, vector<16xf32>,
    %swap3A_15 = vector.shape_cast %swap3A_14 : vector<16xf32> to vector<16xf32>
    %swap3A_16 = vector.shape_cast %broadcast_in_dim3A_12 : vector<16xf32> to vector<16xf32>
    tpu.vector_store %arg5[%swap3A_13], %swap3A_16 {strides = array<i32>} : memref<512xf32, #tpu.memory_space<vmem>>, vector<16xf32>,
    %broadcast_in_dim3A_17 = arith.constant 1.000000e+00 : f32
    %broadcast_in_dim3A_18 = vector.broadcast %broadcast_in_dim3A_17 : f32 to vector<16xf32>
    %swap3A_19 = arith.constant 48 : index
    %swap3A_20 = tpu.vector_load %arg5[%swap3A_19] {strides = array<i32>} : memref<512xf32, #tpu.memory_space<vmem>>, vector<16xf32>,
    %swap3A_21 = vector.shape_cast %swap3A_20 : vector<16xf32> to vector<16xf32>
    %swap3A_22 = vector.shape_cast %broadcast_in_dim3A_18 : vector<16xf32> to vector<16xf32>
    tpu.vector_store %arg5[%swap3A_19], %swap3A_22 {strides = array<i32>} : memref<512xf32, #tpu.memory_space<vmem>>, vector<16xf32>,
    %broadcast_in_dim3A_23 = arith.constant 1.000000e+00 : f32
    %broadcast_in_dim3A_24 = vector.broadcast %broadcast_in_dim3A_23 : f32 to vector<16xf32>
    %swap3A_25 = arith.constant 64 : index
    %swap3A_26 = tpu.vector_load %arg5[%swap3A_25] {strides = array<i32>} : memref<512xf32, #tpu.memory_space<vmem>>, vector<16xf32>,
    %swap3A_27 = vector.shape_cast %swap3A_26 : vector<16xf32> to vector<16xf32>
    %swap3A_28 = vector.shape_cast %broadcast_in_dim3A_24 : vector<16xf32> to vector<16xf32>
    tpu.vector_store %arg5[%swap3A_25], %swap3A_28 {strides = array<i32>} : memref<512xf32, #tpu.memory_space<vmem>>, vector<16xf32>,
    %broadcast_in_dim3A_29 = arith.constant 1.000000e+00 : f32
    %broadcast_in_dim3A_30 = vector.broadcast %broadcast_in_dim3A_29 : f32 to vector<16xf32>
    %swap3A_31 = arith.constant 80 : index
    %swap3A_32 = tpu.vector_load %arg5[%swap3A_31] {strides = array<i32>} : memref<512xf32, #tpu.memory_space<vmem>>, vector<16xf32>,
    %swap3A_33 = vector.shape_cast %swap3A_32 : vector<16xf32> to vector<16xf32>
    %swap3A_34 = vector.shape_cast %broadcast_in_dim3A_30 : vector<16xf32> to vector<16xf32>
    tpu.vector_store %arg5[%swap3A_31], %swap3A_34 {strides = array<i32>} : memref<512xf32, #tpu.memory_space<vmem>>, vector<16xf32>,
    %broadcast_in_dim3A_35 = arith.constant 1.000000e+00 : f32
    %broadcast_in_dim3A_36 = vector.broadcast %broadcast_in_dim3A_35 : f32 to vector<16xf32>
    %swap3A_37 = arith.constant 96 : index
    %swap3A_38 = tpu.vector_load %arg5[%swap3A_37] {strides = array<i32>} : memref<512xf32, #tpu.memory_space<vmem>>, vector<16xf32>,
    %swap3A_39 = vector.shape_cast %swap3A_38 : vector<16xf32> to vector<16xf32>
    %swap3A_40 = vector.shape_cast %broadcast_in_dim3A_36 : vector<16xf32> to vector<16xf32>
    tpu.vector_store %arg5[%swap3A_37], %swap3A_40 {strides = array<i32>} : memref<512xf32, #tpu.memory_space<vmem>>, vector<16xf32>,
    %broadcast_in_dim3A_41 = arith.constant 1.000000e+00 : f32
    %broadcast_in_dim3A_42 = vector.broadcast %broadcast_in_dim3A_41 : f32 to vector<16xf32>
    %swap3A_43 = arith.constant 112 : index
    %swap3A_44 = tpu.vector_load %arg5[%swap3A_43] {strides = array<i32>} : memref<512xf32, #tpu.memory_space<vmem>>, vector<16xf32>,
    %swap3A_45 = vector.shape_cast %swap3A_44 : vector<16xf32> to vector<16xf32>
    %swap3A_46 = vector.shape_cast %broadcast_in_dim3A_42 : vector<16xf32> to vector<16xf32>
    tpu.vector_store %arg5[%swap3A_43], %swap3A_46 {strides = array<i32>} : memref<512xf32, #tpu.memory_space<vmem>>, vector<16xf32>,
    %broadcast_in_dim3A_47 = arith.constant 1.000000e+00 : f32
    %broadcast_in_dim3A_48 = vector.broadcast %broadcast_in_dim3A_47 : f32 to vector<16xf32>
    %swap3A_49 = arith.constant 128 : index
    %swap3A_50 = tpu.vector_load %arg5[%swap3A_49] {strides = array<i32>} : memref<512xf32, #tpu.memory_space<vmem>>, vector<16xf32>,
    %swap3A_51 = vector.shape_cast %swap3A_50 : vector<16xf32> to vector<16xf32>
    %swap3A_52 = vector.shape_cast %broadcast_in_dim3A_48 : vector<16xf32> to vector<16xf32>
    tpu.vector_store %arg5[%swap3A_49], %swap3A_52 {strides = array<i32>} : memref<512xf32, #tpu.memory_space<vmem>>, vector<16xf32>,
    %broadcast_in_dim3A_53 = arith.constant 1.000000e+00 : f32
    %broadcast_in_dim3A_54 = vector.broadcast %broadcast_in_dim3A_53 : f32 to vector<16xf32>
    %swap3A_55 = arith.constant 144 : index
    %swap3A_56 = tpu.vector_load %arg5[%swap3A_55] {strides = array<i32>} : memref<512xf32, #tpu.memory_space<vmem>>, vector<16xf32>,
    %swap3A_57 = vector.shape_cast %swap3A_56 : vector<16xf32> to vector<16xf32>
    %swap3A_58 = vector.shape_cast %broadcast_in_dim3A_54 : vector<16xf32> to vector<16xf32>
    tpu.vector_store %arg5[%swap3A_55], %swap3A_58 {strides = array<i32>} : memref<512xf32, #tpu.memory_space<vmem>>, vector<16xf32>,
    %broadcast_in_dim3A_59 = arith.constant 1.000000e+00 : f32
    %broadcast_in_dim3A_60 = vector.broadcast %broadcast_in_dim3A_59 : f32 to vector<16xf32>
    %swap3A_61 = arith.constant 160 : index
    %swap3A_62 = tpu.vector_load %arg5[%swap3A_61] {strides = array<i32>} : memref<512xf32, #tpu.memory_space<vmem>>, vector<16xf32>,
    %swap3A_63 = vector.shape_cast %swap3A_62 : vector<16xf32> to vector<16xf32>
    %swap3A_64 = vector.shape_cast %broadcast_in_dim3A_60 : vector<16xf32> to vector<16xf32>
    tpu.vector_store %arg5[%swap3A_61], %swap3A_64 {strides = array<i32>} : memref<512xf32, #tpu.memory_space<vmem>>, vector<16xf32>,
    %broadcast_in_dim3A_65 = arith.constant 1.000000e+00 : f32
    %broadcast_in_dim3A_66 = vector.broadcast %broadcast_in_dim3A_65 : f32 to vector<16xf32>
    %swap3A_67 = arith.constant 176 : index
    %swap3A_68 = tpu.vector_load %arg5[%swap3A_67] {strides = array<i32>} : memref<512xf32, #tpu.memory_space<vmem>>, vector<16xf32>,
    %swap3A_69 = vector.shape_cast %swap3A_68 : vector<16xf32> to vector<16xf32>
    %swap3A_70 = vector.shape_cast %broadcast_in_dim3A_66 : vector<16xf32> to vector<16xf32>
    tpu.vector_store %arg5[%swap3A_67], %swap3A_70 {strides = array<i32>} : memref<512xf32, #tpu.memory_space<vmem>>, vector<16xf32>,
    %broadcast_in_dim3A_71 = arith.constant 1.000000e+00 : f32
    %broadcast_in_dim3A_72 = vector.broadcast %broadcast_in_dim3A_71 : f32 to vector<16xf32>
    %swap3A_73 = arith.constant 192 : index
    %swap3A_74 = tpu.vector_load %arg5[%swap3A_73] {strides = array<i32>} : memref<512xf32, #tpu.memory_space<vmem>>, vector<16xf32>,
    %swap3A_75 = vector.shape_cast %swap3A_74 : vector<16xf32> to vector<16xf32>
    %swap3A_76 = vector.shape_cast %broadcast_in_dim3A_72 : vector<16xf32> to vector<16xf32>
    tpu.vector_store %arg5[%swap3A_73], %swap3A_76 {strides = array<i32>} : memref<512xf32, #tpu.memory_space<vmem>>, vector<16xf32>,
    %broadcast_in_dim3A_77 = arith.constant 1.000000e+00 : f32
    %broadcast_in_dim3A_78 = vector.broadcast %broadcast_in_dim3A_77 : f32 to vector<16xf32>
    %swap3A_79 = arith.constant 208 : index
    %swap3A_80 = tpu.vector_load %arg5[%swap3A_79] {strides = array<i32>} : memref<512xf32, #tpu.memory_space<vmem>>, vector<16xf32>,
    %swap3A_81 = vector.shape_cast %swap3A_80 : vector<16xf32> to vector<16xf32>
    %swap3A_82 = vector.shape_cast %broadcast_in_dim3A_78 : vector<16xf32> to vector<16xf32>
    tpu.vector_store %arg5[%swap3A_79], %swap3A_82 {strides = array<i32>} : memref<512xf32, #tpu.memory_space<vmem>>, vector<16xf32>,
    %broadcast_in_dim3A_83 = arith.constant 1.000000e+00 : f32
    %broadcast_in_dim3A_84 = vector.broadcast %broadcast_in_dim3A_83 : f32 to vector<16xf32>
    %swap3A_85 = arith.constant 224 : index
    %swap3A_86 = tpu.vector_load %arg5[%swap3A_85] {strides = array<i32>} : memref<512xf32, #tpu.memory_space<vmem>>, vector<16xf32>,
    %swap3A_87 = vector.shape_cast %swap3A_86 : vector<16xf32> to vector<16xf32>
    %swap3A_88 = vector.shape_cast %broadcast_in_dim3A_84 : vector<16xf32> to vector<16xf32>
    tpu.vector_store %arg5[%swap3A_85], %swap3A_88 {strides = array<i32>} : memref<512xf32, #tpu.memory_space<vmem>>, vector<16xf32>,
    %broadcast_in_dim3A_89 = arith.constant 1.000000e+00 : f32
    %broadcast_in_dim3A_90 = vector.broadcast %broadcast_in_dim3A_89 : f32 to vector<16xf32>
    %swap3A_91 = arith.constant 240 : index
    %swap3A_92 = tpu.vector_load %arg5[%swap3A_91] {strides = array<i32>} : memref<512xf32, #tpu.memory_space<vmem>>, vector<16xf32>,
    %swap3A_93 = vector.shape_cast %swap3A_92 : vector<16xf32> to vector<16xf32>
    %swap3A_94 = vector.shape_cast %broadcast_in_dim3A_90 : vector<16xf32> to vector<16xf32>
    tpu.vector_store %arg5[%swap3A_91], %swap3A_94 {strides = array<i32>} : memref<512xf32, #tpu.memory_space<vmem>>, vector<16xf32>,
    %broadcast_in_dim3A_95 = arith.constant 1.000000e+00 : f32
    %broadcast_in_dim3A_96 = vector.broadcast %broadcast_in_dim3A_95 : f32 to vector<16xf32>
    %swap3A_97 = arith.constant 256 : index
    %swap3A_98 = tpu.vector_load %arg5[%swap3A_97] {strides = array<i32>} : memref<512xf32, #tpu.memory_space<vmem>>, vector<16xf32>,
    %swap3A_99 = vector.shape_cast %swap3A_98 : vector<16xf32> to vector<16xf32>
    %swap3A_100 = vector.shape_cast %broadcast_in_dim3A_96 : vector<16xf32> to vector<16xf32>
    tpu.vector_store %arg5[%swap3A_97], %swap3A_100 {strides = array<i32>} : memref<512xf32, #tpu.memory_space<vmem>>, vector<16xf32>,
    %broadcast_in_dim3A_101 = arith.constant 1.000000e+00 : f32
    %broadcast_in_dim3A_102 = vector.broadcast %broadcast_in_dim3A_101 : f32 to vector<16xf32>
    %swap3A_103 = arith.constant 272 : index
    %swap3A_104 = tpu.vector_load %arg5[%swap3A_103] {strides = array<i32>} : memref<512xf32, #tpu.memory_space<vmem>>, vector<16xf32>,
    %swap3A_105 = vector.shape_cast %swap3A_104 : vector<16xf32> to vector<16xf32>
    %swap3A_106 = vector.shape_cast %broadcast_in_dim3A_102 : vector<16xf32> to vector<16xf32>
    tpu.vector_store %arg5[%swap3A_103], %swap3A_106 {strides = array<i32>} : memref<512xf32, #tpu.memory_space<vmem>>, vector<16xf32>,
    %broadcast_in_dim3A_107 = arith.constant 1.000000e+00 : f32
    %broadcast_in_dim3A_108 = vector.broadcast %broadcast_in_dim3A_107 : f32 to vector<16xf32>
    %swap3A_109 = arith.constant 288 : index
    %swap3A_110 = tpu.vector_load %arg5[%swap3A_109] {strides = array<i32>} : memref<512xf32, #tpu.memory_space<vmem>>, vector<16xf32>,
    %swap3A_111 = vector.shape_cast %swap3A_110 : vector<16xf32> to vector<16xf32>
    %swap3A_112 = vector.shape_cast %broadcast_in_dim3A_108 : vector<16xf32> to vector<16xf32>
    tpu.vector_store %arg5[%swap3A_109], %swap3A_112 {strides = array<i32>} : memref<512xf32, #tpu.memory_space<vmem>>, vector<16xf32>,
    %broadcast_in_dim3A_113 = arith.constant 1.000000e+00 : f32
    %broadcast_in_dim3A_114 = vector.broadcast %broadcast_in_dim3A_113 : f32 to vector<16xf32>
    %swap3A_115 = arith.constant 304 : index
    %swap3A_116 = tpu.vector_load %arg5[%swap3A_115] {strides = array<i32>} : memref<512xf32, #tpu.memory_space<vmem>>, vector<16xf32>,
    %swap3A_117 = vector.shape_cast %swap3A_116 : vector<16xf32> to vector<16xf32>
    %swap3A_118 = vector.shape_cast %broadcast_in_dim3A_114 : vector<16xf32> to vector<16xf32>
    tpu.vector_store %arg5[%swap3A_115], %swap3A_118 {strides = array<i32>} : memref<512xf32, #tpu.memory_space<vmem>>, vector<16xf32>,
    %broadcast_in_dim3A_119 = arith.constant 1.000000e+00 : f32
    %broadcast_in_dim3A_120 = vector.broadcast %broadcast_in_dim3A_119 : f32 to vector<16xf32>
    %swap3A_121 = arith.constant 320 : index
    %swap3A_122 = tpu.vector_load %arg5[%swap3A_121] {strides = array<i32>} : memref<512xf32, #tpu.memory_space<vmem>>, vector<16xf32>,
    %swap3A_123 = vector.shape_cast %swap3A_122 : vector<16xf32> to vector<16xf32>
    %swap3A_124 = vector.shape_cast %broadcast_in_dim3A_120 : vector<16xf32> to vector<16xf32>
    tpu.vector_store %arg5[%swap3A_121], %swap3A_124 {strides = array<i32>} : memref<512xf32, #tpu.memory_space<vmem>>, vector<16xf32>,
    %broadcast_in_dim3A_125 = arith.constant 1.000000e+00 : f32
    %broadcast_in_dim3A_126 = vector.broadcast %broadcast_in_dim3A_125 : f32 to vector<16xf32>
    %swap3A_127 = arith.constant 336 : index
    %swap3A_128 = tpu.vector_load %arg5[%swap3A_127] {strides = array<i32>} : memref<512xf32, #tpu.memory_space<vmem>>, vector<16xf32>,
    %swap3A_129 = vector.shape_cast %swap3A_128 : vector<16xf32> to vector<16xf32>
    %swap3A_130 = vector.shape_cast %broadcast_in_dim3A_126 : vector<16xf32> to vector<16xf32>
    tpu.vector_store %arg5[%swap3A_127], %swap3A_130 {strides = array<i32>} : memref<512xf32, #tpu.memory_space<vmem>>, vector<16xf32>,
    %broadcast_in_dim3A_131 = arith.constant 1.000000e+00 : f32
    %broadcast_in_dim3A_132 = vector.broadcast %broadcast_in_dim3A_131 : f32 to vector<16xf32>
    %swap3A_133 = arith.constant 352 : index
    %swap3A_134 = tpu.vector_load %arg5[%swap3A_133] {strides = array<i32>} : memref<512xf32, #tpu.memory_space<vmem>>, vector<16xf32>,
    %swap3A_135 = vector.shape_cast %swap3A_134 : vector<16xf32> to vector<16xf32>
    %swap3A_136 = vector.shape_cast %broadcast_in_dim3A_132 : vector<16xf32> to vector<16xf32>
    tpu.vector_store %arg5[%swap3A_133], %swap3A_136 {strides = array<i32>} : memref<512xf32, #tpu.memory_space<vmem>>, vector<16xf32>,
    %broadcast_in_dim3A_137 = arith.constant 1.000000e+00 : f32
    %broadcast_in_dim3A_138 = vector.broadcast %broadcast_in_dim3A_137 : f32 to vector<16xf32>
    %swap3A_139 = arith.constant 368 : index
    %swap3A_140 = tpu.vector_load %arg5[%swap3A_139] {strides = array<i32>} : memref<512xf32, #tpu.memory_space<vmem>>, vector<16xf32>,
    %swap3A_141 = vector.shape_cast %swap3A_140 : vector<16xf32> to vector<16xf32>
    %swap3A_142 = vector.shape_cast %broadcast_in_dim3A_138 : vector<16xf32> to vector<16xf32>
    tpu.vector_store %arg5[%swap3A_139], %swap3A_142 {strides = array<i32>} : memref<512xf32, #tpu.memory_space<vmem>>, vector<16xf32>,
    %broadcast_in_dim3A_143 = arith.constant 1.000000e+00 : f32
    %broadcast_in_dim3A_144 = vector.broadcast %broadcast_in_dim3A_143 : f32 to vector<16xf32>
    %swap3A_145 = arith.constant 384 : index
    %swap3A_146 = tpu.vector_load %arg5[%swap3A_145] {strides = array<i32>} : memref<512xf32, #tpu.memory_space<vmem>>, vector<16xf32>,
    %swap3A_147 = vector.shape_cast %swap3A_146 : vector<16xf32> to vector<16xf32>
    %swap3A_148 = vector.shape_cast %broadcast_in_dim3A_144 : vector<16xf32> to vector<16xf32>
    tpu.vector_store %arg5[%swap3A_145], %swap3A_148 {strides = array<i32>} : memref<512xf32, #tpu.memory_space<vmem>>, vector<16xf32>,
    %broadcast_in_dim3A_149 = arith.constant 1.000000e+00 : f32
    %broadcast_in_dim3A_150 = vector.broadcast %broadcast_in_dim3A_149 : f32 to vector<16xf32>
    %swap3A_151 = arith.constant 400 : index
    %swap3A_152 = tpu.vector_load %arg5[%swap3A_151] {strides = array<i32>} : memref<512xf32, #tpu.memory_space<vmem>>, vector<16xf32>,
    %swap3A_153 = vector.shape_cast %swap3A_152 : vector<16xf32> to vector<16xf32>
    %swap3A_154 = vector.shape_cast %broadcast_in_dim3A_150 : vector<16xf32> to vector<16xf32>
    tpu.vector_store %arg5[%swap3A_151], %swap3A_154 {strides = array<i32>} : memref<512xf32, #tpu.memory_space<vmem>>, vector<16xf32>,
    %broadcast_in_dim3A_155 = arith.constant 1.000000e+00 : f32
    %broadcast_in_dim3A_156 = vector.broadcast %broadcast_in_dim3A_155 : f32 to vector<16xf32>
    %swap3A_157 = arith.constant 416 : index
    %swap3A_158 = tpu.vector_load %arg5[%swap3A_157] {strides = array<i32>} : memref<512xf32, #tpu.memory_space<vmem>>, vector<16xf32>,
    %swap3A_159 = vector.shape_cast %swap3A_158 : vector<16xf32> to vector<16xf32>
    %swap3A_160 = vector.shape_cast %broadcast_in_dim3A_156 : vector<16xf32> to vector<16xf32>
    tpu.vector_store %arg5[%swap3A_157], %swap3A_160 {strides = array<i32>} : memref<512xf32, #tpu.memory_space<vmem>>, vector<16xf32>,
    %broadcast_in_dim3A_161 = arith.constant 1.000000e+00 : f32
    %broadcast_in_dim3A_162 = vector.broadcast %broadcast_in_dim3A_161 : f32 to vector<16xf32>
    %swap3A_163 = arith.constant 432 : index
    %swap3A_164 = tpu.vector_load %arg5[%swap3A_163] {strides = array<i32>} : memref<512xf32, #tpu.memory_space<vmem>>, vector<16xf32>,
    %swap3A_165 = vector.shape_cast %swap3A_164 : vector<16xf32> to vector<16xf32>
    %swap3A_166 = vector.shape_cast %broadcast_in_dim3A_162 : vector<16xf32> to vector<16xf32>
    tpu.vector_store %arg5[%swap3A_163], %swap3A_166 {strides = array<i32>} : memref<512xf32, #tpu.memory_space<vmem>>, vector<16xf32>,
    %broadcast_in_dim3A_167 = arith.constant 1.000000e+00 : f32
    %broadcast_in_dim3A_168 = vector.broadcast %broadcast_in_dim3A_167 : f32 to vector<16xf32>
    %swap3A_169 = arith.constant 448 : index
    %swap3A_170 = tpu.vector_load %arg5[%swap3A_169] {strides = array<i32>} : memref<512xf32, #tpu.memory_space<vmem>>, vector<16xf32>,
    %swap3A_171 = vector.shape_cast %swap3A_170 : vector<16xf32> to vector<16xf32>
    %swap3A_172 = vector.shape_cast %broadcast_in_dim3A_168 : vector<16xf32> to vector<16xf32>
    tpu.vector_store %arg5[%swap3A_169], %swap3A_172 {strides = array<i32>} : memref<512xf32, #tpu.memory_space<vmem>>, vector<16xf32>,
    %broadcast_in_dim3A_173 = arith.constant 1.000000e+00 : f32
    %broadcast_in_dim3A_174 = vector.broadcast %broadcast_in_dim3A_173 : f32 to vector<16xf32>
    %swap3A_175 = arith.constant 464 : index
    %swap3A_176 = tpu.vector_load %arg5[%swap3A_175] {strides = array<i32>} : memref<512xf32, #tpu.memory_space<vmem>>, vector<16xf32>,
    %swap3A_177 = vector.shape_cast %swap3A_176 : vector<16xf32> to vector<16xf32>
    %swap3A_178 = vector.shape_cast %broadcast_in_dim3A_174 : vector<16xf32> to vector<16xf32>
    tpu.vector_store %arg5[%swap3A_175], %swap3A_178 {strides = array<i32>} : memref<512xf32, #tpu.memory_space<vmem>>, vector<16xf32>,
    %broadcast_in_dim3A_179 = arith.constant 1.000000e+00 : f32
    %broadcast_in_dim3A_180 = vector.broadcast %broadcast_in_dim3A_179 : f32 to vector<16xf32>
    %swap3A_181 = arith.constant 480 : index
    %swap3A_182 = tpu.vector_load %arg5[%swap3A_181] {strides = array<i32>} : memref<512xf32, #tpu.memory_space<vmem>>, vector<16xf32>,
    %swap3A_183 = vector.shape_cast %swap3A_182 : vector<16xf32> to vector<16xf32>
    %swap3A_184 = vector.shape_cast %broadcast_in_dim3A_180 : vector<16xf32> to vector<16xf32>
    tpu.vector_store %arg5[%swap3A_181], %swap3A_184 {strides = array<i32>} : memref<512xf32, #tpu.memory_space<vmem>>, vector<16xf32>,
    %broadcast_in_dim3A_185 = arith.constant 1.000000e+00 : f32
    %broadcast_in_dim3A_186 = vector.broadcast %broadcast_in_dim3A_185 : f32 to vector<16xf32>
    %swap3A_187 = arith.constant 496 : index
    %swap3A_188 = tpu.vector_load %arg5[%swap3A_187] {strides = array<i32>} : memref<512xf32, #tpu.memory_space<vmem>>, vector<16xf32>,
    %swap3A_189 = vector.shape_cast %swap3A_188 : vector<16xf32> to vector<16xf32>
    %swap3A_190 = vector.shape_cast %broadcast_in_dim3A_186 : vector<16xf32> to vector<16xf32>
    tpu.vector_store %arg5[%swap3A_187], %swap3A_190 {strides = array<i32>} : memref<512xf32, #tpu.memory_space<vmem>>, vector<16xf32>,
    %scan3A = arith.constant 0 : i32
    %scan3A_191 = arith.constant 0 : i32
    %scan3A_192 = arith.constant 40 : i32
    %scan3A_193 = arith.addi %scan3A_191, %scan3A_192 : i32
    %scan3A_194 = arith.constant 1 : i32
    %scan3A_195 = scf.for %scan3A_207 = %scan3A_191 to %scan3A_193 step %scan3A_194 iter_args(%scan3A_208 = %scan3A) -> (i32)  : i32 {
      %broadcast_in_dim3A_209 = arith.constant 0.000000e+00 : f32
      %broadcast_in_dim3A_210 = vector.broadcast %broadcast_in_dim3A_209 : f32 to vector<16xf32>
      %mul3A_211 = arith.constant 16 : i32
      %mul3A_212 = arith.muli %scan3A_207, %mul3A_211 : i32
      %swap3A_213 = arith.index_cast %mul3A_212 : i32 to index
      %swap3A_214 = tpu.vector_load %arg6[%swap3A_213] {strides = array<i32>} : memref<640xf32, #tpu.memory_space<vmem>>, vector<16xf32>,
      %swap3A_215 = vector.shape_cast %swap3A_214 : vector<16xf32> to vector<16xf32>
      %swap3A_216 = vector.shape_cast %broadcast_in_dim3A_210 : vector<16xf32> to vector<16xf32>
      tpu.vector_store %arg6[%swap3A_213], %swap3A_216 {strides = array<i32>} : memref<640xf32, #tpu.memory_space<vmem>>, vector<16xf32>,
      %scan3A_217 = arith.constant 0 : i32
      scf.yield %scan3A_217 : i32
    }
    %scan3A_196 = arith.constant 40 : i32
    %mul3A_197 = arith.constant 640 : i32
    %mul3A_198 = arith.muli %arg1, %mul3A_197 : i32
    "tpu.region"() ({
      %run_scoped3A = tpu.sem_alloc : memref<!tpu.dma_semaphore, #tpu.memory_space<semaphore_mem>>
      %dma_start3A = tpu.memref_slice %arg7[%mul3A_198] : memref<10240xf32, #tpu.memory_space<vmem_shared>> -> memref<640xf32, #tpu.memory_space<vmem_shared>>
      %dma_start3A_207 = tpu.memref_slice %arg7[%mul3A_198] : memref<10240xf32, #tpu.memory_space<vmem_shared>> -> memref<640xf32, #tpu.memory_space<vmem_shared>>
      tpu.enqueue_dma source(%arg6 : memref<640xf32, #tpu.memory_space<vmem>>) target(%dma_start3A_207 : memref<640xf32, #tpu.memory_space<vmem_shared>>) target_semaphore(%run_scoped3A : memref<!tpu.dma_semaphore, #tpu.memory_space<semaphore_mem>>)
      %dma_wait3A = tpu.memref_slice %arg7[%mul3A_198] : memref<10240xf32, #tpu.memory_space<vmem_shared>> -> memref<640xf32, #tpu.memory_space<vmem_shared>>
      %dma_wait3A_208 = tpu.memref_slice %arg7[%mul3A_198] : memref<10240xf32, #tpu.memory_space<vmem_shared>> -> memref<640xf32, #tpu.memory_space<vmem_shared>>
      tpu.wait_dma2 semaphore(%run_scoped3A : memref<!tpu.dma_semaphore, #tpu.memory_space<semaphore_mem>>) src(%arg6 : memref<640xf32, #tpu.memory_space<vmem>>) dst(%dma_wait3A_208 : memref<640xf32, #tpu.memory_space<vmem_shared>>)
      tpu.yield
    }) : () -> ()
    "tpu.region"() ({
      %run_scoped3A = tpu.sem_alloc : memref<!tpu.dma_semaphore, #tpu.memory_space<semaphore_mem>>
      %dma_start3A = arith.constant 0 : i32
      %dma_start3A_207 = arith.constant 0 : i32
      %dma_start3A_208 = tpu.memref_slice %arg2[%add3A, %dma_start3A, %dma_start3A_207] : memref<32x20x500xi32, #tpu.memory_space<hbm>> -> memref<1x20x500xi32, #tpu.memory_space<hbm>>
      %dma_start3A_209 = tpu.memref_squeeze %dma_start3A_208 : memref<1x20x500xi32, #tpu.memory_space<hbm>> -> memref<20x500xi32, #tpu.memory_space<hbm>>
      %dma_start3A_210 = arith.constant 0 : i32
      %dma_start3A_211 = arith.constant 0 : i32
      %dma_start3A_212 = tpu.memref_slice %arg2[%add3A, %dma_start3A_210, %dma_start3A_211] : memref<32x20x500xi32, #tpu.memory_space<hbm>> -> memref<1x20x500xi32, #tpu.memory_space<hbm>>
      %dma_start3A_213 = tpu.memref_squeeze %dma_start3A_212 : memref<1x20x500xi32, #tpu.memory_space<hbm>> -> memref<20x500xi32, #tpu.memory_space<hbm>>
      tpu.enqueue_dma source(%dma_start3A_213 : memref<20x500xi32, #tpu.memory_space<hbm>>) target(%arg4 : memref<20x500xi32, #tpu.memory_space<vmem>>) target_semaphore(%run_scoped3A : memref<!tpu.dma_semaphore, #tpu.memory_space<semaphore_mem>>)
      %dma_wait3A = arith.constant 0 : i32
      %dma_wait3A_214 = arith.constant 0 : i32
      %dma_wait3A_215 = tpu.memref_slice %arg2[%add3A, %dma_wait3A, %dma_wait3A_214] : memref<32x20x500xi32, #tpu.memory_space<hbm>> -> memref<1x20x500xi32, #tpu.memory_space<hbm>>
      %dma_wait3A_216 = tpu.memref_squeeze %dma_wait3A_215 : memref<1x20x500xi32, #tpu.memory_space<hbm>> -> memref<20x500xi32, #tpu.memory_space<hbm>>
      %dma_wait3A_217 = arith.constant 0 : i32
      %dma_wait3A_218 = arith.constant 0 : i32
      %dma_wait3A_219 = tpu.memref_slice %arg2[%add3A, %dma_wait3A_217, %dma_wait3A_218] : memref<32x20x500xi32, #tpu.memory_space<hbm>> -> memref<1x20x500xi32, #tpu.memory_space<hbm>>
      %dma_wait3A_220 = tpu.memref_squeeze %dma_wait3A_219 : memref<1x20x500xi32, #tpu.memory_space<hbm>> -> memref<20x500xi32, #tpu.memory_space<hbm>>
      tpu.wait_dma2 semaphore(%run_scoped3A : memref<!tpu.dma_semaphore, #tpu.memory_space<semaphore_mem>>) src(%dma_wait3A_220 : memref<20x500xi32, #tpu.memory_space<hbm>>) dst(%arg4 : memref<20x500xi32, #tpu.memory_space<vmem>>)
      tpu.yield
    }) : () -> ()
    %barrier3A = arith.constant 0 : index
    tpu.barrier barrier_id(%barrier3A)
    %scan3A_199 = arith.constant 0 : i32
    %scan3A_200 = arith.constant 0 : i32
    %scan3A_201 = arith.constant 20 : i32
    %scan3A_202 = arith.addi %scan3A_200, %scan3A_201 : i32
    %scan3A_203 = arith.constant 1 : i32
    %scan3A_204 = scf.for %scan3A_207 = %scan3A_200 to %scan3A_202 step %scan3A_203 iter_args(%scan3A_208 = %scan3A_199) -> (i32)  : i32 {
      "tpu.region"() ({
        %run_scoped3A = tpu.sem_alloc : memref<!tpu.dma_semaphore, #tpu.memory_space<semaphore_mem>>
        %dma_start3A = arith.constant 0 : i32
        %dma_start3A_210 = tpu.memref_slice %arg5[%dma_start3A] : memref<512xf32, #tpu.memory_space<vmem>> -> memref<500xf32, #tpu.memory_space<vmem>>
        %dma_start3A_211 = arith.constant 0 : i32
        %dma_start3A_212 = tpu.memref_slice %arg4[%scan3A_207, %dma_start3A_211] : memref<20x500xi32, #tpu.memory_space<vmem>> -> memref<1x500xi32, #tpu.memory_space<vmem>>
        %dma_start3A_213 = tpu.memref_squeeze %dma_start3A_212 : memref<1x500xi32, #tpu.memory_space<vmem>> -> memref<500xi32, #tpu.memory_space<vmem>>
        %dma_start3A_214 = arith.constant 0 : i32
        %dma_start3A_215 = tpu.memref_slice %arg7[%dma_start3A_214] : memref<10240xf32, #tpu.memory_space<vmem_shared>> -> memref<10240xf32, #tpu.memory_space<vmem_shared>>
        tpu.enqueue_indirect_dma source(%dma_start3A_210 : memref<500xf32, #tpu.memory_space<vmem>>) target(%dma_start3A_215 : memref<10240xf32, #tpu.memory_space<vmem_shared>>) offsets(%dma_start3A_213 : memref<500xi32, #tpu.memory_space<vmem>>) semaphore(%run_scoped3A : memref<!tpu.dma_semaphore, #tpu.memory_space<semaphore_mem>>) {add = true}
        %dma_wait3A = arith.constant 0 : i32
        %dma_wait3A_216 = tpu.memref_slice %arg5[%dma_wait3A] : memref<512xf32, #tpu.memory_space<vmem>> -> memref<500xf32, #tpu.memory_space<vmem>>
        %dma_wait3A_217 = arith.constant 0 : i32
        %dma_wait3A_218 = tpu.memref_slice %arg4[%scan3A_207, %dma_wait3A_217] : memref<20x500xi32, #tpu.memory_space<vmem>> -> memref<1x500xi32, #tpu.memory_space<vmem>>
        %dma_wait3A_219 = tpu.memref_squeeze %dma_wait3A_218 : memref<1x500xi32, #tpu.memory_space<vmem>> -> memref<500xi32, #tpu.memory_space<vmem>>
        %dma_wait3A_220 = arith.constant 0 : i32
        %dma_wait3A_221 = tpu.memref_slice %arg7[%dma_wait3A_220] : memref<10240xf32, #tpu.memory_space<vmem_shared>> -> memref<10240xf32, #tpu.memory_space<vmem_shared>>
        tpu.wait_indirect_dma semaphore(%run_scoped3A : memref<!tpu.dma_semaphore, #tpu.memory_space<semaphore_mem>>) src(%dma_wait3A_216 : memref<500xf32, #tpu.memory_space<vmem>>) dst(%dma_wait3A_221 : memref<10240xf32, #tpu.memory_space<vmem_shared>>)
        tpu.yield
      }) : () -> ()
      %scan3A_209 = arith.constant 0 : i32
      scf.yield %scan3A_209 : i32
    }
    %scan3A_205 = arith.constant 20 : i32
    %barrier3A_206 = arith.constant 0 : index
    tpu.barrier barrier_id(%barrier3A_206)
    "tpu.region"() ({
      %run_scoped3A = tpu.sem_alloc : memref<!tpu.dma_semaphore, #tpu.memory_space<semaphore_mem>>
      %dma_start3A = tpu.memref_slice %arg3[%arg0, %mul3A_198] : memref<2x10240xf32, #tpu.memory_space<hbm>> -> memref<1x640xf32, #tpu.memory_space<hbm>>
      %dma_start3A_207 = tpu.memref_squeeze %dma_start3A : memref<1x640xf32, #tpu.memory_space<hbm>> -> memref<640xf32, #tpu.memory_space<hbm>>
      %dma_start3A_208 = tpu.memref_slice %arg7[%mul3A_198] : memref<10240xf32, #tpu.memory_space<vmem_shared>> -> memref<640xf32, #tpu.memory_space<vmem_shared>>
      tpu.enqueue_dma source(%dma_start3A_208 : memref<640xf32, #tpu.memory_space<vmem_shared>>) target(%dma_start3A_207 : memref<640xf32, #tpu.memory_space<hbm>>) target_semaphore(%run_scoped3A : memref<!tpu.dma_semaphore, #tpu.memory_space<semaphore_mem>>)
      %dma_wait3A = tpu.memref_slice %arg3[%arg0, %mul3A_198] : memref<2x10240xf32, #tpu.memory_space<hbm>> -> memref<1x640xf32, #tpu.memory_space<hbm>>
      %dma_wait3A_209 = tpu.memref_squeeze %dma_wait3A : memref<1x640xf32, #tpu.memory_space<hbm>> -> memref<640xf32, #tpu.memory_space<hbm>>
      %dma_wait3A_210 = tpu.memref_slice %arg7[%mul3A_198] : memref<10240xf32, #tpu.memory_space<vmem_shared>> -> memref<640xf32, #tpu.memory_space<vmem_shared>>
      tpu.wait_dma2 semaphore(%run_scoped3A : memref<!tpu.dma_semaphore, #tpu.memory_space<semaphore_mem>>) src(%dma_wait3A_210 : memref<640xf32, #tpu.memory_space<vmem_shared>>) dst(%dma_wait3A_209 : memref<640xf32, #tpu.memory_space<hbm>>)
      tpu.yield
    }) : () -> ()
    return
  }
}

#map = affine_map<(d0, d1) -> (0, 0, 0)>
#map1 = affine_map<(d0, d1) -> (0, 0)>
module attributes {stable_mosaic.version = 14 : i64} {
  func.func @_agg_body(%arg0: i32, %arg1: i32, %arg2: memref<32x20x500xi32, #tpu.memory_space<hbm>>, %arg3: memref<32x20x500xi32, #tpu.memory_space<hbm>>, %arg4: memref<10240x64xbf16, #tpu.memory_space<hbm>>, %arg5: memref<2x10240x64xbf16, #tpu.memory_space<hbm>>, %arg6: memref<20x500xi32, #tpu.memory_space<vmem>>, %arg7: memref<20x500xi32, #tpu.memory_space<vmem>>, %arg8: memref<4x500x64xbf16, #tpu.memory_space<vmem>>, %arg9: memref<10240x64xbf16, #tpu.memory_space<vmem_shared>>, %arg10: memref<!tpu.dma_semaphore, #tpu.memory_space<semaphore_mem>>, %arg11: memref<!tpu.dma_semaphore, #tpu.memory_space<semaphore_mem>>, %arg12: memref<!tpu.dma_semaphore, #tpu.memory_space<semaphore_mem>>, %arg13: memref<!tpu.dma_semaphore, #tpu.memory_space<semaphore_mem>>, %arg14: memref<!tpu.dma_semaphore, #tpu.memory_space<semaphore_mem>>, %arg15: memref<!tpu.dma_semaphore, #tpu.memory_space<semaphore_mem>>, %arg16: memref<!tpu.dma_semaphore, #tpu.memory_space<semaphore_mem>>, %arg17: memref<!tpu.dma_semaphore, #tpu.memory_space<semaphore_mem>>) attributes {dimension_semantics = [#tpu.dimension_semantics<core_parallel>, #tpu.dimension_semantics<subcore_parallel>], iteration_bounds = array<i64: 2, 16>, scalar_prefetch = 0 : i64, scratch_operands = 12 : i64, tpu.core_type = #tpu.core_type<sc_vector_subcore>, window_params = [{transform_indices = #map}, {transform_indices = #map}, {transform_indices = #map1}, {transform_indices = #map}]} {
    %mul3A = arith.constant 2 : i32
    %mul3A_0 = arith.muli %arg1, %mul3A : i32
    %add3A = arith.addi %mul3A_0, %arg0 : i32
    %scan3A = arith.constant 0 : i32
    %scan3A_1 = arith.constant 0 : i32
    %scan3A_2 = arith.constant 128 : i32
    %scan3A_3 = arith.addi %scan3A_1, %scan3A_2 : i32
    %scan3A_4 = arith.constant 1 : i32
    %scan3A_5 = scf.for %scan3A_107 = %scan3A_1 to %scan3A_3 step %scan3A_4 iter_args(%scan3A_108 = %scan3A) -> (i32)  : i32 {
      %broadcast_in_dim3A = arith.constant 0.000000e+00 : bf16
      %broadcast_in_dim3A_109 = vector.broadcast %broadcast_in_dim3A : bf16 to vector<32xbf16>
      %swap3A = arith.constant 0 : i32
      %swap3A_110 = arith.index_cast %swap3A : i32 to index
      %swap3A_111 = arith.index_cast %scan3A_107 : i32 to index
      %swap3A_112 = arith.constant 0 : index
      %swap3A_113 = tpu.vector_load %arg8[%swap3A_110, %swap3A_111, %swap3A_112] {strides = array<i32>} : memref<4x500x64xbf16, #tpu.memory_space<vmem>>, vector<1x1x32xbf16>,
      %swap3A_114 = vector.shape_cast %swap3A_113 : vector<1x1x32xbf16> to vector<32xbf16>
      %swap3A_115 = vector.shape_cast %broadcast_in_dim3A_109 : vector<32xbf16> to vector<1x1x32xbf16>
      tpu.vector_store %arg8[%swap3A_110, %swap3A_111, %swap3A_112], %swap3A_115 {strides = array<i32>} : memref<4x500x64xbf16, #tpu.memory_space<vmem>>, vector<1x1x32xbf16>,
      %broadcast_in_dim3A_116 = arith.constant 0.000000e+00 : bf16
      %broadcast_in_dim3A_117 = vector.broadcast %broadcast_in_dim3A_116 : bf16 to vector<32xbf16>
      %swap3A_118 = arith.constant 0 : i32
      %swap3A_119 = arith.index_cast %swap3A_118 : i32 to index
      %swap3A_120 = arith.index_cast %scan3A_107 : i32 to index
      %swap3A_121 = arith.constant 32 : index
      %swap3A_122 = tpu.vector_load %arg8[%swap3A_119, %swap3A_120, %swap3A_121] {strides = array<i32>} : memref<4x500x64xbf16, #tpu.memory_space<vmem>>, vector<1x1x32xbf16>,
      %swap3A_123 = vector.shape_cast %swap3A_122 : vector<1x1x32xbf16> to vector<32xbf16>
      %swap3A_124 = vector.shape_cast %broadcast_in_dim3A_117 : vector<32xbf16> to vector<1x1x32xbf16>
      tpu.vector_store %arg8[%swap3A_119, %swap3A_120, %swap3A_121], %swap3A_124 {strides = array<i32>} : memref<4x500x64xbf16, #tpu.memory_space<vmem>>, vector<1x1x32xbf16>,
      %scan3A_125 = arith.constant 0 : i32
      scf.yield %scan3A_125 : i32
    }
    %scan3A_6 = arith.constant 128 : i32
    %mul3A_7 = arith.constant 640 : i32
    %mul3A_8 = arith.muli %arg1, %mul3A_7 : i32
    %add3A_9 = arith.constant 0 : i32
    %add3A_10 = arith.addi %mul3A_8, %add3A_9 : i32
    %run_scoped3A = arith.constant 0 : i32
    "tpu.region"() ({
      %run_scoped3A_107 = tpu.sem_alloc : memref<!tpu.dma_semaphore, #tpu.memory_space<semaphore_mem>>
      %dma_start3A_108 = arith.constant 0 : i32
      %dma_start3A_109 = arith.constant 0 : i32
      %dma_start3A_110 = tpu.memref_slice %arg8[%run_scoped3A, %dma_start3A_108, %dma_start3A_109] : memref<4x500x64xbf16, #tpu.memory_space<vmem>> -> memref<1x128x64xbf16, #tpu.memory_space<vmem>>
      %dma_start3A_111 = tpu.memref_squeeze %dma_start3A_110 : memref<1x128x64xbf16, #tpu.memory_space<vmem>> -> memref<128x64xbf16, #tpu.memory_space<vmem>>
      %dma_start3A_112 = arith.constant 0 : i32
      %dma_start3A_113 = tpu.memref_slice %arg9[%add3A_10, %dma_start3A_112] : memref<10240x64xbf16, #tpu.memory_space<vmem_shared>> -> memref<128x64xbf16, #tpu.memory_space<vmem_shared>>
      %dma_start3A_114 = arith.constant 0 : i32
      %dma_start3A_115 = tpu.memref_slice %arg9[%add3A_10, %dma_start3A_114] : memref<10240x64xbf16, #tpu.memory_space<vmem_shared>> -> memref<128x64xbf16, #tpu.memory_space<vmem_shared>>
      %dma_start3A_116 = arith.constant 0 : i32
      %dma_start3A_117 = arith.constant 0 : i32
      %dma_start3A_118 = tpu.memref_slice %arg8[%run_scoped3A, %dma_start3A_116, %dma_start3A_117] : memref<4x500x64xbf16, #tpu.memory_space<vmem>> -> memref<1x128x64xbf16, #tpu.memory_space<vmem>>
      %dma_start3A_119 = tpu.memref_squeeze %dma_start3A_118 : memref<1x128x64xbf16, #tpu.memory_space<vmem>> -> memref<128x64xbf16, #tpu.memory_space<vmem>>
      tpu.enqueue_dma source(%dma_start3A_119 : memref<128x64xbf16, #tpu.memory_space<vmem>>) target(%dma_start3A_115 : memref<128x64xbf16, #tpu.memory_space<vmem_shared>>) target_semaphore(%run_scoped3A_107 : memref<!tpu.dma_semaphore, #tpu.memory_space<semaphore_mem>>)
      %dma_wait3A_120 = arith.constant 0 : i32
      %dma_wait3A_121 = arith.constant 0 : i32
      %dma_wait3A_122 = tpu.memref_slice %arg8[%run_scoped3A, %dma_wait3A_120, %dma_wait3A_121] : memref<4x500x64xbf16, #tpu.memory_space<vmem>> -> memref<1x128x64xbf16, #tpu.memory_space<vmem>>
      %dma_wait3A_123 = tpu.memref_squeeze %dma_wait3A_122 : memref<1x128x64xbf16, #tpu.memory_space<vmem>> -> memref<128x64xbf16, #tpu.memory_space<vmem>>
      %dma_wait3A_124 = arith.constant 0 : i32
      %dma_wait3A_125 = tpu.memref_slice %arg9[%add3A_10, %dma_wait3A_124] : memref<10240x64xbf16, #tpu.memory_space<vmem_shared>> -> memref<128x64xbf16, #tpu.memory_space<vmem_shared>>
      %dma_wait3A_126 = arith.constant 0 : i32
      %dma_wait3A_127 = tpu.memref_slice %arg9[%add3A_10, %dma_wait3A_126] : memref<10240x64xbf16, #tpu.memory_space<vmem_shared>> -> memref<128x64xbf16, #tpu.memory_space<vmem_shared>>
      %dma_wait3A_128 = arith.constant 0 : i32
      %dma_wait3A_129 = arith.constant 0 : i32
      %dma_wait3A_130 = tpu.memref_slice %arg8[%run_scoped3A, %dma_wait3A_128, %dma_wait3A_129] : memref<4x500x64xbf16, #tpu.memory_space<vmem>> -> memref<1x128x64xbf16, #tpu.memory_space<vmem>>
      %dma_wait3A_131 = tpu.memref_squeeze %dma_wait3A_130 : memref<1x128x64xbf16, #tpu.memory_space<vmem>> -> memref<128x64xbf16, #tpu.memory_space<vmem>>
      tpu.wait_dma2 semaphore(%run_scoped3A_107 : memref<!tpu.dma_semaphore, #tpu.memory_space<semaphore_mem>>) src(%dma_wait3A_131 : memref<128x64xbf16, #tpu.memory_space<vmem>>) dst(%dma_wait3A_127 : memref<128x64xbf16, #tpu.memory_space<vmem_shared>>)
      tpu.yield
    }) : () -> ()
    %add3A_11 = arith.constant 128 : i32
    %add3A_12 = arith.addi %mul3A_8, %add3A_11 : i32
    %run_scoped3A_13 = arith.constant 0 : i32
    "tpu.region"() ({
      %run_scoped3A_107 = tpu.sem_alloc : memref<!tpu.dma_semaphore, #tpu.memory_space<semaphore_mem>>
      %dma_start3A_108 = arith.constant 0 : i32
      %dma_start3A_109 = arith.constant 0 : i32
      %dma_start3A_110 = tpu.memref_slice %arg8[%run_scoped3A_13, %dma_start3A_108, %dma_start3A_109] : memref<4x500x64xbf16, #tpu.memory_space<vmem>> -> memref<1x128x64xbf16, #tpu.memory_space<vmem>>
      %dma_start3A_111 = tpu.memref_squeeze %dma_start3A_110 : memref<1x128x64xbf16, #tpu.memory_space<vmem>> -> memref<128x64xbf16, #tpu.memory_space<vmem>>
      %dma_start3A_112 = arith.constant 0 : i32
      %dma_start3A_113 = tpu.memref_slice %arg9[%add3A_12, %dma_start3A_112] : memref<10240x64xbf16, #tpu.memory_space<vmem_shared>> -> memref<128x64xbf16, #tpu.memory_space<vmem_shared>>
      %dma_start3A_114 = arith.constant 0 : i32
      %dma_start3A_115 = tpu.memref_slice %arg9[%add3A_12, %dma_start3A_114] : memref<10240x64xbf16, #tpu.memory_space<vmem_shared>> -> memref<128x64xbf16, #tpu.memory_space<vmem_shared>>
      %dma_start3A_116 = arith.constant 0 : i32
      %dma_start3A_117 = arith.constant 0 : i32
      %dma_start3A_118 = tpu.memref_slice %arg8[%run_scoped3A_13, %dma_start3A_116, %dma_start3A_117] : memref<4x500x64xbf16, #tpu.memory_space<vmem>> -> memref<1x128x64xbf16, #tpu.memory_space<vmem>>
      %dma_start3A_119 = tpu.memref_squeeze %dma_start3A_118 : memref<1x128x64xbf16, #tpu.memory_space<vmem>> -> memref<128x64xbf16, #tpu.memory_space<vmem>>
      tpu.enqueue_dma source(%dma_start3A_119 : memref<128x64xbf16, #tpu.memory_space<vmem>>) target(%dma_start3A_115 : memref<128x64xbf16, #tpu.memory_space<vmem_shared>>) target_semaphore(%run_scoped3A_107 : memref<!tpu.dma_semaphore, #tpu.memory_space<semaphore_mem>>)
      %dma_wait3A_120 = arith.constant 0 : i32
      %dma_wait3A_121 = arith.constant 0 : i32
      %dma_wait3A_122 = tpu.memref_slice %arg8[%run_scoped3A_13, %dma_wait3A_120, %dma_wait3A_121] : memref<4x500x64xbf16, #tpu.memory_space<vmem>> -> memref<1x128x64xbf16, #tpu.memory_space<vmem>>
      %dma_wait3A_123 = tpu.memref_squeeze %dma_wait3A_122 : memref<1x128x64xbf16, #tpu.memory_space<vmem>> -> memref<128x64xbf16, #tpu.memory_space<vmem>>
      %dma_wait3A_124 = arith.constant 0 : i32
      %dma_wait3A_125 = tpu.memref_slice %arg9[%add3A_12, %dma_wait3A_124] : memref<10240x64xbf16, #tpu.memory_space<vmem_shared>> -> memref<128x64xbf16, #tpu.memory_space<vmem_shared>>
      %dma_wait3A_126 = arith.constant 0 : i32
      %dma_wait3A_127 = tpu.memref_slice %arg9[%add3A_12, %dma_wait3A_126] : memref<10240x64xbf16, #tpu.memory_space<vmem_shared>> -> memref<128x64xbf16, #tpu.memory_space<vmem_shared>>
      %dma_wait3A_128 = arith.constant 0 : i32
      %dma_wait3A_129 = arith.constant 0 : i32
      %dma_wait3A_130 = tpu.memref_slice %arg8[%run_scoped3A_13, %dma_wait3A_128, %dma_wait3A_129] : memref<4x500x64xbf16, #tpu.memory_space<vmem>> -> memref<1x128x64xbf16, #tpu.memory_space<vmem>>
      %dma_wait3A_131 = tpu.memref_squeeze %dma_wait3A_130 : memref<1x128x64xbf16, #tpu.memory_space<vmem>> -> memref<128x64xbf16, #tpu.memory_space<vmem>>
      tpu.wait_dma2 semaphore(%run_scoped3A_107 : memref<!tpu.dma_semaphore, #tpu.memory_space<semaphore_mem>>) src(%dma_wait3A_131 : memref<128x64xbf16, #tpu.memory_space<vmem>>) dst(%dma_wait3A_127 : memref<128x64xbf16, #tpu.memory_space<vmem_shared>>)
      tpu.yield
    }) : () -> ()
    %add3A_14 = arith.constant 256 : i32
    %add3A_15 = arith.addi %mul3A_8, %add3A_14 : i32
    %run_scoped3A_16 = arith.constant 0 : i32
    "tpu.region"() ({
      %run_scoped3A_107 = tpu.sem_alloc : memref<!tpu.dma_semaphore, #tpu.memory_space<semaphore_mem>>
      %dma_start3A_108 = arith.constant 0 : i32
      %dma_start3A_109 = arith.constant 0 : i32
      %dma_start3A_110 = tpu.memref_slice %arg8[%run_scoped3A_16, %dma_start3A_108, %dma_start3A_109] : memref<4x500x64xbf16, #tpu.memory_space<vmem>> -> memref<1x128x64xbf16, #tpu.memory_space<vmem>>
      %dma_start3A_111 = tpu.memref_squeeze %dma_start3A_110 : memref<1x128x64xbf16, #tpu.memory_space<vmem>> -> memref<128x64xbf16, #tpu.memory_space<vmem>>
      %dma_start3A_112 = arith.constant 0 : i32
      %dma_start3A_113 = tpu.memref_slice %arg9[%add3A_15, %dma_start3A_112] : memref<10240x64xbf16, #tpu.memory_space<vmem_shared>> -> memref<128x64xbf16, #tpu.memory_space<vmem_shared>>
      %dma_start3A_114 = arith.constant 0 : i32
      %dma_start3A_115 = tpu.memref_slice %arg9[%add3A_15, %dma_start3A_114] : memref<10240x64xbf16, #tpu.memory_space<vmem_shared>> -> memref<128x64xbf16, #tpu.memory_space<vmem_shared>>
      %dma_start3A_116 = arith.constant 0 : i32
      %dma_start3A_117 = arith.constant 0 : i32
      %dma_start3A_118 = tpu.memref_slice %arg8[%run_scoped3A_16, %dma_start3A_116, %dma_start3A_117] : memref<4x500x64xbf16, #tpu.memory_space<vmem>> -> memref<1x128x64xbf16, #tpu.memory_space<vmem>>
      %dma_start3A_119 = tpu.memref_squeeze %dma_start3A_118 : memref<1x128x64xbf16, #tpu.memory_space<vmem>> -> memref<128x64xbf16, #tpu.memory_space<vmem>>
      tpu.enqueue_dma source(%dma_start3A_119 : memref<128x64xbf16, #tpu.memory_space<vmem>>) target(%dma_start3A_115 : memref<128x64xbf16, #tpu.memory_space<vmem_shared>>) target_semaphore(%run_scoped3A_107 : memref<!tpu.dma_semaphore, #tpu.memory_space<semaphore_mem>>)
      %dma_wait3A_120 = arith.constant 0 : i32
      %dma_wait3A_121 = arith.constant 0 : i32
      %dma_wait3A_122 = tpu.memref_slice %arg8[%run_scoped3A_16, %dma_wait3A_120, %dma_wait3A_121] : memref<4x500x64xbf16, #tpu.memory_space<vmem>> -> memref<1x128x64xbf16, #tpu.memory_space<vmem>>
      %dma_wait3A_123 = tpu.memref_squeeze %dma_wait3A_122 : memref<1x128x64xbf16, #tpu.memory_space<vmem>> -> memref<128x64xbf16, #tpu.memory_space<vmem>>
      %dma_wait3A_124 = arith.constant 0 : i32
      %dma_wait3A_125 = tpu.memref_slice %arg9[%add3A_15, %dma_wait3A_124] : memref<10240x64xbf16, #tpu.memory_space<vmem_shared>> -> memref<128x64xbf16, #tpu.memory_space<vmem_shared>>
      %dma_wait3A_126 = arith.constant 0 : i32
      %dma_wait3A_127 = tpu.memref_slice %arg9[%add3A_15, %dma_wait3A_126] : memref<10240x64xbf16, #tpu.memory_space<vmem_shared>> -> memref<128x64xbf16, #tpu.memory_space<vmem_shared>>
      %dma_wait3A_128 = arith.constant 0 : i32
      %dma_wait3A_129 = arith.constant 0 : i32
      %dma_wait3A_130 = tpu.memref_slice %arg8[%run_scoped3A_16, %dma_wait3A_128, %dma_wait3A_129] : memref<4x500x64xbf16, #tpu.memory_space<vmem>> -> memref<1x128x64xbf16, #tpu.memory_space<vmem>>
      %dma_wait3A_131 = tpu.memref_squeeze %dma_wait3A_130 : memref<1x128x64xbf16, #tpu.memory_space<vmem>> -> memref<128x64xbf16, #tpu.memory_space<vmem>>
      tpu.wait_dma2 semaphore(%run_scoped3A_107 : memref<!tpu.dma_semaphore, #tpu.memory_space<semaphore_mem>>) src(%dma_wait3A_131 : memref<128x64xbf16, #tpu.memory_space<vmem>>) dst(%dma_wait3A_127 : memref<128x64xbf16, #tpu.memory_space<vmem_shared>>)
      tpu.yield
    }) : () -> ()
    %add3A_17 = arith.constant 384 : i32
    %add3A_18 = arith.addi %mul3A_8, %add3A_17 : i32
    %run_scoped3A_19 = arith.constant 0 : i32
    "tpu.region"() ({
      %run_scoped3A_107 = tpu.sem_alloc : memref<!tpu.dma_semaphore, #tpu.memory_space<semaphore_mem>>
      %dma_start3A_108 = arith.constant 0 : i32
      %dma_start3A_109 = arith.constant 0 : i32
      %dma_start3A_110 = tpu.memref_slice %arg8[%run_scoped3A_19, %dma_start3A_108, %dma_start3A_109] : memref<4x500x64xbf16, #tpu.memory_space<vmem>> -> memref<1x128x64xbf16, #tpu.memory_space<vmem>>
      %dma_start3A_111 = tpu.memref_squeeze %dma_start3A_110 : memref<1x128x64xbf16, #tpu.memory_space<vmem>> -> memref<128x64xbf16, #tpu.memory_space<vmem>>
      %dma_start3A_112 = arith.constant 0 : i32
      %dma_start3A_113 = tpu.memref_slice %arg9[%add3A_18, %dma_start3A_112] : memref<10240x64xbf16, #tpu.memory_space<vmem_shared>> -> memref<128x64xbf16, #tpu.memory_space<vmem_shared>>
      %dma_start3A_114 = arith.constant 0 : i32
      %dma_start3A_115 = tpu.memref_slice %arg9[%add3A_18, %dma_start3A_114] : memref<10240x64xbf16, #tpu.memory_space<vmem_shared>> -> memref<128x64xbf16, #tpu.memory_space<vmem_shared>>
      %dma_start3A_116 = arith.constant 0 : i32
      %dma_start3A_117 = arith.constant 0 : i32
      %dma_start3A_118 = tpu.memref_slice %arg8[%run_scoped3A_19, %dma_start3A_116, %dma_start3A_117] : memref<4x500x64xbf16, #tpu.memory_space<vmem>> -> memref<1x128x64xbf16, #tpu.memory_space<vmem>>
      %dma_start3A_119 = tpu.memref_squeeze %dma_start3A_118 : memref<1x128x64xbf16, #tpu.memory_space<vmem>> -> memref<128x64xbf16, #tpu.memory_space<vmem>>
      tpu.enqueue_dma source(%dma_start3A_119 : memref<128x64xbf16, #tpu.memory_space<vmem>>) target(%dma_start3A_115 : memref<128x64xbf16, #tpu.memory_space<vmem_shared>>) target_semaphore(%run_scoped3A_107 : memref<!tpu.dma_semaphore, #tpu.memory_space<semaphore_mem>>)
      %dma_wait3A_120 = arith.constant 0 : i32
      %dma_wait3A_121 = arith.constant 0 : i32
      %dma_wait3A_122 = tpu.memref_slice %arg8[%run_scoped3A_19, %dma_wait3A_120, %dma_wait3A_121] : memref<4x500x64xbf16, #tpu.memory_space<vmem>> -> memref<1x128x64xbf16, #tpu.memory_space<vmem>>
      %dma_wait3A_123 = tpu.memref_squeeze %dma_wait3A_122 : memref<1x128x64xbf16, #tpu.memory_space<vmem>> -> memref<128x64xbf16, #tpu.memory_space<vmem>>
      %dma_wait3A_124 = arith.constant 0 : i32
      %dma_wait3A_125 = tpu.memref_slice %arg9[%add3A_18, %dma_wait3A_124] : memref<10240x64xbf16, #tpu.memory_space<vmem_shared>> -> memref<128x64xbf16, #tpu.memory_space<vmem_shared>>
      %dma_wait3A_126 = arith.constant 0 : i32
      %dma_wait3A_127 = tpu.memref_slice %arg9[%add3A_18, %dma_wait3A_126] : memref<10240x64xbf16, #tpu.memory_space<vmem_shared>> -> memref<128x64xbf16, #tpu.memory_space<vmem_shared>>
      %dma_wait3A_128 = arith.constant 0 : i32
      %dma_wait3A_129 = arith.constant 0 : i32
      %dma_wait3A_130 = tpu.memref_slice %arg8[%run_scoped3A_19, %dma_wait3A_128, %dma_wait3A_129] : memref<4x500x64xbf16, #tpu.memory_space<vmem>> -> memref<1x128x64xbf16, #tpu.memory_space<vmem>>
      %dma_wait3A_131 = tpu.memref_squeeze %dma_wait3A_130 : memref<1x128x64xbf16, #tpu.memory_space<vmem>> -> memref<128x64xbf16, #tpu.memory_space<vmem>>
      tpu.wait_dma2 semaphore(%run_scoped3A_107 : memref<!tpu.dma_semaphore, #tpu.memory_space<semaphore_mem>>) src(%dma_wait3A_131 : memref<128x64xbf16, #tpu.memory_space<vmem>>) dst(%dma_wait3A_127 : memref<128x64xbf16, #tpu.memory_space<vmem_shared>>)
      tpu.yield
    }) : () -> ()
    %add3A_20 = arith.constant 512 : i32
    %add3A_21 = arith.addi %mul3A_8, %add3A_20 : i32
    %run_scoped3A_22 = arith.constant 0 : i32
    "tpu.region"() ({
      %run_scoped3A_107 = tpu.sem_alloc : memref<!tpu.dma_semaphore, #tpu.memory_space<semaphore_mem>>
      %dma_start3A_108 = arith.constant 0 : i32
      %dma_start3A_109 = arith.constant 0 : i32
      %dma_start3A_110 = tpu.memref_slice %arg8[%run_scoped3A_22, %dma_start3A_108, %dma_start3A_109] : memref<4x500x64xbf16, #tpu.memory_space<vmem>> -> memref<1x128x64xbf16, #tpu.memory_space<vmem>>
      %dma_start3A_111 = tpu.memref_squeeze %dma_start3A_110 : memref<1x128x64xbf16, #tpu.memory_space<vmem>> -> memref<128x64xbf16, #tpu.memory_space<vmem>>
      %dma_start3A_112 = arith.constant 0 : i32
      %dma_start3A_113 = tpu.memref_slice %arg9[%add3A_21, %dma_start3A_112] : memref<10240x64xbf16, #tpu.memory_space<vmem_shared>> -> memref<128x64xbf16, #tpu.memory_space<vmem_shared>>
      %dma_start3A_114 = arith.constant 0 : i32
      %dma_start3A_115 = tpu.memref_slice %arg9[%add3A_21, %dma_start3A_114] : memref<10240x64xbf16, #tpu.memory_space<vmem_shared>> -> memref<128x64xbf16, #tpu.memory_space<vmem_shared>>
      %dma_start3A_116 = arith.constant 0 : i32
      %dma_start3A_117 = arith.constant 0 : i32
      %dma_start3A_118 = tpu.memref_slice %arg8[%run_scoped3A_22, %dma_start3A_116, %dma_start3A_117] : memref<4x500x64xbf16, #tpu.memory_space<vmem>> -> memref<1x128x64xbf16, #tpu.memory_space<vmem>>
      %dma_start3A_119 = tpu.memref_squeeze %dma_start3A_118 : memref<1x128x64xbf16, #tpu.memory_space<vmem>> -> memref<128x64xbf16, #tpu.memory_space<vmem>>
      tpu.enqueue_dma source(%dma_start3A_119 : memref<128x64xbf16, #tpu.memory_space<vmem>>) target(%dma_start3A_115 : memref<128x64xbf16, #tpu.memory_space<vmem_shared>>) target_semaphore(%run_scoped3A_107 : memref<!tpu.dma_semaphore, #tpu.memory_space<semaphore_mem>>)
      %dma_wait3A_120 = arith.constant 0 : i32
      %dma_wait3A_121 = arith.constant 0 : i32
      %dma_wait3A_122 = tpu.memref_slice %arg8[%run_scoped3A_22, %dma_wait3A_120, %dma_wait3A_121] : memref<4x500x64xbf16, #tpu.memory_space<vmem>> -> memref<1x128x64xbf16, #tpu.memory_space<vmem>>
      %dma_wait3A_123 = tpu.memref_squeeze %dma_wait3A_122 : memref<1x128x64xbf16, #tpu.memory_space<vmem>> -> memref<128x64xbf16, #tpu.memory_space<vmem>>
      %dma_wait3A_124 = arith.constant 0 : i32
      %dma_wait3A_125 = tpu.memref_slice %arg9[%add3A_21, %dma_wait3A_124] : memref<10240x64xbf16, #tpu.memory_space<vmem_shared>> -> memref<128x64xbf16, #tpu.memory_space<vmem_shared>>
      %dma_wait3A_126 = arith.constant 0 : i32
      %dma_wait3A_127 = tpu.memref_slice %arg9[%add3A_21, %dma_wait3A_126] : memref<10240x64xbf16, #tpu.memory_space<vmem_shared>> -> memref<128x64xbf16, #tpu.memory_space<vmem_shared>>
      %dma_wait3A_128 = arith.constant 0 : i32
      %dma_wait3A_129 = arith.constant 0 : i32
      %dma_wait3A_130 = tpu.memref_slice %arg8[%run_scoped3A_22, %dma_wait3A_128, %dma_wait3A_129] : memref<4x500x64xbf16, #tpu.memory_space<vmem>> -> memref<1x128x64xbf16, #tpu.memory_space<vmem>>
      %dma_wait3A_131 = tpu.memref_squeeze %dma_wait3A_130 : memref<1x128x64xbf16, #tpu.memory_space<vmem>> -> memref<128x64xbf16, #tpu.memory_space<vmem>>
      tpu.wait_dma2 semaphore(%run_scoped3A_107 : memref<!tpu.dma_semaphore, #tpu.memory_space<semaphore_mem>>) src(%dma_wait3A_131 : memref<128x64xbf16, #tpu.memory_space<vmem>>) dst(%dma_wait3A_127 : memref<128x64xbf16, #tpu.memory_space<vmem_shared>>)
      tpu.yield
    }) : () -> ()
    "tpu.region"() ({
      %run_scoped3A_107 = tpu.sem_alloc : memref<!tpu.dma_semaphore, #tpu.memory_space<semaphore_mem>>
      %dma_start3A_108 = arith.constant 0 : i32
      %dma_start3A_109 = arith.constant 0 : i32
      %dma_start3A_110 = tpu.memref_slice %arg2[%add3A, %dma_start3A_108, %dma_start3A_109] : memref<32x20x500xi32, #tpu.memory_space<hbm>> -> memref<1x20x500xi32, #tpu.memory_space<hbm>>
      %dma_start3A_111 = tpu.memref_squeeze %dma_start3A_110 : memref<1x20x500xi32, #tpu.memory_space<hbm>> -> memref<20x500xi32, #tpu.memory_space<hbm>>
      %dma_start3A_112 = arith.constant 0 : i32
      %dma_start3A_113 = arith.constant 0 : i32
      %dma_start3A_114 = tpu.memref_slice %arg2[%add3A, %dma_start3A_112, %dma_start3A_113] : memref<32x20x500xi32, #tpu.memory_space<hbm>> -> memref<1x20x500xi32, #tpu.memory_space<hbm>>
      %dma_start3A_115 = tpu.memref_squeeze %dma_start3A_114 : memref<1x20x500xi32, #tpu.memory_space<hbm>> -> memref<20x500xi32, #tpu.memory_space<hbm>>
      tpu.enqueue_dma source(%dma_start3A_115 : memref<20x500xi32, #tpu.memory_space<hbm>>) target(%arg6 : memref<20x500xi32, #tpu.memory_space<vmem>>) target_semaphore(%run_scoped3A_107 : memref<!tpu.dma_semaphore, #tpu.memory_space<semaphore_mem>>)
      %dma_wait3A_116 = arith.constant 0 : i32
      %dma_wait3A_117 = arith.constant 0 : i32
      %dma_wait3A_118 = tpu.memref_slice %arg2[%add3A, %dma_wait3A_116, %dma_wait3A_117] : memref<32x20x500xi32, #tpu.memory_space<hbm>> -> memref<1x20x500xi32, #tpu.memory_space<hbm>>
      %dma_wait3A_119 = tpu.memref_squeeze %dma_wait3A_118 : memref<1x20x500xi32, #tpu.memory_space<hbm>> -> memref<20x500xi32, #tpu.memory_space<hbm>>
      %dma_wait3A_120 = arith.constant 0 : i32
      %dma_wait3A_121 = arith.constant 0 : i32
      %dma_wait3A_122 = tpu.memref_slice %arg2[%add3A, %dma_wait3A_120, %dma_wait3A_121] : memref<32x20x500xi32, #tpu.memory_space<hbm>> -> memref<1x20x500xi32, #tpu.memory_space<hbm>>
      %dma_wait3A_123 = tpu.memref_squeeze %dma_wait3A_122 : memref<1x20x500xi32, #tpu.memory_space<hbm>> -> memref<20x500xi32, #tpu.memory_space<hbm>>
      tpu.wait_dma2 semaphore(%run_scoped3A_107 : memref<!tpu.dma_semaphore, #tpu.memory_space<semaphore_mem>>) src(%dma_wait3A_123 : memref<20x500xi32, #tpu.memory_space<hbm>>) dst(%arg6 : memref<20x500xi32, #tpu.memory_space<vmem>>)
      tpu.yield
    }) : () -> ()
    "tpu.region"() ({
      %run_scoped3A_107 = tpu.sem_alloc : memref<!tpu.dma_semaphore, #tpu.memory_space<semaphore_mem>>
      %dma_start3A_108 = arith.constant 0 : i32
      %dma_start3A_109 = arith.constant 0 : i32
      %dma_start3A_110 = tpu.memref_slice %arg3[%add3A, %dma_start3A_108, %dma_start3A_109] : memref<32x20x500xi32, #tpu.memory_space<hbm>> -> memref<1x20x500xi32, #tpu.memory_space<hbm>>
      %dma_start3A_111 = tpu.memref_squeeze %dma_start3A_110 : memref<1x20x500xi32, #tpu.memory_space<hbm>> -> memref<20x500xi32, #tpu.memory_space<hbm>>
      %dma_start3A_112 = arith.constant 0 : i32
      %dma_start3A_113 = arith.constant 0 : i32
      %dma_start3A_114 = tpu.memref_slice %arg3[%add3A, %dma_start3A_112, %dma_start3A_113] : memref<32x20x500xi32, #tpu.memory_space<hbm>> -> memref<1x20x500xi32, #tpu.memory_space<hbm>>
      %dma_start3A_115 = tpu.memref_squeeze %dma_start3A_114 : memref<1x20x500xi32, #tpu.memory_space<hbm>> -> memref<20x500xi32, #tpu.memory_space<hbm>>
      tpu.enqueue_dma source(%dma_start3A_115 : memref<20x500xi32, #tpu.memory_space<hbm>>) target(%arg7 : memref<20x500xi32, #tpu.memory_space<vmem>>) target_semaphore(%run_scoped3A_107 : memref<!tpu.dma_semaphore, #tpu.memory_space<semaphore_mem>>)
      %dma_wait3A_116 = arith.constant 0 : i32
      %dma_wait3A_117 = arith.constant 0 : i32
      %dma_wait3A_118 = tpu.memref_slice %arg3[%add3A, %dma_wait3A_116, %dma_wait3A_117] : memref<32x20x500xi32, #tpu.memory_space<hbm>> -> memref<1x20x500xi32, #tpu.memory_space<hbm>>
      %dma_wait3A_119 = tpu.memref_squeeze %dma_wait3A_118 : memref<1x20x500xi32, #tpu.memory_space<hbm>> -> memref<20x500xi32, #tpu.memory_space<hbm>>
      %dma_wait3A_120 = arith.constant 0 : i32
      %dma_wait3A_121 = arith.constant 0 : i32
      %dma_wait3A_122 = tpu.memref_slice %arg3[%add3A, %dma_wait3A_120, %dma_wait3A_121] : memref<32x20x500xi32, #tpu.memory_space<hbm>> -> memref<1x20x500xi32, #tpu.memory_space<hbm>>
      %dma_wait3A_123 = tpu.memref_squeeze %dma_wait3A_122 : memref<1x20x500xi32, #tpu.memory_space<hbm>> -> memref<20x500xi32, #tpu.memory_space<hbm>>
      tpu.wait_dma2 semaphore(%run_scoped3A_107 : memref<!tpu.dma_semaphore, #tpu.memory_space<semaphore_mem>>) src(%dma_wait3A_123 : memref<20x500xi32, #tpu.memory_space<hbm>>) dst(%arg7 : memref<20x500xi32, #tpu.memory_space<vmem>>)
      tpu.yield
    }) : () -> ()
    %barrier3A = arith.constant 0 : index
    tpu.barrier barrier_id(%barrier3A)
    %dma_start3A = arith.constant 0 : i32
    %dma_start3A_23 = arith.constant 0 : i32
    %dma_start3A_24 = arith.constant 0 : i32
    %dma_start3A_25 = arith.constant 0 : i32
    %dma_start3A_26 = tpu.memref_slice %arg8[%dma_start3A_23, %dma_start3A_24, %dma_start3A_25] : memref<4x500x64xbf16, #tpu.memory_space<vmem>> -> memref<1x500x64xbf16, #tpu.memory_space<vmem>>
    %dma_start3A_27 = tpu.memref_squeeze %dma_start3A_26 : memref<1x500x64xbf16, #tpu.memory_space<vmem>> -> memref<500x64xbf16, #tpu.memory_space<vmem>>
    %dma_start3A_28 = arith.constant 0 : i32
    %dma_start3A_29 = tpu.memref_slice %arg6[%dma_start3A, %dma_start3A_28] : memref<20x500xi32, #tpu.memory_space<vmem>> -> memref<1x500xi32, #tpu.memory_space<vmem>>
    %dma_start3A_30 = tpu.memref_squeeze %dma_start3A_29 : memref<1x500xi32, #tpu.memory_space<vmem>> -> memref<500xi32, #tpu.memory_space<vmem>>
    %dma_start3A_31 = arith.constant 0 : i32
    %dma_start3A_32 = arith.constant 0 : i32
    %dma_start3A_33 = tpu.memref_slice %arg4[%dma_start3A_31, %dma_start3A_32] : memref<10240x64xbf16, #tpu.memory_space<hbm>> -> memref<10240x64xbf16, #tpu.memory_space<hbm>>
    tpu.enqueue_indirect_dma source(%dma_start3A_33 : memref<10240x64xbf16, #tpu.memory_space<hbm>>) target(%dma_start3A_27 : memref<500x64xbf16, #tpu.memory_space<vmem>>) offsets(%dma_start3A_30 : memref<500xi32, #tpu.memory_space<vmem>>) semaphore(%arg10 : memref<!tpu.dma_semaphore, #tpu.memory_space<semaphore_mem>>)
    %dma_start3A_34 = arith.constant 1 : i32
    %dma_start3A_35 = arith.constant 1 : i32
    %dma_start3A_36 = arith.constant 0 : i32
    %dma_start3A_37 = arith.constant 0 : i32
    %dma_start3A_38 = tpu.memref_slice %arg8[%dma_start3A_35, %dma_start3A_36, %dma_start3A_37] : memref<4x500x64xbf16, #tpu.memory_space<vmem>> -> memref<1x500x64xbf16, #tpu.memory_space<vmem>>
    %dma_start3A_39 = tpu.memref_squeeze %dma_start3A_38 : memref<1x500x64xbf16, #tpu.memory_space<vmem>> -> memref<500x64xbf16, #tpu.memory_space<vmem>>
    %dma_start3A_40 = arith.constant 0 : i32
    %dma_start3A_41 = tpu.memref_slice %arg6[%dma_start3A_34, %dma_start3A_40] : memref<20x500xi32, #tpu.memory_space<vmem>> -> memref<1x500xi32, #tpu.memory_space<vmem>>
    %dma_start3A_42 = tpu.memref_squeeze %dma_start3A_41 : memref<1x500xi32, #tpu.memory_space<vmem>> -> memref<500xi32, #tpu.memory_space<vmem>>
    %dma_start3A_43 = arith.constant 0 : i32
    %dma_start3A_44 = arith.constant 0 : i32
    %dma_start3A_45 = tpu.memref_slice %arg4[%dma_start3A_43, %dma_start3A_44] : memref<10240x64xbf16, #tpu.memory_space<hbm>> -> memref<10240x64xbf16, #tpu.memory_space<hbm>>
    tpu.enqueue_indirect_dma source(%dma_start3A_45 : memref<10240x64xbf16, #tpu.memory_space<hbm>>) target(%dma_start3A_39 : memref<500x64xbf16, #tpu.memory_space<vmem>>) offsets(%dma_start3A_42 : memref<500xi32, #tpu.memory_space<vmem>>) semaphore(%arg11 : memref<!tpu.dma_semaphore, #tpu.memory_space<semaphore_mem>>)
    %scan3A_46 = arith.constant 0 : i32
    %scan3A_47 = arith.constant 0 : i32
    %scan3A_48 = arith.constant 5 : i32
    %scan3A_49 = arith.addi %scan3A_47, %scan3A_48 : i32
    %scan3A_50 = arith.constant 1 : i32
    %scan3A_51 = scf.for %scan3A_107 = %scan3A_47 to %scan3A_49 step %scan3A_50 iter_args(%scan3A_108 = %scan3A_46) -> (i32)  : i32 {
      %mul3A_109 = arith.constant 4 : i32
      %mul3A_110 = arith.muli %scan3A_107, %mul3A_109 : i32
      %dma_wait3A_111 = arith.constant 0 : i32
      %dma_wait3A_112 = arith.constant 0 : i32
      %dma_wait3A_113 = arith.constant 0 : i32
      %dma_wait3A_114 = arith.constant 0 : i32
      %dma_wait3A_115 = tpu.memref_slice %arg8[%dma_wait3A_112, %dma_wait3A_113, %dma_wait3A_114] : memref<4x500x64xbf16, #tpu.memory_space<vmem>> -> memref<1x500x64xbf16, #tpu.memory_space<vmem>>
      %dma_wait3A_116 = tpu.memref_squeeze %dma_wait3A_115 : memref<1x500x64xbf16, #tpu.memory_space<vmem>> -> memref<500x64xbf16, #tpu.memory_space<vmem>>
      %dma_wait3A_117 = arith.constant 0 : i32
      %dma_wait3A_118 = tpu.memref_slice %arg6[%dma_wait3A_111, %dma_wait3A_117] : memref<20x500xi32, #tpu.memory_space<vmem>> -> memref<1x500xi32, #tpu.memory_space<vmem>>
      %dma_wait3A_119 = tpu.memref_squeeze %dma_wait3A_118 : memref<1x500xi32, #tpu.memory_space<vmem>> -> memref<500xi32, #tpu.memory_space<vmem>>
      %dma_wait3A_120 = arith.constant 0 : i32
      %dma_wait3A_121 = arith.constant 0 : i32
      %dma_wait3A_122 = tpu.memref_slice %arg4[%dma_wait3A_120, %dma_wait3A_121] : memref<10240x64xbf16, #tpu.memory_space<hbm>> -> memref<10240x64xbf16, #tpu.memory_space<hbm>>
      tpu.wait_indirect_dma semaphore(%arg10 : memref<!tpu.dma_semaphore, #tpu.memory_space<semaphore_mem>>) src(%dma_wait3A_122 : memref<10240x64xbf16, #tpu.memory_space<hbm>>) dst(%dma_wait3A_116 : memref<500x64xbf16, #tpu.memory_space<vmem>>)
      %add3A_123 = arith.constant 0 : i32
      %add3A_124 = arith.addi %mul3A_110, %add3A_123 : i32
      %dma_start3A_125 = arith.constant 0 : i32
      %dma_start3A_126 = arith.constant 0 : i32
      %dma_start3A_127 = arith.constant 0 : i32
      %dma_start3A_128 = tpu.memref_slice %arg8[%dma_start3A_125, %dma_start3A_126, %dma_start3A_127] : memref<4x500x64xbf16, #tpu.memory_space<vmem>> -> memref<1x500x64xbf16, #tpu.memory_space<vmem>>
      %dma_start3A_129 = tpu.memref_squeeze %dma_start3A_128 : memref<1x500x64xbf16, #tpu.memory_space<vmem>> -> memref<500x64xbf16, #tpu.memory_space<vmem>>
      %dma_start3A_130 = arith.constant 0 : i32
      %dma_start3A_131 = tpu.memref_slice %arg7[%add3A_124, %dma_start3A_130] : memref<20x500xi32, #tpu.memory_space<vmem>> -> memref<1x500xi32, #tpu.memory_space<vmem>>
      %dma_start3A_132 = tpu.memref_squeeze %dma_start3A_131 : memref<1x500xi32, #tpu.memory_space<vmem>> -> memref<500xi32, #tpu.memory_space<vmem>>
      %dma_start3A_133 = arith.constant 0 : i32
      %dma_start3A_134 = arith.constant 0 : i32
      %dma_start3A_135 = tpu.memref_slice %arg9[%dma_start3A_133, %dma_start3A_134] : memref<10240x64xbf16, #tpu.memory_space<vmem_shared>> -> memref<10240x64xbf16, #tpu.memory_space<vmem_shared>>
      tpu.enqueue_indirect_dma source(%dma_start3A_129 : memref<500x64xbf16, #tpu.memory_space<vmem>>) target(%dma_start3A_135 : memref<10240x64xbf16, #tpu.memory_space<vmem_shared>>) offsets(%dma_start3A_132 : memref<500xi32, #tpu.memory_space<vmem>>) semaphore(%arg14 : memref<!tpu.dma_semaphore, #tpu.memory_space<semaphore_mem>>) {add = true}
      %gt3A = arith.constant 0 : i32
      %gt3A_136 = arith.cmpi sgt, %scan3A_107, %gt3A : i32
      %convert_element_type3A = arith.extui %gt3A_136 : i1 to i32
      %cond3A = arith.constant 0 : i32
      %cond3A_137 = arith.cmpi ne, %convert_element_type3A, %cond3A : i32
      scf.if %cond3A_137 {
        %dma_wait3A_366 = arith.constant 2 : i32
        %dma_wait3A_367 = arith.constant 0 : i32
        %dma_wait3A_368 = arith.constant 0 : i32
        %dma_wait3A_369 = tpu.memref_slice %arg8[%dma_wait3A_366, %dma_wait3A_367, %dma_wait3A_368] : memref<4x500x64xbf16, #tpu.memory_space<vmem>> -> memref<1x500x64xbf16, #tpu.memory_space<vmem>>
        %dma_wait3A_370 = tpu.memref_squeeze %dma_wait3A_369 : memref<1x500x64xbf16, #tpu.memory_space<vmem>> -> memref<500x64xbf16, #tpu.memory_space<vmem>>
        %dma_wait3A_371 = arith.constant 0 : i32
        %dma_wait3A_372 = arith.constant 0 : i32
        %dma_wait3A_373 = tpu.memref_slice %arg9[%dma_wait3A_371, %dma_wait3A_372] : memref<10240x64xbf16, #tpu.memory_space<vmem_shared>> -> memref<500x64xbf16, #tpu.memory_space<vmem_shared>>
        %dma_wait3A_374 = arith.constant 0 : i32
        %dma_wait3A_375 = arith.constant 0 : i32
        %dma_wait3A_376 = tpu.memref_slice %arg9[%dma_wait3A_374, %dma_wait3A_375] : memref<10240x64xbf16, #tpu.memory_space<vmem_shared>> -> memref<500x64xbf16, #tpu.memory_space<vmem_shared>>
        %dma_wait3A_377 = arith.constant 0 : i32
        %dma_wait3A_378 = arith.constant 0 : i32
        %dma_wait3A_379 = tpu.memref_slice %arg8[%dma_wait3A_366, %dma_wait3A_377, %dma_wait3A_378] : memref<4x500x64xbf16, #tpu.memory_space<vmem>> -> memref<1x500x64xbf16, #tpu.memory_space<vmem>>
        %dma_wait3A_380 = tpu.memref_squeeze %dma_wait3A_379 : memref<1x500x64xbf16, #tpu.memory_space<vmem>> -> memref<500x64xbf16, #tpu.memory_space<vmem>>
        tpu.wait_dma2 semaphore(%arg16 : memref<!tpu.dma_semaphore, #tpu.memory_space<semaphore_mem>>) src(%dma_wait3A_380 : memref<500x64xbf16, #tpu.memory_space<vmem>>) dst(%dma_wait3A_376 : memref<500x64xbf16, #tpu.memory_space<vmem_shared>>)
      } else {
      }
      %add3A_138 = arith.constant 0 : i32
      %add3A_139 = arith.addi %mul3A_110, %add3A_138 : i32
      %add3A_140 = arith.constant 2 : i32
      %add3A_141 = arith.addi %add3A_139, %add3A_140 : i32
      %jit3A = arith.constant 20 : i32
      %eq3A = arith.constant 0 : i32
      %eq3A_142 = arith.cmpi eq, %jit3A, %eq3A : i32
      %jit3A_143 = arith.constant 1 : i32
      %select_n3A = arith.select %eq3A_142, %jit3A_143, %jit3A : i32
      %rem3A = arith.remsi %add3A_141, %select_n3A : i32
      %ne3A = arith.constant 0 : i32
      %ne3A_144 = arith.cmpi ne, %rem3A, %ne3A : i32
      %lt3A = arith.constant 0 : i32
      %lt3A_145 = arith.cmpi slt, %rem3A, %lt3A : i32
      %lt3A_146 = arith.constant 0 : i32
      %lt3A_147 = arith.cmpi slt, %select_n3A, %lt3A_146 : i32
      %ne3A_148 = arith.xori %lt3A_145, %lt3A_147 : i1
      %and3A = arith.andi %ne3A_148, %ne3A_144 : i1
      %add3A_149 = arith.addi %rem3A, %select_n3A : i32
      %select_n3A_150 = arith.select %and3A, %add3A_149, %rem3A : i32
      %dma_start3A_151 = arith.constant 2 : i32
      %dma_start3A_152 = arith.constant 0 : i32
      %dma_start3A_153 = arith.constant 0 : i32
      %dma_start3A_154 = tpu.memref_slice %arg8[%dma_start3A_151, %dma_start3A_152, %dma_start3A_153] : memref<4x500x64xbf16, #tpu.memory_space<vmem>> -> memref<1x500x64xbf16, #tpu.memory_space<vmem>>
      %dma_start3A_155 = tpu.memref_squeeze %dma_start3A_154 : memref<1x500x64xbf16, #tpu.memory_space<vmem>> -> memref<500x64xbf16, #tpu.memory_space<vmem>>
      %dma_start3A_156 = arith.constant 0 : i32
      %dma_start3A_157 = tpu.memref_slice %arg6[%select_n3A_150, %dma_start3A_156] : memref<20x500xi32, #tpu.memory_space<vmem>> -> memref<1x500xi32, #tpu.memory_space<vmem>>
      %dma_start3A_158 = tpu.memref_squeeze %dma_start3A_157 : memref<1x500xi32, #tpu.memory_space<vmem>> -> memref<500xi32, #tpu.memory_space<vmem>>
      %dma_start3A_159 = arith.constant 0 : i32
      %dma_start3A_160 = arith.constant 0 : i32
      %dma_start3A_161 = tpu.memref_slice %arg4[%dma_start3A_159, %dma_start3A_160] : memref<10240x64xbf16, #tpu.memory_space<hbm>> -> memref<10240x64xbf16, #tpu.memory_space<hbm>>
      tpu.enqueue_indirect_dma source(%dma_start3A_161 : memref<10240x64xbf16, #tpu.memory_space<hbm>>) target(%dma_start3A_155 : memref<500x64xbf16, #tpu.memory_space<vmem>>) offsets(%dma_start3A_158 : memref<500xi32, #tpu.memory_space<vmem>>) semaphore(%arg12 : memref<!tpu.dma_semaphore, #tpu.memory_space<semaphore_mem>>)
      %dma_wait3A_162 = arith.constant 0 : i32
      %dma_wait3A_163 = arith.constant 1 : i32
      %dma_wait3A_164 = arith.constant 0 : i32
      %dma_wait3A_165 = arith.constant 0 : i32
      %dma_wait3A_166 = tpu.memref_slice %arg8[%dma_wait3A_163, %dma_wait3A_164, %dma_wait3A_165] : memref<4x500x64xbf16, #tpu.memory_space<vmem>> -> memref<1x500x64xbf16, #tpu.memory_space<vmem>>
      %dma_wait3A_167 = tpu.memref_squeeze %dma_wait3A_166 : memref<1x500x64xbf16, #tpu.memory_space<vmem>> -> memref<500x64xbf16, #tpu.memory_space<vmem>>
      %dma_wait3A_168 = arith.constant 0 : i32
      %dma_wait3A_169 = tpu.memref_slice %arg6[%dma_wait3A_162, %dma_wait3A_168] : memref<20x500xi32, #tpu.memory_space<vmem>> -> memref<1x500xi32, #tpu.memory_space<vmem>>
      %dma_wait3A_170 = tpu.memref_squeeze %dma_wait3A_169 : memref<1x500xi32, #tpu.memory_space<vmem>> -> memref<500xi32, #tpu.memory_space<vmem>>
      %dma_wait3A_171 = arith.constant 0 : i32
      %dma_wait3A_172 = arith.constant 0 : i32
      %dma_wait3A_173 = tpu.memref_slice %arg4[%dma_wait3A_171, %dma_wait3A_172] : memref<10240x64xbf16, #tpu.memory_space<hbm>> -> memref<10240x64xbf16, #tpu.memory_space<hbm>>
      tpu.wait_indirect_dma semaphore(%arg11 : memref<!tpu.dma_semaphore, #tpu.memory_space<semaphore_mem>>) src(%dma_wait3A_173 : memref<10240x64xbf16, #tpu.memory_space<hbm>>) dst(%dma_wait3A_167 : memref<500x64xbf16, #tpu.memory_space<vmem>>)
      %add3A_174 = arith.constant 1 : i32
      %add3A_175 = arith.addi %mul3A_110, %add3A_174 : i32
      %dma_start3A_176 = arith.constant 1 : i32
      %dma_start3A_177 = arith.constant 0 : i32
      %dma_start3A_178 = arith.constant 0 : i32
      %dma_start3A_179 = tpu.memref_slice %arg8[%dma_start3A_176, %dma_start3A_177, %dma_start3A_178] : memref<4x500x64xbf16, #tpu.memory_space<vmem>> -> memref<1x500x64xbf16, #tpu.memory_space<vmem>>
      %dma_start3A_180 = tpu.memref_squeeze %dma_start3A_179 : memref<1x500x64xbf16, #tpu.memory_space<vmem>> -> memref<500x64xbf16, #tpu.memory_space<vmem>>
      %dma_start3A_181 = arith.constant 0 : i32
      %dma_start3A_182 = tpu.memref_slice %arg7[%add3A_175, %dma_start3A_181] : memref<20x500xi32, #tpu.memory_space<vmem>> -> memref<1x500xi32, #tpu.memory_space<vmem>>
      %dma_start3A_183 = tpu.memref_squeeze %dma_start3A_182 : memref<1x500xi32, #tpu.memory_space<vmem>> -> memref<500xi32, #tpu.memory_space<vmem>>
      %dma_start3A_184 = arith.constant 0 : i32
      %dma_start3A_185 = arith.constant 0 : i32
      %dma_start3A_186 = tpu.memref_slice %arg9[%dma_start3A_184, %dma_start3A_185] : memref<10240x64xbf16, #tpu.memory_space<vmem_shared>> -> memref<10240x64xbf16, #tpu.memory_space<vmem_shared>>
      tpu.enqueue_indirect_dma source(%dma_start3A_180 : memref<500x64xbf16, #tpu.memory_space<vmem>>) target(%dma_start3A_186 : memref<10240x64xbf16, #tpu.memory_space<vmem_shared>>) offsets(%dma_start3A_183 : memref<500xi32, #tpu.memory_space<vmem>>) semaphore(%arg15 : memref<!tpu.dma_semaphore, #tpu.memory_space<semaphore_mem>>) {add = true}
      %gt3A_187 = arith.constant 0 : i32
      %gt3A_188 = arith.cmpi sgt, %scan3A_107, %gt3A_187 : i32
      %convert_element_type3A_189 = arith.extui %gt3A_188 : i1 to i32
      %cond3A_190 = arith.constant 0 : i32
      %cond3A_191 = arith.cmpi ne, %convert_element_type3A_189, %cond3A_190 : i32
      scf.if %cond3A_191 {
        %dma_wait3A_366 = arith.constant 3 : i32
        %dma_wait3A_367 = arith.constant 0 : i32
        %dma_wait3A_368 = arith.constant 0 : i32
        %dma_wait3A_369 = tpu.memref_slice %arg8[%dma_wait3A_366, %dma_wait3A_367, %dma_wait3A_368] : memref<4x500x64xbf16, #tpu.memory_space<vmem>> -> memref<1x500x64xbf16, #tpu.memory_space<vmem>>
        %dma_wait3A_370 = tpu.memref_squeeze %dma_wait3A_369 : memref<1x500x64xbf16, #tpu.memory_space<vmem>> -> memref<500x64xbf16, #tpu.memory_space<vmem>>
        %dma_wait3A_371 = arith.constant 0 : i32
        %dma_wait3A_372 = arith.constant 0 : i32
        %dma_wait3A_373 = tpu.memref_slice %arg9[%dma_wait3A_371, %dma_wait3A_372] : memref<10240x64xbf16, #tpu.memory_space<vmem_shared>> -> memref<500x64xbf16, #tpu.memory_space<vmem_shared>>
        %dma_wait3A_374 = arith.constant 0 : i32
        %dma_wait3A_375 = arith.constant 0 : i32
        %dma_wait3A_376 = tpu.memref_slice %arg9[%dma_wait3A_374, %dma_wait3A_375] : memref<10240x64xbf16, #tpu.memory_space<vmem_shared>> -> memref<500x64xbf16, #tpu.memory_space<vmem_shared>>
        %dma_wait3A_377 = arith.constant 0 : i32
        %dma_wait3A_378 = arith.constant 0 : i32
        %dma_wait3A_379 = tpu.memref_slice %arg8[%dma_wait3A_366, %dma_wait3A_377, %dma_wait3A_378] : memref<4x500x64xbf16, #tpu.memory_space<vmem>> -> memref<1x500x64xbf16, #tpu.memory_space<vmem>>
        %dma_wait3A_380 = tpu.memref_squeeze %dma_wait3A_379 : memref<1x500x64xbf16, #tpu.memory_space<vmem>> -> memref<500x64xbf16, #tpu.memory_space<vmem>>
        tpu.wait_dma2 semaphore(%arg17 : memref<!tpu.dma_semaphore, #tpu.memory_space<semaphore_mem>>) src(%dma_wait3A_380 : memref<500x64xbf16, #tpu.memory_space<vmem>>) dst(%dma_wait3A_376 : memref<500x64xbf16, #tpu.memory_space<vmem_shared>>)
      } else {
      }
      %add3A_192 = arith.constant 1 : i32
      %add3A_193 = arith.addi %mul3A_110, %add3A_192 : i32
      %add3A_194 = arith.constant 2 : i32
      %add3A_195 = arith.addi %add3A_193, %add3A_194 : i32
      %jit3A_196 = arith.constant 20 : i32
      %eq3A_197 = arith.constant 0 : i32
      %eq3A_198 = arith.cmpi eq, %jit3A_196, %eq3A_197 : i32
      %jit3A_199 = arith.constant 1 : i32
      %select_n3A_200 = arith.select %eq3A_198, %jit3A_199, %jit3A_196 : i32
      %rem3A_201 = arith.remsi %add3A_195, %select_n3A_200 : i32
      %ne3A_202 = arith.constant 0 : i32
      %ne3A_203 = arith.cmpi ne, %rem3A_201, %ne3A_202 : i32
      %lt3A_204 = arith.constant 0 : i32
      %lt3A_205 = arith.cmpi slt, %rem3A_201, %lt3A_204 : i32
      %lt3A_206 = arith.constant 0 : i32
      %lt3A_207 = arith.cmpi slt, %select_n3A_200, %lt3A_206 : i32
      %ne3A_208 = arith.xori %lt3A_205, %lt3A_207 : i1
      %and3A_209 = arith.andi %ne3A_208, %ne3A_203 : i1
      %add3A_210 = arith.addi %rem3A_201, %select_n3A_200 : i32
      %select_n3A_211 = arith.select %and3A_209, %add3A_210, %rem3A_201 : i32
      %dma_start3A_212 = arith.constant 3 : i32
      %dma_start3A_213 = arith.constant 0 : i32
      %dma_start3A_214 = arith.constant 0 : i32
      %dma_start3A_215 = tpu.memref_slice %arg8[%dma_start3A_212, %dma_start3A_213, %dma_start3A_214] : memref<4x500x64xbf16, #tpu.memory_space<vmem>> -> memref<1x500x64xbf16, #tpu.memory_space<vmem>>
      %dma_start3A_216 = tpu.memref_squeeze %dma_start3A_215 : memref<1x500x64xbf16, #tpu.memory_space<vmem>> -> memref<500x64xbf16, #tpu.memory_space<vmem>>
      %dma_start3A_217 = arith.constant 0 : i32
      %dma_start3A_218 = tpu.memref_slice %arg6[%select_n3A_211, %dma_start3A_217] : memref<20x500xi32, #tpu.memory_space<vmem>> -> memref<1x500xi32, #tpu.memory_space<vmem>>
      %dma_start3A_219 = tpu.memref_squeeze %dma_start3A_218 : memref<1x500xi32, #tpu.memory_space<vmem>> -> memref<500xi32, #tpu.memory_space<vmem>>
      %dma_start3A_220 = arith.constant 0 : i32
      %dma_start3A_221 = arith.constant 0 : i32
      %dma_start3A_222 = tpu.memref_slice %arg4[%dma_start3A_220, %dma_start3A_221] : memref<10240x64xbf16, #tpu.memory_space<hbm>> -> memref<10240x64xbf16, #tpu.memory_space<hbm>>
      tpu.enqueue_indirect_dma source(%dma_start3A_222 : memref<10240x64xbf16, #tpu.memory_space<hbm>>) target(%dma_start3A_216 : memref<500x64xbf16, #tpu.memory_space<vmem>>) offsets(%dma_start3A_219 : memref<500xi32, #tpu.memory_space<vmem>>) semaphore(%arg13 : memref<!tpu.dma_semaphore, #tpu.memory_space<semaphore_mem>>)
      %dma_wait3A_223 = arith.constant 0 : i32
      %dma_wait3A_224 = arith.constant 2 : i32
      %dma_wait3A_225 = arith.constant 0 : i32
      %dma_wait3A_226 = arith.constant 0 : i32
      %dma_wait3A_227 = tpu.memref_slice %arg8[%dma_wait3A_224, %dma_wait3A_225, %dma_wait3A_226] : memref<4x500x64xbf16, #tpu.memory_space<vmem>> -> memref<1x500x64xbf16, #tpu.memory_space<vmem>>
      %dma_wait3A_228 = tpu.memref_squeeze %dma_wait3A_227 : memref<1x500x64xbf16, #tpu.memory_space<vmem>> -> memref<500x64xbf16, #tpu.memory_space<vmem>>
      %dma_wait3A_229 = arith.constant 0 : i32
      %dma_wait3A_230 = tpu.memref_slice %arg6[%dma_wait3A_223, %dma_wait3A_229] : memref<20x500xi32, #tpu.memory_space<vmem>> -> memref<1x500xi32, #tpu.memory_space<vmem>>
      %dma_wait3A_231 = tpu.memref_squeeze %dma_wait3A_230 : memref<1x500xi32, #tpu.memory_space<vmem>> -> memref<500xi32, #tpu.memory_space<vmem>>
      %dma_wait3A_232 = arith.constant 0 : i32
      %dma_wait3A_233 = arith.constant 0 : i32
      %dma_wait3A_234 = tpu.memref_slice %arg4[%dma_wait3A_232, %dma_wait3A_233] : memref<10240x64xbf16, #tpu.memory_space<hbm>> -> memref<10240x64xbf16, #tpu.memory_space<hbm>>
      tpu.wait_indirect_dma semaphore(%arg12 : memref<!tpu.dma_semaphore, #tpu.memory_space<semaphore_mem>>) src(%dma_wait3A_234 : memref<10240x64xbf16, #tpu.memory_space<hbm>>) dst(%dma_wait3A_228 : memref<500x64xbf16, #tpu.memory_space<vmem>>)
      %add3A_235 = arith.constant 2 : i32
      %add3A_236 = arith.addi %mul3A_110, %add3A_235 : i32
      %dma_start3A_237 = arith.constant 2 : i32
      %dma_start3A_238 = arith.constant 0 : i32
      %dma_start3A_239 = arith.constant 0 : i32
      %dma_start3A_240 = tpu.memref_slice %arg8[%dma_start3A_237, %dma_start3A_238, %dma_start3A_239] : memref<4x500x64xbf16, #tpu.memory_space<vmem>> -> memref<1x500x64xbf16, #tpu.memory_space<vmem>>
      %dma_start3A_241 = tpu.memref_squeeze %dma_start3A_240 : memref<1x500x64xbf16, #tpu.memory_space<vmem>> -> memref<500x64xbf16, #tpu.memory_space<vmem>>
      %dma_start3A_242 = arith.constant 0 : i32
      %dma_start3A_243 = tpu.memref_slice %arg7[%add3A_236, %dma_start3A_242] : memref<20x500xi32, #tpu.memory_space<vmem>> -> memref<1x500xi32, #tpu.memory_space<vmem>>
      %dma_start3A_244 = tpu.memref_squeeze %dma_start3A_243 : memref<1x500xi32, #tpu.memory_space<vmem>> -> memref<500xi32, #tpu.memory_space<vmem>>
      %dma_start3A_245 = arith.constant 0 : i32
      %dma_start3A_246 = arith.constant 0 : i32
      %dma_start3A_247 = tpu.memref_slice %arg9[%dma_start3A_245, %dma_start3A_246] : memref<10240x64xbf16, #tpu.memory_space<vmem_shared>> -> memref<10240x64xbf16, #tpu.memory_space<vmem_shared>>
      tpu.enqueue_indirect_dma source(%dma_start3A_241 : memref<500x64xbf16, #tpu.memory_space<vmem>>) target(%dma_start3A_247 : memref<10240x64xbf16, #tpu.memory_space<vmem_shared>>) offsets(%dma_start3A_244 : memref<500xi32, #tpu.memory_space<vmem>>) semaphore(%arg16 : memref<!tpu.dma_semaphore, #tpu.memory_space<semaphore_mem>>) {add = true}
      %dma_wait3A_248 = arith.constant 0 : i32
      %dma_wait3A_249 = arith.constant 0 : i32
      %dma_wait3A_250 = arith.constant 0 : i32
      %dma_wait3A_251 = tpu.memref_slice %arg8[%dma_wait3A_248, %dma_wait3A_249, %dma_wait3A_250] : memref<4x500x64xbf16, #tpu.memory_space<vmem>> -> memref<1x500x64xbf16, #tpu.memory_space<vmem>>
      %dma_wait3A_252 = tpu.memref_squeeze %dma_wait3A_251 : memref<1x500x64xbf16, #tpu.memory_space<vmem>> -> memref<500x64xbf16, #tpu.memory_space<vmem>>
      %dma_wait3A_253 = arith.constant 0 : i32
      %dma_wait3A_254 = arith.constant 0 : i32
      %dma_wait3A_255 = tpu.memref_slice %arg9[%dma_wait3A_253, %dma_wait3A_254] : memref<10240x64xbf16, #tpu.memory_space<vmem_shared>> -> memref<500x64xbf16, #tpu.memory_space<vmem_shared>>
      %dma_wait3A_256 = arith.constant 0 : i32
      %dma_wait3A_257 = arith.constant 0 : i32
      %dma_wait3A_258 = tpu.memref_slice %arg9[%dma_wait3A_256, %dma_wait3A_257] : memref<10240x64xbf16, #tpu.memory_space<vmem_shared>> -> memref<500x64xbf16, #tpu.memory_space<vmem_shared>>
      %dma_wait3A_259 = arith.constant 0 : i32
      %dma_wait3A_260 = arith.constant 0 : i32
      %dma_wait3A_261 = tpu.memref_slice %arg8[%dma_wait3A_248, %dma_wait3A_259, %dma_wait3A_260] : memref<4x500x64xbf16, #tpu.memory_space<vmem>> -> memref<1x500x64xbf16, #tpu.memory_space<vmem>>
      %dma_wait3A_262 = tpu.memref_squeeze %dma_wait3A_261 : memref<1x500x64xbf16, #tpu.memory_space<vmem>> -> memref<500x64xbf16, #tpu.memory_space<vmem>>
      tpu.wait_dma2 semaphore(%arg14 : memref<!tpu.dma_semaphore, #tpu.memory_space<semaphore_mem>>) src(%dma_wait3A_262 : memref<500x64xbf16, #tpu.memory_space<vmem>>) dst(%dma_wait3A_258 : memref<500x64xbf16, #tpu.memory_space<vmem_shared>>)
      %add3A_263 = arith.constant 2 : i32
      %add3A_264 = arith.addi %mul3A_110, %add3A_263 : i32
      %add3A_265 = arith.constant 2 : i32
      %add3A_266 = arith.addi %add3A_264, %add3A_265 : i32
      %jit3A_267 = arith.constant 20 : i32
      %eq3A_268 = arith.constant 0 : i32
      %eq3A_269 = arith.cmpi eq, %jit3A_267, %eq3A_268 : i32
      %jit3A_270 = arith.constant 1 : i32
      %select_n3A_271 = arith.select %eq3A_269, %jit3A_270, %jit3A_267 : i32
      %rem3A_272 = arith.remsi %add3A_266, %select_n3A_271 : i32
      %ne3A_273 = arith.constant 0 : i32
      %ne3A_274 = arith.cmpi ne, %rem3A_272, %ne3A_273 : i32
      %lt3A_275 = arith.constant 0 : i32
      %lt3A_276 = arith.cmpi slt, %rem3A_272, %lt3A_275 : i32
      %lt3A_277 = arith.constant 0 : i32
      %lt3A_278 = arith.cmpi slt, %select_n3A_271, %lt3A_277 : i32
      %ne3A_279 = arith.xori %lt3A_276, %lt3A_278 : i1
      %and3A_280 = arith.andi %ne3A_279, %ne3A_274 : i1
      %add3A_281 = arith.addi %rem3A_272, %select_n3A_271 : i32
      %select_n3A_282 = arith.select %and3A_280, %add3A_281, %rem3A_272 : i32
      %dma_start3A_283 = arith.constant 0 : i32
      %dma_start3A_284 = arith.constant 0 : i32
      %dma_start3A_285 = arith.constant 0 : i32
      %dma_start3A_286 = tpu.memref_slice %arg8[%dma_start3A_283, %dma_start3A_284, %dma_start3A_285] : memref<4x500x64xbf16, #tpu.memory_space<vmem>> -> memref<1x500x64xbf16, #tpu.memory_space<vmem>>
      %dma_start3A_287 = tpu.memref_squeeze %dma_start3A_286 : memref<1x500x64xbf16, #tpu.memory_space<vmem>> -> memref<500x64xbf16, #tpu.memory_space<vmem>>
      %dma_start3A_288 = arith.constant 0 : i32
      %dma_start3A_289 = tpu.memref_slice %arg6[%select_n3A_282, %dma_start3A_288] : memref<20x500xi32, #tpu.memory_space<vmem>> -> memref<1x500xi32, #tpu.memory_space<vmem>>
      %dma_start3A_290 = tpu.memref_squeeze %dma_start3A_289 : memref<1x500xi32, #tpu.memory_space<vmem>> -> memref<500xi32, #tpu.memory_space<vmem>>
      %dma_start3A_291 = arith.constant 0 : i32
      %dma_start3A_292 = arith.constant 0 : i32
      %dma_start3A_293 = tpu.memref_slice %arg4[%dma_start3A_291, %dma_start3A_292] : memref<10240x64xbf16, #tpu.memory_space<hbm>> -> memref<10240x64xbf16, #tpu.memory_space<hbm>>
      tpu.enqueue_indirect_dma source(%dma_start3A_293 : memref<10240x64xbf16, #tpu.memory_space<hbm>>) target(%dma_start3A_287 : memref<500x64xbf16, #tpu.memory_space<vmem>>) offsets(%dma_start3A_290 : memref<500xi32, #tpu.memory_space<vmem>>) semaphore(%arg10 : memref<!tpu.dma_semaphore, #tpu.memory_space<semaphore_mem>>)
      %dma_wait3A_294 = arith.constant 0 : i32
      %dma_wait3A_295 = arith.constant 3 : i32
      %dma_wait3A_296 = arith.constant 0 : i32
      %dma_wait3A_297 = arith.constant 0 : i32
      %dma_wait3A_298 = tpu.memref_slice %arg8[%dma_wait3A_295, %dma_wait3A_296, %dma_wait3A_297] : memref<4x500x64xbf16, #tpu.memory_space<vmem>> -> memref<1x500x64xbf16, #tpu.memory_space<vmem>>
      %dma_wait3A_299 = tpu.memref_squeeze %dma_wait3A_298 : memref<1x500x64xbf16, #tpu.memory_space<vmem>> -> memref<500x64xbf16, #tpu.memory_space<vmem>>
      %dma_wait3A_300 = arith.constant 0 : i32
      %dma_wait3A_301 = tpu.memref_slice %arg6[%dma_wait3A_294, %dma_wait3A_300] : memref<20x500xi32, #tpu.memory_space<vmem>> -> memref<1x500xi32, #tpu.memory_space<vmem>>
      %dma_wait3A_302 = tpu.memref_squeeze %dma_wait3A_301 : memref<1x500xi32, #tpu.memory_space<vmem>> -> memref<500xi32, #tpu.memory_space<vmem>>
      %dma_wait3A_303 = arith.constant 0 : i32
      %dma_wait3A_304 = arith.constant 0 : i32
      %dma_wait3A_305 = tpu.memref_slice %arg4[%dma_wait3A_303, %dma_wait3A_304] : memref<10240x64xbf16, #tpu.memory_space<hbm>> -> memref<10240x64xbf16, #tpu.memory_space<hbm>>
      tpu.wait_indirect_dma semaphore(%arg13 : memref<!tpu.dma_semaphore, #tpu.memory_space<semaphore_mem>>) src(%dma_wait3A_305 : memref<10240x64xbf16, #tpu.memory_space<hbm>>) dst(%dma_wait3A_299 : memref<500x64xbf16, #tpu.memory_space<vmem>>)
      %add3A_306 = arith.constant 3 : i32
      %add3A_307 = arith.addi %mul3A_110, %add3A_306 : i32
      %dma_start3A_308 = arith.constant 3 : i32
      %dma_start3A_309 = arith.constant 0 : i32
      %dma_start3A_310 = arith.constant 0 : i32
      %dma_start3A_311 = tpu.memref_slice %arg8[%dma_start3A_308, %dma_start3A_309, %dma_start3A_310] : memref<4x500x64xbf16, #tpu.memory_space<vmem>> -> memref<1x500x64xbf16, #tpu.memory_space<vmem>>
      %dma_start3A_312 = tpu.memref_squeeze %dma_start3A_311 : memref<1x500x64xbf16, #tpu.memory_space<vmem>> -> memref<500x64xbf16, #tpu.memory_space<vmem>>
      %dma_start3A_313 = arith.constant 0 : i32
      %dma_start3A_314 = tpu.memref_slice %arg7[%add3A_307, %dma_start3A_313] : memref<20x500xi32, #tpu.memory_space<vmem>> -> memref<1x500xi32, #tpu.memory_space<vmem>>
      %dma_start3A_315 = tpu.memref_squeeze %dma_start3A_314 : memref<1x500xi32, #tpu.memory_space<vmem>> -> memref<500xi32, #tpu.memory_space<vmem>>
      %dma_start3A_316 = arith.constant 0 : i32
      %dma_start3A_317 = arith.constant 0 : i32
      %dma_start3A_318 = tpu.memref_slice %arg9[%dma_start3A_316, %dma_start3A_317] : memref<10240x64xbf16, #tpu.memory_space<vmem_shared>> -> memref<10240x64xbf16, #tpu.memory_space<vmem_shared>>
      tpu.enqueue_indirect_dma source(%dma_start3A_312 : memref<500x64xbf16, #tpu.memory_space<vmem>>) target(%dma_start3A_318 : memref<10240x64xbf16, #tpu.memory_space<vmem_shared>>) offsets(%dma_start3A_315 : memref<500xi32, #tpu.memory_space<vmem>>) semaphore(%arg17 : memref<!tpu.dma_semaphore, #tpu.memory_space<semaphore_mem>>) {add = true}
      %dma_wait3A_319 = arith.constant 1 : i32
      %dma_wait3A_320 = arith.constant 0 : i32
      %dma_wait3A_321 = arith.constant 0 : i32
      %dma_wait3A_322 = tpu.memref_slice %arg8[%dma_wait3A_319, %dma_wait3A_320, %dma_wait3A_321] : memref<4x500x64xbf16, #tpu.memory_space<vmem>> -> memref<1x500x64xbf16, #tpu.memory_space<vmem>>
      %dma_wait3A_323 = tpu.memref_squeeze %dma_wait3A_322 : memref<1x500x64xbf16, #tpu.memory_space<vmem>> -> memref<500x64xbf16, #tpu.memory_space<vmem>>
      %dma_wait3A_324 = arith.constant 0 : i32
      %dma_wait3A_325 = arith.constant 0 : i32
      %dma_wait3A_326 = tpu.memref_slice %arg9[%dma_wait3A_324, %dma_wait3A_325] : memref<10240x64xbf16, #tpu.memory_space<vmem_shared>> -> memref<500x64xbf16, #tpu.memory_space<vmem_shared>>
      %dma_wait3A_327 = arith.constant 0 : i32
      %dma_wait3A_328 = arith.constant 0 : i32
      %dma_wait3A_329 = tpu.memref_slice %arg9[%dma_wait3A_327, %dma_wait3A_328] : memref<10240x64xbf16, #tpu.memory_space<vmem_shared>> -> memref<500x64xbf16, #tpu.memory_space<vmem_shared>>
      %dma_wait3A_330 = arith.constant 0 : i32
      %dma_wait3A_331 = arith.constant 0 : i32
      %dma_wait3A_332 = tpu.memref_slice %arg8[%dma_wait3A_319, %dma_wait3A_330, %dma_wait3A_331] : memref<4x500x64xbf16, #tpu.memory_space<vmem>> -> memref<1x500x64xbf16, #tpu.memory_space<vmem>>
      %dma_wait3A_333 = tpu.memref_squeeze %dma_wait3A_332 : memref<1x500x64xbf16, #tpu.memory_space<vmem>> -> memref<500x64xbf16, #tpu.memory_space<vmem>>
      tpu.wait_dma2 semaphore(%arg15 : memref<!tpu.dma_semaphore, #tpu.memory_space<semaphore_mem>>) src(%dma_wait3A_333 : memref<500x64xbf16, #tpu.memory_space<vmem>>) dst(%dma_wait3A_329 : memref<500x64xbf16, #tpu.memory_space<vmem_shared>>)
      %add3A_334 = arith.constant 3 : i32
      %add3A_335 = arith.addi %mul3A_110, %add3A_334 : i32
      %add3A_336 = arith.constant 2 : i32
      %add3A_337 = arith.addi %add3A_335, %add3A_336 : i32
      %jit3A_338 = arith.constant 20 : i32
      %eq3A_339 = arith.constant 0 : i32
      %eq3A_340 = arith.cmpi eq, %jit3A_338, %eq3A_339 : i32
      %jit3A_341 = arith.constant 1 : i32
      %select_n3A_342 = arith.select %eq3A_340, %jit3A_341, %jit3A_338 : i32
      %rem3A_343 = arith.remsi %add3A_337, %select_n3A_342 : i32
      %ne3A_344 = arith.constant 0 : i32
      %ne3A_345 = arith.cmpi ne, %rem3A_343, %ne3A_344 : i32
      %lt3A_346 = arith.constant 0 : i32
      %lt3A_347 = arith.cmpi slt, %rem3A_343, %lt3A_346 : i32
      %lt3A_348 = arith.constant 0 : i32
      %lt3A_349 = arith.cmpi slt, %select_n3A_342, %lt3A_348 : i32
      %ne3A_350 = arith.xori %lt3A_347, %lt3A_349 : i1
      %and3A_351 = arith.andi %ne3A_350, %ne3A_345 : i1
      %add3A_352 = arith.addi %rem3A_343, %select_n3A_342 : i32
      %select_n3A_353 = arith.select %and3A_351, %add3A_352, %rem3A_343 : i32
      %dma_start3A_354 = arith.constant 1 : i32
      %dma_start3A_355 = arith.constant 0 : i32
      %dma_start3A_356 = arith.constant 0 : i32
      %dma_start3A_357 = tpu.memref_slice %arg8[%dma_start3A_354, %dma_start3A_355, %dma_start3A_356] : memref<4x500x64xbf16, #tpu.memory_space<vmem>> -> memref<1x500x64xbf16, #tpu.memory_space<vmem>>
      %dma_start3A_358 = tpu.memref_squeeze %dma_start3A_357 : memref<1x500x64xbf16, #tpu.memory_space<vmem>> -> memref<500x64xbf16, #tpu.memory_space<vmem>>
      %dma_start3A_359 = arith.constant 0 : i32
      %dma_start3A_360 = tpu.memref_slice %arg6[%select_n3A_353, %dma_start3A_359] : memref<20x500xi32, #tpu.memory_space<vmem>> -> memref<1x500xi32, #tpu.memory_space<vmem>>
      %dma_start3A_361 = tpu.memref_squeeze %dma_start3A_360 : memref<1x500xi32, #tpu.memory_space<vmem>> -> memref<500xi32, #tpu.memory_space<vmem>>
      %dma_start3A_362 = arith.constant 0 : i32
      %dma_start3A_363 = arith.constant 0 : i32
      %dma_start3A_364 = tpu.memref_slice %arg4[%dma_start3A_362, %dma_start3A_363] : memref<10240x64xbf16, #tpu.memory_space<hbm>> -> memref<10240x64xbf16, #tpu.memory_space<hbm>>
      tpu.enqueue_indirect_dma source(%dma_start3A_364 : memref<10240x64xbf16, #tpu.memory_space<hbm>>) target(%dma_start3A_358 : memref<500x64xbf16, #tpu.memory_space<vmem>>) offsets(%dma_start3A_361 : memref<500xi32, #tpu.memory_space<vmem>>) semaphore(%arg11 : memref<!tpu.dma_semaphore, #tpu.memory_space<semaphore_mem>>)
      %scan3A_365 = arith.constant 0 : i32
      scf.yield %scan3A_365 : i32
    }
    %scan3A_52 = arith.constant 5 : i32
    %dma_wait3A = arith.constant 0 : i32
    %dma_wait3A_53 = arith.constant 0 : i32
    %dma_wait3A_54 = arith.constant 0 : i32
    %dma_wait3A_55 = arith.constant 0 : i32
    %dma_wait3A_56 = tpu.memref_slice %arg8[%dma_wait3A_53, %dma_wait3A_54, %dma_wait3A_55] : memref<4x500x64xbf16, #tpu.memory_space<vmem>> -> memref<1x500x64xbf16, #tpu.memory_space<vmem>>
    %dma_wait3A_57 = tpu.memref_squeeze %dma_wait3A_56 : memref<1x500x64xbf16, #tpu.memory_space<vmem>> -> memref<500x64xbf16, #tpu.memory_space<vmem>>
    %dma_wait3A_58 = arith.constant 0 : i32
    %dma_wait3A_59 = tpu.memref_slice %arg6[%dma_wait3A, %dma_wait3A_58] : memref<20x500xi32, #tpu.memory_space<vmem>> -> memref<1x500xi32, #tpu.memory_space<vmem>>
    %dma_wait3A_60 = tpu.memref_squeeze %dma_wait3A_59 : memref<1x500xi32, #tpu.memory_space<vmem>> -> memref<500xi32, #tpu.memory_space<vmem>>
    %dma_wait3A_61 = arith.constant 0 : i32
    %dma_wait3A_62 = arith.constant 0 : i32
    %dma_wait3A_63 = tpu.memref_slice %arg4[%dma_wait3A_61, %dma_wait3A_62] : memref<10240x64xbf16, #tpu.memory_space<hbm>> -> memref<10240x64xbf16, #tpu.memory_space<hbm>>
    tpu.wait_indirect_dma semaphore(%arg10 : memref<!tpu.dma_semaphore, #tpu.memory_space<semaphore_mem>>) src(%dma_wait3A_63 : memref<10240x64xbf16, #tpu.memory_space<hbm>>) dst(%dma_wait3A_57 : memref<500x64xbf16, #tpu.memory_space<vmem>>)
    %dma_wait3A_64 = arith.constant 0 : i32
    %dma_wait3A_65 = arith.constant 1 : i32
    %dma_wait3A_66 = arith.constant 0 : i32
    %dma_wait3A_67 = arith.constant 0 : i32
    %dma_wait3A_68 = tpu.memref_slice %arg8[%dma_wait3A_65, %dma_wait3A_66, %dma_wait3A_67] : memref<4x500x64xbf16, #tpu.memory_space<vmem>> -> memref<1x500x64xbf16, #tpu.memory_space<vmem>>
    %dma_wait3A_69 = tpu.memref_squeeze %dma_wait3A_68 : memref<1x500x64xbf16, #tpu.memory_space<vmem>> -> memref<500x64xbf16, #tpu.memory_space<vmem>>
    %dma_wait3A_70 = arith.constant 0 : i32
    %dma_wait3A_71 = tpu.memref_slice %arg6[%dma_wait3A_64, %dma_wait3A_70] : memref<20x500xi32, #tpu.memory_space<vmem>> -> memref<1x500xi32, #tpu.memory_space<vmem>>
    %dma_wait3A_72 = tpu.memref_squeeze %dma_wait3A_71 : memref<1x500xi32, #tpu.memory_space<vmem>> -> memref<500xi32, #tpu.memory_space<vmem>>
    %dma_wait3A_73 = arith.constant 0 : i32
    %dma_wait3A_74 = arith.constant 0 : i32
    %dma_wait3A_75 = tpu.memref_slice %arg4[%dma_wait3A_73, %dma_wait3A_74] : memref<10240x64xbf16, #tpu.memory_space<hbm>> -> memref<10240x64xbf16, #tpu.memory_space<hbm>>
    tpu.wait_indirect_dma semaphore(%arg11 : memref<!tpu.dma_semaphore, #tpu.memory_space<semaphore_mem>>) src(%dma_wait3A_75 : memref<10240x64xbf16, #tpu.memory_space<hbm>>) dst(%dma_wait3A_69 : memref<500x64xbf16, #tpu.memory_space<vmem>>)
    %dma_wait3A_76 = arith.constant 2 : i32
    %dma_wait3A_77 = arith.constant 0 : i32
    %dma_wait3A_78 = arith.constant 0 : i32
    %dma_wait3A_79 = tpu.memref_slice %arg8[%dma_wait3A_76, %dma_wait3A_77, %dma_wait3A_78] : memref<4x500x64xbf16, #tpu.memory_space<vmem>> -> memref<1x500x64xbf16, #tpu.memory_space<vmem>>
    %dma_wait3A_80 = tpu.memref_squeeze %dma_wait3A_79 : memref<1x500x64xbf16, #tpu.memory_space<vmem>> -> memref<500x64xbf16, #tpu.memory_space<vmem>>
    %dma_wait3A_81 = arith.constant 0 : i32
    %dma_wait3A_82 = arith.constant 0 : i32
    %dma_wait3A_83 = tpu.memref_slice %arg9[%dma_wait3A_81, %dma_wait3A_82] : memref<10240x64xbf16, #tpu.memory_space<vmem_shared>> -> memref<500x64xbf16, #tpu.memory_space<vmem_shared>>
    %dma_wait3A_84 = arith.constant 0 : i32
    %dma_wait3A_85 = arith.constant 0 : i32
    %dma_wait3A_86 = tpu.memref_slice %arg9[%dma_wait3A_84, %dma_wait3A_85] : memref<10240x64xbf16, #tpu.memory_space<vmem_shared>> -> memref<500x64xbf16, #tpu.memory_space<vmem_shared>>
    %dma_wait3A_87 = arith.constant 0 : i32
    %dma_wait3A_88 = arith.constant 0 : i32
    %dma_wait3A_89 = tpu.memref_slice %arg8[%dma_wait3A_76, %dma_wait3A_87, %dma_wait3A_88] : memref<4x500x64xbf16, #tpu.memory_space<vmem>> -> memref<1x500x64xbf16, #tpu.memory_space<vmem>>
    %dma_wait3A_90 = tpu.memref_squeeze %dma_wait3A_89 : memref<1x500x64xbf16, #tpu.memory_space<vmem>> -> memref<500x64xbf16, #tpu.memory_space<vmem>>
    tpu.wait_dma2 semaphore(%arg16 : memref<!tpu.dma_semaphore, #tpu.memory_space<semaphore_mem>>) src(%dma_wait3A_90 : memref<500x64xbf16, #tpu.memory_space<vmem>>) dst(%dma_wait3A_86 : memref<500x64xbf16, #tpu.memory_space<vmem_shared>>)
    %dma_wait3A_91 = arith.constant 3 : i32
    %dma_wait3A_92 = arith.constant 0 : i32
    %dma_wait3A_93 = arith.constant 0 : i32
    %dma_wait3A_94 = tpu.memref_slice %arg8[%dma_wait3A_91, %dma_wait3A_92, %dma_wait3A_93] : memref<4x500x64xbf16, #tpu.memory_space<vmem>> -> memref<1x500x64xbf16, #tpu.memory_space<vmem>>
    %dma_wait3A_95 = tpu.memref_squeeze %dma_wait3A_94 : memref<1x500x64xbf16, #tpu.memory_space<vmem>> -> memref<500x64xbf16, #tpu.memory_space<vmem>>
    %dma_wait3A_96 = arith.constant 0 : i32
    %dma_wait3A_97 = arith.constant 0 : i32
    %dma_wait3A_98 = tpu.memref_slice %arg9[%dma_wait3A_96, %dma_wait3A_97] : memref<10240x64xbf16, #tpu.memory_space<vmem_shared>> -> memref<500x64xbf16, #tpu.memory_space<vmem_shared>>
    %dma_wait3A_99 = arith.constant 0 : i32
    %dma_wait3A_100 = arith.constant 0 : i32
    %dma_wait3A_101 = tpu.memref_slice %arg9[%dma_wait3A_99, %dma_wait3A_100] : memref<10240x64xbf16, #tpu.memory_space<vmem_shared>> -> memref<500x64xbf16, #tpu.memory_space<vmem_shared>>
    %dma_wait3A_102 = arith.constant 0 : i32
    %dma_wait3A_103 = arith.constant 0 : i32
    %dma_wait3A_104 = tpu.memref_slice %arg8[%dma_wait3A_91, %dma_wait3A_102, %dma_wait3A_103] : memref<4x500x64xbf16, #tpu.memory_space<vmem>> -> memref<1x500x64xbf16, #tpu.memory_space<vmem>>
    %dma_wait3A_105 = tpu.memref_squeeze %dma_wait3A_104 : memref<1x500x64xbf16, #tpu.memory_space<vmem>> -> memref<500x64xbf16, #tpu.memory_space<vmem>>
    tpu.wait_dma2 semaphore(%arg17 : memref<!tpu.dma_semaphore, #tpu.memory_space<semaphore_mem>>) src(%dma_wait3A_105 : memref<500x64xbf16, #tpu.memory_space<vmem>>) dst(%dma_wait3A_101 : memref<500x64xbf16, #tpu.memory_space<vmem_shared>>)
    %barrier3A_106 = arith.constant 0 : index
    tpu.barrier barrier_id(%barrier3A_106)
    "tpu.region"() ({
      %run_scoped3A_107 = tpu.sem_alloc : memref<!tpu.dma_semaphore, #tpu.memory_space<semaphore_mem>>
      %dma_start3A_108 = arith.constant 0 : i32
      %dma_start3A_109 = tpu.memref_slice %arg5[%arg0, %mul3A_8, %dma_start3A_108] : memref<2x10240x64xbf16, #tpu.memory_space<hbm>> -> memref<1x640x64xbf16, #tpu.memory_space<hbm>>
      %dma_start3A_110 = tpu.memref_squeeze %dma_start3A_109 : memref<1x640x64xbf16, #tpu.memory_space<hbm>> -> memref<640x64xbf16, #tpu.memory_space<hbm>>
      %dma_start3A_111 = arith.constant 0 : i32
      %dma_start3A_112 = tpu.memref_slice %arg9[%mul3A_8, %dma_start3A_111] : memref<10240x64xbf16, #tpu.memory_space<vmem_shared>> -> memref<640x64xbf16, #tpu.memory_space<vmem_shared>>
      tpu.enqueue_dma source(%dma_start3A_112 : memref<640x64xbf16, #tpu.memory_space<vmem_shared>>) target(%dma_start3A_110 : memref<640x64xbf16, #tpu.memory_space<hbm>>) target_semaphore(%run_scoped3A_107 : memref<!tpu.dma_semaphore, #tpu.memory_space<semaphore_mem>>)
      %dma_wait3A_113 = arith.constant 0 : i32
      %dma_wait3A_114 = tpu.memref_slice %arg5[%arg0, %mul3A_8, %dma_wait3A_113] : memref<2x10240x64xbf16, #tpu.memory_space<hbm>> -> memref<1x640x64xbf16, #tpu.memory_space<hbm>>
      %dma_wait3A_115 = tpu.memref_squeeze %dma_wait3A_114 : memref<1x640x64xbf16, #tpu.memory_space<hbm>> -> memref<640x64xbf16, #tpu.memory_space<hbm>>
      %dma_wait3A_116 = arith.constant 0 : i32
      %dma_wait3A_117 = tpu.memref_slice %arg9[%mul3A_8, %dma_wait3A_116] : memref<10240x64xbf16, #tpu.memory_space<vmem_shared>> -> memref<640x64xbf16, #tpu.memory_space<vmem_shared>>
      tpu.wait_dma2 semaphore(%run_scoped3A_107 : memref<!tpu.dma_semaphore, #tpu.memory_space<semaphore_mem>>) src(%dma_wait3A_117 : memref<640x64xbf16, #tpu.memory_space<vmem_shared>>) dst(%dma_wait3A_115 : memref<640x64xbf16, #tpu.memory_space<hbm>>)
      tpu.yield
    }) : () -> ()
    return
  }
}

#map = affine_map<(d0, d1) -> (0, 0, 0)>
#map1 = affine_map<(d0, d1) -> (0, 0)>
module attributes {stable_mosaic.version = 14 : i64} {
  func.func @_agg_body(%arg0: i32, %arg1: i32, %arg2: memref<32x20x500xi32, #tpu.memory_space<hbm>>, %arg3: memref<32x20x500xi32, #tpu.memory_space<hbm>>, %arg4: memref<10240x64xbf16, #tpu.memory_space<hbm>>, %arg5: memref<2x10240x64xbf16, #tpu.memory_space<hbm>>, %arg6: memref<20x500xi32, #tpu.memory_space<vmem>>, %arg7: memref<20x500xi32, #tpu.memory_space<vmem>>, %arg8: memref<4x500x64xbf16, #tpu.memory_space<vmem>>, %arg9: memref<10240x64xbf16, #tpu.memory_space<vmem_shared>>, %arg10: memref<!tpu.dma_semaphore, #tpu.memory_space<semaphore_mem>>, %arg11: memref<!tpu.dma_semaphore, #tpu.memory_space<semaphore_mem>>, %arg12: memref<!tpu.dma_semaphore, #tpu.memory_space<semaphore_mem>>, %arg13: memref<!tpu.dma_semaphore, #tpu.memory_space<semaphore_mem>>, %arg14: memref<!tpu.dma_semaphore, #tpu.memory_space<semaphore_mem>>, %arg15: memref<!tpu.dma_semaphore, #tpu.memory_space<semaphore_mem>>, %arg16: memref<!tpu.dma_semaphore, #tpu.memory_space<semaphore_mem>>, %arg17: memref<!tpu.dma_semaphore, #tpu.memory_space<semaphore_mem>>) attributes {dimension_semantics = [#tpu.dimension_semantics<core_parallel>, #tpu.dimension_semantics<subcore_parallel>], iteration_bounds = array<i64: 2, 16>, scalar_prefetch = 0 : i64, scratch_operands = 12 : i64, tpu.core_type = #tpu.core_type<sc_vector_subcore>, window_params = [{transform_indices = #map}, {transform_indices = #map}, {transform_indices = #map1}, {transform_indices = #map}]} {
    %mul3A = arith.constant 2 : i32
    %mul3A_0 = arith.muli %arg1, %mul3A : i32
    %add3A = arith.addi %mul3A_0, %arg0 : i32
    %scan3A = arith.constant 0 : i32
    %scan3A_1 = arith.constant 0 : i32
    %scan3A_2 = arith.constant 128 : i32
    %scan3A_3 = arith.addi %scan3A_1, %scan3A_2 : i32
    %scan3A_4 = arith.constant 1 : i32
    %scan3A_5 = scf.for %scan3A_107 = %scan3A_1 to %scan3A_3 step %scan3A_4 iter_args(%scan3A_108 = %scan3A) -> (i32)  : i32 {
      %broadcast_in_dim3A = arith.constant 0.000000e+00 : bf16
      %broadcast_in_dim3A_109 = vector.broadcast %broadcast_in_dim3A : bf16 to vector<32xbf16>
      %swap3A = arith.constant 0 : i32
      %swap3A_110 = arith.index_cast %swap3A : i32 to index
      %swap3A_111 = arith.index_cast %scan3A_107 : i32 to index
      %swap3A_112 = arith.constant 0 : index
      %swap3A_113 = tpu.vector_load %arg8[%swap3A_110, %swap3A_111, %swap3A_112] {strides = array<i32>} : memref<4x500x64xbf16, #tpu.memory_space<vmem>>, vector<1x1x32xbf16>,
      %swap3A_114 = vector.shape_cast %swap3A_113 : vector<1x1x32xbf16> to vector<32xbf16>
      %swap3A_115 = vector.shape_cast %broadcast_in_dim3A_109 : vector<32xbf16> to vector<1x1x32xbf16>
      tpu.vector_store %arg8[%swap3A_110, %swap3A_111, %swap3A_112], %swap3A_115 {strides = array<i32>} : memref<4x500x64xbf16, #tpu.memory_space<vmem>>, vector<1x1x32xbf16>,
      %broadcast_in_dim3A_116 = arith.constant 0.000000e+00 : bf16
      %broadcast_in_dim3A_117 = vector.broadcast %broadcast_in_dim3A_116 : bf16 to vector<32xbf16>
      %swap3A_118 = arith.constant 0 : i32
      %swap3A_119 = arith.index_cast %swap3A_118 : i32 to index
      %swap3A_120 = arith.index_cast %scan3A_107 : i32 to index
      %swap3A_121 = arith.constant 32 : index
      %swap3A_122 = tpu.vector_load %arg8[%swap3A_119, %swap3A_120, %swap3A_121] {strides = array<i32>} : memref<4x500x64xbf16, #tpu.memory_space<vmem>>, vector<1x1x32xbf16>,
      %swap3A_123 = vector.shape_cast %swap3A_122 : vector<1x1x32xbf16> to vector<32xbf16>
      %swap3A_124 = vector.shape_cast %broadcast_in_dim3A_117 : vector<32xbf16> to vector<1x1x32xbf16>
      tpu.vector_store %arg8[%swap3A_119, %swap3A_120, %swap3A_121], %swap3A_124 {strides = array<i32>} : memref<4x500x64xbf16, #tpu.memory_space<vmem>>, vector<1x1x32xbf16>,
      %scan3A_125 = arith.constant 0 : i32
      scf.yield %scan3A_125 : i32
    }
    %scan3A_6 = arith.constant 128 : i32
    %mul3A_7 = arith.constant 640 : i32
    %mul3A_8 = arith.muli %arg1, %mul3A_7 : i32
    %add3A_9 = arith.constant 0 : i32
    %add3A_10 = arith.addi %mul3A_8, %add3A_9 : i32
    %run_scoped3A = arith.constant 0 : i32
    "tpu.region"() ({
      %run_scoped3A_107 = tpu.sem_alloc : memref<!tpu.dma_semaphore, #tpu.memory_space<semaphore_mem>>
      %dma_start3A_108 = arith.constant 0 : i32
      %dma_start3A_109 = arith.constant 0 : i32
      %dma_start3A_110 = tpu.memref_slice %arg8[%run_scoped3A, %dma_start3A_108, %dma_start3A_109] : memref<4x500x64xbf16, #tpu.memory_space<vmem>> -> memref<1x128x64xbf16, #tpu.memory_space<vmem>>
      %dma_start3A_111 = tpu.memref_squeeze %dma_start3A_110 : memref<1x128x64xbf16, #tpu.memory_space<vmem>> -> memref<128x64xbf16, #tpu.memory_space<vmem>>
      %dma_start3A_112 = arith.constant 0 : i32
      %dma_start3A_113 = tpu.memref_slice %arg9[%add3A_10, %dma_start3A_112] : memref<10240x64xbf16, #tpu.memory_space<vmem_shared>> -> memref<128x64xbf16, #tpu.memory_space<vmem_shared>>
      %dma_start3A_114 = arith.constant 0 : i32
      %dma_start3A_115 = tpu.memref_slice %arg9[%add3A_10, %dma_start3A_114] : memref<10240x64xbf16, #tpu.memory_space<vmem_shared>> -> memref<128x64xbf16, #tpu.memory_space<vmem_shared>>
      %dma_start3A_116 = arith.constant 0 : i32
      %dma_start3A_117 = arith.constant 0 : i32
      %dma_start3A_118 = tpu.memref_slice %arg8[%run_scoped3A, %dma_start3A_116, %dma_start3A_117] : memref<4x500x64xbf16, #tpu.memory_space<vmem>> -> memref<1x128x64xbf16, #tpu.memory_space<vmem>>
      %dma_start3A_119 = tpu.memref_squeeze %dma_start3A_118 : memref<1x128x64xbf16, #tpu.memory_space<vmem>> -> memref<128x64xbf16, #tpu.memory_space<vmem>>
      tpu.enqueue_dma source(%dma_start3A_119 : memref<128x64xbf16, #tpu.memory_space<vmem>>) target(%dma_start3A_115 : memref<128x64xbf16, #tpu.memory_space<vmem_shared>>) target_semaphore(%run_scoped3A_107 : memref<!tpu.dma_semaphore, #tpu.memory_space<semaphore_mem>>)
      %dma_wait3A_120 = arith.constant 0 : i32
      %dma_wait3A_121 = arith.constant 0 : i32
      %dma_wait3A_122 = tpu.memref_slice %arg8[%run_scoped3A, %dma_wait3A_120, %dma_wait3A_121] : memref<4x500x64xbf16, #tpu.memory_space<vmem>> -> memref<1x128x64xbf16, #tpu.memory_space<vmem>>
      %dma_wait3A_123 = tpu.memref_squeeze %dma_wait3A_122 : memref<1x128x64xbf16, #tpu.memory_space<vmem>> -> memref<128x64xbf16, #tpu.memory_space<vmem>>
      %dma_wait3A_124 = arith.constant 0 : i32
      %dma_wait3A_125 = tpu.memref_slice %arg9[%add3A_10, %dma_wait3A_124] : memref<10240x64xbf16, #tpu.memory_space<vmem_shared>> -> memref<128x64xbf16, #tpu.memory_space<vmem_shared>>
      %dma_wait3A_126 = arith.constant 0 : i32
      %dma_wait3A_127 = tpu.memref_slice %arg9[%add3A_10, %dma_wait3A_126] : memref<10240x64xbf16, #tpu.memory_space<vmem_shared>> -> memref<128x64xbf16, #tpu.memory_space<vmem_shared>>
      %dma_wait3A_128 = arith.constant 0 : i32
      %dma_wait3A_129 = arith.constant 0 : i32
      %dma_wait3A_130 = tpu.memref_slice %arg8[%run_scoped3A, %dma_wait3A_128, %dma_wait3A_129] : memref<4x500x64xbf16, #tpu.memory_space<vmem>> -> memref<1x128x64xbf16, #tpu.memory_space<vmem>>
      %dma_wait3A_131 = tpu.memref_squeeze %dma_wait3A_130 : memref<1x128x64xbf16, #tpu.memory_space<vmem>> -> memref<128x64xbf16, #tpu.memory_space<vmem>>
      tpu.wait_dma2 semaphore(%run_scoped3A_107 : memref<!tpu.dma_semaphore, #tpu.memory_space<semaphore_mem>>) src(%dma_wait3A_131 : memref<128x64xbf16, #tpu.memory_space<vmem>>) dst(%dma_wait3A_127 : memref<128x64xbf16, #tpu.memory_space<vmem_shared>>)
      tpu.yield
    }) : () -> ()
    %add3A_11 = arith.constant 128 : i32
    %add3A_12 = arith.addi %mul3A_8, %add3A_11 : i32
    %run_scoped3A_13 = arith.constant 0 : i32
    "tpu.region"() ({
      %run_scoped3A_107 = tpu.sem_alloc : memref<!tpu.dma_semaphore, #tpu.memory_space<semaphore_mem>>
      %dma_start3A_108 = arith.constant 0 : i32
      %dma_start3A_109 = arith.constant 0 : i32
      %dma_start3A_110 = tpu.memref_slice %arg8[%run_scoped3A_13, %dma_start3A_108, %dma_start3A_109] : memref<4x500x64xbf16, #tpu.memory_space<vmem>> -> memref<1x128x64xbf16, #tpu.memory_space<vmem>>
      %dma_start3A_111 = tpu.memref_squeeze %dma_start3A_110 : memref<1x128x64xbf16, #tpu.memory_space<vmem>> -> memref<128x64xbf16, #tpu.memory_space<vmem>>
      %dma_start3A_112 = arith.constant 0 : i32
      %dma_start3A_113 = tpu.memref_slice %arg9[%add3A_12, %dma_start3A_112] : memref<10240x64xbf16, #tpu.memory_space<vmem_shared>> -> memref<128x64xbf16, #tpu.memory_space<vmem_shared>>
      %dma_start3A_114 = arith.constant 0 : i32
      %dma_start3A_115 = tpu.memref_slice %arg9[%add3A_12, %dma_start3A_114] : memref<10240x64xbf16, #tpu.memory_space<vmem_shared>> -> memref<128x64xbf16, #tpu.memory_space<vmem_shared>>
      %dma_start3A_116 = arith.constant 0 : i32
      %dma_start3A_117 = arith.constant 0 : i32
      %dma_start3A_118 = tpu.memref_slice %arg8[%run_scoped3A_13, %dma_start3A_116, %dma_start3A_117] : memref<4x500x64xbf16, #tpu.memory_space<vmem>> -> memref<1x128x64xbf16, #tpu.memory_space<vmem>>
      %dma_start3A_119 = tpu.memref_squeeze %dma_start3A_118 : memref<1x128x64xbf16, #tpu.memory_space<vmem>> -> memref<128x64xbf16, #tpu.memory_space<vmem>>
      tpu.enqueue_dma source(%dma_start3A_119 : memref<128x64xbf16, #tpu.memory_space<vmem>>) target(%dma_start3A_115 : memref<128x64xbf16, #tpu.memory_space<vmem_shared>>) target_semaphore(%run_scoped3A_107 : memref<!tpu.dma_semaphore, #tpu.memory_space<semaphore_mem>>)
      %dma_wait3A_120 = arith.constant 0 : i32
      %dma_wait3A_121 = arith.constant 0 : i32
      %dma_wait3A_122 = tpu.memref_slice %arg8[%run_scoped3A_13, %dma_wait3A_120, %dma_wait3A_121] : memref<4x500x64xbf16, #tpu.memory_space<vmem>> -> memref<1x128x64xbf16, #tpu.memory_space<vmem>>
      %dma_wait3A_123 = tpu.memref_squeeze %dma_wait3A_122 : memref<1x128x64xbf16, #tpu.memory_space<vmem>> -> memref<128x64xbf16, #tpu.memory_space<vmem>>
      %dma_wait3A_124 = arith.constant 0 : i32
      %dma_wait3A_125 = tpu.memref_slice %arg9[%add3A_12, %dma_wait3A_124] : memref<10240x64xbf16, #tpu.memory_space<vmem_shared>> -> memref<128x64xbf16, #tpu.memory_space<vmem_shared>>
      %dma_wait3A_126 = arith.constant 0 : i32
      %dma_wait3A_127 = tpu.memref_slice %arg9[%add3A_12, %dma_wait3A_126] : memref<10240x64xbf16, #tpu.memory_space<vmem_shared>> -> memref<128x64xbf16, #tpu.memory_space<vmem_shared>>
      %dma_wait3A_128 = arith.constant 0 : i32
      %dma_wait3A_129 = arith.constant 0 : i32
      %dma_wait3A_130 = tpu.memref_slice %arg8[%run_scoped3A_13, %dma_wait3A_128, %dma_wait3A_129] : memref<4x500x64xbf16, #tpu.memory_space<vmem>> -> memref<1x128x64xbf16, #tpu.memory_space<vmem>>
      %dma_wait3A_131 = tpu.memref_squeeze %dma_wait3A_130 : memref<1x128x64xbf16, #tpu.memory_space<vmem>> -> memref<128x64xbf16, #tpu.memory_space<vmem>>
      tpu.wait_dma2 semaphore(%run_scoped3A_107 : memref<!tpu.dma_semaphore, #tpu.memory_space<semaphore_mem>>) src(%dma_wait3A_131 : memref<128x64xbf16, #tpu.memory_space<vmem>>) dst(%dma_wait3A_127 : memref<128x64xbf16, #tpu.memory_space<vmem_shared>>)
      tpu.yield
    }) : () -> ()
    %add3A_14 = arith.constant 256 : i32
    %add3A_15 = arith.addi %mul3A_8, %add3A_14 : i32
    %run_scoped3A_16 = arith.constant 0 : i32
    "tpu.region"() ({
      %run_scoped3A_107 = tpu.sem_alloc : memref<!tpu.dma_semaphore, #tpu.memory_space<semaphore_mem>>
      %dma_start3A_108 = arith.constant 0 : i32
      %dma_start3A_109 = arith.constant 0 : i32
      %dma_start3A_110 = tpu.memref_slice %arg8[%run_scoped3A_16, %dma_start3A_108, %dma_start3A_109] : memref<4x500x64xbf16, #tpu.memory_space<vmem>> -> memref<1x128x64xbf16, #tpu.memory_space<vmem>>
      %dma_start3A_111 = tpu.memref_squeeze %dma_start3A_110 : memref<1x128x64xbf16, #tpu.memory_space<vmem>> -> memref<128x64xbf16, #tpu.memory_space<vmem>>
      %dma_start3A_112 = arith.constant 0 : i32
      %dma_start3A_113 = tpu.memref_slice %arg9[%add3A_15, %dma_start3A_112] : memref<10240x64xbf16, #tpu.memory_space<vmem_shared>> -> memref<128x64xbf16, #tpu.memory_space<vmem_shared>>
      %dma_start3A_114 = arith.constant 0 : i32
      %dma_start3A_115 = tpu.memref_slice %arg9[%add3A_15, %dma_start3A_114] : memref<10240x64xbf16, #tpu.memory_space<vmem_shared>> -> memref<128x64xbf16, #tpu.memory_space<vmem_shared>>
      %dma_start3A_116 = arith.constant 0 : i32
      %dma_start3A_117 = arith.constant 0 : i32
      %dma_start3A_118 = tpu.memref_slice %arg8[%run_scoped3A_16, %dma_start3A_116, %dma_start3A_117] : memref<4x500x64xbf16, #tpu.memory_space<vmem>> -> memref<1x128x64xbf16, #tpu.memory_space<vmem>>
      %dma_start3A_119 = tpu.memref_squeeze %dma_start3A_118 : memref<1x128x64xbf16, #tpu.memory_space<vmem>> -> memref<128x64xbf16, #tpu.memory_space<vmem>>
      tpu.enqueue_dma source(%dma_start3A_119 : memref<128x64xbf16, #tpu.memory_space<vmem>>) target(%dma_start3A_115 : memref<128x64xbf16, #tpu.memory_space<vmem_shared>>) target_semaphore(%run_scoped3A_107 : memref<!tpu.dma_semaphore, #tpu.memory_space<semaphore_mem>>)
      %dma_wait3A_120 = arith.constant 0 : i32
      %dma_wait3A_121 = arith.constant 0 : i32
      %dma_wait3A_122 = tpu.memref_slice %arg8[%run_scoped3A_16, %dma_wait3A_120, %dma_wait3A_121] : memref<4x500x64xbf16, #tpu.memory_space<vmem>> -> memref<1x128x64xbf16, #tpu.memory_space<vmem>>
      %dma_wait3A_123 = tpu.memref_squeeze %dma_wait3A_122 : memref<1x128x64xbf16, #tpu.memory_space<vmem>> -> memref<128x64xbf16, #tpu.memory_space<vmem>>
      %dma_wait3A_124 = arith.constant 0 : i32
      %dma_wait3A_125 = tpu.memref_slice %arg9[%add3A_15, %dma_wait3A_124] : memref<10240x64xbf16, #tpu.memory_space<vmem_shared>> -> memref<128x64xbf16, #tpu.memory_space<vmem_shared>>
      %dma_wait3A_126 = arith.constant 0 : i32
      %dma_wait3A_127 = tpu.memref_slice %arg9[%add3A_15, %dma_wait3A_126] : memref<10240x64xbf16, #tpu.memory_space<vmem_shared>> -> memref<128x64xbf16, #tpu.memory_space<vmem_shared>>
      %dma_wait3A_128 = arith.constant 0 : i32
      %dma_wait3A_129 = arith.constant 0 : i32
      %dma_wait3A_130 = tpu.memref_slice %arg8[%run_scoped3A_16, %dma_wait3A_128, %dma_wait3A_129] : memref<4x500x64xbf16, #tpu.memory_space<vmem>> -> memref<1x128x64xbf16, #tpu.memory_space<vmem>>
      %dma_wait3A_131 = tpu.memref_squeeze %dma_wait3A_130 : memref<1x128x64xbf16, #tpu.memory_space<vmem>> -> memref<128x64xbf16, #tpu.memory_space<vmem>>
      tpu.wait_dma2 semaphore(%run_scoped3A_107 : memref<!tpu.dma_semaphore, #tpu.memory_space<semaphore_mem>>) src(%dma_wait3A_131 : memref<128x64xbf16, #tpu.memory_space<vmem>>) dst(%dma_wait3A_127 : memref<128x64xbf16, #tpu.memory_space<vmem_shared>>)
      tpu.yield
    }) : () -> ()
    %add3A_17 = arith.constant 384 : i32
    %add3A_18 = arith.addi %mul3A_8, %add3A_17 : i32
    %run_scoped3A_19 = arith.constant 0 : i32
    "tpu.region"() ({
      %run_scoped3A_107 = tpu.sem_alloc : memref<!tpu.dma_semaphore, #tpu.memory_space<semaphore_mem>>
      %dma_start3A_108 = arith.constant 0 : i32
      %dma_start3A_109 = arith.constant 0 : i32
      %dma_start3A_110 = tpu.memref_slice %arg8[%run_scoped3A_19, %dma_start3A_108, %dma_start3A_109] : memref<4x500x64xbf16, #tpu.memory_space<vmem>> -> memref<1x128x64xbf16, #tpu.memory_space<vmem>>
      %dma_start3A_111 = tpu.memref_squeeze %dma_start3A_110 : memref<1x128x64xbf16, #tpu.memory_space<vmem>> -> memref<128x64xbf16, #tpu.memory_space<vmem>>
      %dma_start3A_112 = arith.constant 0 : i32
      %dma_start3A_113 = tpu.memref_slice %arg9[%add3A_18, %dma_start3A_112] : memref<10240x64xbf16, #tpu.memory_space<vmem_shared>> -> memref<128x64xbf16, #tpu.memory_space<vmem_shared>>
      %dma_start3A_114 = arith.constant 0 : i32
      %dma_start3A_115 = tpu.memref_slice %arg9[%add3A_18, %dma_start3A_114] : memref<10240x64xbf16, #tpu.memory_space<vmem_shared>> -> memref<128x64xbf16, #tpu.memory_space<vmem_shared>>
      %dma_start3A_116 = arith.constant 0 : i32
      %dma_start3A_117 = arith.constant 0 : i32
      %dma_start3A_118 = tpu.memref_slice %arg8[%run_scoped3A_19, %dma_start3A_116, %dma_start3A_117] : memref<4x500x64xbf16, #tpu.memory_space<vmem>> -> memref<1x128x64xbf16, #tpu.memory_space<vmem>>
      %dma_start3A_119 = tpu.memref_squeeze %dma_start3A_118 : memref<1x128x64xbf16, #tpu.memory_space<vmem>> -> memref<128x64xbf16, #tpu.memory_space<vmem>>
      tpu.enqueue_dma source(%dma_start3A_119 : memref<128x64xbf16, #tpu.memory_space<vmem>>) target(%dma_start3A_115 : memref<128x64xbf16, #tpu.memory_space<vmem_shared>>) target_semaphore(%run_scoped3A_107 : memref<!tpu.dma_semaphore, #tpu.memory_space<semaphore_mem>>)
      %dma_wait3A_120 = arith.constant 0 : i32
      %dma_wait3A_121 = arith.constant 0 : i32
      %dma_wait3A_122 = tpu.memref_slice %arg8[%run_scoped3A_19, %dma_wait3A_120, %dma_wait3A_121] : memref<4x500x64xbf16, #tpu.memory_space<vmem>> -> memref<1x128x64xbf16, #tpu.memory_space<vmem>>
      %dma_wait3A_123 = tpu.memref_squeeze %dma_wait3A_122 : memref<1x128x64xbf16, #tpu.memory_space<vmem>> -> memref<128x64xbf16, #tpu.memory_space<vmem>>
      %dma_wait3A_124 = arith.constant 0 : i32
      %dma_wait3A_125 = tpu.memref_slice %arg9[%add3A_18, %dma_wait3A_124] : memref<10240x64xbf16, #tpu.memory_space<vmem_shared>> -> memref<128x64xbf16, #tpu.memory_space<vmem_shared>>
      %dma_wait3A_126 = arith.constant 0 : i32
      %dma_wait3A_127 = tpu.memref_slice %arg9[%add3A_18, %dma_wait3A_126] : memref<10240x64xbf16, #tpu.memory_space<vmem_shared>> -> memref<128x64xbf16, #tpu.memory_space<vmem_shared>>
      %dma_wait3A_128 = arith.constant 0 : i32
      %dma_wait3A_129 = arith.constant 0 : i32
      %dma_wait3A_130 = tpu.memref_slice %arg8[%run_scoped3A_19, %dma_wait3A_128, %dma_wait3A_129] : memref<4x500x64xbf16, #tpu.memory_space<vmem>> -> memref<1x128x64xbf16, #tpu.memory_space<vmem>>
      %dma_wait3A_131 = tpu.memref_squeeze %dma_wait3A_130 : memref<1x128x64xbf16, #tpu.memory_space<vmem>> -> memref<128x64xbf16, #tpu.memory_space<vmem>>
      tpu.wait_dma2 semaphore(%run_scoped3A_107 : memref<!tpu.dma_semaphore, #tpu.memory_space<semaphore_mem>>) src(%dma_wait3A_131 : memref<128x64xbf16, #tpu.memory_space<vmem>>) dst(%dma_wait3A_127 : memref<128x64xbf16, #tpu.memory_space<vmem_shared>>)
      tpu.yield
    }) : () -> ()
    %add3A_20 = arith.constant 512 : i32
    %add3A_21 = arith.addi %mul3A_8, %add3A_20 : i32
    %run_scoped3A_22 = arith.constant 0 : i32
    "tpu.region"() ({
      %run_scoped3A_107 = tpu.sem_alloc : memref<!tpu.dma_semaphore, #tpu.memory_space<semaphore_mem>>
      %dma_start3A_108 = arith.constant 0 : i32
      %dma_start3A_109 = arith.constant 0 : i32
      %dma_start3A_110 = tpu.memref_slice %arg8[%run_scoped3A_22, %dma_start3A_108, %dma_start3A_109] : memref<4x500x64xbf16, #tpu.memory_space<vmem>> -> memref<1x128x64xbf16, #tpu.memory_space<vmem>>
      %dma_start3A_111 = tpu.memref_squeeze %dma_start3A_110 : memref<1x128x64xbf16, #tpu.memory_space<vmem>> -> memref<128x64xbf16, #tpu.memory_space<vmem>>
      %dma_start3A_112 = arith.constant 0 : i32
      %dma_start3A_113 = tpu.memref_slice %arg9[%add3A_21, %dma_start3A_112] : memref<10240x64xbf16, #tpu.memory_space<vmem_shared>> -> memref<128x64xbf16, #tpu.memory_space<vmem_shared>>
      %dma_start3A_114 = arith.constant 0 : i32
      %dma_start3A_115 = tpu.memref_slice %arg9[%add3A_21, %dma_start3A_114] : memref<10240x64xbf16, #tpu.memory_space<vmem_shared>> -> memref<128x64xbf16, #tpu.memory_space<vmem_shared>>
      %dma_start3A_116 = arith.constant 0 : i32
      %dma_start3A_117 = arith.constant 0 : i32
      %dma_start3A_118 = tpu.memref_slice %arg8[%run_scoped3A_22, %dma_start3A_116, %dma_start3A_117] : memref<4x500x64xbf16, #tpu.memory_space<vmem>> -> memref<1x128x64xbf16, #tpu.memory_space<vmem>>
      %dma_start3A_119 = tpu.memref_squeeze %dma_start3A_118 : memref<1x128x64xbf16, #tpu.memory_space<vmem>> -> memref<128x64xbf16, #tpu.memory_space<vmem>>
      tpu.enqueue_dma source(%dma_start3A_119 : memref<128x64xbf16, #tpu.memory_space<vmem>>) target(%dma_start3A_115 : memref<128x64xbf16, #tpu.memory_space<vmem_shared>>) target_semaphore(%run_scoped3A_107 : memref<!tpu.dma_semaphore, #tpu.memory_space<semaphore_mem>>)
      %dma_wait3A_120 = arith.constant 0 : i32
      %dma_wait3A_121 = arith.constant 0 : i32
      %dma_wait3A_122 = tpu.memref_slice %arg8[%run_scoped3A_22, %dma_wait3A_120, %dma_wait3A_121] : memref<4x500x64xbf16, #tpu.memory_space<vmem>> -> memref<1x128x64xbf16, #tpu.memory_space<vmem>>
      %dma_wait3A_123 = tpu.memref_squeeze %dma_wait3A_122 : memref<1x128x64xbf16, #tpu.memory_space<vmem>> -> memref<128x64xbf16, #tpu.memory_space<vmem>>
      %dma_wait3A_124 = arith.constant 0 : i32
      %dma_wait3A_125 = tpu.memref_slice %arg9[%add3A_21, %dma_wait3A_124] : memref<10240x64xbf16, #tpu.memory_space<vmem_shared>> -> memref<128x64xbf16, #tpu.memory_space<vmem_shared>>
      %dma_wait3A_126 = arith.constant 0 : i32
      %dma_wait3A_127 = tpu.memref_slice %arg9[%add3A_21, %dma_wait3A_126] : memref<10240x64xbf16, #tpu.memory_space<vmem_shared>> -> memref<128x64xbf16, #tpu.memory_space<vmem_shared>>
      %dma_wait3A_128 = arith.constant 0 : i32
      %dma_wait3A_129 = arith.constant 0 : i32
      %dma_wait3A_130 = tpu.memref_slice %arg8[%run_scoped3A_22, %dma_wait3A_128, %dma_wait3A_129] : memref<4x500x64xbf16, #tpu.memory_space<vmem>> -> memref<1x128x64xbf16, #tpu.memory_space<vmem>>
      %dma_wait3A_131 = tpu.memref_squeeze %dma_wait3A_130 : memref<1x128x64xbf16, #tpu.memory_space<vmem>> -> memref<128x64xbf16, #tpu.memory_space<vmem>>
      tpu.wait_dma2 semaphore(%run_scoped3A_107 : memref<!tpu.dma_semaphore, #tpu.memory_space<semaphore_mem>>) src(%dma_wait3A_131 : memref<128x64xbf16, #tpu.memory_space<vmem>>) dst(%dma_wait3A_127 : memref<128x64xbf16, #tpu.memory_space<vmem_shared>>)
      tpu.yield
    }) : () -> ()
    "tpu.region"() ({
      %run_scoped3A_107 = tpu.sem_alloc : memref<!tpu.dma_semaphore, #tpu.memory_space<semaphore_mem>>
      %dma_start3A_108 = arith.constant 0 : i32
      %dma_start3A_109 = arith.constant 0 : i32
      %dma_start3A_110 = tpu.memref_slice %arg2[%add3A, %dma_start3A_108, %dma_start3A_109] : memref<32x20x500xi32, #tpu.memory_space<hbm>> -> memref<1x20x500xi32, #tpu.memory_space<hbm>>
      %dma_start3A_111 = tpu.memref_squeeze %dma_start3A_110 : memref<1x20x500xi32, #tpu.memory_space<hbm>> -> memref<20x500xi32, #tpu.memory_space<hbm>>
      %dma_start3A_112 = arith.constant 0 : i32
      %dma_start3A_113 = arith.constant 0 : i32
      %dma_start3A_114 = tpu.memref_slice %arg2[%add3A, %dma_start3A_112, %dma_start3A_113] : memref<32x20x500xi32, #tpu.memory_space<hbm>> -> memref<1x20x500xi32, #tpu.memory_space<hbm>>
      %dma_start3A_115 = tpu.memref_squeeze %dma_start3A_114 : memref<1x20x500xi32, #tpu.memory_space<hbm>> -> memref<20x500xi32, #tpu.memory_space<hbm>>
      tpu.enqueue_dma source(%dma_start3A_115 : memref<20x500xi32, #tpu.memory_space<hbm>>) target(%arg6 : memref<20x500xi32, #tpu.memory_space<vmem>>) target_semaphore(%run_scoped3A_107 : memref<!tpu.dma_semaphore, #tpu.memory_space<semaphore_mem>>)
      %dma_wait3A_116 = arith.constant 0 : i32
      %dma_wait3A_117 = arith.constant 0 : i32
      %dma_wait3A_118 = tpu.memref_slice %arg2[%add3A, %dma_wait3A_116, %dma_wait3A_117] : memref<32x20x500xi32, #tpu.memory_space<hbm>> -> memref<1x20x500xi32, #tpu.memory_space<hbm>>
      %dma_wait3A_119 = tpu.memref_squeeze %dma_wait3A_118 : memref<1x20x500xi32, #tpu.memory_space<hbm>> -> memref<20x500xi32, #tpu.memory_space<hbm>>
      %dma_wait3A_120 = arith.constant 0 : i32
      %dma_wait3A_121 = arith.constant 0 : i32
      %dma_wait3A_122 = tpu.memref_slice %arg2[%add3A, %dma_wait3A_120, %dma_wait3A_121] : memref<32x20x500xi32, #tpu.memory_space<hbm>> -> memref<1x20x500xi32, #tpu.memory_space<hbm>>
      %dma_wait3A_123 = tpu.memref_squeeze %dma_wait3A_122 : memref<1x20x500xi32, #tpu.memory_space<hbm>> -> memref<20x500xi32, #tpu.memory_space<hbm>>
      tpu.wait_dma2 semaphore(%run_scoped3A_107 : memref<!tpu.dma_semaphore, #tpu.memory_space<semaphore_mem>>) src(%dma_wait3A_123 : memref<20x500xi32, #tpu.memory_space<hbm>>) dst(%arg6 : memref<20x500xi32, #tpu.memory_space<vmem>>)
      tpu.yield
    }) : () -> ()
    "tpu.region"() ({
      %run_scoped3A_107 = tpu.sem_alloc : memref<!tpu.dma_semaphore, #tpu.memory_space<semaphore_mem>>
      %dma_start3A_108 = arith.constant 0 : i32
      %dma_start3A_109 = arith.constant 0 : i32
      %dma_start3A_110 = tpu.memref_slice %arg3[%add3A, %dma_start3A_108, %dma_start3A_109] : memref<32x20x500xi32, #tpu.memory_space<hbm>> -> memref<1x20x500xi32, #tpu.memory_space<hbm>>
      %dma_start3A_111 = tpu.memref_squeeze %dma_start3A_110 : memref<1x20x500xi32, #tpu.memory_space<hbm>> -> memref<20x500xi32, #tpu.memory_space<hbm>>
      %dma_start3A_112 = arith.constant 0 : i32
      %dma_start3A_113 = arith.constant 0 : i32
      %dma_start3A_114 = tpu.memref_slice %arg3[%add3A, %dma_start3A_112, %dma_start3A_113] : memref<32x20x500xi32, #tpu.memory_space<hbm>> -> memref<1x20x500xi32, #tpu.memory_space<hbm>>
      %dma_start3A_115 = tpu.memref_squeeze %dma_start3A_114 : memref<1x20x500xi32, #tpu.memory_space<hbm>> -> memref<20x500xi32, #tpu.memory_space<hbm>>
      tpu.enqueue_dma source(%dma_start3A_115 : memref<20x500xi32, #tpu.memory_space<hbm>>) target(%arg7 : memref<20x500xi32, #tpu.memory_space<vmem>>) target_semaphore(%run_scoped3A_107 : memref<!tpu.dma_semaphore, #tpu.memory_space<semaphore_mem>>)
      %dma_wait3A_116 = arith.constant 0 : i32
      %dma_wait3A_117 = arith.constant 0 : i32
      %dma_wait3A_118 = tpu.memref_slice %arg3[%add3A, %dma_wait3A_116, %dma_wait3A_117] : memref<32x20x500xi32, #tpu.memory_space<hbm>> -> memref<1x20x500xi32, #tpu.memory_space<hbm>>
      %dma_wait3A_119 = tpu.memref_squeeze %dma_wait3A_118 : memref<1x20x500xi32, #tpu.memory_space<hbm>> -> memref<20x500xi32, #tpu.memory_space<hbm>>
      %dma_wait3A_120 = arith.constant 0 : i32
      %dma_wait3A_121 = arith.constant 0 : i32
      %dma_wait3A_122 = tpu.memref_slice %arg3[%add3A, %dma_wait3A_120, %dma_wait3A_121] : memref<32x20x500xi32, #tpu.memory_space<hbm>> -> memref<1x20x500xi32, #tpu.memory_space<hbm>>
      %dma_wait3A_123 = tpu.memref_squeeze %dma_wait3A_122 : memref<1x20x500xi32, #tpu.memory_space<hbm>> -> memref<20x500xi32, #tpu.memory_space<hbm>>
      tpu.wait_dma2 semaphore(%run_scoped3A_107 : memref<!tpu.dma_semaphore, #tpu.memory_space<semaphore_mem>>) src(%dma_wait3A_123 : memref<20x500xi32, #tpu.memory_space<hbm>>) dst(%arg7 : memref<20x500xi32, #tpu.memory_space<vmem>>)
      tpu.yield
    }) : () -> ()
    %barrier3A = arith.constant 0 : index
    tpu.barrier barrier_id(%barrier3A)
    %dma_start3A = arith.constant 0 : i32
    %dma_start3A_23 = arith.constant 0 : i32
    %dma_start3A_24 = arith.constant 0 : i32
    %dma_start3A_25 = arith.constant 0 : i32
    %dma_start3A_26 = tpu.memref_slice %arg8[%dma_start3A_23, %dma_start3A_24, %dma_start3A_25] : memref<4x500x64xbf16, #tpu.memory_space<vmem>> -> memref<1x500x64xbf16, #tpu.memory_space<vmem>>
    %dma_start3A_27 = tpu.memref_squeeze %dma_start3A_26 : memref<1x500x64xbf16, #tpu.memory_space<vmem>> -> memref<500x64xbf16, #tpu.memory_space<vmem>>
    %dma_start3A_28 = arith.constant 0 : i32
    %dma_start3A_29 = tpu.memref_slice %arg6[%dma_start3A, %dma_start3A_28] : memref<20x500xi32, #tpu.memory_space<vmem>> -> memref<1x500xi32, #tpu.memory_space<vmem>>
    %dma_start3A_30 = tpu.memref_squeeze %dma_start3A_29 : memref<1x500xi32, #tpu.memory_space<vmem>> -> memref<500xi32, #tpu.memory_space<vmem>>
    %dma_start3A_31 = arith.constant 0 : i32
    %dma_start3A_32 = arith.constant 0 : i32
    %dma_start3A_33 = tpu.memref_slice %arg4[%dma_start3A_31, %dma_start3A_32] : memref<10240x64xbf16, #tpu.memory_space<hbm>> -> memref<10240x64xbf16, #tpu.memory_space<hbm>>
    tpu.enqueue_indirect_dma source(%dma_start3A_33 : memref<10240x64xbf16, #tpu.memory_space<hbm>>) target(%dma_start3A_27 : memref<500x64xbf16, #tpu.memory_space<vmem>>) offsets(%dma_start3A_30 : memref<500xi32, #tpu.memory_space<vmem>>) semaphore(%arg10 : memref<!tpu.dma_semaphore, #tpu.memory_space<semaphore_mem>>)
    %dma_start3A_34 = arith.constant 1 : i32
    %dma_start3A_35 = arith.constant 1 : i32
    %dma_start3A_36 = arith.constant 0 : i32
    %dma_start3A_37 = arith.constant 0 : i32
    %dma_start3A_38 = tpu.memref_slice %arg8[%dma_start3A_35, %dma_start3A_36, %dma_start3A_37] : memref<4x500x64xbf16, #tpu.memory_space<vmem>> -> memref<1x500x64xbf16, #tpu.memory_space<vmem>>
    %dma_start3A_39 = tpu.memref_squeeze %dma_start3A_38 : memref<1x500x64xbf16, #tpu.memory_space<vmem>> -> memref<500x64xbf16, #tpu.memory_space<vmem>>
    %dma_start3A_40 = arith.constant 0 : i32
    %dma_start3A_41 = tpu.memref_slice %arg6[%dma_start3A_34, %dma_start3A_40] : memref<20x500xi32, #tpu.memory_space<vmem>> -> memref<1x500xi32, #tpu.memory_space<vmem>>
    %dma_start3A_42 = tpu.memref_squeeze %dma_start3A_41 : memref<1x500xi32, #tpu.memory_space<vmem>> -> memref<500xi32, #tpu.memory_space<vmem>>
    %dma_start3A_43 = arith.constant 0 : i32
    %dma_start3A_44 = arith.constant 0 : i32
    %dma_start3A_45 = tpu.memref_slice %arg4[%dma_start3A_43, %dma_start3A_44] : memref<10240x64xbf16, #tpu.memory_space<hbm>> -> memref<10240x64xbf16, #tpu.memory_space<hbm>>
    tpu.enqueue_indirect_dma source(%dma_start3A_45 : memref<10240x64xbf16, #tpu.memory_space<hbm>>) target(%dma_start3A_39 : memref<500x64xbf16, #tpu.memory_space<vmem>>) offsets(%dma_start3A_42 : memref<500xi32, #tpu.memory_space<vmem>>) semaphore(%arg11 : memref<!tpu.dma_semaphore, #tpu.memory_space<semaphore_mem>>)
    %scan3A_46 = arith.constant 0 : i32
    %scan3A_47 = arith.constant 0 : i32
    %scan3A_48 = arith.constant 5 : i32
    %scan3A_49 = arith.addi %scan3A_47, %scan3A_48 : i32
    %scan3A_50 = arith.constant 1 : i32
    %scan3A_51 = scf.for %scan3A_107 = %scan3A_47 to %scan3A_49 step %scan3A_50 iter_args(%scan3A_108 = %scan3A_46) -> (i32)  : i32 {
      %mul3A_109 = arith.constant 4 : i32
      %mul3A_110 = arith.muli %scan3A_107, %mul3A_109 : i32
      %dma_wait3A_111 = arith.constant 0 : i32
      %dma_wait3A_112 = arith.constant 0 : i32
      %dma_wait3A_113 = arith.constant 0 : i32
      %dma_wait3A_114 = arith.constant 0 : i32
      %dma_wait3A_115 = tpu.memref_slice %arg8[%dma_wait3A_112, %dma_wait3A_113, %dma_wait3A_114] : memref<4x500x64xbf16, #tpu.memory_space<vmem>> -> memref<1x500x64xbf16, #tpu.memory_space<vmem>>
      %dma_wait3A_116 = tpu.memref_squeeze %dma_wait3A_115 : memref<1x500x64xbf16, #tpu.memory_space<vmem>> -> memref<500x64xbf16, #tpu.memory_space<vmem>>
      %dma_wait3A_117 = arith.constant 0 : i32
      %dma_wait3A_118 = tpu.memref_slice %arg6[%dma_wait3A_111, %dma_wait3A_117] : memref<20x500xi32, #tpu.memory_space<vmem>> -> memref<1x500xi32, #tpu.memory_space<vmem>>
      %dma_wait3A_119 = tpu.memref_squeeze %dma_wait3A_118 : memref<1x500xi32, #tpu.memory_space<vmem>> -> memref<500xi32, #tpu.memory_space<vmem>>
      %dma_wait3A_120 = arith.constant 0 : i32
      %dma_wait3A_121 = arith.constant 0 : i32
      %dma_wait3A_122 = tpu.memref_slice %arg4[%dma_wait3A_120, %dma_wait3A_121] : memref<10240x64xbf16, #tpu.memory_space<hbm>> -> memref<10240x64xbf16, #tpu.memory_space<hbm>>
      tpu.wait_indirect_dma semaphore(%arg10 : memref<!tpu.dma_semaphore, #tpu.memory_space<semaphore_mem>>) src(%dma_wait3A_122 : memref<10240x64xbf16, #tpu.memory_space<hbm>>) dst(%dma_wait3A_116 : memref<500x64xbf16, #tpu.memory_space<vmem>>)
      %add3A_123 = arith.constant 0 : i32
      %add3A_124 = arith.addi %mul3A_110, %add3A_123 : i32
      %dma_start3A_125 = arith.constant 0 : i32
      %dma_start3A_126 = arith.constant 0 : i32
      %dma_start3A_127 = arith.constant 0 : i32
      %dma_start3A_128 = tpu.memref_slice %arg8[%dma_start3A_125, %dma_start3A_126, %dma_start3A_127] : memref<4x500x64xbf16, #tpu.memory_space<vmem>> -> memref<1x500x64xbf16, #tpu.memory_space<vmem>>
      %dma_start3A_129 = tpu.memref_squeeze %dma_start3A_128 : memref<1x500x64xbf16, #tpu.memory_space<vmem>> -> memref<500x64xbf16, #tpu.memory_space<vmem>>
      %dma_start3A_130 = arith.constant 0 : i32
      %dma_start3A_131 = tpu.memref_slice %arg7[%add3A_124, %dma_start3A_130] : memref<20x500xi32, #tpu.memory_space<vmem>> -> memref<1x500xi32, #tpu.memory_space<vmem>>
      %dma_start3A_132 = tpu.memref_squeeze %dma_start3A_131 : memref<1x500xi32, #tpu.memory_space<vmem>> -> memref<500xi32, #tpu.memory_space<vmem>>
      %dma_start3A_133 = arith.constant 0 : i32
      %dma_start3A_134 = arith.constant 0 : i32
      %dma_start3A_135 = tpu.memref_slice %arg9[%dma_start3A_133, %dma_start3A_134] : memref<10240x64xbf16, #tpu.memory_space<vmem_shared>> -> memref<10240x64xbf16, #tpu.memory_space<vmem_shared>>
      tpu.enqueue_indirect_dma source(%dma_start3A_129 : memref<500x64xbf16, #tpu.memory_space<vmem>>) target(%dma_start3A_135 : memref<10240x64xbf16, #tpu.memory_space<vmem_shared>>) offsets(%dma_start3A_132 : memref<500xi32, #tpu.memory_space<vmem>>) semaphore(%arg14 : memref<!tpu.dma_semaphore, #tpu.memory_space<semaphore_mem>>) {add = true}
      %gt3A = arith.constant 0 : i32
      %gt3A_136 = arith.cmpi sgt, %scan3A_107, %gt3A : i32
      %convert_element_type3A = arith.extui %gt3A_136 : i1 to i32
      %cond3A = arith.constant 0 : i32
      %cond3A_137 = arith.cmpi ne, %convert_element_type3A, %cond3A : i32
      scf.if %cond3A_137 {
        %dma_wait3A_366 = arith.constant 2 : i32
        %dma_wait3A_367 = arith.constant 0 : i32
        %dma_wait3A_368 = arith.constant 0 : i32
        %dma_wait3A_369 = tpu.memref_slice %arg8[%dma_wait3A_366, %dma_wait3A_367, %dma_wait3A_368] : memref<4x500x64xbf16, #tpu.memory_space<vmem>> -> memref<1x500x64xbf16, #tpu.memory_space<vmem>>
        %dma_wait3A_370 = tpu.memref_squeeze %dma_wait3A_369 : memref<1x500x64xbf16, #tpu.memory_space<vmem>> -> memref<500x64xbf16, #tpu.memory_space<vmem>>
        %dma_wait3A_371 = arith.constant 0 : i32
        %dma_wait3A_372 = arith.constant 0 : i32
        %dma_wait3A_373 = tpu.memref_slice %arg9[%dma_wait3A_371, %dma_wait3A_372] : memref<10240x64xbf16, #tpu.memory_space<vmem_shared>> -> memref<500x64xbf16, #tpu.memory_space<vmem_shared>>
        %dma_wait3A_374 = arith.constant 0 : i32
        %dma_wait3A_375 = arith.constant 0 : i32
        %dma_wait3A_376 = tpu.memref_slice %arg9[%dma_wait3A_374, %dma_wait3A_375] : memref<10240x64xbf16, #tpu.memory_space<vmem_shared>> -> memref<500x64xbf16, #tpu.memory_space<vmem_shared>>
        %dma_wait3A_377 = arith.constant 0 : i32
        %dma_wait3A_378 = arith.constant 0 : i32
        %dma_wait3A_379 = tpu.memref_slice %arg8[%dma_wait3A_366, %dma_wait3A_377, %dma_wait3A_378] : memref<4x500x64xbf16, #tpu.memory_space<vmem>> -> memref<1x500x64xbf16, #tpu.memory_space<vmem>>
        %dma_wait3A_380 = tpu.memref_squeeze %dma_wait3A_379 : memref<1x500x64xbf16, #tpu.memory_space<vmem>> -> memref<500x64xbf16, #tpu.memory_space<vmem>>
        tpu.wait_dma2 semaphore(%arg16 : memref<!tpu.dma_semaphore, #tpu.memory_space<semaphore_mem>>) src(%dma_wait3A_380 : memref<500x64xbf16, #tpu.memory_space<vmem>>) dst(%dma_wait3A_376 : memref<500x64xbf16, #tpu.memory_space<vmem_shared>>)
      } else {
      }
      %add3A_138 = arith.constant 0 : i32
      %add3A_139 = arith.addi %mul3A_110, %add3A_138 : i32
      %add3A_140 = arith.constant 2 : i32
      %add3A_141 = arith.addi %add3A_139, %add3A_140 : i32
      %jit3A = arith.constant 20 : i32
      %eq3A = arith.constant 0 : i32
      %eq3A_142 = arith.cmpi eq, %jit3A, %eq3A : i32
      %jit3A_143 = arith.constant 1 : i32
      %select_n3A = arith.select %eq3A_142, %jit3A_143, %jit3A : i32
      %rem3A = arith.remsi %add3A_141, %select_n3A : i32
      %ne3A = arith.constant 0 : i32
      %ne3A_144 = arith.cmpi ne, %rem3A, %ne3A : i32
      %lt3A = arith.constant 0 : i32
      %lt3A_145 = arith.cmpi slt, %rem3A, %lt3A : i32
      %lt3A_146 = arith.constant 0 : i32
      %lt3A_147 = arith.cmpi slt, %select_n3A, %lt3A_146 : i32
      %ne3A_148 = arith.xori %lt3A_145, %lt3A_147 : i1
      %and3A = arith.andi %ne3A_148, %ne3A_144 : i1
      %add3A_149 = arith.addi %rem3A, %select_n3A : i32
      %select_n3A_150 = arith.select %and3A, %add3A_149, %rem3A : i32
      %dma_start3A_151 = arith.constant 2 : i32
      %dma_start3A_152 = arith.constant 0 : i32
      %dma_start3A_153 = arith.constant 0 : i32
      %dma_start3A_154 = tpu.memref_slice %arg8[%dma_start3A_151, %dma_start3A_152, %dma_start3A_153] : memref<4x500x64xbf16, #tpu.memory_space<vmem>> -> memref<1x500x64xbf16, #tpu.memory_space<vmem>>
      %dma_start3A_155 = tpu.memref_squeeze %dma_start3A_154 : memref<1x500x64xbf16, #tpu.memory_space<vmem>> -> memref<500x64xbf16, #tpu.memory_space<vmem>>
      %dma_start3A_156 = arith.constant 0 : i32
      %dma_start3A_157 = tpu.memref_slice %arg6[%select_n3A_150, %dma_start3A_156] : memref<20x500xi32, #tpu.memory_space<vmem>> -> memref<1x500xi32, #tpu.memory_space<vmem>>
      %dma_start3A_158 = tpu.memref_squeeze %dma_start3A_157 : memref<1x500xi32, #tpu.memory_space<vmem>> -> memref<500xi32, #tpu.memory_space<vmem>>
      %dma_start3A_159 = arith.constant 0 : i32
      %dma_start3A_160 = arith.constant 0 : i32
      %dma_start3A_161 = tpu.memref_slice %arg4[%dma_start3A_159, %dma_start3A_160] : memref<10240x64xbf16, #tpu.memory_space<hbm>> -> memref<10240x64xbf16, #tpu.memory_space<hbm>>
      tpu.enqueue_indirect_dma source(%dma_start3A_161 : memref<10240x64xbf16, #tpu.memory_space<hbm>>) target(%dma_start3A_155 : memref<500x64xbf16, #tpu.memory_space<vmem>>) offsets(%dma_start3A_158 : memref<500xi32, #tpu.memory_space<vmem>>) semaphore(%arg12 : memref<!tpu.dma_semaphore, #tpu.memory_space<semaphore_mem>>)
      %dma_wait3A_162 = arith.constant 0 : i32
      %dma_wait3A_163 = arith.constant 1 : i32
      %dma_wait3A_164 = arith.constant 0 : i32
      %dma_wait3A_165 = arith.constant 0 : i32
      %dma_wait3A_166 = tpu.memref_slice %arg8[%dma_wait3A_163, %dma_wait3A_164, %dma_wait3A_165] : memref<4x500x64xbf16, #tpu.memory_space<vmem>> -> memref<1x500x64xbf16, #tpu.memory_space<vmem>>
      %dma_wait3A_167 = tpu.memref_squeeze %dma_wait3A_166 : memref<1x500x64xbf16, #tpu.memory_space<vmem>> -> memref<500x64xbf16, #tpu.memory_space<vmem>>
      %dma_wait3A_168 = arith.constant 0 : i32
      %dma_wait3A_169 = tpu.memref_slice %arg6[%dma_wait3A_162, %dma_wait3A_168] : memref<20x500xi32, #tpu.memory_space<vmem>> -> memref<1x500xi32, #tpu.memory_space<vmem>>
      %dma_wait3A_170 = tpu.memref_squeeze %dma_wait3A_169 : memref<1x500xi32, #tpu.memory_space<vmem>> -> memref<500xi32, #tpu.memory_space<vmem>>
      %dma_wait3A_171 = arith.constant 0 : i32
      %dma_wait3A_172 = arith.constant 0 : i32
      %dma_wait3A_173 = tpu.memref_slice %arg4[%dma_wait3A_171, %dma_wait3A_172] : memref<10240x64xbf16, #tpu.memory_space<hbm>> -> memref<10240x64xbf16, #tpu.memory_space<hbm>>
      tpu.wait_indirect_dma semaphore(%arg11 : memref<!tpu.dma_semaphore, #tpu.memory_space<semaphore_mem>>) src(%dma_wait3A_173 : memref<10240x64xbf16, #tpu.memory_space<hbm>>) dst(%dma_wait3A_167 : memref<500x64xbf16, #tpu.memory_space<vmem>>)
      %add3A_174 = arith.constant 1 : i32
      %add3A_175 = arith.addi %mul3A_110, %add3A_174 : i32
      %dma_start3A_176 = arith.constant 1 : i32
      %dma_start3A_177 = arith.constant 0 : i32
      %dma_start3A_178 = arith.constant 0 : i32
      %dma_start3A_179 = tpu.memref_slice %arg8[%dma_start3A_176, %dma_start3A_177, %dma_start3A_178] : memref<4x500x64xbf16, #tpu.memory_space<vmem>> -> memref<1x500x64xbf16, #tpu.memory_space<vmem>>
      %dma_start3A_180 = tpu.memref_squeeze %dma_start3A_179 : memref<1x500x64xbf16, #tpu.memory_space<vmem>> -> memref<500x64xbf16, #tpu.memory_space<vmem>>
      %dma_start3A_181 = arith.constant 0 : i32
      %dma_start3A_182 = tpu.memref_slice %arg7[%add3A_175, %dma_start3A_181] : memref<20x500xi32, #tpu.memory_space<vmem>> -> memref<1x500xi32, #tpu.memory_space<vmem>>
      %dma_start3A_183 = tpu.memref_squeeze %dma_start3A_182 : memref<1x500xi32, #tpu.memory_space<vmem>> -> memref<500xi32, #tpu.memory_space<vmem>>
      %dma_start3A_184 = arith.constant 0 : i32
      %dma_start3A_185 = arith.constant 0 : i32
      %dma_start3A_186 = tpu.memref_slice %arg9[%dma_start3A_184, %dma_start3A_185] : memref<10240x64xbf16, #tpu.memory_space<vmem_shared>> -> memref<10240x64xbf16, #tpu.memory_space<vmem_shared>>
      tpu.enqueue_indirect_dma source(%dma_start3A_180 : memref<500x64xbf16, #tpu.memory_space<vmem>>) target(%dma_start3A_186 : memref<10240x64xbf16, #tpu.memory_space<vmem_shared>>) offsets(%dma_start3A_183 : memref<500xi32, #tpu.memory_space<vmem>>) semaphore(%arg15 : memref<!tpu.dma_semaphore, #tpu.memory_space<semaphore_mem>>) {add = true}
      %gt3A_187 = arith.constant 0 : i32
      %gt3A_188 = arith.cmpi sgt, %scan3A_107, %gt3A_187 : i32
      %convert_element_type3A_189 = arith.extui %gt3A_188 : i1 to i32
      %cond3A_190 = arith.constant 0 : i32
      %cond3A_191 = arith.cmpi ne, %convert_element_type3A_189, %cond3A_190 : i32
      scf.if %cond3A_191 {
        %dma_wait3A_366 = arith.constant 3 : i32
        %dma_wait3A_367 = arith.constant 0 : i32
        %dma_wait3A_368 = arith.constant 0 : i32
        %dma_wait3A_369 = tpu.memref_slice %arg8[%dma_wait3A_366, %dma_wait3A_367, %dma_wait3A_368] : memref<4x500x64xbf16, #tpu.memory_space<vmem>> -> memref<1x500x64xbf16, #tpu.memory_space<vmem>>
        %dma_wait3A_370 = tpu.memref_squeeze %dma_wait3A_369 : memref<1x500x64xbf16, #tpu.memory_space<vmem>> -> memref<500x64xbf16, #tpu.memory_space<vmem>>
        %dma_wait3A_371 = arith.constant 0 : i32
        %dma_wait3A_372 = arith.constant 0 : i32
        %dma_wait3A_373 = tpu.memref_slice %arg9[%dma_wait3A_371, %dma_wait3A_372] : memref<10240x64xbf16, #tpu.memory_space<vmem_shared>> -> memref<500x64xbf16, #tpu.memory_space<vmem_shared>>
        %dma_wait3A_374 = arith.constant 0 : i32
        %dma_wait3A_375 = arith.constant 0 : i32
        %dma_wait3A_376 = tpu.memref_slice %arg9[%dma_wait3A_374, %dma_wait3A_375] : memref<10240x64xbf16, #tpu.memory_space<vmem_shared>> -> memref<500x64xbf16, #tpu.memory_space<vmem_shared>>
        %dma_wait3A_377 = arith.constant 0 : i32
        %dma_wait3A_378 = arith.constant 0 : i32
        %dma_wait3A_379 = tpu.memref_slice %arg8[%dma_wait3A_366, %dma_wait3A_377, %dma_wait3A_378] : memref<4x500x64xbf16, #tpu.memory_space<vmem>> -> memref<1x500x64xbf16, #tpu.memory_space<vmem>>
        %dma_wait3A_380 = tpu.memref_squeeze %dma_wait3A_379 : memref<1x500x64xbf16, #tpu.memory_space<vmem>> -> memref<500x64xbf16, #tpu.memory_space<vmem>>
        tpu.wait_dma2 semaphore(%arg17 : memref<!tpu.dma_semaphore, #tpu.memory_space<semaphore_mem>>) src(%dma_wait3A_380 : memref<500x64xbf16, #tpu.memory_space<vmem>>) dst(%dma_wait3A_376 : memref<500x64xbf16, #tpu.memory_space<vmem_shared>>)
      } else {
      }
      %add3A_192 = arith.constant 1 : i32
      %add3A_193 = arith.addi %mul3A_110, %add3A_192 : i32
      %add3A_194 = arith.constant 2 : i32
      %add3A_195 = arith.addi %add3A_193, %add3A_194 : i32
      %jit3A_196 = arith.constant 20 : i32
      %eq3A_197 = arith.constant 0 : i32
      %eq3A_198 = arith.cmpi eq, %jit3A_196, %eq3A_197 : i32
      %jit3A_199 = arith.constant 1 : i32
      %select_n3A_200 = arith.select %eq3A_198, %jit3A_199, %jit3A_196 : i32
      %rem3A_201 = arith.remsi %add3A_195, %select_n3A_200 : i32
      %ne3A_202 = arith.constant 0 : i32
      %ne3A_203 = arith.cmpi ne, %rem3A_201, %ne3A_202 : i32
      %lt3A_204 = arith.constant 0 : i32
      %lt3A_205 = arith.cmpi slt, %rem3A_201, %lt3A_204 : i32
      %lt3A_206 = arith.constant 0 : i32
      %lt3A_207 = arith.cmpi slt, %select_n3A_200, %lt3A_206 : i32
      %ne3A_208 = arith.xori %lt3A_205, %lt3A_207 : i1
      %and3A_209 = arith.andi %ne3A_208, %ne3A_203 : i1
      %add3A_210 = arith.addi %rem3A_201, %select_n3A_200 : i32
      %select_n3A_211 = arith.select %and3A_209, %add3A_210, %rem3A_201 : i32
      %dma_start3A_212 = arith.constant 3 : i32
      %dma_start3A_213 = arith.constant 0 : i32
      %dma_start3A_214 = arith.constant 0 : i32
      %dma_start3A_215 = tpu.memref_slice %arg8[%dma_start3A_212, %dma_start3A_213, %dma_start3A_214] : memref<4x500x64xbf16, #tpu.memory_space<vmem>> -> memref<1x500x64xbf16, #tpu.memory_space<vmem>>
      %dma_start3A_216 = tpu.memref_squeeze %dma_start3A_215 : memref<1x500x64xbf16, #tpu.memory_space<vmem>> -> memref<500x64xbf16, #tpu.memory_space<vmem>>
      %dma_start3A_217 = arith.constant 0 : i32
      %dma_start3A_218 = tpu.memref_slice %arg6[%select_n3A_211, %dma_start3A_217] : memref<20x500xi32, #tpu.memory_space<vmem>> -> memref<1x500xi32, #tpu.memory_space<vmem>>
      %dma_start3A_219 = tpu.memref_squeeze %dma_start3A_218 : memref<1x500xi32, #tpu.memory_space<vmem>> -> memref<500xi32, #tpu.memory_space<vmem>>
      %dma_start3A_220 = arith.constant 0 : i32
      %dma_start3A_221 = arith.constant 0 : i32
      %dma_start3A_222 = tpu.memref_slice %arg4[%dma_start3A_220, %dma_start3A_221] : memref<10240x64xbf16, #tpu.memory_space<hbm>> -> memref<10240x64xbf16, #tpu.memory_space<hbm>>
      tpu.enqueue_indirect_dma source(%dma_start3A_222 : memref<10240x64xbf16, #tpu.memory_space<hbm>>) target(%dma_start3A_216 : memref<500x64xbf16, #tpu.memory_space<vmem>>) offsets(%dma_start3A_219 : memref<500xi32, #tpu.memory_space<vmem>>) semaphore(%arg13 : memref<!tpu.dma_semaphore, #tpu.memory_space<semaphore_mem>>)
      %dma_wait3A_223 = arith.constant 0 : i32
      %dma_wait3A_224 = arith.constant 2 : i32
      %dma_wait3A_225 = arith.constant 0 : i32
      %dma_wait3A_226 = arith.constant 0 : i32
      %dma_wait3A_227 = tpu.memref_slice %arg8[%dma_wait3A_224, %dma_wait3A_225, %dma_wait3A_226] : memref<4x500x64xbf16, #tpu.memory_space<vmem>> -> memref<1x500x64xbf16, #tpu.memory_space<vmem>>
      %dma_wait3A_228 = tpu.memref_squeeze %dma_wait3A_227 : memref<1x500x64xbf16, #tpu.memory_space<vmem>> -> memref<500x64xbf16, #tpu.memory_space<vmem>>
      %dma_wait3A_229 = arith.constant 0 : i32
      %dma_wait3A_230 = tpu.memref_slice %arg6[%dma_wait3A_223, %dma_wait3A_229] : memref<20x500xi32, #tpu.memory_space<vmem>> -> memref<1x500xi32, #tpu.memory_space<vmem>>
      %dma_wait3A_231 = tpu.memref_squeeze %dma_wait3A_230 : memref<1x500xi32, #tpu.memory_space<vmem>> -> memref<500xi32, #tpu.memory_space<vmem>>
      %dma_wait3A_232 = arith.constant 0 : i32
      %dma_wait3A_233 = arith.constant 0 : i32
      %dma_wait3A_234 = tpu.memref_slice %arg4[%dma_wait3A_232, %dma_wait3A_233] : memref<10240x64xbf16, #tpu.memory_space<hbm>> -> memref<10240x64xbf16, #tpu.memory_space<hbm>>
      tpu.wait_indirect_dma semaphore(%arg12 : memref<!tpu.dma_semaphore, #tpu.memory_space<semaphore_mem>>) src(%dma_wait3A_234 : memref<10240x64xbf16, #tpu.memory_space<hbm>>) dst(%dma_wait3A_228 : memref<500x64xbf16, #tpu.memory_space<vmem>>)
      %add3A_235 = arith.constant 2 : i32
      %add3A_236 = arith.addi %mul3A_110, %add3A_235 : i32
      %dma_start3A_237 = arith.constant 2 : i32
      %dma_start3A_238 = arith.constant 0 : i32
      %dma_start3A_239 = arith.constant 0 : i32
      %dma_start3A_240 = tpu.memref_slice %arg8[%dma_start3A_237, %dma_start3A_238, %dma_start3A_239] : memref<4x500x64xbf16, #tpu.memory_space<vmem>> -> memref<1x500x64xbf16, #tpu.memory_space<vmem>>
      %dma_start3A_241 = tpu.memref_squeeze %dma_start3A_240 : memref<1x500x64xbf16, #tpu.memory_space<vmem>> -> memref<500x64xbf16, #tpu.memory_space<vmem>>
      %dma_start3A_242 = arith.constant 0 : i32
      %dma_start3A_243 = tpu.memref_slice %arg7[%add3A_236, %dma_start3A_242] : memref<20x500xi32, #tpu.memory_space<vmem>> -> memref<1x500xi32, #tpu.memory_space<vmem>>
      %dma_start3A_244 = tpu.memref_squeeze %dma_start3A_243 : memref<1x500xi32, #tpu.memory_space<vmem>> -> memref<500xi32, #tpu.memory_space<vmem>>
      %dma_start3A_245 = arith.constant 0 : i32
      %dma_start3A_246 = arith.constant 0 : i32
      %dma_start3A_247 = tpu.memref_slice %arg9[%dma_start3A_245, %dma_start3A_246] : memref<10240x64xbf16, #tpu.memory_space<vmem_shared>> -> memref<10240x64xbf16, #tpu.memory_space<vmem_shared>>
      tpu.enqueue_indirect_dma source(%dma_start3A_241 : memref<500x64xbf16, #tpu.memory_space<vmem>>) target(%dma_start3A_247 : memref<10240x64xbf16, #tpu.memory_space<vmem_shared>>) offsets(%dma_start3A_244 : memref<500xi32, #tpu.memory_space<vmem>>) semaphore(%arg16 : memref<!tpu.dma_semaphore, #tpu.memory_space<semaphore_mem>>) {add = true}
      %dma_wait3A_248 = arith.constant 0 : i32
      %dma_wait3A_249 = arith.constant 0 : i32
      %dma_wait3A_250 = arith.constant 0 : i32
      %dma_wait3A_251 = tpu.memref_slice %arg8[%dma_wait3A_248, %dma_wait3A_249, %dma_wait3A_250] : memref<4x500x64xbf16, #tpu.memory_space<vmem>> -> memref<1x500x64xbf16, #tpu.memory_space<vmem>>
      %dma_wait3A_252 = tpu.memref_squeeze %dma_wait3A_251 : memref<1x500x64xbf16, #tpu.memory_space<vmem>> -> memref<500x64xbf16, #tpu.memory_space<vmem>>
      %dma_wait3A_253 = arith.constant 0 : i32
      %dma_wait3A_254 = arith.constant 0 : i32
      %dma_wait3A_255 = tpu.memref_slice %arg9[%dma_wait3A_253, %dma_wait3A_254] : memref<10240x64xbf16, #tpu.memory_space<vmem_shared>> -> memref<500x64xbf16, #tpu.memory_space<vmem_shared>>
      %dma_wait3A_256 = arith.constant 0 : i32
      %dma_wait3A_257 = arith.constant 0 : i32
      %dma_wait3A_258 = tpu.memref_slice %arg9[%dma_wait3A_256, %dma_wait3A_257] : memref<10240x64xbf16, #tpu.memory_space<vmem_shared>> -> memref<500x64xbf16, #tpu.memory_space<vmem_shared>>
      %dma_wait3A_259 = arith.constant 0 : i32
      %dma_wait3A_260 = arith.constant 0 : i32
      %dma_wait3A_261 = tpu.memref_slice %arg8[%dma_wait3A_248, %dma_wait3A_259, %dma_wait3A_260] : memref<4x500x64xbf16, #tpu.memory_space<vmem>> -> memref<1x500x64xbf16, #tpu.memory_space<vmem>>
      %dma_wait3A_262 = tpu.memref_squeeze %dma_wait3A_261 : memref<1x500x64xbf16, #tpu.memory_space<vmem>> -> memref<500x64xbf16, #tpu.memory_space<vmem>>
      tpu.wait_dma2 semaphore(%arg14 : memref<!tpu.dma_semaphore, #tpu.memory_space<semaphore_mem>>) src(%dma_wait3A_262 : memref<500x64xbf16, #tpu.memory_space<vmem>>) dst(%dma_wait3A_258 : memref<500x64xbf16, #tpu.memory_space<vmem_shared>>)
      %add3A_263 = arith.constant 2 : i32
      %add3A_264 = arith.addi %mul3A_110, %add3A_263 : i32
      %add3A_265 = arith.constant 2 : i32
      %add3A_266 = arith.addi %add3A_264, %add3A_265 : i32
      %jit3A_267 = arith.constant 20 : i32
      %eq3A_268 = arith.constant 0 : i32
      %eq3A_269 = arith.cmpi eq, %jit3A_267, %eq3A_268 : i32
      %jit3A_270 = arith.constant 1 : i32
      %select_n3A_271 = arith.select %eq3A_269, %jit3A_270, %jit3A_267 : i32
      %rem3A_272 = arith.remsi %add3A_266, %select_n3A_271 : i32
      %ne3A_273 = arith.constant 0 : i32
      %ne3A_274 = arith.cmpi ne, %rem3A_272, %ne3A_273 : i32
      %lt3A_275 = arith.constant 0 : i32
      %lt3A_276 = arith.cmpi slt, %rem3A_272, %lt3A_275 : i32
      %lt3A_277 = arith.constant 0 : i32
      %lt3A_278 = arith.cmpi slt, %select_n3A_271, %lt3A_277 : i32
      %ne3A_279 = arith.xori %lt3A_276, %lt3A_278 : i1
      %and3A_280 = arith.andi %ne3A_279, %ne3A_274 : i1
      %add3A_281 = arith.addi %rem3A_272, %select_n3A_271 : i32
      %select_n3A_282 = arith.select %and3A_280, %add3A_281, %rem3A_272 : i32
      %dma_start3A_283 = arith.constant 0 : i32
      %dma_start3A_284 = arith.constant 0 : i32
      %dma_start3A_285 = arith.constant 0 : i32
      %dma_start3A_286 = tpu.memref_slice %arg8[%dma_start3A_283, %dma_start3A_284, %dma_start3A_285] : memref<4x500x64xbf16, #tpu.memory_space<vmem>> -> memref<1x500x64xbf16, #tpu.memory_space<vmem>>
      %dma_start3A_287 = tpu.memref_squeeze %dma_start3A_286 : memref<1x500x64xbf16, #tpu.memory_space<vmem>> -> memref<500x64xbf16, #tpu.memory_space<vmem>>
      %dma_start3A_288 = arith.constant 0 : i32
      %dma_start3A_289 = tpu.memref_slice %arg6[%select_n3A_282, %dma_start3A_288] : memref<20x500xi32, #tpu.memory_space<vmem>> -> memref<1x500xi32, #tpu.memory_space<vmem>>
      %dma_start3A_290 = tpu.memref_squeeze %dma_start3A_289 : memref<1x500xi32, #tpu.memory_space<vmem>> -> memref<500xi32, #tpu.memory_space<vmem>>
      %dma_start3A_291 = arith.constant 0 : i32
      %dma_start3A_292 = arith.constant 0 : i32
      %dma_start3A_293 = tpu.memref_slice %arg4[%dma_start3A_291, %dma_start3A_292] : memref<10240x64xbf16, #tpu.memory_space<hbm>> -> memref<10240x64xbf16, #tpu.memory_space<hbm>>
      tpu.enqueue_indirect_dma source(%dma_start3A_293 : memref<10240x64xbf16, #tpu.memory_space<hbm>>) target(%dma_start3A_287 : memref<500x64xbf16, #tpu.memory_space<vmem>>) offsets(%dma_start3A_290 : memref<500xi32, #tpu.memory_space<vmem>>) semaphore(%arg10 : memref<!tpu.dma_semaphore, #tpu.memory_space<semaphore_mem>>)
      %dma_wait3A_294 = arith.constant 0 : i32
      %dma_wait3A_295 = arith.constant 3 : i32
      %dma_wait3A_296 = arith.constant 0 : i32
      %dma_wait3A_297 = arith.constant 0 : i32
      %dma_wait3A_298 = tpu.memref_slice %arg8[%dma_wait3A_295, %dma_wait3A_296, %dma_wait3A_297] : memref<4x500x64xbf16, #tpu.memory_space<vmem>> -> memref<1x500x64xbf16, #tpu.memory_space<vmem>>
      %dma_wait3A_299 = tpu.memref_squeeze %dma_wait3A_298 : memref<1x500x64xbf16, #tpu.memory_space<vmem>> -> memref<500x64xbf16, #tpu.memory_space<vmem>>
      %dma_wait3A_300 = arith.constant 0 : i32
      %dma_wait3A_301 = tpu.memref_slice %arg6[%dma_wait3A_294, %dma_wait3A_300] : memref<20x500xi32, #tpu.memory_space<vmem>> -> memref<1x500xi32, #tpu.memory_space<vmem>>
      %dma_wait3A_302 = tpu.memref_squeeze %dma_wait3A_301 : memref<1x500xi32, #tpu.memory_space<vmem>> -> memref<500xi32, #tpu.memory_space<vmem>>
      %dma_wait3A_303 = arith.constant 0 : i32
      %dma_wait3A_304 = arith.constant 0 : i32
      %dma_wait3A_305 = tpu.memref_slice %arg4[%dma_wait3A_303, %dma_wait3A_304] : memref<10240x64xbf16, #tpu.memory_space<hbm>> -> memref<10240x64xbf16, #tpu.memory_space<hbm>>
      tpu.wait_indirect_dma semaphore(%arg13 : memref<!tpu.dma_semaphore, #tpu.memory_space<semaphore_mem>>) src(%dma_wait3A_305 : memref<10240x64xbf16, #tpu.memory_space<hbm>>) dst(%dma_wait3A_299 : memref<500x64xbf16, #tpu.memory_space<vmem>>)
      %add3A_306 = arith.constant 3 : i32
      %add3A_307 = arith.addi %mul3A_110, %add3A_306 : i32
      %dma_start3A_308 = arith.constant 3 : i32
      %dma_start3A_309 = arith.constant 0 : i32
      %dma_start3A_310 = arith.constant 0 : i32
      %dma_start3A_311 = tpu.memref_slice %arg8[%dma_start3A_308, %dma_start3A_309, %dma_start3A_310] : memref<4x500x64xbf16, #tpu.memory_space<vmem>> -> memref<1x500x64xbf16, #tpu.memory_space<vmem>>
      %dma_start3A_312 = tpu.memref_squeeze %dma_start3A_311 : memref<1x500x64xbf16, #tpu.memory_space<vmem>> -> memref<500x64xbf16, #tpu.memory_space<vmem>>
      %dma_start3A_313 = arith.constant 0 : i32
      %dma_start3A_314 = tpu.memref_slice %arg7[%add3A_307, %dma_start3A_313] : memref<20x500xi32, #tpu.memory_space<vmem>> -> memref<1x500xi32, #tpu.memory_space<vmem>>
      %dma_start3A_315 = tpu.memref_squeeze %dma_start3A_314 : memref<1x500xi32, #tpu.memory_space<vmem>> -> memref<500xi32, #tpu.memory_space<vmem>>
      %dma_start3A_316 = arith.constant 0 : i32
      %dma_start3A_317 = arith.constant 0 : i32
      %dma_start3A_318 = tpu.memref_slice %arg9[%dma_start3A_316, %dma_start3A_317] : memref<10240x64xbf16, #tpu.memory_space<vmem_shared>> -> memref<10240x64xbf16, #tpu.memory_space<vmem_shared>>
      tpu.enqueue_indirect_dma source(%dma_start3A_312 : memref<500x64xbf16, #tpu.memory_space<vmem>>) target(%dma_start3A_318 : memref<10240x64xbf16, #tpu.memory_space<vmem_shared>>) offsets(%dma_start3A_315 : memref<500xi32, #tpu.memory_space<vmem>>) semaphore(%arg17 : memref<!tpu.dma_semaphore, #tpu.memory_space<semaphore_mem>>) {add = true}
      %dma_wait3A_319 = arith.constant 1 : i32
      %dma_wait3A_320 = arith.constant 0 : i32
      %dma_wait3A_321 = arith.constant 0 : i32
      %dma_wait3A_322 = tpu.memref_slice %arg8[%dma_wait3A_319, %dma_wait3A_320, %dma_wait3A_321] : memref<4x500x64xbf16, #tpu.memory_space<vmem>> -> memref<1x500x64xbf16, #tpu.memory_space<vmem>>
      %dma_wait3A_323 = tpu.memref_squeeze %dma_wait3A_322 : memref<1x500x64xbf16, #tpu.memory_space<vmem>> -> memref<500x64xbf16, #tpu.memory_space<vmem>>
      %dma_wait3A_324 = arith.constant 0 : i32
      %dma_wait3A_325 = arith.constant 0 : i32
      %dma_wait3A_326 = tpu.memref_slice %arg9[%dma_wait3A_324, %dma_wait3A_325] : memref<10240x64xbf16, #tpu.memory_space<vmem_shared>> -> memref<500x64xbf16, #tpu.memory_space<vmem_shared>>
      %dma_wait3A_327 = arith.constant 0 : i32
      %dma_wait3A_328 = arith.constant 0 : i32
      %dma_wait3A_329 = tpu.memref_slice %arg9[%dma_wait3A_327, %dma_wait3A_328] : memref<10240x64xbf16, #tpu.memory_space<vmem_shared>> -> memref<500x64xbf16, #tpu.memory_space<vmem_shared>>
      %dma_wait3A_330 = arith.constant 0 : i32
      %dma_wait3A_331 = arith.constant 0 : i32
      %dma_wait3A_332 = tpu.memref_slice %arg8[%dma_wait3A_319, %dma_wait3A_330, %dma_wait3A_331] : memref<4x500x64xbf16, #tpu.memory_space<vmem>> -> memref<1x500x64xbf16, #tpu.memory_space<vmem>>
      %dma_wait3A_333 = tpu.memref_squeeze %dma_wait3A_332 : memref<1x500x64xbf16, #tpu.memory_space<vmem>> -> memref<500x64xbf16, #tpu.memory_space<vmem>>
      tpu.wait_dma2 semaphore(%arg15 : memref<!tpu.dma_semaphore, #tpu.memory_space<semaphore_mem>>) src(%dma_wait3A_333 : memref<500x64xbf16, #tpu.memory_space<vmem>>) dst(%dma_wait3A_329 : memref<500x64xbf16, #tpu.memory_space<vmem_shared>>)
      %add3A_334 = arith.constant 3 : i32
      %add3A_335 = arith.addi %mul3A_110, %add3A_334 : i32
      %add3A_336 = arith.constant 2 : i32
      %add3A_337 = arith.addi %add3A_335, %add3A_336 : i32
      %jit3A_338 = arith.constant 20 : i32
      %eq3A_339 = arith.constant 0 : i32
      %eq3A_340 = arith.cmpi eq, %jit3A_338, %eq3A_339 : i32
      %jit3A_341 = arith.constant 1 : i32
      %select_n3A_342 = arith.select %eq3A_340, %jit3A_341, %jit3A_338 : i32
      %rem3A_343 = arith.remsi %add3A_337, %select_n3A_342 : i32
      %ne3A_344 = arith.constant 0 : i32
      %ne3A_345 = arith.cmpi ne, %rem3A_343, %ne3A_344 : i32
      %lt3A_346 = arith.constant 0 : i32
      %lt3A_347 = arith.cmpi slt, %rem3A_343, %lt3A_346 : i32
      %lt3A_348 = arith.constant 0 : i32
      %lt3A_349 = arith.cmpi slt, %select_n3A_342, %lt3A_348 : i32
      %ne3A_350 = arith.xori %lt3A_347, %lt3A_349 : i1
      %and3A_351 = arith.andi %ne3A_350, %ne3A_345 : i1
      %add3A_352 = arith.addi %rem3A_343, %select_n3A_342 : i32
      %select_n3A_353 = arith.select %and3A_351, %add3A_352, %rem3A_343 : i32
      %dma_start3A_354 = arith.constant 1 : i32
      %dma_start3A_355 = arith.constant 0 : i32
      %dma_start3A_356 = arith.constant 0 : i32
      %dma_start3A_357 = tpu.memref_slice %arg8[%dma_start3A_354, %dma_start3A_355, %dma_start3A_356] : memref<4x500x64xbf16, #tpu.memory_space<vmem>> -> memref<1x500x64xbf16, #tpu.memory_space<vmem>>
      %dma_start3A_358 = tpu.memref_squeeze %dma_start3A_357 : memref<1x500x64xbf16, #tpu.memory_space<vmem>> -> memref<500x64xbf16, #tpu.memory_space<vmem>>
      %dma_start3A_359 = arith.constant 0 : i32
      %dma_start3A_360 = tpu.memref_slice %arg6[%select_n3A_353, %dma_start3A_359] : memref<20x500xi32, #tpu.memory_space<vmem>> -> memref<1x500xi32, #tpu.memory_space<vmem>>
      %dma_start3A_361 = tpu.memref_squeeze %dma_start3A_360 : memref<1x500xi32, #tpu.memory_space<vmem>> -> memref<500xi32, #tpu.memory_space<vmem>>
      %dma_start3A_362 = arith.constant 0 : i32
      %dma_start3A_363 = arith.constant 0 : i32
      %dma_start3A_364 = tpu.memref_slice %arg4[%dma_start3A_362, %dma_start3A_363] : memref<10240x64xbf16, #tpu.memory_space<hbm>> -> memref<10240x64xbf16, #tpu.memory_space<hbm>>
      tpu.enqueue_indirect_dma source(%dma_start3A_364 : memref<10240x64xbf16, #tpu.memory_space<hbm>>) target(%dma_start3A_358 : memref<500x64xbf16, #tpu.memory_space<vmem>>) offsets(%dma_start3A_361 : memref<500xi32, #tpu.memory_space<vmem>>) semaphore(%arg11 : memref<!tpu.dma_semaphore, #tpu.memory_space<semaphore_mem>>)
      %scan3A_365 = arith.constant 0 : i32
      scf.yield %scan3A_365 : i32
    }
    %scan3A_52 = arith.constant 5 : i32
    %dma_wait3A = arith.constant 0 : i32
    %dma_wait3A_53 = arith.constant 0 : i32
    %dma_wait3A_54 = arith.constant 0 : i32
    %dma_wait3A_55 = arith.constant 0 : i32
    %dma_wait3A_56 = tpu.memref_slice %arg8[%dma_wait3A_53, %dma_wait3A_54, %dma_wait3A_55] : memref<4x500x64xbf16, #tpu.memory_space<vmem>> -> memref<1x500x64xbf16, #tpu.memory_space<vmem>>
    %dma_wait3A_57 = tpu.memref_squeeze %dma_wait3A_56 : memref<1x500x64xbf16, #tpu.memory_space<vmem>> -> memref<500x64xbf16, #tpu.memory_space<vmem>>
    %dma_wait3A_58 = arith.constant 0 : i32
    %dma_wait3A_59 = tpu.memref_slice %arg6[%dma_wait3A, %dma_wait3A_58] : memref<20x500xi32, #tpu.memory_space<vmem>> -> memref<1x500xi32, #tpu.memory_space<vmem>>
    %dma_wait3A_60 = tpu.memref_squeeze %dma_wait3A_59 : memref<1x500xi32, #tpu.memory_space<vmem>> -> memref<500xi32, #tpu.memory_space<vmem>>
    %dma_wait3A_61 = arith.constant 0 : i32
    %dma_wait3A_62 = arith.constant 0 : i32
    %dma_wait3A_63 = tpu.memref_slice %arg4[%dma_wait3A_61, %dma_wait3A_62] : memref<10240x64xbf16, #tpu.memory_space<hbm>> -> memref<10240x64xbf16, #tpu.memory_space<hbm>>
    tpu.wait_indirect_dma semaphore(%arg10 : memref<!tpu.dma_semaphore, #tpu.memory_space<semaphore_mem>>) src(%dma_wait3A_63 : memref<10240x64xbf16, #tpu.memory_space<hbm>>) dst(%dma_wait3A_57 : memref<500x64xbf16, #tpu.memory_space<vmem>>)
    %dma_wait3A_64 = arith.constant 0 : i32
    %dma_wait3A_65 = arith.constant 1 : i32
    %dma_wait3A_66 = arith.constant 0 : i32
    %dma_wait3A_67 = arith.constant 0 : i32
    %dma_wait3A_68 = tpu.memref_slice %arg8[%dma_wait3A_65, %dma_wait3A_66, %dma_wait3A_67] : memref<4x500x64xbf16, #tpu.memory_space<vmem>> -> memref<1x500x64xbf16, #tpu.memory_space<vmem>>
    %dma_wait3A_69 = tpu.memref_squeeze %dma_wait3A_68 : memref<1x500x64xbf16, #tpu.memory_space<vmem>> -> memref<500x64xbf16, #tpu.memory_space<vmem>>
    %dma_wait3A_70 = arith.constant 0 : i32
    %dma_wait3A_71 = tpu.memref_slice %arg6[%dma_wait3A_64, %dma_wait3A_70] : memref<20x500xi32, #tpu.memory_space<vmem>> -> memref<1x500xi32, #tpu.memory_space<vmem>>
    %dma_wait3A_72 = tpu.memref_squeeze %dma_wait3A_71 : memref<1x500xi32, #tpu.memory_space<vmem>> -> memref<500xi32, #tpu.memory_space<vmem>>
    %dma_wait3A_73 = arith.constant 0 : i32
    %dma_wait3A_74 = arith.constant 0 : i32
    %dma_wait3A_75 = tpu.memref_slice %arg4[%dma_wait3A_73, %dma_wait3A_74] : memref<10240x64xbf16, #tpu.memory_space<hbm>> -> memref<10240x64xbf16, #tpu.memory_space<hbm>>
    tpu.wait_indirect_dma semaphore(%arg11 : memref<!tpu.dma_semaphore, #tpu.memory_space<semaphore_mem>>) src(%dma_wait3A_75 : memref<10240x64xbf16, #tpu.memory_space<hbm>>) dst(%dma_wait3A_69 : memref<500x64xbf16, #tpu.memory_space<vmem>>)
    %dma_wait3A_76 = arith.constant 2 : i32
    %dma_wait3A_77 = arith.constant 0 : i32
    %dma_wait3A_78 = arith.constant 0 : i32
    %dma_wait3A_79 = tpu.memref_slice %arg8[%dma_wait3A_76, %dma_wait3A_77, %dma_wait3A_78] : memref<4x500x64xbf16, #tpu.memory_space<vmem>> -> memref<1x500x64xbf16, #tpu.memory_space<vmem>>
    %dma_wait3A_80 = tpu.memref_squeeze %dma_wait3A_79 : memref<1x500x64xbf16, #tpu.memory_space<vmem>> -> memref<500x64xbf16, #tpu.memory_space<vmem>>
    %dma_wait3A_81 = arith.constant 0 : i32
    %dma_wait3A_82 = arith.constant 0 : i32
    %dma_wait3A_83 = tpu.memref_slice %arg9[%dma_wait3A_81, %dma_wait3A_82] : memref<10240x64xbf16, #tpu.memory_space<vmem_shared>> -> memref<500x64xbf16, #tpu.memory_space<vmem_shared>>
    %dma_wait3A_84 = arith.constant 0 : i32
    %dma_wait3A_85 = arith.constant 0 : i32
    %dma_wait3A_86 = tpu.memref_slice %arg9[%dma_wait3A_84, %dma_wait3A_85] : memref<10240x64xbf16, #tpu.memory_space<vmem_shared>> -> memref<500x64xbf16, #tpu.memory_space<vmem_shared>>
    %dma_wait3A_87 = arith.constant 0 : i32
    %dma_wait3A_88 = arith.constant 0 : i32
    %dma_wait3A_89 = tpu.memref_slice %arg8[%dma_wait3A_76, %dma_wait3A_87, %dma_wait3A_88] : memref<4x500x64xbf16, #tpu.memory_space<vmem>> -> memref<1x500x64xbf16, #tpu.memory_space<vmem>>
    %dma_wait3A_90 = tpu.memref_squeeze %dma_wait3A_89 : memref<1x500x64xbf16, #tpu.memory_space<vmem>> -> memref<500x64xbf16, #tpu.memory_space<vmem>>
    tpu.wait_dma2 semaphore(%arg16 : memref<!tpu.dma_semaphore, #tpu.memory_space<semaphore_mem>>) src(%dma_wait3A_90 : memref<500x64xbf16, #tpu.memory_space<vmem>>) dst(%dma_wait3A_86 : memref<500x64xbf16, #tpu.memory_space<vmem_shared>>)
    %dma_wait3A_91 = arith.constant 3 : i32
    %dma_wait3A_92 = arith.constant 0 : i32
    %dma_wait3A_93 = arith.constant 0 : i32
    %dma_wait3A_94 = tpu.memref_slice %arg8[%dma_wait3A_91, %dma_wait3A_92, %dma_wait3A_93] : memref<4x500x64xbf16, #tpu.memory_space<vmem>> -> memref<1x500x64xbf16, #tpu.memory_space<vmem>>
    %dma_wait3A_95 = tpu.memref_squeeze %dma_wait3A_94 : memref<1x500x64xbf16, #tpu.memory_space<vmem>> -> memref<500x64xbf16, #tpu.memory_space<vmem>>
    %dma_wait3A_96 = arith.constant 0 : i32
    %dma_wait3A_97 = arith.constant 0 : i32
    %dma_wait3A_98 = tpu.memref_slice %arg9[%dma_wait3A_96, %dma_wait3A_97] : memref<10240x64xbf16, #tpu.memory_space<vmem_shared>> -> memref<500x64xbf16, #tpu.memory_space<vmem_shared>>
    %dma_wait3A_99 = arith.constant 0 : i32
    %dma_wait3A_100 = arith.constant 0 : i32
    %dma_wait3A_101 = tpu.memref_slice %arg9[%dma_wait3A_99, %dma_wait3A_100] : memref<10240x64xbf16, #tpu.memory_space<vmem_shared>> -> memref<500x64xbf16, #tpu.memory_space<vmem_shared>>
    %dma_wait3A_102 = arith.constant 0 : i32
    %dma_wait3A_103 = arith.constant 0 : i32
    %dma_wait3A_104 = tpu.memref_slice %arg8[%dma_wait3A_91, %dma_wait3A_102, %dma_wait3A_103] : memref<4x500x64xbf16, #tpu.memory_space<vmem>> -> memref<1x500x64xbf16, #tpu.memory_space<vmem>>
    %dma_wait3A_105 = tpu.memref_squeeze %dma_wait3A_104 : memref<1x500x64xbf16, #tpu.memory_space<vmem>> -> memref<500x64xbf16, #tpu.memory_space<vmem>>
    tpu.wait_dma2 semaphore(%arg17 : memref<!tpu.dma_semaphore, #tpu.memory_space<semaphore_mem>>) src(%dma_wait3A_105 : memref<500x64xbf16, #tpu.memory_space<vmem>>) dst(%dma_wait3A_101 : memref<500x64xbf16, #tpu.memory_space<vmem_shared>>)
    %barrier3A_106 = arith.constant 0 : index
    tpu.barrier barrier_id(%barrier3A_106)
    "tpu.region"() ({
      %run_scoped3A_107 = tpu.sem_alloc : memref<!tpu.dma_semaphore, #tpu.memory_space<semaphore_mem>>
      %dma_start3A_108 = arith.constant 0 : i32
      %dma_start3A_109 = tpu.memref_slice %arg5[%arg0, %mul3A_8, %dma_start3A_108] : memref<2x10240x64xbf16, #tpu.memory_space<hbm>> -> memref<1x640x64xbf16, #tpu.memory_space<hbm>>
      %dma_start3A_110 = tpu.memref_squeeze %dma_start3A_109 : memref<1x640x64xbf16, #tpu.memory_space<hbm>> -> memref<640x64xbf16, #tpu.memory_space<hbm>>
      %dma_start3A_111 = arith.constant 0 : i32
      %dma_start3A_112 = tpu.memref_slice %arg9[%mul3A_8, %dma_start3A_111] : memref<10240x64xbf16, #tpu.memory_space<vmem_shared>> -> memref<640x64xbf16, #tpu.memory_space<vmem_shared>>
      tpu.enqueue_dma source(%dma_start3A_112 : memref<640x64xbf16, #tpu.memory_space<vmem_shared>>) target(%dma_start3A_110 : memref<640x64xbf16, #tpu.memory_space<hbm>>) target_semaphore(%run_scoped3A_107 : memref<!tpu.dma_semaphore, #tpu.memory_space<semaphore_mem>>)
      %dma_wait3A_113 = arith.constant 0 : i32
      %dma_wait3A_114 = tpu.memref_slice %arg5[%arg0, %mul3A_8, %dma_wait3A_113] : memref<2x10240x64xbf16, #tpu.memory_space<hbm>> -> memref<1x640x64xbf16, #tpu.memory_space<hbm>>
      %dma_wait3A_115 = tpu.memref_squeeze %dma_wait3A_114 : memref<1x640x64xbf16, #tpu.memory_space<hbm>> -> memref<640x64xbf16, #tpu.memory_space<hbm>>
      %dma_wait3A_116 = arith.constant 0 : i32
      %dma_wait3A_117 = tpu.memref_slice %arg9[%mul3A_8, %dma_wait3A_116] : memref<10240x64xbf16, #tpu.memory_space<vmem_shared>> -> memref<640x64xbf16, #tpu.memory_space<vmem_shared>>
      tpu.wait_dma2 semaphore(%run_scoped3A_107 : memref<!tpu.dma_semaphore, #tpu.memory_space<semaphore_mem>>) src(%dma_wait3A_117 : memref<640x64xbf16, #tpu.memory_space<vmem_shared>>) dst(%dma_wait3A_115 : memref<640x64xbf16, #tpu.memory_space<hbm>>)
      tpu.yield
    }) : () -> ()
    return
  }
}

module attributes {stable_mosaic.version = 14 : i64} {
  func.func @_mm_scale_body(%arg0: i32, %arg1: memref<5120x128xf32, #tpu.memory_space<vmem>>, %arg2: memref<128x64xf32, #tpu.memory_space<vmem>>, %arg3: memref<2x40x128xf32, #tpu.memory_space<vmem>>, %arg4: memref<5120x64xbf16, #tpu.memory_space<vmem>>) attributes {dimension_semantics = [#tpu.dimension_semantics<arbitrary>], iteration_bounds = array<i64: 2>, scalar_prefetch = 0 : i64, scratch_operands = 0 : i64, tpu.core_type = #tpu.core_type<tc>, window_params = [{transform_indices = @transform_0, window_bounds = array<i64: 5120, 128>}, {pipeline_mode = #tpu.pipeline_mode<synchronous>, transform_indices = @transform_1, window_bounds = array<i64: 128, 64>}, {transform_indices = @transform_2, window_bounds = array<i64: 2, 40, 128>}, {transform_indices = @transform_3, window_bounds = array<i64: 5120, 64>}]} {
    %get3A = arith.constant 0 : index
    %get3A_0 = arith.constant 0 : index
    %get3A_1 = arith.constant 0 : index
    %get3A_2 = vector.load %arg3[%get3A, %get3A_0, %get3A_1] : memref<2x40x128xf32, #tpu.memory_space<vmem>>, vector<1x40x128xf32>
    %get3A_3 = vector.shape_cast %get3A_2 : vector<1x40x128xf32> to vector<40x128xf32>
    %get3A_4 = arith.constant 1 : index
    %get3A_5 = arith.constant 0 : index
    %get3A_6 = arith.constant 0 : index
    %get3A_7 = vector.load %arg3[%get3A_4, %get3A_5, %get3A_6] : memref<2x40x128xf32, #tpu.memory_space<vmem>>, vector<1x40x128xf32>
    %get3A_8 = vector.shape_cast %get3A_7 : vector<1x40x128xf32> to vector<40x128xf32>
    %add3A = arith.addf %get3A_3, %get3A_8 : vector<40x128xf32>
    %add3A_9 = arith.constant 1.000000e+00 : f32
    %add3A_10 = vector.broadcast %add3A_9 : f32 to vector<40x128xf32>
    %add3A_11 = arith.addf %add3A, %add3A_10 : vector<40x128xf32>
    %rsqrt3A = math.rsqrt %add3A_11 : vector<40x128xf32>
    %iota3A = tpu.iota {dimensions = array<i32: 0>} : vector<128x128xi32>
    %iota3A_12 = tpu.iota {dimensions = array<i32: 1>} : vector<128x128xi32>
    %eq3A = arith.cmpi eq, %iota3A, %iota3A_12 : vector<128x128xi32>
    %convert_element_type3A = arith.extui %eq3A : vector<128x128xi1> to vector<128x128xi32>
    %convert_element_type3A_13 = arith.sitofp %convert_element_type3A : vector<128x128xi32> to vector<128x128xf32>
    %dot_general3A = arith.constant dense<0.000000e+00> : vector<128x40xf32>
    %dot_general3A_14 = tpu.matmul %convert_element_type3A_13, %rsqrt3A, %dot_general3A {dimension_numbers = #tpu.dot_dimension_numbers<[1], [1], [0], [0], [0, 0, 1, 0], [], []>, transpose_lhs_hint = false} : vector<128x128xf32>, vector<40x128xf32>, vector<128x40xf32> -> vector<128x40xf32>
    %slice3A = vector.extract_strided_slice %dot_general3A_14 {offsets = [0, 0], sizes = [128, 1], strides = [1, 1]} : vector<128x40xf32> to vector<128x1xf32>
    %slice3A_15 = vector.extract_strided_slice %dot_general3A_14 {offsets = [0, 1], sizes = [128, 1], strides = [1, 1]} : vector<128x40xf32> to vector<128x1xf32>
    %slice3A_16 = vector.extract_strided_slice %dot_general3A_14 {offsets = [0, 2], sizes = [128, 1], strides = [1, 1]} : vector<128x40xf32> to vector<128x1xf32>
    %slice3A_17 = vector.extract_strided_slice %dot_general3A_14 {offsets = [0, 3], sizes = [128, 1], strides = [1, 1]} : vector<128x40xf32> to vector<128x1xf32>
    %slice3A_18 = vector.extract_strided_slice %dot_general3A_14 {offsets = [0, 4], sizes = [128, 1], strides = [1, 1]} : vector<128x40xf32> to vector<128x1xf32>
    %slice3A_19 = vector.extract_strided_slice %dot_general3A_14 {offsets = [0, 5], sizes = [128, 1], strides = [1, 1]} : vector<128x40xf32> to vector<128x1xf32>
    %slice3A_20 = vector.extract_strided_slice %dot_general3A_14 {offsets = [0, 6], sizes = [128, 1], strides = [1, 1]} : vector<128x40xf32> to vector<128x1xf32>
    %slice3A_21 = vector.extract_strided_slice %dot_general3A_14 {offsets = [0, 7], sizes = [128, 1], strides = [1, 1]} : vector<128x40xf32> to vector<128x1xf32>
    %slice3A_22 = vector.extract_strided_slice %dot_general3A_14 {offsets = [0, 8], sizes = [128, 1], strides = [1, 1]} : vector<128x40xf32> to vector<128x1xf32>
    %slice3A_23 = vector.extract_strided_slice %dot_general3A_14 {offsets = [0, 9], sizes = [128, 1], strides = [1, 1]} : vector<128x40xf32> to vector<128x1xf32>
    %slice3A_24 = vector.extract_strided_slice %dot_general3A_14 {offsets = [0, 10], sizes = [128, 1], strides = [1, 1]} : vector<128x40xf32> to vector<128x1xf32>
    %slice3A_25 = vector.extract_strided_slice %dot_general3A_14 {offsets = [0, 11], sizes = [128, 1], strides = [1, 1]} : vector<128x40xf32> to vector<128x1xf32>
    %slice3A_26 = vector.extract_strided_slice %dot_general3A_14 {offsets = [0, 12], sizes = [128, 1], strides = [1, 1]} : vector<128x40xf32> to vector<128x1xf32>
    %slice3A_27 = vector.extract_strided_slice %dot_general3A_14 {offsets = [0, 13], sizes = [128, 1], strides = [1, 1]} : vector<128x40xf32> to vector<128x1xf32>
    %slice3A_28 = vector.extract_strided_slice %dot_general3A_14 {offsets = [0, 14], sizes = [128, 1], strides = [1, 1]} : vector<128x40xf32> to vector<128x1xf32>
    %slice3A_29 = vector.extract_strided_slice %dot_general3A_14 {offsets = [0, 15], sizes = [128, 1], strides = [1, 1]} : vector<128x40xf32> to vector<128x1xf32>
    %slice3A_30 = vector.extract_strided_slice %dot_general3A_14 {offsets = [0, 16], sizes = [128, 1], strides = [1, 1]} : vector<128x40xf32> to vector<128x1xf32>
    %slice3A_31 = vector.extract_strided_slice %dot_general3A_14 {offsets = [0, 17], sizes = [128, 1], strides = [1, 1]} : vector<128x40xf32> to vector<128x1xf32>
    %slice3A_32 = vector.extract_strided_slice %dot_general3A_14 {offsets = [0, 18], sizes = [128, 1], strides = [1, 1]} : vector<128x40xf32> to vector<128x1xf32>
    %slice3A_33 = vector.extract_strided_slice %dot_general3A_14 {offsets = [0, 19], sizes = [128, 1], strides = [1, 1]} : vector<128x40xf32> to vector<128x1xf32>
    %slice3A_34 = vector.extract_strided_slice %dot_general3A_14 {offsets = [0, 20], sizes = [128, 1], strides = [1, 1]} : vector<128x40xf32> to vector<128x1xf32>
    %slice3A_35 = vector.extract_strided_slice %dot_general3A_14 {offsets = [0, 21], sizes = [128, 1], strides = [1, 1]} : vector<128x40xf32> to vector<128x1xf32>
    %slice3A_36 = vector.extract_strided_slice %dot_general3A_14 {offsets = [0, 22], sizes = [128, 1], strides = [1, 1]} : vector<128x40xf32> to vector<128x1xf32>
    %slice3A_37 = vector.extract_strided_slice %dot_general3A_14 {offsets = [0, 23], sizes = [128, 1], strides = [1, 1]} : vector<128x40xf32> to vector<128x1xf32>
    %slice3A_38 = vector.extract_strided_slice %dot_general3A_14 {offsets = [0, 24], sizes = [128, 1], strides = [1, 1]} : vector<128x40xf32> to vector<128x1xf32>
    %slice3A_39 = vector.extract_strided_slice %dot_general3A_14 {offsets = [0, 25], sizes = [128, 1], strides = [1, 1]} : vector<128x40xf32> to vector<128x1xf32>
    %slice3A_40 = vector.extract_strided_slice %dot_general3A_14 {offsets = [0, 26], sizes = [128, 1], strides = [1, 1]} : vector<128x40xf32> to vector<128x1xf32>
    %slice3A_41 = vector.extract_strided_slice %dot_general3A_14 {offsets = [0, 27], sizes = [128, 1], strides = [1, 1]} : vector<128x40xf32> to vector<128x1xf32>
    %slice3A_42 = vector.extract_strided_slice %dot_general3A_14 {offsets = [0, 28], sizes = [128, 1], strides = [1, 1]} : vector<128x40xf32> to vector<128x1xf32>
    %slice3A_43 = vector.extract_strided_slice %dot_general3A_14 {offsets = [0, 29], sizes = [128, 1], strides = [1, 1]} : vector<128x40xf32> to vector<128x1xf32>
    %slice3A_44 = vector.extract_strided_slice %dot_general3A_14 {offsets = [0, 30], sizes = [128, 1], strides = [1, 1]} : vector<128x40xf32> to vector<128x1xf32>
    %slice3A_45 = vector.extract_strided_slice %dot_general3A_14 {offsets = [0, 31], sizes = [128, 1], strides = [1, 1]} : vector<128x40xf32> to vector<128x1xf32>
    %slice3A_46 = vector.extract_strided_slice %dot_general3A_14 {offsets = [0, 32], sizes = [128, 1], strides = [1, 1]} : vector<128x40xf32> to vector<128x1xf32>
    %slice3A_47 = vector.extract_strided_slice %dot_general3A_14 {offsets = [0, 33], sizes = [128, 1], strides = [1, 1]} : vector<128x40xf32> to vector<128x1xf32>
    %slice3A_48 = vector.extract_strided_slice %dot_general3A_14 {offsets = [0, 34], sizes = [128, 1], strides = [1, 1]} : vector<128x40xf32> to vector<128x1xf32>
    %slice3A_49 = vector.extract_strided_slice %dot_general3A_14 {offsets = [0, 35], sizes = [128, 1], strides = [1, 1]} : vector<128x40xf32> to vector<128x1xf32>
    %slice3A_50 = vector.extract_strided_slice %dot_general3A_14 {offsets = [0, 36], sizes = [128, 1], strides = [1, 1]} : vector<128x40xf32> to vector<128x1xf32>
    %slice3A_51 = vector.extract_strided_slice %dot_general3A_14 {offsets = [0, 37], sizes = [128, 1], strides = [1, 1]} : vector<128x40xf32> to vector<128x1xf32>
    %slice3A_52 = vector.extract_strided_slice %dot_general3A_14 {offsets = [0, 38], sizes = [128, 1], strides = [1, 1]} : vector<128x40xf32> to vector<128x1xf32>
    %slice3A_53 = vector.extract_strided_slice %dot_general3A_14 {offsets = [0, 39], sizes = [128, 1], strides = [1, 1]} : vector<128x40xf32> to vector<128x1xf32>
    %concatenate3A = tpu.concatenate %slice3A, %slice3A_15, %slice3A_16, %slice3A_17, %slice3A_18, %slice3A_19, %slice3A_20, %slice3A_21, %slice3A_22, %slice3A_23, %slice3A_24, %slice3A_25, %slice3A_26, %slice3A_27, %slice3A_28, %slice3A_29, %slice3A_30, %slice3A_31, %slice3A_32, %slice3A_33, %slice3A_34, %slice3A_35, %slice3A_36, %slice3A_37, %slice3A_38, %slice3A_39, %slice3A_40, %slice3A_41, %slice3A_42, %slice3A_43, %slice3A_44, %slice3A_45, %slice3A_46, %slice3A_47, %slice3A_48, %slice3A_49, %slice3A_50, %slice3A_51, %slice3A_52, %slice3A_53 in 0 : vector<128x1xf32>, vector<128x1xf32>, vector<128x1xf32>, vector<128x1xf32>, vector<128x1xf32>, vector<128x1xf32>, vector<128x1xf32>, vector<128x1xf32>, vector<128x1xf32>, vector<128x1xf32>, vector<128x1xf32>, vector<128x1xf32>, vector<128x1xf32>, vector<128x1xf32>, vector<128x1xf32>, vector<128x1xf32>, vector<128x1xf32>, vector<128x1xf32>, vector<128x1xf32>, vector<128x1xf32>, vector<128x1xf32>, vector<128x1xf32>, vector<128x1xf32>, vector<128x1xf32>, vector<128x1xf32>, vector<128x1xf32>, vector<128x1xf32>, vector<128x1xf32>, vector<128x1xf32>, vector<128x1xf32>, vector<128x1xf32>, vector<128x1xf32>, vector<128x1xf32>, vector<128x1xf32>, vector<128x1xf32>, vector<128x1xf32>, vector<128x1xf32>, vector<128x1xf32>, vector<128x1xf32>, vector<128x1xf32> -> vector<5120x1xf32>
    %get3A_54 = arith.constant 0 : index
    %get3A_55 = arith.constant 0 : index
    %get3A_56 = vector.load %arg1[%get3A_54, %get3A_55] : memref<5120x128xf32, #tpu.memory_space<vmem>>, vector<5120x128xf32>
    %get3A_57 = arith.constant 0 : index
    %get3A_58 = arith.constant 0 : index
    %get3A_59 = vector.load %arg2[%get3A_57, %get3A_58] : memref<128x64xf32, #tpu.memory_space<vmem>>, vector<128x64xf32>
    %dot_general3A_60 = arith.constant dense<0.000000e+00> : vector<5120x64xf32>
    %dot_general3A_61 = tpu.matmul %get3A_56, %get3A_59, %dot_general3A_60 {dimension_numbers = #tpu.dot_dimension_numbers<[1], [0], [0], [1], [0, 0, 1, 1], [], []>, transpose_lhs_hint = false} : vector<5120x128xf32>, vector<128x64xf32>, vector<5120x64xf32> -> vector<5120x64xf32>
    %mul3A = vector.broadcast %concatenate3A : vector<5120x1xf32> to vector<5120x64xf32>
    %mul3A_62 = arith.mulf %dot_general3A_61, %mul3A : vector<5120x64xf32>
    %convert_element_type3A_63 = arith.truncf %mul3A_62 : vector<5120x64xf32> to vector<5120x64xbf16>
    %swap3A = arith.constant 0 : index
    %swap3A_64 = arith.constant 0 : index
    %swap3A_65 = vector.load %arg4[%swap3A, %swap3A_64] : memref<5120x64xbf16, #tpu.memory_space<vmem>>, vector<5120x64xbf16>
    tpu.vector_store %arg4[%swap3A, %swap3A_64], %convert_element_type3A_63 {strides = array<i32>} : memref<5120x64xbf16, #tpu.memory_space<vmem>>, vector<5120x64xbf16>,
    return
  }
  func.func @transform_0(%arg0: i32) -> (i32, i32) {
    %c0_i32 = arith.constant 0 : i32
    %c0_i32_0 = arith.constant 0 : i32
    return %arg0, %c0_i32 : i32, i32
  }
  func.func @transform_1(%arg0: i32) -> (i32, i32) {
    %c0_i32 = arith.constant 0 : i32
    %c0_i32_0 = arith.constant 0 : i32
    %c0_i32_1 = arith.constant 0 : i32
    return %c0_i32, %c0_i32_0 : i32, i32
  }
  func.func @transform_2(%arg0: i32) -> (i32, i32, i32) {
    %c0_i32 = arith.constant 0 : i32
    %c0_i32_0 = arith.constant 0 : i32
    %c0_i32_1 = arith.constant 0 : i32
    return %c0_i32, %arg0, %c0_i32_0 : i32, i32, i32
  }
  func.func @transform_3(%arg0: i32) -> (i32, i32) {
    %c0_i32 = arith.constant 0 : i32
    %c0_i32_0 = arith.constant 0 : i32
    return %arg0, %c0_i32 : i32, i32
  }
}

module attributes {stable_mosaic.version = 14 : i64} {
  func.func @_layer_body(%arg0: i32, %arg1: memref<2x5120x64xbf16, #tpu.memory_space<vmem>>, %arg2: memref<5120x64xbf16, #tpu.memory_space<vmem>>, %arg3: memref<2x40x128xf32, #tpu.memory_space<vmem>>, %arg4: memref<1x64xf32, #tpu.memory_space<vmem>>, %arg5: memref<64x64xf32, #tpu.memory_space<vmem>>, %arg6: memref<5120x64xbf16, #tpu.memory_space<vmem>>) attributes {dimension_semantics = [#tpu.dimension_semantics<arbitrary>], iteration_bounds = array<i64: 2>, scalar_prefetch = 0 : i64, scratch_operands = 0 : i64, tpu.core_type = #tpu.core_type<tc>, window_params = [{transform_indices = @transform_0, window_bounds = array<i64: 2, 5120, 64>}, {transform_indices = @transform_1, window_bounds = array<i64: 5120, 64>}, {transform_indices = @transform_2, window_bounds = array<i64: 2, 40, 128>}, {pipeline_mode = #tpu.pipeline_mode<synchronous>, transform_indices = @transform_3, window_bounds = array<i64: 1, 64>}, {pipeline_mode = #tpu.pipeline_mode<synchronous>, transform_indices = @transform_4, window_bounds = array<i64: 64, 64>}, {transform_indices = @transform_5, window_bounds = array<i64: 5120, 64>}]} {
    %get3A = arith.constant 0 : index
    %get3A_0 = arith.constant 0 : index
    %get3A_1 = arith.constant 0 : index
    %get3A_2 = vector.load %arg3[%get3A, %get3A_0, %get3A_1] : memref<2x40x128xf32, #tpu.memory_space<vmem>>, vector<1x40x128xf32>
    %get3A_3 = vector.shape_cast %get3A_2 : vector<1x40x128xf32> to vector<40x128xf32>
    %get3A_4 = arith.constant 1 : index
    %get3A_5 = arith.constant 0 : index
    %get3A_6 = arith.constant 0 : index
    %get3A_7 = vector.load %arg3[%get3A_4, %get3A_5, %get3A_6] : memref<2x40x128xf32, #tpu.memory_space<vmem>>, vector<1x40x128xf32>
    %get3A_8 = vector.shape_cast %get3A_7 : vector<1x40x128xf32> to vector<40x128xf32>
    %add3A = arith.addf %get3A_3, %get3A_8 : vector<40x128xf32>
    %add3A_9 = arith.constant 1.000000e+00 : f32
    %add3A_10 = vector.broadcast %add3A_9 : f32 to vector<40x128xf32>
    %add3A_11 = arith.addf %add3A, %add3A_10 : vector<40x128xf32>
    %rsqrt3A = math.rsqrt %add3A_11 : vector<40x128xf32>
    %iota3A = tpu.iota {dimensions = array<i32: 0>} : vector<128x128xi32>
    %iota3A_12 = tpu.iota {dimensions = array<i32: 1>} : vector<128x128xi32>
    %eq3A = arith.cmpi eq, %iota3A, %iota3A_12 : vector<128x128xi32>
    %convert_element_type3A = arith.extui %eq3A : vector<128x128xi1> to vector<128x128xi32>
    %convert_element_type3A_13 = arith.sitofp %convert_element_type3A : vector<128x128xi32> to vector<128x128xf32>
    %dot_general3A = arith.constant dense<0.000000e+00> : vector<128x40xf32>
    %dot_general3A_14 = tpu.matmul %convert_element_type3A_13, %rsqrt3A, %dot_general3A {dimension_numbers = #tpu.dot_dimension_numbers<[1], [1], [0], [0], [0, 0, 1, 0], [], []>, transpose_lhs_hint = false} : vector<128x128xf32>, vector<40x128xf32>, vector<128x40xf32> -> vector<128x40xf32>
    %slice3A = vector.extract_strided_slice %dot_general3A_14 {offsets = [0, 0], sizes = [128, 1], strides = [1, 1]} : vector<128x40xf32> to vector<128x1xf32>
    %slice3A_15 = vector.extract_strided_slice %dot_general3A_14 {offsets = [0, 1], sizes = [128, 1], strides = [1, 1]} : vector<128x40xf32> to vector<128x1xf32>
    %slice3A_16 = vector.extract_strided_slice %dot_general3A_14 {offsets = [0, 2], sizes = [128, 1], strides = [1, 1]} : vector<128x40xf32> to vector<128x1xf32>
    %slice3A_17 = vector.extract_strided_slice %dot_general3A_14 {offsets = [0, 3], sizes = [128, 1], strides = [1, 1]} : vector<128x40xf32> to vector<128x1xf32>
    %slice3A_18 = vector.extract_strided_slice %dot_general3A_14 {offsets = [0, 4], sizes = [128, 1], strides = [1, 1]} : vector<128x40xf32> to vector<128x1xf32>
    %slice3A_19 = vector.extract_strided_slice %dot_general3A_14 {offsets = [0, 5], sizes = [128, 1], strides = [1, 1]} : vector<128x40xf32> to vector<128x1xf32>
    %slice3A_20 = vector.extract_strided_slice %dot_general3A_14 {offsets = [0, 6], sizes = [128, 1], strides = [1, 1]} : vector<128x40xf32> to vector<128x1xf32>
    %slice3A_21 = vector.extract_strided_slice %dot_general3A_14 {offsets = [0, 7], sizes = [128, 1], strides = [1, 1]} : vector<128x40xf32> to vector<128x1xf32>
    %slice3A_22 = vector.extract_strided_slice %dot_general3A_14 {offsets = [0, 8], sizes = [128, 1], strides = [1, 1]} : vector<128x40xf32> to vector<128x1xf32>
    %slice3A_23 = vector.extract_strided_slice %dot_general3A_14 {offsets = [0, 9], sizes = [128, 1], strides = [1, 1]} : vector<128x40xf32> to vector<128x1xf32>
    %slice3A_24 = vector.extract_strided_slice %dot_general3A_14 {offsets = [0, 10], sizes = [128, 1], strides = [1, 1]} : vector<128x40xf32> to vector<128x1xf32>
    %slice3A_25 = vector.extract_strided_slice %dot_general3A_14 {offsets = [0, 11], sizes = [128, 1], strides = [1, 1]} : vector<128x40xf32> to vector<128x1xf32>
    %slice3A_26 = vector.extract_strided_slice %dot_general3A_14 {offsets = [0, 12], sizes = [128, 1], strides = [1, 1]} : vector<128x40xf32> to vector<128x1xf32>
    %slice3A_27 = vector.extract_strided_slice %dot_general3A_14 {offsets = [0, 13], sizes = [128, 1], strides = [1, 1]} : vector<128x40xf32> to vector<128x1xf32>
    %slice3A_28 = vector.extract_strided_slice %dot_general3A_14 {offsets = [0, 14], sizes = [128, 1], strides = [1, 1]} : vector<128x40xf32> to vector<128x1xf32>
    %slice3A_29 = vector.extract_strided_slice %dot_general3A_14 {offsets = [0, 15], sizes = [128, 1], strides = [1, 1]} : vector<128x40xf32> to vector<128x1xf32>
    %slice3A_30 = vector.extract_strided_slice %dot_general3A_14 {offsets = [0, 16], sizes = [128, 1], strides = [1, 1]} : vector<128x40xf32> to vector<128x1xf32>
    %slice3A_31 = vector.extract_strided_slice %dot_general3A_14 {offsets = [0, 17], sizes = [128, 1], strides = [1, 1]} : vector<128x40xf32> to vector<128x1xf32>
    %slice3A_32 = vector.extract_strided_slice %dot_general3A_14 {offsets = [0, 18], sizes = [128, 1], strides = [1, 1]} : vector<128x40xf32> to vector<128x1xf32>
    %slice3A_33 = vector.extract_strided_slice %dot_general3A_14 {offsets = [0, 19], sizes = [128, 1], strides = [1, 1]} : vector<128x40xf32> to vector<128x1xf32>
    %slice3A_34 = vector.extract_strided_slice %dot_general3A_14 {offsets = [0, 20], sizes = [128, 1], strides = [1, 1]} : vector<128x40xf32> to vector<128x1xf32>
    %slice3A_35 = vector.extract_strided_slice %dot_general3A_14 {offsets = [0, 21], sizes = [128, 1], strides = [1, 1]} : vector<128x40xf32> to vector<128x1xf32>
    %slice3A_36 = vector.extract_strided_slice %dot_general3A_14 {offsets = [0, 22], sizes = [128, 1], strides = [1, 1]} : vector<128x40xf32> to vector<128x1xf32>
    %slice3A_37 = vector.extract_strided_slice %dot_general3A_14 {offsets = [0, 23], sizes = [128, 1], strides = [1, 1]} : vector<128x40xf32> to vector<128x1xf32>
    %slice3A_38 = vector.extract_strided_slice %dot_general3A_14 {offsets = [0, 24], sizes = [128, 1], strides = [1, 1]} : vector<128x40xf32> to vector<128x1xf32>
    %slice3A_39 = vector.extract_strided_slice %dot_general3A_14 {offsets = [0, 25], sizes = [128, 1], strides = [1, 1]} : vector<128x40xf32> to vector<128x1xf32>
    %slice3A_40 = vector.extract_strided_slice %dot_general3A_14 {offsets = [0, 26], sizes = [128, 1], strides = [1, 1]} : vector<128x40xf32> to vector<128x1xf32>
    %slice3A_41 = vector.extract_strided_slice %dot_general3A_14 {offsets = [0, 27], sizes = [128, 1], strides = [1, 1]} : vector<128x40xf32> to vector<128x1xf32>
    %slice3A_42 = vector.extract_strided_slice %dot_general3A_14 {offsets = [0, 28], sizes = [128, 1], strides = [1, 1]} : vector<128x40xf32> to vector<128x1xf32>
    %slice3A_43 = vector.extract_strided_slice %dot_general3A_14 {offsets = [0, 29], sizes = [128, 1], strides = [1, 1]} : vector<128x40xf32> to vector<128x1xf32>
    %slice3A_44 = vector.extract_strided_slice %dot_general3A_14 {offsets = [0, 30], sizes = [128, 1], strides = [1, 1]} : vector<128x40xf32> to vector<128x1xf32>
    %slice3A_45 = vector.extract_strided_slice %dot_general3A_14 {offsets = [0, 31], sizes = [128, 1], strides = [1, 1]} : vector<128x40xf32> to vector<128x1xf32>
    %slice3A_46 = vector.extract_strided_slice %dot_general3A_14 {offsets = [0, 32], sizes = [128, 1], strides = [1, 1]} : vector<128x40xf32> to vector<128x1xf32>
    %slice3A_47 = vector.extract_strided_slice %dot_general3A_14 {offsets = [0, 33], sizes = [128, 1], strides = [1, 1]} : vector<128x40xf32> to vector<128x1xf32>
    %slice3A_48 = vector.extract_strided_slice %dot_general3A_14 {offsets = [0, 34], sizes = [128, 1], strides = [1, 1]} : vector<128x40xf32> to vector<128x1xf32>
    %slice3A_49 = vector.extract_strided_slice %dot_general3A_14 {offsets = [0, 35], sizes = [128, 1], strides = [1, 1]} : vector<128x40xf32> to vector<128x1xf32>
    %slice3A_50 = vector.extract_strided_slice %dot_general3A_14 {offsets = [0, 36], sizes = [128, 1], strides = [1, 1]} : vector<128x40xf32> to vector<128x1xf32>
    %slice3A_51 = vector.extract_strided_slice %dot_general3A_14 {offsets = [0, 37], sizes = [128, 1], strides = [1, 1]} : vector<128x40xf32> to vector<128x1xf32>
    %slice3A_52 = vector.extract_strided_slice %dot_general3A_14 {offsets = [0, 38], sizes = [128, 1], strides = [1, 1]} : vector<128x40xf32> to vector<128x1xf32>
    %slice3A_53 = vector.extract_strided_slice %dot_general3A_14 {offsets = [0, 39], sizes = [128, 1], strides = [1, 1]} : vector<128x40xf32> to vector<128x1xf32>
    %concatenate3A = tpu.concatenate %slice3A, %slice3A_15, %slice3A_16, %slice3A_17, %slice3A_18, %slice3A_19, %slice3A_20, %slice3A_21, %slice3A_22, %slice3A_23, %slice3A_24, %slice3A_25, %slice3A_26, %slice3A_27, %slice3A_28, %slice3A_29, %slice3A_30, %slice3A_31, %slice3A_32, %slice3A_33, %slice3A_34, %slice3A_35, %slice3A_36, %slice3A_37, %slice3A_38, %slice3A_39, %slice3A_40, %slice3A_41, %slice3A_42, %slice3A_43, %slice3A_44, %slice3A_45, %slice3A_46, %slice3A_47, %slice3A_48, %slice3A_49, %slice3A_50, %slice3A_51, %slice3A_52, %slice3A_53 in 0 : vector<128x1xf32>, vector<128x1xf32>, vector<128x1xf32>, vector<128x1xf32>, vector<128x1xf32>, vector<128x1xf32>, vector<128x1xf32>, vector<128x1xf32>, vector<128x1xf32>, vector<128x1xf32>, vector<128x1xf32>, vector<128x1xf32>, vector<128x1xf32>, vector<128x1xf32>, vector<128x1xf32>, vector<128x1xf32>, vector<128x1xf32>, vector<128x1xf32>, vector<128x1xf32>, vector<128x1xf32>, vector<128x1xf32>, vector<128x1xf32>, vector<128x1xf32>, vector<128x1xf32>, vector<128x1xf32>, vector<128x1xf32>, vector<128x1xf32>, vector<128x1xf32>, vector<128x1xf32>, vector<128x1xf32>, vector<128x1xf32>, vector<128x1xf32>, vector<128x1xf32>, vector<128x1xf32>, vector<128x1xf32>, vector<128x1xf32>, vector<128x1xf32>, vector<128x1xf32>, vector<128x1xf32>, vector<128x1xf32> -> vector<5120x1xf32>
    %get3A_54 = arith.constant 0 : index
    %get3A_55 = arith.constant 0 : index
    %get3A_56 = arith.constant 0 : index
    %get3A_57 = vector.load %arg1[%get3A_54, %get3A_55, %get3A_56] : memref<2x5120x64xbf16, #tpu.memory_space<vmem>>, vector<1x5120x64xbf16>
    %get3A_58 = vector.shape_cast %get3A_57 : vector<1x5120x64xbf16> to vector<5120x64xbf16>
    %convert_element_type3A_59 = arith.extf %get3A_58 : vector<5120x64xbf16> to vector<5120x64xf32>
    %get3A_60 = arith.constant 1 : index
    %get3A_61 = arith.constant 0 : index
    %get3A_62 = arith.constant 0 : index
    %get3A_63 = vector.load %arg1[%get3A_60, %get3A_61, %get3A_62] : memref<2x5120x64xbf16, #tpu.memory_space<vmem>>, vector<1x5120x64xbf16>
    %get3A_64 = vector.shape_cast %get3A_63 : vector<1x5120x64xbf16> to vector<5120x64xbf16>
    %convert_element_type3A_65 = arith.extf %get3A_64 : vector<5120x64xbf16> to vector<5120x64xf32>
    %add3A_66 = arith.addf %convert_element_type3A_59, %convert_element_type3A_65 : vector<5120x64xf32>
    %get3A_67 = arith.constant 0 : index
    %get3A_68 = arith.constant 0 : index
    %get3A_69 = vector.load %arg2[%get3A_67, %get3A_68] : memref<5120x64xbf16, #tpu.memory_space<vmem>>, vector<5120x64xbf16>
    %convert_element_type3A_70 = arith.extf %get3A_69 : vector<5120x64xbf16> to vector<5120x64xf32>
    %add3A_71 = arith.addf %add3A_66, %convert_element_type3A_70 : vector<5120x64xf32>
    %mul3A = vector.broadcast %concatenate3A : vector<5120x1xf32> to vector<5120x64xf32>
    %mul3A_72 = arith.mulf %add3A_71, %mul3A : vector<5120x64xf32>
    %get3A_73 = arith.constant 0 : index
    %get3A_74 = arith.constant 0 : index
    %get3A_75 = vector.load %arg4[%get3A_73, %get3A_74] : memref<1x64xf32, #tpu.memory_space<vmem>>, vector<1x64xf32>
    %add3A_76 = vector.broadcast %get3A_75 : vector<1x64xf32> to vector<5120x64xf32>
    %add3A_77 = arith.addf %mul3A_72, %add3A_76 : vector<5120x64xf32>
    %max3A = arith.constant 0.000000e+00 : f32
    %max3A_78 = vector.broadcast %max3A : f32 to vector<5120x64xf32>
    %max3A_79 = arith.maximumf %add3A_77, %max3A_78 : vector<5120x64xf32>
    %get3A_80 = arith.constant 0 : index
    %get3A_81 = arith.constant 0 : index
    %get3A_82 = vector.load %arg5[%get3A_80, %get3A_81] : memref<64x64xf32, #tpu.memory_space<vmem>>, vector<64x64xf32>
    %dot_general3A_83 = arith.constant dense<0.000000e+00> : vector<5120x64xf32>
    %dot_general3A_84 = tpu.matmul %max3A_79, %get3A_82, %dot_general3A_83 {dimension_numbers = #tpu.dot_dimension_numbers<[1], [0], [0], [1], [0, 0, 1, 1], [], []>, transpose_lhs_hint = false} : vector<5120x64xf32>, vector<64x64xf32>, vector<5120x64xf32> -> vector<5120x64xf32>
    %mul3A_85 = vector.broadcast %concatenate3A : vector<5120x1xf32> to vector<5120x64xf32>
    %mul3A_86 = arith.mulf %dot_general3A_84, %mul3A_85 : vector<5120x64xf32>
    %convert_element_type3A_87 = arith.truncf %mul3A_86 : vector<5120x64xf32> to vector<5120x64xbf16>
    %swap3A = arith.constant 0 : index
    %swap3A_88 = arith.constant 0 : index
    %swap3A_89 = vector.load %arg6[%swap3A, %swap3A_88] : memref<5120x64xbf16, #tpu.memory_space<vmem>>, vector<5120x64xbf16>
    tpu.vector_store %arg6[%swap3A, %swap3A_88], %convert_element_type3A_87 {strides = array<i32>} : memref<5120x64xbf16, #tpu.memory_space<vmem>>, vector<5120x64xbf16>,
    return
  }
  func.func @transform_0(%arg0: i32) -> (i32, i32, i32) {
    %c0_i32 = arith.constant 0 : i32
    %c0_i32_0 = arith.constant 0 : i32
    %c0_i32_1 = arith.constant 0 : i32
    return %c0_i32, %arg0, %c0_i32_0 : i32, i32, i32
  }
  func.func @transform_1(%arg0: i32) -> (i32, i32) {
    %c0_i32 = arith.constant 0 : i32
    %c0_i32_0 = arith.constant 0 : i32
    return %arg0, %c0_i32 : i32, i32
  }
  func.func @transform_2(%arg0: i32) -> (i32, i32, i32) {
    %c0_i32 = arith.constant 0 : i32
    %c0_i32_0 = arith.constant 0 : i32
    %c0_i32_1 = arith.constant 0 : i32
    return %c0_i32, %arg0, %c0_i32_0 : i32, i32, i32
  }
  func.func @transform_3(%arg0: i32) -> (i32, i32) {
    %c0_i32 = arith.constant 0 : i32
    %c0_i32_0 = arith.constant 0 : i32
    %c0_i32_1 = arith.constant 0 : i32
    return %c0_i32, %c0_i32_0 : i32, i32
  }
  func.func @transform_4(%arg0: i32) -> (i32, i32) {
    %c0_i32 = arith.constant 0 : i32
    %c0_i32_0 = arith.constant 0 : i32
    %c0_i32_1 = arith.constant 0 : i32
    return %c0_i32, %c0_i32_0 : i32, i32
  }
  func.func @transform_5(%arg0: i32) -> (i32, i32) {
    %c0_i32 = arith.constant 0 : i32
    %c0_i32_0 = arith.constant 0 : i32
    return %arg0, %c0_i32 : i32, i32
  }
}

module attributes {stable_mosaic.version = 14 : i64} {
  func.func @_final_body(%arg0: i32, %arg1: memref<2x5120x64xbf16, #tpu.memory_space<vmem>>, %arg2: memref<5120x64xbf16, #tpu.memory_space<vmem>>, %arg3: memref<2x40x128xf32, #tpu.memory_space<vmem>>, %arg4: memref<1x64xf32, #tpu.memory_space<vmem>>, %arg5: memref<40x128xi32, #tpu.memory_space<vmem>>, %arg6: memref<64x64xf32, #tpu.memory_space<vmem>>, %arg7: memref<1x64xf32, #tpu.memory_space<vmem>>, %arg8: memref<16x64xf32, #tpu.memory_space<vmem>>, %arg9: memref<16x64xf32, #tpu.memory_space<vmem>>, %arg10: memref<16x1xf32, #tpu.memory_space<vmem>>) attributes {dimension_semantics = [#tpu.dimension_semantics<arbitrary>], iteration_bounds = array<i64: 2>, scalar_prefetch = 0 : i64, scratch_operands = 2 : i64, tpu.core_type = #tpu.core_type<tc>, window_params = [{transform_indices = @transform_0, window_bounds = array<i64: 2, 5120, 64>}, {transform_indices = @transform_1, window_bounds = array<i64: 5120, 64>}, {transform_indices = @transform_2, window_bounds = array<i64: 2, 40, 128>}, {pipeline_mode = #tpu.pipeline_mode<synchronous>, transform_indices = @transform_3, window_bounds = array<i64: 1, 64>}, {transform_indices = @transform_4, window_bounds = array<i64: 40, 128>}, {pipeline_mode = #tpu.pipeline_mode<synchronous>, transform_indices = @transform_5, window_bounds = array<i64: 64, 64>}, {pipeline_mode = #tpu.pipeline_mode<synchronous>, transform_indices = @transform_6, window_bounds = array<i64: 1, 64>}, {pipeline_mode = #tpu.pipeline_mode<synchronous>, transform_indices = @transform_7, window_bounds = array<i64: 16, 64>}]} {
    %eq3A = arith.constant 0 : i32
    %eq3A_0 = arith.cmpi eq, %arg0, %eq3A : i32
    %convert_element_type3A = arith.extui %eq3A_0 : i1 to i32
    %cond3A = arith.constant 0 : i32
    %cond3A_1 = arith.cmpi ne, %convert_element_type3A, %cond3A : i32
    scf.if %cond3A_1 {
      %broadcast_in_dim3A_166 = arith.constant 0.000000e+00 : f32
      %broadcast_in_dim3A_167 = vector.broadcast %broadcast_in_dim3A_166 : f32 to vector<16x64xf32>
      %swap3A_168 = arith.constant 0 : index
      %swap3A_169 = arith.constant 0 : index
      %swap3A_170 = vector.load %arg9[%swap3A_168, %swap3A_169] : memref<16x64xf32, #tpu.memory_space<vmem>>, vector<16x64xf32>
      tpu.vector_store %arg9[%swap3A_168, %swap3A_169], %broadcast_in_dim3A_167 {strides = array<i32>} : memref<16x64xf32, #tpu.memory_space<vmem>>, vector<16x64xf32>,
      %broadcast_in_dim3A_171 = arith.constant 0.000000e+00 : f32
      %broadcast_in_dim3A_172 = vector.broadcast %broadcast_in_dim3A_171 : f32 to vector<16x1xf32>
      %swap3A_173 = arith.constant 0 : index
      %swap3A_174 = arith.constant 0 : index
      %swap3A_175 = vector.load %arg10[%swap3A_173, %swap3A_174] : memref<16x1xf32, #tpu.memory_space<vmem>>, vector<16x1xf32>
      tpu.vector_store %arg10[%swap3A_173, %swap3A_174], %broadcast_in_dim3A_172 {strides = array<i32>} : memref<16x1xf32, #tpu.memory_space<vmem>>, vector<16x1xf32>,
    } else {
    }
    %get3A = arith.constant 0 : index
    %get3A_2 = arith.constant 0 : index
    %get3A_3 = arith.constant 0 : index
    %get3A_4 = vector.load %arg3[%get3A, %get3A_2, %get3A_3] : memref<2x40x128xf32, #tpu.memory_space<vmem>>, vector<1x40x128xf32>
    %get3A_5 = vector.shape_cast %get3A_4 : vector<1x40x128xf32> to vector<40x128xf32>
    %get3A_6 = arith.constant 1 : index
    %get3A_7 = arith.constant 0 : index
    %get3A_8 = arith.constant 0 : index
    %get3A_9 = vector.load %arg3[%get3A_6, %get3A_7, %get3A_8] : memref<2x40x128xf32, #tpu.memory_space<vmem>>, vector<1x40x128xf32>
    %get3A_10 = vector.shape_cast %get3A_9 : vector<1x40x128xf32> to vector<40x128xf32>
    %add3A = arith.addf %get3A_5, %get3A_10 : vector<40x128xf32>
    %add3A_11 = arith.constant 1.000000e+00 : f32
    %add3A_12 = vector.broadcast %add3A_11 : f32 to vector<40x128xf32>
    %add3A_13 = arith.addf %add3A, %add3A_12 : vector<40x128xf32>
    %rsqrt3A = math.rsqrt %add3A_13 : vector<40x128xf32>
    %iota3A = tpu.iota {dimensions = array<i32: 0>} : vector<128x128xi32>
    %iota3A_14 = tpu.iota {dimensions = array<i32: 1>} : vector<128x128xi32>
    %eq3A_15 = arith.cmpi eq, %iota3A, %iota3A_14 : vector<128x128xi32>
    %convert_element_type3A_16 = arith.extui %eq3A_15 : vector<128x128xi1> to vector<128x128xi32>
    %convert_element_type3A_17 = arith.sitofp %convert_element_type3A_16 : vector<128x128xi32> to vector<128x128xf32>
    %dot_general3A = arith.constant dense<0.000000e+00> : vector<128x40xf32>
    %dot_general3A_18 = tpu.matmul %convert_element_type3A_17, %rsqrt3A, %dot_general3A {dimension_numbers = #tpu.dot_dimension_numbers<[1], [1], [0], [0], [0, 0, 1, 0], [], []>, transpose_lhs_hint = false} : vector<128x128xf32>, vector<40x128xf32>, vector<128x40xf32> -> vector<128x40xf32>
    %slice3A = vector.extract_strided_slice %dot_general3A_18 {offsets = [0, 0], sizes = [128, 1], strides = [1, 1]} : vector<128x40xf32> to vector<128x1xf32>
    %slice3A_19 = vector.extract_strided_slice %dot_general3A_18 {offsets = [0, 1], sizes = [128, 1], strides = [1, 1]} : vector<128x40xf32> to vector<128x1xf32>
    %slice3A_20 = vector.extract_strided_slice %dot_general3A_18 {offsets = [0, 2], sizes = [128, 1], strides = [1, 1]} : vector<128x40xf32> to vector<128x1xf32>
    %slice3A_21 = vector.extract_strided_slice %dot_general3A_18 {offsets = [0, 3], sizes = [128, 1], strides = [1, 1]} : vector<128x40xf32> to vector<128x1xf32>
    %slice3A_22 = vector.extract_strided_slice %dot_general3A_18 {offsets = [0, 4], sizes = [128, 1], strides = [1, 1]} : vector<128x40xf32> to vector<128x1xf32>
    %slice3A_23 = vector.extract_strided_slice %dot_general3A_18 {offsets = [0, 5], sizes = [128, 1], strides = [1, 1]} : vector<128x40xf32> to vector<128x1xf32>
    %slice3A_24 = vector.extract_strided_slice %dot_general3A_18 {offsets = [0, 6], sizes = [128, 1], strides = [1, 1]} : vector<128x40xf32> to vector<128x1xf32>
    %slice3A_25 = vector.extract_strided_slice %dot_general3A_18 {offsets = [0, 7], sizes = [128, 1], strides = [1, 1]} : vector<128x40xf32> to vector<128x1xf32>
    %slice3A_26 = vector.extract_strided_slice %dot_general3A_18 {offsets = [0, 8], sizes = [128, 1], strides = [1, 1]} : vector<128x40xf32> to vector<128x1xf32>
    %slice3A_27 = vector.extract_strided_slice %dot_general3A_18 {offsets = [0, 9], sizes = [128, 1], strides = [1, 1]} : vector<128x40xf32> to vector<128x1xf32>
    %slice3A_28 = vector.extract_strided_slice %dot_general3A_18 {offsets = [0, 10], sizes = [128, 1], strides = [1, 1]} : vector<128x40xf32> to vector<128x1xf32>
    %slice3A_29 = vector.extract_strided_slice %dot_general3A_18 {offsets = [0, 11], sizes = [128, 1], strides = [1, 1]} : vector<128x40xf32> to vector<128x1xf32>
    %slice3A_30 = vector.extract_strided_slice %dot_general3A_18 {offsets = [0, 12], sizes = [128, 1], strides = [1, 1]} : vector<128x40xf32> to vector<128x1xf32>
    %slice3A_31 = vector.extract_strided_slice %dot_general3A_18 {offsets = [0, 13], sizes = [128, 1], strides = [1, 1]} : vector<128x40xf32> to vector<128x1xf32>
    %slice3A_32 = vector.extract_strided_slice %dot_general3A_18 {offsets = [0, 14], sizes = [128, 1], strides = [1, 1]} : vector<128x40xf32> to vector<128x1xf32>
    %slice3A_33 = vector.extract_strided_slice %dot_general3A_18 {offsets = [0, 15], sizes = [128, 1], strides = [1, 1]} : vector<128x40xf32> to vector<128x1xf32>
    %slice3A_34 = vector.extract_strided_slice %dot_general3A_18 {offsets = [0, 16], sizes = [128, 1], strides = [1, 1]} : vector<128x40xf32> to vector<128x1xf32>
    %slice3A_35 = vector.extract_strided_slice %dot_general3A_18 {offsets = [0, 17], sizes = [128, 1], strides = [1, 1]} : vector<128x40xf32> to vector<128x1xf32>
    %slice3A_36 = vector.extract_strided_slice %dot_general3A_18 {offsets = [0, 18], sizes = [128, 1], strides = [1, 1]} : vector<128x40xf32> to vector<128x1xf32>
    %slice3A_37 = vector.extract_strided_slice %dot_general3A_18 {offsets = [0, 19], sizes = [128, 1], strides = [1, 1]} : vector<128x40xf32> to vector<128x1xf32>
    %slice3A_38 = vector.extract_strided_slice %dot_general3A_18 {offsets = [0, 20], sizes = [128, 1], strides = [1, 1]} : vector<128x40xf32> to vector<128x1xf32>
    %slice3A_39 = vector.extract_strided_slice %dot_general3A_18 {offsets = [0, 21], sizes = [128, 1], strides = [1, 1]} : vector<128x40xf32> to vector<128x1xf32>
    %slice3A_40 = vector.extract_strided_slice %dot_general3A_18 {offsets = [0, 22], sizes = [128, 1], strides = [1, 1]} : vector<128x40xf32> to vector<128x1xf32>
    %slice3A_41 = vector.extract_strided_slice %dot_general3A_18 {offsets = [0, 23], sizes = [128, 1], strides = [1, 1]} : vector<128x40xf32> to vector<128x1xf32>
    %slice3A_42 = vector.extract_strided_slice %dot_general3A_18 {offsets = [0, 24], sizes = [128, 1], strides = [1, 1]} : vector<128x40xf32> to vector<128x1xf32>
    %slice3A_43 = vector.extract_strided_slice %dot_general3A_18 {offsets = [0, 25], sizes = [128, 1], strides = [1, 1]} : vector<128x40xf32> to vector<128x1xf32>
    %slice3A_44 = vector.extract_strided_slice %dot_general3A_18 {offsets = [0, 26], sizes = [128, 1], strides = [1, 1]} : vector<128x40xf32> to vector<128x1xf32>
    %slice3A_45 = vector.extract_strided_slice %dot_general3A_18 {offsets = [0, 27], sizes = [128, 1], strides = [1, 1]} : vector<128x40xf32> to vector<128x1xf32>
    %slice3A_46 = vector.extract_strided_slice %dot_general3A_18 {offsets = [0, 28], sizes = [128, 1], strides = [1, 1]} : vector<128x40xf32> to vector<128x1xf32>
    %slice3A_47 = vector.extract_strided_slice %dot_general3A_18 {offsets = [0, 29], sizes = [128, 1], strides = [1, 1]} : vector<128x40xf32> to vector<128x1xf32>
    %slice3A_48 = vector.extract_strided_slice %dot_general3A_18 {offsets = [0, 30], sizes = [128, 1], strides = [1, 1]} : vector<128x40xf32> to vector<128x1xf32>
    %slice3A_49 = vector.extract_strided_slice %dot_general3A_18 {offsets = [0, 31], sizes = [128, 1], strides = [1, 1]} : vector<128x40xf32> to vector<128x1xf32>
    %slice3A_50 = vector.extract_strided_slice %dot_general3A_18 {offsets = [0, 32], sizes = [128, 1], strides = [1, 1]} : vector<128x40xf32> to vector<128x1xf32>
    %slice3A_51 = vector.extract_strided_slice %dot_general3A_18 {offsets = [0, 33], sizes = [128, 1], strides = [1, 1]} : vector<128x40xf32> to vector<128x1xf32>
    %slice3A_52 = vector.extract_strided_slice %dot_general3A_18 {offsets = [0, 34], sizes = [128, 1], strides = [1, 1]} : vector<128x40xf32> to vector<128x1xf32>
    %slice3A_53 = vector.extract_strided_slice %dot_general3A_18 {offsets = [0, 35], sizes = [128, 1], strides = [1, 1]} : vector<128x40xf32> to vector<128x1xf32>
    %slice3A_54 = vector.extract_strided_slice %dot_general3A_18 {offsets = [0, 36], sizes = [128, 1], strides = [1, 1]} : vector<128x40xf32> to vector<128x1xf32>
    %slice3A_55 = vector.extract_strided_slice %dot_general3A_18 {offsets = [0, 37], sizes = [128, 1], strides = [1, 1]} : vector<128x40xf32> to vector<128x1xf32>
    %slice3A_56 = vector.extract_strided_slice %dot_general3A_18 {offsets = [0, 38], sizes = [128, 1], strides = [1, 1]} : vector<128x40xf32> to vector<128x1xf32>
    %slice3A_57 = vector.extract_strided_slice %dot_general3A_18 {offsets = [0, 39], sizes = [128, 1], strides = [1, 1]} : vector<128x40xf32> to vector<128x1xf32>
    %concatenate3A = tpu.concatenate %slice3A, %slice3A_19, %slice3A_20, %slice3A_21, %slice3A_22, %slice3A_23, %slice3A_24, %slice3A_25, %slice3A_26, %slice3A_27, %slice3A_28, %slice3A_29, %slice3A_30, %slice3A_31, %slice3A_32, %slice3A_33, %slice3A_34, %slice3A_35, %slice3A_36, %slice3A_37, %slice3A_38, %slice3A_39, %slice3A_40, %slice3A_41, %slice3A_42, %slice3A_43, %slice3A_44, %slice3A_45, %slice3A_46, %slice3A_47, %slice3A_48, %slice3A_49, %slice3A_50, %slice3A_51, %slice3A_52, %slice3A_53, %slice3A_54, %slice3A_55, %slice3A_56, %slice3A_57 in 0 : vector<128x1xf32>, vector<128x1xf32>, vector<128x1xf32>, vector<128x1xf32>, vector<128x1xf32>, vector<128x1xf32>, vector<128x1xf32>, vector<128x1xf32>, vector<128x1xf32>, vector<128x1xf32>, vector<128x1xf32>, vector<128x1xf32>, vector<128x1xf32>, vector<128x1xf32>, vector<128x1xf32>, vector<128x1xf32>, vector<128x1xf32>, vector<128x1xf32>, vector<128x1xf32>, vector<128x1xf32>, vector<128x1xf32>, vector<128x1xf32>, vector<128x1xf32>, vector<128x1xf32>, vector<128x1xf32>, vector<128x1xf32>, vector<128x1xf32>, vector<128x1xf32>, vector<128x1xf32>, vector<128x1xf32>, vector<128x1xf32>, vector<128x1xf32>, vector<128x1xf32>, vector<128x1xf32>, vector<128x1xf32>, vector<128x1xf32>, vector<128x1xf32>, vector<128x1xf32>, vector<128x1xf32>, vector<128x1xf32> -> vector<5120x1xf32>
    %get3A_58 = arith.constant 0 : index
    %get3A_59 = arith.constant 0 : index
    %get3A_60 = arith.constant 0 : index
    %get3A_61 = vector.load %arg1[%get3A_58, %get3A_59, %get3A_60] : memref<2x5120x64xbf16, #tpu.memory_space<vmem>>, vector<1x5120x64xbf16>
    %get3A_62 = vector.shape_cast %get3A_61 : vector<1x5120x64xbf16> to vector<5120x64xbf16>
    %convert_element_type3A_63 = arith.extf %get3A_62 : vector<5120x64xbf16> to vector<5120x64xf32>
    %get3A_64 = arith.constant 1 : index
    %get3A_65 = arith.constant 0 : index
    %get3A_66 = arith.constant 0 : index
    %get3A_67 = vector.load %arg1[%get3A_64, %get3A_65, %get3A_66] : memref<2x5120x64xbf16, #tpu.memory_space<vmem>>, vector<1x5120x64xbf16>
    %get3A_68 = vector.shape_cast %get3A_67 : vector<1x5120x64xbf16> to vector<5120x64xbf16>
    %convert_element_type3A_69 = arith.extf %get3A_68 : vector<5120x64xbf16> to vector<5120x64xf32>
    %add3A_70 = arith.addf %convert_element_type3A_63, %convert_element_type3A_69 : vector<5120x64xf32>
    %get3A_71 = arith.constant 0 : index
    %get3A_72 = arith.constant 0 : index
    %get3A_73 = vector.load %arg2[%get3A_71, %get3A_72] : memref<5120x64xbf16, #tpu.memory_space<vmem>>, vector<5120x64xbf16>
    %convert_element_type3A_74 = arith.extf %get3A_73 : vector<5120x64xbf16> to vector<5120x64xf32>
    %add3A_75 = arith.addf %add3A_70, %convert_element_type3A_74 : vector<5120x64xf32>
    %mul3A = vector.broadcast %concatenate3A : vector<5120x1xf32> to vector<5120x64xf32>
    %mul3A_76 = arith.mulf %add3A_75, %mul3A : vector<5120x64xf32>
    %get3A_77 = arith.constant 0 : index
    %get3A_78 = arith.constant 0 : index
    %get3A_79 = vector.load %arg4[%get3A_77, %get3A_78] : memref<1x64xf32, #tpu.memory_space<vmem>>, vector<1x64xf32>
    %add3A_80 = vector.broadcast %get3A_79 : vector<1x64xf32> to vector<5120x64xf32>
    %add3A_81 = arith.addf %mul3A_76, %add3A_80 : vector<5120x64xf32>
    %max3A = arith.constant 0.000000e+00 : f32
    %max3A_82 = vector.broadcast %max3A : f32 to vector<5120x64xf32>
    %max3A_83 = arith.maximumf %add3A_81, %max3A_82 : vector<5120x64xf32>
    %get3A_84 = arith.constant 0 : index
    %get3A_85 = arith.constant 0 : index
    %get3A_86 = vector.load %arg5[%get3A_84, %get3A_85] : memref<40x128xi32, #tpu.memory_space<vmem>>, vector<40x128xi32>
    %convert_element_type3A_87 = arith.sitofp %get3A_86 : vector<40x128xi32> to vector<40x128xf32>
    %iota3A_88 = tpu.iota {dimensions = array<i32: 0>} : vector<128x128xi32>
    %iota3A_89 = tpu.iota {dimensions = array<i32: 1>} : vector<128x128xi32>
    %eq3A_90 = arith.cmpi eq, %iota3A_88, %iota3A_89 : vector<128x128xi32>
    %convert_element_type3A_91 = arith.extui %eq3A_90 : vector<128x128xi1> to vector<128x128xi32>
    %convert_element_type3A_92 = arith.sitofp %convert_element_type3A_91 : vector<128x128xi32> to vector<128x128xf32>
    %dot_general3A_93 = arith.constant dense<0.000000e+00> : vector<128x40xf32>
    %dot_general3A_94 = tpu.matmul %convert_element_type3A_92, %convert_element_type3A_87, %dot_general3A_93 {dimension_numbers = #tpu.dot_dimension_numbers<[1], [1], [0], [0], [0, 0, 1, 0], [], []>, transpose_lhs_hint = false} : vector<128x128xf32>, vector<40x128xf32>, vector<128x40xf32> -> vector<128x40xf32>
    %slice3A_95 = vector.extract_strided_slice %dot_general3A_94 {offsets = [0, 0], sizes = [128, 1], strides = [1, 1]} : vector<128x40xf32> to vector<128x1xf32>
    %slice3A_96 = vector.extract_strided_slice %dot_general3A_94 {offsets = [0, 1], sizes = [128, 1], strides = [1, 1]} : vector<128x40xf32> to vector<128x1xf32>
    %slice3A_97 = vector.extract_strided_slice %dot_general3A_94 {offsets = [0, 2], sizes = [128, 1], strides = [1, 1]} : vector<128x40xf32> to vector<128x1xf32>
    %slice3A_98 = vector.extract_strided_slice %dot_general3A_94 {offsets = [0, 3], sizes = [128, 1], strides = [1, 1]} : vector<128x40xf32> to vector<128x1xf32>
    %slice3A_99 = vector.extract_strided_slice %dot_general3A_94 {offsets = [0, 4], sizes = [128, 1], strides = [1, 1]} : vector<128x40xf32> to vector<128x1xf32>
    %slice3A_100 = vector.extract_strided_slice %dot_general3A_94 {offsets = [0, 5], sizes = [128, 1], strides = [1, 1]} : vector<128x40xf32> to vector<128x1xf32>
    %slice3A_101 = vector.extract_strided_slice %dot_general3A_94 {offsets = [0, 6], sizes = [128, 1], strides = [1, 1]} : vector<128x40xf32> to vector<128x1xf32>
    %slice3A_102 = vector.extract_strided_slice %dot_general3A_94 {offsets = [0, 7], sizes = [128, 1], strides = [1, 1]} : vector<128x40xf32> to vector<128x1xf32>
    %slice3A_103 = vector.extract_strided_slice %dot_general3A_94 {offsets = [0, 8], sizes = [128, 1], strides = [1, 1]} : vector<128x40xf32> to vector<128x1xf32>
    %slice3A_104 = vector.extract_strided_slice %dot_general3A_94 {offsets = [0, 9], sizes = [128, 1], strides = [1, 1]} : vector<128x40xf32> to vector<128x1xf32>
    %slice3A_105 = vector.extract_strided_slice %dot_general3A_94 {offsets = [0, 10], sizes = [128, 1], strides = [1, 1]} : vector<128x40xf32> to vector<128x1xf32>
    %slice3A_106 = vector.extract_strided_slice %dot_general3A_94 {offsets = [0, 11], sizes = [128, 1], strides = [1, 1]} : vector<128x40xf32> to vector<128x1xf32>
    %slice3A_107 = vector.extract_strided_slice %dot_general3A_94 {offsets = [0, 12], sizes = [128, 1], strides = [1, 1]} : vector<128x40xf32> to vector<128x1xf32>
    %slice3A_108 = vector.extract_strided_slice %dot_general3A_94 {offsets = [0, 13], sizes = [128, 1], strides = [1, 1]} : vector<128x40xf32> to vector<128x1xf32>
    %slice3A_109 = vector.extract_strided_slice %dot_general3A_94 {offsets = [0, 14], sizes = [128, 1], strides = [1, 1]} : vector<128x40xf32> to vector<128x1xf32>
    %slice3A_110 = vector.extract_strided_slice %dot_general3A_94 {offsets = [0, 15], sizes = [128, 1], strides = [1, 1]} : vector<128x40xf32> to vector<128x1xf32>
    %slice3A_111 = vector.extract_strided_slice %dot_general3A_94 {offsets = [0, 16], sizes = [128, 1], strides = [1, 1]} : vector<128x40xf32> to vector<128x1xf32>
    %slice3A_112 = vector.extract_strided_slice %dot_general3A_94 {offsets = [0, 17], sizes = [128, 1], strides = [1, 1]} : vector<128x40xf32> to vector<128x1xf32>
    %slice3A_113 = vector.extract_strided_slice %dot_general3A_94 {offsets = [0, 18], sizes = [128, 1], strides = [1, 1]} : vector<128x40xf32> to vector<128x1xf32>
    %slice3A_114 = vector.extract_strided_slice %dot_general3A_94 {offsets = [0, 19], sizes = [128, 1], strides = [1, 1]} : vector<128x40xf32> to vector<128x1xf32>
    %slice3A_115 = vector.extract_strided_slice %dot_general3A_94 {offsets = [0, 20], sizes = [128, 1], strides = [1, 1]} : vector<128x40xf32> to vector<128x1xf32>
    %slice3A_116 = vector.extract_strided_slice %dot_general3A_94 {offsets = [0, 21], sizes = [128, 1], strides = [1, 1]} : vector<128x40xf32> to vector<128x1xf32>
    %slice3A_117 = vector.extract_strided_slice %dot_general3A_94 {offsets = [0, 22], sizes = [128, 1], strides = [1, 1]} : vector<128x40xf32> to vector<128x1xf32>
    %slice3A_118 = vector.extract_strided_slice %dot_general3A_94 {offsets = [0, 23], sizes = [128, 1], strides = [1, 1]} : vector<128x40xf32> to vector<128x1xf32>
    %slice3A_119 = vector.extract_strided_slice %dot_general3A_94 {offsets = [0, 24], sizes = [128, 1], strides = [1, 1]} : vector<128x40xf32> to vector<128x1xf32>
    %slice3A_120 = vector.extract_strided_slice %dot_general3A_94 {offsets = [0, 25], sizes = [128, 1], strides = [1, 1]} : vector<128x40xf32> to vector<128x1xf32>
    %slice3A_121 = vector.extract_strided_slice %dot_general3A_94 {offsets = [0, 26], sizes = [128, 1], strides = [1, 1]} : vector<128x40xf32> to vector<128x1xf32>
    %slice3A_122 = vector.extract_strided_slice %dot_general3A_94 {offsets = [0, 27], sizes = [128, 1], strides = [1, 1]} : vector<128x40xf32> to vector<128x1xf32>
    %slice3A_123 = vector.extract_strided_slice %dot_general3A_94 {offsets = [0, 28], sizes = [128, 1], strides = [1, 1]} : vector<128x40xf32> to vector<128x1xf32>
    %slice3A_124 = vector.extract_strided_slice %dot_general3A_94 {offsets = [0, 29], sizes = [128, 1], strides = [1, 1]} : vector<128x40xf32> to vector<128x1xf32>
    %slice3A_125 = vector.extract_strided_slice %dot_general3A_94 {offsets = [0, 30], sizes = [128, 1], strides = [1, 1]} : vector<128x40xf32> to vector<128x1xf32>
    %slice3A_126 = vector.extract_strided_slice %dot_general3A_94 {offsets = [0, 31], sizes = [128, 1], strides = [1, 1]} : vector<128x40xf32> to vector<128x1xf32>
    %slice3A_127 = vector.extract_strided_slice %dot_general3A_94 {offsets = [0, 32], sizes = [128, 1], strides = [1, 1]} : vector<128x40xf32> to vector<128x1xf32>
    %slice3A_128 = vector.extract_strided_slice %dot_general3A_94 {offsets = [0, 33], sizes = [128, 1], strides = [1, 1]} : vector<128x40xf32> to vector<128x1xf32>
    %slice3A_129 = vector.extract_strided_slice %dot_general3A_94 {offsets = [0, 34], sizes = [128, 1], strides = [1, 1]} : vector<128x40xf32> to vector<128x1xf32>
    %slice3A_130 = vector.extract_strided_slice %dot_general3A_94 {offsets = [0, 35], sizes = [128, 1], strides = [1, 1]} : vector<128x40xf32> to vector<128x1xf32>
    %slice3A_131 = vector.extract_strided_slice %dot_general3A_94 {offsets = [0, 36], sizes = [128, 1], strides = [1, 1]} : vector<128x40xf32> to vector<128x1xf32>
    %slice3A_132 = vector.extract_strided_slice %dot_general3A_94 {offsets = [0, 37], sizes = [128, 1], strides = [1, 1]} : vector<128x40xf32> to vector<128x1xf32>
    %slice3A_133 = vector.extract_strided_slice %dot_general3A_94 {offsets = [0, 38], sizes = [128, 1], strides = [1, 1]} : vector<128x40xf32> to vector<128x1xf32>
    %slice3A_134 = vector.extract_strided_slice %dot_general3A_94 {offsets = [0, 39], sizes = [128, 1], strides = [1, 1]} : vector<128x40xf32> to vector<128x1xf32>
    %concatenate3A_135 = tpu.concatenate %slice3A_95, %slice3A_96, %slice3A_97, %slice3A_98, %slice3A_99, %slice3A_100, %slice3A_101, %slice3A_102, %slice3A_103, %slice3A_104, %slice3A_105, %slice3A_106, %slice3A_107, %slice3A_108, %slice3A_109, %slice3A_110, %slice3A_111, %slice3A_112, %slice3A_113, %slice3A_114, %slice3A_115, %slice3A_116, %slice3A_117, %slice3A_118, %slice3A_119, %slice3A_120, %slice3A_121, %slice3A_122, %slice3A_123, %slice3A_124, %slice3A_125, %slice3A_126, %slice3A_127, %slice3A_128, %slice3A_129, %slice3A_130, %slice3A_131, %slice3A_132, %slice3A_133, %slice3A_134 in 0 : vector<128x1xf32>, vector<128x1xf32>, vector<128x1xf32>, vector<128x1xf32>, vector<128x1xf32>, vector<128x1xf32>, vector<128x1xf32>, vector<128x1xf32>, vector<128x1xf32>, vector<128x1xf32>, vector<128x1xf32>, vector<128x1xf32>, vector<128x1xf32>, vector<128x1xf32>, vector<128x1xf32>, vector<128x1xf32>, vector<128x1xf32>, vector<128x1xf32>, vector<128x1xf32>, vector<128x1xf32>, vector<128x1xf32>, vector<128x1xf32>, vector<128x1xf32>, vector<128x1xf32>, vector<128x1xf32>, vector<128x1xf32>, vector<128x1xf32>, vector<128x1xf32>, vector<128x1xf32>, vector<128x1xf32>, vector<128x1xf32>, vector<128x1xf32>, vector<128x1xf32>, vector<128x1xf32>, vector<128x1xf32>, vector<128x1xf32>, vector<128x1xf32>, vector<128x1xf32>, vector<128x1xf32>, vector<128x1xf32> -> vector<5120x1xf32>
    %iota3A_136 = tpu.iota {dimensions = array<i32: 1>} : vector<1x16xi32>
    %convert_element_type3A_137 = arith.sitofp %iota3A_136 : vector<1x16xi32> to vector<1x16xf32>
    %eq3A_138 = vector.broadcast %concatenate3A_135 : vector<5120x1xf32> to vector<5120x16xf32>
    %eq3A_139 = vector.broadcast %convert_element_type3A_137 : vector<1x16xf32> to vector<5120x16xf32>
    %eq3A_140 = arith.cmpf oeq, %eq3A_138, %eq3A_139 : vector<5120x16xf32>
    %convert_element_type3A_141 = arith.extui %eq3A_140 : vector<5120x16xi1> to vector<5120x16xi32>
    %convert_element_type3A_142 = arith.sitofp %convert_element_type3A_141 : vector<5120x16xi32> to vector<5120x16xf32>
    %get3A_143 = arith.constant 0 : index
    %get3A_144 = arith.constant 0 : index
    %get3A_145 = vector.load %arg9[%get3A_143, %get3A_144] : memref<16x64xf32, #tpu.memory_space<vmem>>, vector<16x64xf32>
    %dot_general3A_146 = arith.constant dense<0.000000e+00> : vector<16x64xf32>
    %dot_general3A_147 = tpu.matmul %convert_element_type3A_142, %max3A_83, %dot_general3A_146 {dimension_numbers = #tpu.dot_dimension_numbers<[0], [0], [1], [1], [0, 1, 1, 1], [], []>, transpose_lhs_hint = false} : vector<5120x16xf32>, vector<5120x64xf32>, vector<16x64xf32> -> vector<16x64xf32>
    %add3A_148 = arith.addf %get3A_145, %dot_general3A_147 : vector<16x64xf32>
    %swap3A = arith.constant 0 : index
    %swap3A_149 = arith.constant 0 : index
    %swap3A_150 = vector.load %arg9[%swap3A, %swap3A_149] : memref<16x64xf32, #tpu.memory_space<vmem>>, vector<16x64xf32>
    tpu.vector_store %arg9[%swap3A, %swap3A_149], %add3A_148 {strides = array<i32>} : memref<16x64xf32, #tpu.memory_space<vmem>>, vector<16x64xf32>,
    %get3A_151 = arith.constant 0 : index
    %get3A_152 = arith.constant 0 : index
    %get3A_153 = vector.load %arg10[%get3A_151, %get3A_152] : memref<16x1xf32, #tpu.memory_space<vmem>>, vector<16x1xf32>
    %broadcast_in_dim3A = arith.constant 1.000000e+00 : f32
    %broadcast_in_dim3A_154 = vector.broadcast %broadcast_in_dim3A : f32 to vector<5120x1xf32>
    %dot_general3A_155 = arith.constant dense<0.000000e+00> : vector<16x1xf32>
    %dot_general3A_156 = tpu.matmul %convert_element_type3A_142, %broadcast_in_dim3A_154, %dot_general3A_155 {dimension_numbers = #tpu.dot_dimension_numbers<[0], [0], [1], [1], [0, 1, 1, 1], [], []>, transpose_lhs_hint = false} : vector<5120x16xf32>, vector<5120x1xf32>, vector<16x1xf32> -> vector<16x1xf32>
    %add3A_157 = arith.addf %get3A_153, %dot_general3A_156 : vector<16x1xf32>
    %swap3A_158 = arith.constant 0 : index
    %swap3A_159 = arith.constant 0 : index
    %swap3A_160 = vector.load %arg10[%swap3A_158, %swap3A_159] : memref<16x1xf32, #tpu.memory_space<vmem>>, vector<16x1xf32>
    tpu.vector_store %arg10[%swap3A_158, %swap3A_159], %add3A_157 {strides = array<i32>} : memref<16x1xf32, #tpu.memory_space<vmem>>, vector<16x1xf32>,
    %eq3A_161 = arith.constant 1 : i32
    %eq3A_162 = arith.cmpi eq, %arg0, %eq3A_161 : i32
    %convert_element_type3A_163 = arith.extui %eq3A_162 : i1 to i32
    %cond3A_164 = arith.constant 0 : i32
    %cond3A_165 = arith.cmpi ne, %convert_element_type3A_163, %cond3A_164 : i32
    scf.if %cond3A_165 {
      %get3A_166 = arith.constant 0 : index
      %get3A_167 = arith.constant 0 : index
      %get3A_168 = vector.load %arg9[%get3A_166, %get3A_167] : memref<16x64xf32, #tpu.memory_space<vmem>>, vector<16x64xf32>
      %get3A_169 = arith.constant 0 : index
      %get3A_170 = arith.constant 0 : index
      %get3A_171 = vector.load %arg10[%get3A_169, %get3A_170] : memref<16x1xf32, #tpu.memory_space<vmem>>, vector<16x1xf32>
      %max3A_172 = arith.constant 1.000000e+00 : f32
      %max3A_173 = vector.broadcast %max3A_172 : f32 to vector<16x1xf32>
      %max3A_174 = arith.maximumf %get3A_171, %max3A_173 : vector<16x1xf32>
      %div3A = vector.broadcast %max3A_174 : vector<16x1xf32> to vector<16x64xf32>
      %div3A_175 = arith.divf %get3A_168, %div3A : vector<16x64xf32>
      %get3A_176 = arith.constant 0 : index
      %get3A_177 = arith.constant 0 : index
      %get3A_178 = vector.load %arg6[%get3A_176, %get3A_177] : memref<64x64xf32, #tpu.memory_space<vmem>>, vector<64x64xf32>
      %dot_general3A_179 = arith.constant dense<0.000000e+00> : vector<16x64xf32>
      %dot_general3A_180 = tpu.matmul %div3A_175, %get3A_178, %dot_general3A_179 {dimension_numbers = #tpu.dot_dimension_numbers<[1], [0], [0], [1], [0, 0, 1, 1], [], []>, transpose_lhs_hint = false} : vector<16x64xf32>, vector<64x64xf32>, vector<16x64xf32> -> vector<16x64xf32>
      %get3A_181 = arith.constant 0 : index
      %get3A_182 = arith.constant 0 : index
      %get3A_183 = vector.load %arg7[%get3A_181, %get3A_182] : memref<1x64xf32, #tpu.memory_space<vmem>>, vector<1x64xf32>
      %add3A_184 = vector.broadcast %get3A_183 : vector<1x64xf32> to vector<16x64xf32>
      %add3A_185 = arith.addf %dot_general3A_180, %add3A_184 : vector<16x64xf32>
      %swap3A_186 = arith.constant 0 : index
      %swap3A_187 = arith.constant 0 : index
      %swap3A_188 = vector.load %arg8[%swap3A_186, %swap3A_187] : memref<16x64xf32, #tpu.memory_space<vmem>>, vector<16x64xf32>
      tpu.vector_store %arg8[%swap3A_186, %swap3A_187], %add3A_185 {strides = array<i32>} : memref<16x64xf32, #tpu.memory_space<vmem>>, vector<16x64xf32>,
    } else {
    }
    return
  }
  func.func @transform_0(%arg0: i32) -> (i32, i32, i32) {
    %c0_i32 = arith.constant 0 : i32
    %c0_i32_0 = arith.constant 0 : i32
    %c0_i32_1 = arith.constant 0 : i32
    return %c0_i32, %arg0, %c0_i32_0 : i32, i32, i32
  }
  func.func @transform_1(%arg0: i32) -> (i32, i32) {
    %c0_i32 = arith.constant 0 : i32
    %c0_i32_0 = arith.constant 0 : i32
    return %arg0, %c0_i32 : i32, i32
  }
  func.func @transform_2(%arg0: i32) -> (i32, i32, i32) {
    %c0_i32 = arith.constant 0 : i32
    %c0_i32_0 = arith.constant 0 : i32
    %c0_i32_1 = arith.constant 0 : i32
    return %c0_i32, %arg0, %c0_i32_0 : i32, i32, i32
  }
  func.func @transform_3(%arg0: i32) -> (i32, i32) {
    %c0_i32 = arith.constant 0 : i32
    %c0_i32_0 = arith.constant 0 : i32
    %c0_i32_1 = arith.constant 0 : i32
    return %c0_i32, %c0_i32_0 : i32, i32
  }
  func.func @transform_4(%arg0: i32) -> (i32, i32) {
    %c0_i32 = arith.constant 0 : i32
    %c0_i32_0 = arith.constant 0 : i32
    return %arg0, %c0_i32 : i32, i32
  }
  func.func @transform_5(%arg0: i32) -> (i32, i32) {
    %c0_i32 = arith.constant 0 : i32
    %c0_i32_0 = arith.constant 0 : i32
    %c0_i32_1 = arith.constant 0 : i32
    return %c0_i32, %c0_i32_0 : i32, i32
  }
  func.func @transform_6(%arg0: i32) -> (i32, i32) {
    %c0_i32 = arith.constant 0 : i32
    %c0_i32_0 = arith.constant 0 : i32
    %c0_i32_1 = arith.constant 0 : i32
    return %c0_i32, %c0_i32_0 : i32, i32
  }
  func.func @transform_7(%arg0: i32) -> (i32, i32) {
    %c0_i32 = arith.constant 0 : i32
    %c0_i32_0 = arith.constant 0 : i32
    %c0_i32_1 = arith.constant 0 : i32
    return %c0_i32, %c0_i32_0 : i32, i32
  }
}

</mosaic_0001>

<sc_bundles>
// kernel: kernel.11.cloned.1.call-start
scs
__scs_entry_jumppad:
0x0: {  	(pc) =	sbr.rel $0x88, $3  }
0x1: {  	(tag) =	ssettag $0x0;
	lr =	simm.s32 $0x1  }
0x2: {  	[smem:$0x3F98] =	sst lr;
	_ =	strace $0xD0000000  }
0x3: {  	_ = 	snop  }
0x4: {  	_ = 	snop  }
0x5: {  	_ = 	snop  }
0x6: {  	_ = 	snop  }
0x7: {  	_ = 	snop  }
__scs_overlays_trampoline_lowered:
0x8: {  	[smem:$0x3FA7] =	sst s0  }
0x9: {  	[smem:$0x3FA8] =	sst s1  }
0xa: {  	[smem:$0x3FA9] =	sst s2  }
0xb: {  	[smem:$0x3FAA] =	sst s3  }
0xc: {  	[smem:$0x3FAB] =	sst s4  }
0xd: {  	[smem:$0x3FAC] =	sst s5  }
0xe: {  	[smem:$0x3FAD] =	sst s6  }
0xf: {  	[smem:$0x3FAE] =	sst s7  }
0x10: {  	[smem:$0x3FAF] =	sst s8  }
0x11: {  	[smem:$0x3FB0] =	sst s9;
	s0 =	simm.s32 @!p0 $0x0  }
0x12: {  	s1 =	sld [smem:$0x3F96];
	s0 =	simm.s32 @p0 $0x1  }
0x13: {  	[smem:$0x3FB1] =	sst s0;
	s0 =	simm.s32 @!p1 $0x0  }
0x14: {  	s2 =	sld [smem:$0x3F95];
	s0 =	simm.s32 @p1 $0x1  }
0x15: {  	[smem:$0x3FB2] =	sst s0;
	s0 =	simm.s32 @!p2 $0x0  }
0x16: {  	s3 =	sld [smem:$0x3FDB];
	s0 =	simm.s32 @p2 $0x1  }
0x17: {  	s4 =	simm.s32 $0x1BF5;
	[smem:$0x3FB4] =	sst s0  }
0x18: {  	s0 =	sld [smem:$0x3F97];
	_ =	swait.ge [sflag:s4], $0x0  }
0x19: {  	s7 =	sld [smem:$0x3F98]  }
0x1a: {  	s8 =	sadd.s32 $0xFFFFE003, lr  }
0x1b: {  	s9 =	sadd.s32 $0xFFFFFEF7, lr;
	s5 =	simm.s32 $0xFFFFFFFF;
	p2 =	slt.u32 s8, $0xFFFFF086  }
0x1c: {  	p1 =	slt.u32 s9, $0xF7A;
	s5 =	simm.s32 @!p2 $0x0  }
0x1d: {  	s5 =	simm.s32 @p1 $0x1;
	p0 =	seq.s32 s7, s2  }
0x1e: {  	s7 =	smul.u32 @!p0 $0xF7A, s2;
	p2 =	seq.s32 @!p0 s5, $0x0  }
0x1f: {  	s9 =	smul.u32 $0xF7A, s1;
	s8 =	simm.s32 @!p0 $0x1BF5;
	p2 =	por !p2, p0  }
0x20: {  	[sflag:s8] =	ssyncset.s32 @!p0 $0xFFFFF086;
	s6 =	sadd.s32 @!p0 s3, s7;
	s7 =	simm.s32 @!p0 $0x108  }
0x21: {  	s3 =	sadd.s32 s3, s9;
	s6 =	sadd.s32 @!p0 $0x88, s6;
	s7 =	simm.s32 @p2 $0x1082  }
0x22: {  	[simem:s7], [sflag:s8] =	dma.local @!p0 [hbm:s6], $0xF7A  }
0x23: {  	s9 =	sor.u32 $0xD0000000, s2;
	s6 =	simm.s32 $0x108;
	_ =	swait.ge @!p0 [sflag:s8], $0x0  }
0x24: {  	s3 =	sadd.s32 $0x88, s3;
	s6 =	simm.s32 @!p1 $0x1082;
	[sflag:s4] =	ssyncset.s32 $0xFFFFF086  }
0x25: {  	[simem:s6], [sflag:s4] =	dma.local [hbm:s3], $0xF7A  }
0x26: {  	[smem:$0x3F98] =	sst s1;
	(tag) =	ssettag s2;
	_ =	strace s9  }
0x27: {  	s1 =	sld [smem:$0x3FA8]  }
0x28: {  	s2 =	sld [smem:$0x3FA9]  }
0x29: {  	s4 =	sld [smem:$0x3FAB]  }
0x2a: {  	p0 =	seq.s32 s5, $0x0;
	s5 =	sld [smem:$0x3FAC]  }
0x2b: {  	s6 =	sld [smem:$0x3FAD]  }
0x2c: {  	s7 =	sld [smem:$0x3FAE]  }
0x2d: {  	s3 =	simm.s32 $0x108;
	s8 =	sld [smem:$0x3FAF]  }
0x2e: {  	s3 =	simm.s32 @!p0 $0x1082;
	s9 =	sld [smem:$0x3FB0]  }
0x2f: {  	lr =	sadd.s32 s0, s3;
	s0 =	sld [smem:$0x3FA7]  }
0x30: {  	s3 =	sld [smem:$0x3FAA]  }
0x31: {  	[smem:$0x3FB3] =	sst s10  }
0x32: {  	s10 =	sld [smem:$0x3FB1];
	_ =	sdelay $0x3  }
0x33: {  	p0 =	seq.s32 s10, $0x1;
	s10 =	sld [smem:$0x3FB3];
	_ =	sdelay $0x3  }
0x34: {  	[smem:$0x3FB3] =	sst s10  }
0x35: {  	s10 =	sld [smem:$0x3FB2];
	_ =	sdelay $0x3  }
0x36: {  	p1 =	seq.s32 s10, $0x1;
	s10 =	sld [smem:$0x3FB3];
	_ =	sdelay $0x3  }
0x37: {  	[smem:$0x3FB3] =	sst s10  }
0x38: {  	s10 =	sld [smem:$0x3FB4]  }
0x39: {  	_ = 	snop;
	(pc) =	sbr.ind lr, $3  }
0x3a: {  	_ = 	snop  }
0x3b: {  	_ = 	snop  }
0x3c: {  	p2 =	seq.s32 s10, $0x1;
	s10 =	sld [smem:$0x3FB3]  }
0x3d: {  	_ =	shalt  }
0x3e: {  	_ =	shalt  }
0x3f: {  	_ =	shalt  }
0x40: {  	_ =	shalt  }
0x41: {  	_ =	shalt  }
0x42: {  	_ =	shalt  }
0x43: {  	_ =	shalt  }
0x44: {  	_ =	shalt  }
0x45: {  	_ =	shalt  }
0x46: {  	_ =	shalt  }
0x47: {  	_ =	shalt  }
0x48: {  	_ =	shalt  }
0x49: {  	_ =	shalt  }
0x4a: {  	_ =	shalt  }
0x4b: {  	_ =	shalt  }
0x4c: {  	_ =	shalt  }
0x4d: {  	_ =	shalt  }
0x4e: {  	_ =	shalt  }
0x4f: {  	_ =	shalt  }
0x50: {  	_ =	shalt  }
0x51: {  	_ =	shalt  }
0x52: {  	_ =	shalt  }
0x53: {  	_ =	shalt  }
0x54: {  	_ =	shalt  }
0x55: {  	_ =	shalt  }
0x56: {  	_ =	shalt  }
0x57: {  	_ =	shalt  }
0x58: {  	_ =	shalt  }
0x59: {  	_ =	shalt  }
0x5a: {  	_ =	shalt  }
0x5b: {  	_ =	shalt  }
0x5c: {  	_ =	shalt  }
0x5d: {  	_ =	shalt  }
0x5e: {  	_ =	shalt  }
0x5f: {  	_ =	shalt  }
0x60: {  	_ =	shalt  }
0x61: {  	_ =	shalt  }
0x62: {  	_ =	shalt  }
0x63: {  	_ =	shalt  }
0x64: {  	_ =	shalt  }
0x65: {  	_ =	shalt  }
0x66: {  	_ =	shalt  }
0x67: {  	_ =	shalt  }
0x68: {  	_ =	shalt  }
0x69: {  	_ =	shalt  }
0x6a: {  	_ =	shalt  }
0x6b: {  	_ =	shalt  }
0x6c: {  	_ =	shalt  }
0x6d: {  	_ =	shalt  }
0x6e: {  	_ =	shalt  }
0x6f: {  	_ =	shalt  }
0x70: {  	_ =	shalt  }
0x71: {  	_ =	shalt  }
0x72: {  	_ =	shalt  }
0x73: {  	_ =	shalt  }
0x74: {  	_ =	shalt  }
0x75: {  	_ =	shalt  }
0x76: {  	_ =	shalt  }
0x77: {  	_ =	shalt  }
0x78: {  	_ =	shalt  }
0x79: {  	_ =	shalt  }
0x7a: {  	_ =	shalt  }
0x7b: {  	_ =	shalt  }
0x7c: {  	_ =	shalt  }
0x7d: {  	_ =	shalt  }
0x7e: {  	_ =	shalt  }
0x7f: {  	_ =	shalt  }
0x80: {  	_ =	shalt  }
0x81: {  	_ =	shalt  }
0x82: {  	_ =	shalt  }
0x83: {  	_ =	shalt  }
0x84: {  	_ =	shalt  }
0x85: {  	_ =	shalt  }
0x86: {  	_ =	shalt  }
0x87: {  	_ =	shalt  }
.Lfunc_end0:
.L_simem_size_0:
called_computation.1_lowered:
.L_overlay_start_0:
0x88: {  	s2 =	sld [smem:$0x3FD9]  }
0x89: {  	s3 =	sld [smem:$0x3FFE];
	_ =	sdelay $0x1  }
0x8a: {  	s1 =	srdreg.scid  }
0x8b: {  	s0 =	sand.u32 $0x1, s1  }
0x8c: {  	s16 =	sshll.u32 s0, $0xA;
	s2 =	sadd.s32 s3, s2  }
0x8d: {  	s2 =	sadd.s32 s2, s16  }
0x8e: {  	[smem:$0x3FBF] =	sst s2  }
0x8f: {  	_ = 	snop  }
0x90: {  	(tm) =	ssettm $0x1  }
0x91: {  	s17 =	sld [smem:$0x3FFB];
	_ =	sdelay $0x3  }
0x92: {  	_ =	strace s17  }
0x93: {  	s2 =	sld [smem:$0x3FFC];
	_ =	sdelay $0x3  }
0x94: {  	_ =	strace s2  }
0x95: {  	s2 =	sld [smem:$0x3FFD];
	_ =	sdelay $0x3  }
0x96: {  	_ =	strace s2  }
0x97: {  	_ =	strace $0x8FFFFFFF  }
0x98: {  	s18 =	sld [smem:$0x3FDB];
	_ =	sdelay $0x1  }
0x99: {  	s19 =	simm.s32 $_scs_section_size  }
0x9a: {  	s4 =	simm.s32 $_size__tile_overlayer_lowered;
	s5 =	simm.s32 $_tile_overlayer_lowered  }
0x9b: {  	s22 =	simm.s32 $0x1BFF;
	s21 =	sshll.u32 s5, $0x1;
	s2 =	sadd.s32 s19, s18  }
0x9c: {  	s6 =	simm.s32 $0x0;
	s20 =	sshll.u32 s4, $0x1;
	s4 =	sadd.s32 s21, s2  }
0x9d: {  	[timem:s6], [sflag:s22] =	dma.local [hbm:s4], s20  }
0x9e: {  	_ =	swait.ge [sflag:s22], s20  }
0x9f: {  	s3 =	ssub.s32 $0x0, s20;
	[sflag:s22] =	ssyncset.done $0x0  }
0xa0: {  	[sflag:s22] =	ssyncadd.s32 s3;
	_ =	sdelay $0x1  }
0xa1: {  	s23 =	simm.s32 $0x1B8B  }
0xa2: {  	_ =	swait.ge [sflag:s23], $0x1  }
0xa3: {  	[sflag:s23] =	ssyncset.done $0x0  }
0xa4: {  	s25 =	simm.s32 $0x1B8E;
	s24 =	sld [smem:$0x3FFE];
	[sflag:s23] =	ssyncadd.s32 $0xFFFFFFFF  }
0xa5: {  	s26 =	simm.s32 $execute0_lowered;
	[smem:$0x3FD2] =	sst s25  }
0xa6: {  	s4 =	sshll.u32 s26, $0x1;
	_ =	strace $0x80000049;
	[dreg:$0x1] =	wrdreg $0xFFFFFFFF  }
0xa7: {  	s28 =	simm.s32 $_size_execute0_lowered;
	s2 =	sadd.s32 s2, s4;
	[dreg:$0x0] =	wrdreg $0x0  }
0xa8: {  	s4 =	sshll.u32 s28, $0x1;
	[dreg:$0x2] =	wrdreg s2  }
0xa9: {  	[dreg:$0x3] =	wrdreg s4  }
0xaa: {  	[dreg:$0x4] =	wrdreg $0xC0  }
0xab: {  	_ =	task [dreg:s6], $0x5FFFF  }
0xac: {  	[dreg:$0x1] =	wrdreg $0xFFFFFFFF  }
0xad: {  	[dreg:$0x0] =	wrdreg $0x60  }
0xae: {  	[dreg:$0x2] =	wrdreg s24  }
0xaf: {  	[dreg:$0x3] =	wrdreg $0x148C00  }
0xb0: {  	[dreg:$0x4] =	wrdreg $0x9  }
0xb1: {  	_ =	task.clear_ibuf [dreg:s6], $0x5FFFF;
	_ =	strace $0x90000049  }
0xb2: {  	s29 =	simm.s32 $0x9;
	_ =	strace $0x8000004B  }
0xb3: {  	_ =	swait.ge [sflag:s29], $0x1  }
0xb4: {  	[sflag:s29] =	ssyncadd.s32 $0xFFFFFFFF  }
0xb5: {  	_ =	strace $0x9000004B  }
0xb6: {  	_ =	sfence  }
0xb7: {  	s30 =	sld [smem:$0x0];
	_ =	sdelay $0x2  }
0xb8: {  	s31 =	sshll.u32 s1, $0xD;
	s1 =	sshrl.u32 s1, $0x2  }
0xb9: {  	s3 =	sand.u32 $0x4000, s31;
	s1 =	sadd.s32 s1, s30  }
0xba: {  	s0 =	sor.u32 s3, s0;
	s1 =	sshll.u32 s1, $0x11  }
0xbb: {  	s0 =	sor.u32 s1, s0  }
0xbc: {  	s0 =	sadd.s32 $0x8F2B, s0  }
0xbd: {  	[sflag:s0] =	ssyncadd.remote.s32 $0x1  }
0xbe: {  	_ =	sfence.sel $0xFFFF  }
0xbf: {  	[dreg:$0x0] =	wrdreg $0xFFFFFFFF;
	(pc) =	sbr.abs _section_cstart, $3  }
0xc0: {  	[dreg:$0x1] =	wrdreg $0xFFFFFFFF  }
0xc1: {  	_ =	task.clear_ibuf [dreg:s6], $0x2FFFF;
	_ =	strace $0x9FFFFFFF  }
0xc2: {  	(tm) =	ssettm $0x7FFFFFFF  }
0xc3: {  	_ =	shalt  }
tec
execute0_lowered:
.L_overlay_start_1:
0x0: {  	(tag) =	ssettag $0x1  }
0x1: {  	s0 =	srdreg.scid;
	s5 =	rddreg [dreg:$0x0]  }
0x2: {  	s8 =	stileid.u32;
	s2 =	rddreg [dreg:$0x1]  }
0x3: {  	s3 =	simm.s32 $0x0;
	s14 =	simm.s32 $0x4EC0;
	s15 =	simm.s32 $0x9  }
0x4: {  	s16 =	simm.s32 $0x2760;
	s17 =	simm.s32 $0x1F4;
	s18 =	simm.s32 $0x1F8  }
0x5: {  	s19 =	simm.s32 $0x8D40;
	s20 =	simm.s32 $0x1;
	s22 =	simm.s32 $0xCBC0  }
0x6: {  	s23 =	simm.s32 $0x2;
	s28 =	simm.s32 $0x3;
	s30 =	simm.s32 $0x5  }
0x7: {  	s21 =	simm.s32 $0x6;
	s29 =	simm.s32 $0x7;
	s6 =	smul.u32 $0xA000, s8  }
0x8: {  	s0 =	sand.u32 $0x1, s0;
	s1 =	sshll.u32 s8, $0x1;
	s8 =	smul.u32 $0x14000, s8  }
0x9: {  	[smem:$0x7FF] =	sst s3;
	s1 =	sor.u32 s0, s1;
	s4 =	smul.u32 $0xA0000, s0  }
0xa: {  	_ =	strace $0x8000004A;
	s0 =	ssub.s32 $0x2, s0;
	s1 =	smul.u32 $0x4EC, s1  }
0xb: {  	s24 =	sshrl.u32 s0, $0x1;
	s25 =	sshrl.u32 s8, $0x2;
	s26 =	sshrl.u32 s6, $0x1  }
0xc: {  	s7 =	sadd.s32 s6, s4;
	s4 =	sadd.s32 $0x16200, s5;
	s0 =	ssub.s32 s0, s24  }
0xd: {  	s9 =	sadd.s32 s25, s2;
	s24 =	simm.s32 $0x8;
	s25 =	simm.s32 $0x0  }
0xe: {  	s1 =	sadd.s32 s1, s5;
	s7 =	sshrl.u32 s7, $0x4;
	s31 =	sadd.s32 $0x1000, s9  }
0xf: {  	s8 =	sadd.s32 $0x3000, s9;
	s13 =	smax.u32 s0, $0x1;
	s12 =	sadd.s32 s7, s5  }
0x10: {  	s5 =	sadd.s32 s26, s2;
	[dreg:$0x3] =	wrdreg s31;
	s7 =	sadd.s32 $0x2000, s9  }
0x11: {  	s9 =	sadd.s32 $0x4000, s9;
	s10 =	sadd.s32 $0xC400, s1;
	s11 =	sadd.s32 $0x1C00, s1  }
0x12: {  	v0 =	vimm.bf16 $0.0e+00;
	s26 =	simm.s32 $0x10A40;
	s1 =	simm.s32 $0x4;
	s12 =	sadd.s32 $0x20200, s12  }
.LBB2_1:
0x13: {  	s31 =	simm.s32 $0x80;
	s0 =	simm.s32 $0x0  }
.LBB2_2:
0x14: {  	p0 =	sne.s32 s31, $0x3F80;
	[tilespmem:s0+$0x4EC0] =	vst v0;
	s6 =	smov.u32 s31;
	s31 =	sadd.s32 $0x80, s31  }
.Ltmp0:
0x15: {  	[tilespmem:s0+$0x4ED0] =	vst v0;
	(pc) =	sbr.rel @p0 .LBB2_2-.Ltmp0, $2  }
0x16: {  	_ =	sdelay $0x2  }
0x17: {  	s0 =	sshra.s32 s6, $0x2  }
0x18: {  	[tilespmem:s0+$0x4EC0] =	vst v0  }
0x19: {  	[tilespmem:s0+$0x4ED0] =	vst v0  }
0x1a: {  	[spmem:s5] =	stream.linear.scatter [tilespmem:s14], [sflag:$0x9], $0x1000, $0x38;
	[tilespmem:$0x198C0] =	vst v63  }
0x1b: {  	_ =	swait.ge [sflag:s15], $0x1000  }
0x1c: {  	[sflag:s15] =	ssyncset.done $0x0  }
0x1d: {  	s31 =	rddreg [dreg:$0x3];
	[sflag:s15] =	ssyncadd.s32 $0xFFFFF000  }
0x1e: {  	[spmem:s31] =	stream.linear.scatter [tilespmem:s14], [sflag:$0x9], $0x1000, $0x38;
	[tilespmem:$0x198C0] =	vst v63  }
0x1f: {  	_ =	swait.ge [sflag:s15], $0x1000  }
0x20: {  	[sflag:s15] =	ssyncset.done $0x0  }
0x21: {  	[sflag:s15] =	ssyncadd.s32 $0xFFFFF000  }
0x22: {  	[spmem:s7] =	stream.linear.scatter [tilespmem:s14], [sflag:$0x9], $0x1000, $0x38;
	[tilespmem:$0x198C0] =	vst v63  }
0x23: {  	_ =	swait.ge [sflag:s15], $0x1000  }
0x24: {  	[sflag:s15] =	ssyncset.done $0x0  }
0x25: {  	[sflag:s15] =	ssyncadd.s32 $0xFFFFF000  }
0x26: {  	[spmem:s8] =	stream.linear.scatter [tilespmem:s14], [sflag:$0x9], $0x1000, $0x38;
	[tilespmem:$0x198C0] =	vst v63  }
0x27: {  	_ =	swait.ge [sflag:s15], $0x1000  }
0x28: {  	[sflag:s15] =	ssyncset.done $0x0  }
0x29: {  	[sflag:s15] =	ssyncadd.s32 $0xFFFFF000  }
0x2a: {  	[spmem:s9] =	stream.linear.scatter [tilespmem:s14], [sflag:$0x9], $0x1000, $0x38;
	[tilespmem:$0x198C0] =	vst v63  }
0x2b: {  	_ =	swait.ge [sflag:s15], $0x1000  }
0x2c: {  	[sflag:s15] =	ssyncset.done $0x0  }
0x2d: {  	[sflag:s15] =	ssyncadd.s32 $0xFFFFF000  }
0x2e: {  	[tilespmem:s3], [sflag:$0x9] =	stream.linear.gather [hbm4b:s10+s3], $0x2760, $0x38;
	[tilespmem:$0x198C0] =	vst v63  }
0x2f: {  	_ =	swait.ge [sflag:s15], $0x2760  }
0x30: {  	[sflag:s15] =	ssyncset.done $0x0  }
0x31: {  	[sflag:s15] =	ssyncadd.s32 $0xFFFFD8A0  }
0x32: {  	[tilespmem:s16], [sflag:$0x9] =	stream.linear.gather [hbm4b:s11+s3], $0x2760, $0x38;
	[tilespmem:$0x198C0] =	vst v63  }
0x33: {  	_ =	swait.ge [sflag:s15], $0x2760  }
0x34: {  	[sflag:s15] =	ssyncset.done $0x0  }
0x35: {  	[sflag:s15] =	ssyncadd.s32 $0xFFFFD8A0  }
0x36: {  	[bflag:$0x0] =	sbarrier.arrive $0xFFFF  }
0x37: {  	[tilespmem:s14], [sflag:$0x1] =	stream.indirect.gather [hbm4b:s4+s17], $0x20, s3, s17, $0xb8;
	[tilespmem:$0x198C0] =	vst v63  }
0x38: {  	_ = 	snop  }
0x39: {  	[tilespmem:s19], [sflag:$0x2] =	stream.indirect.gather [hbm4b:s4+s17], $0x20, s18, s17, $0xb8;
	[tilespmem:$0x198C0] =	vst v63  }
0x3a: {  	_ =	swait.ge [sflag:s20], $0x3E80  }
0x3b: {  	[sflag:s20] =	ssyncset.done $0x0  }
0x3c: {  	[sflag:s20] =	ssyncadd.s32 $0xFFFFC180  }
0x3d: {  	[spmem:s2] =	stream.indirect.scatter.add.bf16 [tilespmem:s14], [sflag:$0x5], $0x20, s16, s17, $0xb8;
	[tilespmem:$0x198C0] =	vst v63  }
0x3e: {  	s6 =	simm.s32 $0x3F0  }
0x3f: {  	[tilespmem:s22], [sflag:$0x3] =	stream.indirect.gather [hbm4b:s4+s17], $0x20, s6, s17, $0xb8;
	[tilespmem:$0x198C0] =	vst v63  }
0x40: {  	_ =	swait.ge [sflag:s23], $0x3E80  }
0x41: {  	[sflag:s23] =	ssyncset.done $0x0  }
0x42: {  	s31 =	simm.s32 $0x2958;
	[sflag:s23] =	ssyncadd.s32 $0xFFFFC180  }
0x43: {  	[spmem:s2] =	stream.indirect.scatter.add.bf16 [tilespmem:s19], [sflag:$0x6], $0x20, s31, s17, $0xb8;
	[tilespmem:$0x198C0] =	vst v63  }
0x44: {  	s6 =	simm.s32 $0x5E8  }
0x45: {  	[tilespmem:s26], [sflag:$0x4] =	stream.indirect.gather [hbm4b:s4+s17], $0x20, s6, s17, $0xb8;
	[tilespmem:$0x198C0] =	vst v63  }
0x46: {  	_ =	swait.ge [sflag:s28], $0x3E80  }
0x47: {  	[sflag:s28] =	ssyncset.done $0x0  }
0x48: {  	s31 =	simm.s32 $0x2B50;
	[sflag:s28] =	ssyncadd.s32 $0xFFFFC180  }
0x49: {  	[spmem:s2] =	stream.indirect.scatter.add.bf16 [tilespmem:s22], [sflag:$0x7], $0x20, s31, s17, $0xb8;
	[tilespmem:$0x198C0] =	vst v63  }
0x4a: {  	_ =	swait.ge [sflag:s30], $0x3E80  }
0x4b: {  	[sflag:s30] =	ssyncset.done $0x0  }
0x4c: {  	s6 =	simm.s32 $0x7E0;
	[sflag:s30] =	ssyncadd.s32 $0xFFFFC180  }
0x4d: {  	[tilespmem:s14], [sflag:$0x1] =	stream.indirect.gather [hbm4b:s4+s17], $0x20, s6, s17, $0xb8;
	[tilespmem:$0x198C0] =	vst v63  }
0x4e: {  	_ =	swait.ge [sflag:s1], $0x3E80  }
0x4f: {  	[sflag:s1] =	ssyncset.done $0x0  }
0x50: {  	s31 =	simm.s32 $0x2D48;
	[sflag:s1] =	ssyncadd.s32 $0xFFFFC180  }
0x51: {  	[spmem:s2] =	stream.indirect.scatter.add.bf16 [tilespmem:s26], [sflag:$0x8], $0x20, s31, s17, $0xb8;
	[tilespmem:$0x198C0] =	vst v63  }
0x52: {  	_ =	swait.ge [sflag:s21], $0x3E80  }
0x53: {  	[sflag:s21] =	ssyncset.done $0x0  }
0x54: {  	s6 =	simm.s32 $0x9D8;
	[sflag:s21] =	ssyncadd.s32 $0xFFFFC180  }
0x55: {  	[tilespmem:s19], [sflag:$0x2] =	stream.indirect.gather [hbm4b:s4+s17], $0x20, s6, s17, $0xb8;
	[tilespmem:$0x198C0] =	vst v63  }
0x56: {  	_ =	swait.ge [sflag:s20], $0x3E80  }
0x57: {  	[sflag:s20] =	ssyncset.done $0x0  }
0x58: {  	s31 =	simm.s32 $0x2F40;
	[sflag:s20] =	ssyncadd.s32 $0xFFFFC180  }
0x59: {  	[spmem:s2] =	stream.indirect.scatter.add.bf16 [tilespmem:s14], [sflag:$0x5], $0x20, s31, s17, $0xb8;
	[tilespmem:$0x198C0] =	vst v63  }
0x5a: {  	_ =	swait.ge [sflag:s29], $0x3E80  }
0x5b: {  	[sflag:s29] =	ssyncset.done $0x0  }
0x5c: {  	s6 =	simm.s32 $0xBD0;
	[sflag:s29] =	ssyncadd.s32 $0xFFFFC180  }
0x5d: {  	[tilespmem:s22], [sflag:$0x3] =	stream.indirect.gather [hbm4b:s4+s17], $0x20, s6, s17, $0xb8;
	[tilespmem:$0x198C0] =	vst v63  }
0x5e: {  	_ =	swait.ge [sflag:s23], $0x3E80  }
0x5f: {  	[sflag:s23] =	ssyncset.done $0x0  }
0x60: {  	s31 =	simm.s32 $0x3138;
	[sflag:s23] =	ssyncadd.s32 $0xFFFFC180  }
0x61: {  	[spmem:s2] =	stream.indirect.scatter.add.bf16 [tilespmem:s19], [sflag:$0x6], $0x20, s31, s17, $0xb8;
	[tilespmem:$0x198C0] =	vst v63  }
0x62: {  	_ =	swait.ge [sflag:s24], $0x3E80  }
0x63: {  	[sflag:s24] =	ssyncset.done $0x0  }
0x64: {  	s6 =	simm.s32 $0xDC8;
	[sflag:s24] =	ssyncadd.s32 $0xFFFFC180  }
0x65: {  	[tilespmem:s26], [sflag:$0x4] =	stream.indirect.gather [hbm4b:s4+s17], $0x20, s6, s17, $0xb8;
	[tilespmem:$0x198C0] =	vst v63  }
0x66: {  	_ =	swait.ge [sflag:s28], $0x3E80  }
0x67: {  	[sflag:s28] =	ssyncset.done $0x0  }
0x68: {  	s31 =	simm.s32 $0x3330;
	[sflag:s28] =	ssyncadd.s32 $0xFFFFC180  }
0x69: {  	[spmem:s2] =	stream.indirect.scatter.add.bf16 [tilespmem:s22], [sflag:$0x7], $0x20, s31, s17, $0xb8;
	[tilespmem:$0x198C0] =	vst v63  }
0x6a: {  	_ =	swait.ge [sflag:s30], $0x3E80  }
0x6b: {  	[sflag:s30] =	ssyncset.done $0x0  }
0x6c: {  	s6 =	simm.s32 $0xFC0;
	[sflag:s30] =	ssyncadd.s32 $0xFFFFC180  }
0x6d: {  	[tilespmem:s14], [sflag:$0x1] =	stream.indirect.gather [hbm4b:s4+s17], $0x20, s6, s17, $0xb8;
	[tilespmem:$0x198C0] =	vst v63  }
0x6e: {  	_ =	swait.ge [sflag:s1], $0x3E80  }
0x6f: {  	[sflag:s1] =	ssyncset.done $0x0  }
0x70: {  	s31 =	simm.s32 $0x3528;
	[sflag:s1] =	ssyncadd.s32 $0xFFFFC180  }
0x71: {  	[spmem:s2] =	stream.indirect.scatter.add.bf16 [tilespmem:s26], [sflag:$0x8], $0x20, s31, s17, $0xb8;
	[tilespmem:$0x198C0] =	vst v63  }
0x72: {  	_ =	swait.ge [sflag:s21], $0x3E80  }
0x73: {  	[sflag:s21] =	ssyncset.done $0x0  }
0x74: {  	s6 =	simm.s32 $0x11B8;
	[sflag:s21] =	ssyncadd.s32 $0xFFFFC180  }
0x75: {  	[tilespmem:s19], [sflag:$0x2] =	stream.indirect.gather [hbm4b:s4+s17], $0x20, s6, s17, $0xb8;
	[tilespmem:$0x198C0] =	vst v63  }
0x76: {  	_ =	swait.ge [sflag:s20], $0x3E80  }
0x77: {  	[sflag:s20] =	ssyncset.done $0x0  }
0x78: {  	s31 =	simm.s32 $0x3720;
	[sflag:s20] =	ssyncadd.s32 $0xFFFFC180  }
0x79: {  	[spmem:s2] =	stream.indirect.scatter.add.bf16 [tilespmem:s14], [sflag:$0x5], $0x20, s31, s17, $0xb8;
	[tilespmem:$0x198C0] =	vst v63  }
0x7a: {  	_ =	swait.ge [sflag:s29], $0x3E80  }
0x7b: {  	[sflag:s29] =	ssyncset.done $0x0  }
0x7c: {  	s6 =	simm.s32 $0x13B0;
	[sflag:s29] =	ssyncadd.s32 $0xFFFFC180  }
0x7d: {  	[tilespmem:s22], [sflag:$0x3] =	stream.indirect.gather [hbm4b:s4+s17], $0x20, s6, s17, $0xb8;
	[tilespmem:$0x198C0] =	vst v63  }
0x7e: {  	_ =	swait.ge [sflag:s23], $0x3E80  }
0x7f: {  	[sflag:s23] =	ssyncset.done $0x0  }
0x80: {  	s31 =	simm.s32 $0x3918;
	[sflag:s23] =	ssyncadd.s32 $0xFFFFC180  }
0x81: {  	[spmem:s2] =	stream.indirect.scatter.add.bf16 [tilespmem:s19], [sflag:$0x6], $0x20, s31, s17, $0xb8;
	[tilespmem:$0x198C0] =	vst v63  }
0x82: {  	_ =	swait.ge [sflag:s24], $0x3E80  }
0x83: {  	[sflag:s24] =	ssyncset.done $0x0  }
0x84: {  	s6 =	simm.s32 $0x15A8;
	[sflag:s24] =	ssyncadd.s32 $0xFFFFC180  }
0x85: {  	[tilespmem:s26], [sflag:$0x4] =	stream.indirect.gather [hbm4b:s4+s17], $0x20, s6, s17, $0xb8;
	[tilespmem:$0x198C0] =	vst v63  }
0x86: {  	_ =	swait.ge [sflag:s28], $0x3E80  }
0x87: {  	[sflag:s28] =	ssyncset.done $0x0  }
0x88: {  	s31 =	simm.s32 $0x3B10;
	[sflag:s28] =	ssyncadd.s32 $0xFFFFC180  }
0x89: {  	[spmem:s2] =	stream.indirect.scatter.add.bf16 [tilespmem:s22], [sflag:$0x7], $0x20, s31, s17, $0xb8;
	[tilespmem:$0x198C0] =	vst v63  }
0x8a: {  	_ =	swait.ge [sflag:s30], $0x3E80  }
0x8b: {  	[sflag:s30] =	ssyncset.done $0x0  }
0x8c: {  	s6 =	simm.s32 $0x17A0;
	[sflag:s30] =	ssyncadd.s32 $0xFFFFC180  }
0x8d: {  	[tilespmem:s14], [sflag:$0x1] =	stream.indirect.gather [hbm4b:s4+s17], $0x20, s6, s17, $0xb8;
	[tilespmem:$0x198C0] =	vst v63  }
0x8e: {  	_ =	swait.ge [sflag:s1], $0x3E80  }
0x8f: {  	[sflag:s1] =	ssyncset.done $0x0  }
0x90: {  	s31 =	simm.s32 $0x3D08;
	[sflag:s1] =	ssyncadd.s32 $0xFFFFC180  }
0x91: {  	[spmem:s2] =	stream.indirect.scatter.add.bf16 [tilespmem:s26], [sflag:$0x8], $0x20, s31, s17, $0xb8;
	[tilespmem:$0x198C0] =	vst v63  }
0x92: {  	_ =	swait.ge [sflag:s21], $0x3E80  }
0x93: {  	[sflag:s21] =	ssyncset.done $0x0  }
0x94: {  	s6 =	simm.s32 $0x1998;
	[sflag:s21] =	ssyncadd.s32 $0xFFFFC180  }
0x95: {  	[tilespmem:s19], [sflag:$0x2] =	stream.indirect.gather [hbm4b:s4+s17], $0x20, s6, s17, $0xb8;
	[tilespmem:$0x198C0] =	vst v63  }
0x96: {  	_ =	swait.ge [sflag:s20], $0x3E80  }
0x97: {  	[sflag:s20] =	ssyncset.done $0x0  }
0x98: {  	s31 =	simm.s32 $0x3F00;
	[sflag:s20] =	ssyncadd.s32 $0xFFFFC180  }
0x99: {  	[spmem:s2] =	stream.indirect.scatter.add.bf16 [tilespmem:s14], [sflag:$0x5], $0x20, s31, s17, $0xb8;
	[tilespmem:$0x198C0] =	vst v63  }
0x9a: {  	_ =	swait.ge [sflag:s29], $0x3E80  }
0x9b: {  	[sflag:s29] =	ssyncset.done $0x0  }
0x9c: {  	s6 =	simm.s32 $0x1B90;
	[sflag:s29] =	ssyncadd.s32 $0xFFFFC180  }
0x9d: {  	[tilespmem:s22], [sflag:$0x3] =	stream.indirect.gather [hbm4b:s4+s17], $0x20, s6, s17, $0xb8;
	[tilespmem:$0x198C0] =	vst v63  }
0x9e: {  	_ =	swait.ge [sflag:s23], $0x3E80  }
0x9f: {  	[sflag:s23] =	ssyncset.done $0x0  }
0xa0: {  	s31 =	simm.s32 $0x40F8;
	[sflag:s23] =	ssyncadd.s32 $0xFFFFC180  }
0xa1: {  	[spmem:s2] =	stream.indirect.scatter.add.bf16 [tilespmem:s19], [sflag:$0x6], $0x20, s31, s17, $0xb8;
	[tilespmem:$0x198C0] =	vst v63  }
0xa2: {  	_ =	swait.ge [sflag:s24], $0x3E80  }
0xa3: {  	[sflag:s24] =	ssyncset.done $0x0  }
0xa4: {  	s6 =	simm.s32 $0x1D88;
	[sflag:s24] =	ssyncadd.s32 $0xFFFFC180  }
0xa5: {  	[tilespmem:s26], [sflag:$0x4] =	stream.indirect.gather [hbm4b:s4+s17], $0x20, s6, s17, $0xb8;
	[tilespmem:$0x198C0] =	vst v63  }
0xa6: {  	_ =	swait.ge [sflag:s28], $0x3E80  }
0xa7: {  	[sflag:s28] =	ssyncset.done $0x0  }
0xa8: {  	s31 =	simm.s32 $0x42F0;
	[sflag:s28] =	ssyncadd.s32 $0xFFFFC180  }
0xa9: {  	[spmem:s2] =	stream.indirect.scatter.add.bf16 [tilespmem:s22], [sflag:$0x7], $0x20, s31, s17, $0xb8;
	[tilespmem:$0x198C0] =	vst v63  }
0xaa: {  	_ =	swait.ge [sflag:s30], $0x3E80  }
0xab: {  	[sflag:s30] =	ssyncset.done $0x0  }
0xac: {  	s6 =	simm.s32 $0x1F80;
	[sflag:s30] =	ssyncadd.s32 $0xFFFFC180  }
0xad: {  	[tilespmem:s14], [sflag:$0x1] =	stream.indirect.gather [hbm4b:s4+s17], $0x20, s6, s17, $0xb8;
	[tilespmem:$0x198C0] =	vst v63  }
0xae: {  	_ =	swait.ge [sflag:s1], $0x3E80  }
0xaf: {  	[sflag:s1] =	ssyncset.done $0x0  }
0xb0: {  	s31 =	simm.s32 $0x44E8;
	[sflag:s1] =	ssyncadd.s32 $0xFFFFC180  }
0xb1: {  	[spmem:s2] =	stream.indirect.scatter.add.bf16 [tilespmem:s26], [sflag:$0x8], $0x20, s31, s17, $0xb8;
	[tilespmem:$0x198C0] =	vst v63  }
0xb2: {  	_ =	swait.ge [sflag:s21], $0x3E80  }
0xb3: {  	[sflag:s21] =	ssyncset.done $0x0  }
0xb4: {  	s6 =	simm.s32 $0x2178;
	[sflag:s21] =	ssyncadd.s32 $0xFFFFC180  }
0xb5: {  	[tilespmem:s19], [sflag:$0x2] =	stream.indirect.gather [hbm4b:s4+s17], $0x20, s6, s17, $0xb8;
	[tilespmem:$0x198C0] =	vst v63  }
0xb6: {  	_ =	swait.ge [sflag:s20], $0x3E80  }
0xb7: {  	[sflag:s20] =	ssyncset.done $0x0  }
0xb8: {  	s31 =	simm.s32 $0x46E0;
	[sflag:s20] =	ssyncadd.s32 $0xFFFFC180  }
0xb9: {  	[spmem:s2] =	stream.indirect.scatter.add.bf16 [tilespmem:s14], [sflag:$0x5], $0x20, s31, s17, $0xb8;
	[tilespmem:$0x198C0] =	vst v63  }
0xba: {  	_ =	swait.ge [sflag:s29], $0x3E80  }
0xbb: {  	[sflag:s29] =	ssyncset.done $0x0  }
0xbc: {  	s6 =	simm.s32 $0x2370;
	[sflag:s29] =	ssyncadd.s32 $0xFFFFC180  }
0xbd: {  	[tilespmem:s22], [sflag:$0x3] =	stream.indirect.gather [hbm4b:s4+s17], $0x20, s6, s17, $0xb8;
	[tilespmem:$0x198C0] =	vst v63  }
0xbe: {  	_ =	swait.ge [sflag:s23], $0x3E80  }
0xbf: {  	[sflag:s23] =	ssyncset.done $0x0  }
0xc0: {  	s31 =	simm.s32 $0x48D8;
	[sflag:s23] =	ssyncadd.s32 $0xFFFFC180  }
0xc1: {  	[spmem:s2] =	stream.indirect.scatter.add.bf16 [tilespmem:s19], [sflag:$0x6], $0x20, s31, s17, $0xb8;
	[tilespmem:$0x198C0] =	vst v63  }
0xc2: {  	_ =	swait.ge [sflag:s24], $0x3E80  }
0xc3: {  	[sflag:s24] =	ssyncset.done $0x0  }
0xc4: {  	s6 =	simm.s32 $0x2568;
	[sflag:s24] =	ssyncadd.s32 $0xFFFFC180  }
0xc5: {  	[tilespmem:s26], [sflag:$0x4] =	stream.indirect.gather [hbm4b:s4+s17], $0x20, s6, s17, $0xb8;
	[tilespmem:$0x198C0] =	vst v63  }
0xc6: {  	_ =	swait.ge [sflag:s28], $0x3E80  }
0xc7: {  	[sflag:s28] =	ssyncset.done $0x0  }
0xc8: {  	s31 =	simm.s32 $0x4AD0;
	[sflag:s28] =	ssyncadd.s32 $0xFFFFC180  }
0xc9: {  	[spmem:s2] =	stream.indirect.scatter.add.bf16 [tilespmem:s22], [sflag:$0x7], $0x20, s31, s17, $0xb8;
	[tilespmem:$0x198C0] =	vst v63  }
0xca: {  	_ =	swait.ge [sflag:s30], $0x3E80  }
0xcb: {  	[sflag:s30] =	ssyncset.done $0x0  }
0xcc: {  	[sflag:s30] =	ssyncadd.s32 $0xFFFFC180  }
0xcd: {  	[tilespmem:s14], [sflag:$0x1] =	stream.indirect.gather [hbm4b:s4+s17], $0x20, s3, s17, $0xb8;
	[tilespmem:$0x198C0] =	vst v63  }
0xce: {  	_ =	swait.ge [sflag:s1], $0x3E80  }
0xcf: {  	[sflag:s1] =	ssyncset.done $0x0  }
0xd0: {  	s6 =	simm.s32 $0x4CC8;
	[sflag:s1] =	ssyncadd.s32 $0xFFFFC180  }
0xd1: {  	[spmem:s2] =	stream.indirect.scatter.add.bf16 [tilespmem:s26], [sflag:$0x8], $0x20, s6, s17, $0xb8;
	[tilespmem:$0x198C0] =	vst v63  }
0xd2: {  	_ =	swait.ge [sflag:s21], $0x3E80  }
0xd3: {  	[sflag:s21] =	ssyncset.done $0x0  }
0xd4: {  	[sflag:s21] =	ssyncadd.s32 $0xFFFFC180  }
0xd5: {  	[tilespmem:s19], [sflag:$0x2] =	stream.indirect.gather [hbm4b:s4+s17], $0x20, s18, s17, $0xb8;
	[tilespmem:$0x198C0] =	vst v63  }
0xd6: {  	_ =	swait.ge [sflag:s20], $0x3E80  }
0xd7: {  	[sflag:s20] =	ssyncset.done $0x0  }
0xd8: {  	[sflag:s20] =	ssyncadd.s32 $0xFFFFC180  }
0xd9: {  	_ =	swait.ge [sflag:s23], $0x3E80  }
0xda: {  	[sflag:s23] =	ssyncset.done $0x0  }
0xdb: {  	[sflag:s23] =	ssyncadd.s32 $0xFFFFC180  }
0xdc: {  	_ =	swait.ge [sflag:s29], $0x3E80  }
0xdd: {  	[sflag:s29] =	ssyncset.done $0x0  }
0xde: {  	[sflag:s29] =	ssyncadd.s32 $0xFFFFC180  }
0xdf: {  	s31 =	stileid.u32;
	_ =	swait.ge [sflag:s24], $0x3E80  }
0xe0: {  	s25 =	sadd.s32 $0x1, s25;
	s0 =	sshll.u32 s31, $0x6;
	[sflag:s24] =	ssyncset.done $0x0  }
0xe1: {  	p0 =	sne.s32 s25, s13;
	s0 =	sor.u32 $0x1C09, s0;
	[sflag:s24] =	ssyncadd.s32 $0xFFFFC180  }
.Ltmp1:
0xe2: {  	s6 =	sshrl.u32 s5, $0x3;
	[bflag:$0x0] =	sbarrier.arrive $0xFFFF;
	(pc) =	sbr.rel @p0 .LBB2_1-.Ltmp1, $4  }
0xe3: {  	[hbm:s12], [sflag:s0] =	dma.local [spmem:s6], $0xA00  }
0xe4: {  	_ =	swait.ge [sflag:s15], $0xA00  }
0xe5: {  	[sflag:s15] =	ssyncset.done $0x0  }
0xe6: {  	[sflag:s15] =	ssyncadd.s32 $0xFFFFF600  }
0xe7: {  	_ =	sfence.sel $0x180000  }
0xe8: {  	[bflag:$0x0] =	sbarrier.arrive $0xFFFF  }
0xe9: {  	_ =	strace $0x9000004A  }
0xea: {  	s0 =	stileid.u32;
	[bflag:$0x2] =	sbarrier.arrive $0xFFFF  }
0xeb: {  	p0 =	sne.s32 s0, $0x0;
	s0 =	rddreg [dreg:$0x2]  }
0xec: {  	s0 =	sadd.s32 @!p0 $0x100000, s0  }
0xed: {  	[sflag:s0] =	ssyncadd.tile.s32 @!p0 $0x1;
	_ =	shalt  }
.Lfunc_end2:
_tile_overlayer_lowered:
.L_overlay_start_2:
0xee: {  	(tag) =	ssettag $0x2  }
0xef: {  	s0 =	rddreg [dreg:$0x0];
	s2 =	stileid.u32  }
0xf0: {  	s1 =	rddreg [dreg:$0x1];
	p0 =	sne.s32 s2, $0x0  }
0xf1: {  	s3 =	rddreg [dreg:$0x2];
	[bflag:$0x3] =	sbarrier.arrive $0xFFFF;
	s2 =	simm.s32 @!p0 $0x1C09  }
0xf2: {  	[timem:s3], [sflag:s2] =	dma.local @!p0 [hbm:s0], s1  }
0xf3: {  	s0 =	simm.s32 @!p0 $0x9  }
0xf4: {  	_ =	swait.ge @!p0 [sflag:s0], s1  }
0xf5: {  	s1 =	ssub.s32 @!p0 $0x0, s1;
	[sflag:s0] =	ssyncset.done @!p0 $0x0  }
0xf6: {  	[sflag:s0] =	ssyncadd.s32 @!p0 s1  }
0xf7: {  	[bflag:$0x3] =	sbarrier.arrive $0xFFFF  }
0xf8: {  	_ =	shalt  }

// kernel: kernel.14.cloned.1.call-start
scs
__scs_entry_jumppad:
0x0: {  	(pc) =	sbr.rel $0x88, $3  }
0x1: {  	(tag) =	ssettag $0x0;
	lr =	simm.s32 $0x1  }
0x2: {  	[smem:$0x3F98] =	sst lr;
	_ =	strace $0xD0000000  }
0x3: {  	_ = 	snop  }
0x4: {  	_ = 	snop  }
0x5: {  	_ = 	snop  }
0x6: {  	_ = 	snop  }
0x7: {  	_ = 	snop  }
__scs_overlays_trampoline_lowered:
0x8: {  	[smem:$0x3FA7] =	sst s0  }
0x9: {  	[smem:$0x3FA8] =	sst s1  }
0xa: {  	[smem:$0x3FA9] =	sst s2  }
0xb: {  	[smem:$0x3FAA] =	sst s3  }
0xc: {  	[smem:$0x3FAB] =	sst s4  }
0xd: {  	[smem:$0x3FAC] =	sst s5  }
0xe: {  	[smem:$0x3FAD] =	sst s6  }
0xf: {  	[smem:$0x3FAE] =	sst s7  }
0x10: {  	[smem:$0x3FAF] =	sst s8  }
0x11: {  	[smem:$0x3FB0] =	sst s9;
	s0 =	simm.s32 @!p0 $0x0  }
0x12: {  	s1 =	sld [smem:$0x3F96];
	s0 =	simm.s32 @p0 $0x1  }
0x13: {  	[smem:$0x3FB1] =	sst s0;
	s0 =	simm.s32 @!p1 $0x0  }
0x14: {  	s2 =	sld [smem:$0x3F95];
	s0 =	simm.s32 @p1 $0x1  }
0x15: {  	[smem:$0x3FB2] =	sst s0;
	s0 =	simm.s32 @!p2 $0x0  }
0x16: {  	s3 =	sld [smem:$0x3FDB];
	s0 =	simm.s32 @p2 $0x1  }
0x17: {  	s4 =	simm.s32 $0x1BF5;
	[smem:$0x3FB4] =	sst s0  }
0x18: {  	s0 =	sld [smem:$0x3F97];
	_ =	swait.ge [sflag:s4], $0x0  }
0x19: {  	s7 =	sld [smem:$0x3F98]  }
0x1a: {  	s8 =	sadd.s32 $0xFFFFE003, lr  }
0x1b: {  	s9 =	sadd.s32 $0xFFFFFEF7, lr;
	s5 =	simm.s32 $0xFFFFFFFF;
	p2 =	slt.u32 s8, $0xFFFFF086  }
0x1c: {  	p1 =	slt.u32 s9, $0xF7A;
	s5 =	simm.s32 @!p2 $0x0  }
0x1d: {  	s5 =	simm.s32 @p1 $0x1;
	p0 =	seq.s32 s7, s2  }
0x1e: {  	s7 =	smul.u32 @!p0 $0xF7A, s2;
	p2 =	seq.s32 @!p0 s5, $0x0  }
0x1f: {  	s9 =	smul.u32 $0xF7A, s1;
	s8 =	simm.s32 @!p0 $0x1BF5;
	p2 =	por !p2, p0  }
0x20: {  	[sflag:s8] =	ssyncset.s32 @!p0 $0xFFFFF086;
	s6 =	sadd.s32 @!p0 s3, s7;
	s7 =	simm.s32 @!p0 $0x108  }
0x21: {  	s3 =	sadd.s32 s3, s9;
	s6 =	sadd.s32 @!p0 $0x88, s6;
	s7 =	simm.s32 @p2 $0x1082  }
0x22: {  	[simem:s7], [sflag:s8] =	dma.local @!p0 [hbm:s6], $0xF7A  }
0x23: {  	s9 =	sor.u32 $0xD0000000, s2;
	s6 =	simm.s32 $0x108;
	_ =	swait.ge @!p0 [sflag:s8], $0x0  }
0x24: {  	s3 =	sadd.s32 $0x88, s3;
	s6 =	simm.s32 @!p1 $0x1082;
	[sflag:s4] =	ssyncset.s32 $0xFFFFF086  }
0x25: {  	[simem:s6], [sflag:s4] =	dma.local [hbm:s3], $0xF7A  }
0x26: {  	[smem:$0x3F98] =	sst s1;
	(tag) =	ssettag s2;
	_ =	strace s9  }
0x27: {  	s1 =	sld [smem:$0x3FA8]  }
0x28: {  	s2 =	sld [smem:$0x3FA9]  }
0x29: {  	s4 =	sld [smem:$0x3FAB]  }
0x2a: {  	p0 =	seq.s32 s5, $0x0;
	s5 =	sld [smem:$0x3FAC]  }
0x2b: {  	s6 =	sld [smem:$0x3FAD]  }
0x2c: {  	s7 =	sld [smem:$0x3FAE]  }
0x2d: {  	s3 =	simm.s32 $0x108;
	s8 =	sld [smem:$0x3FAF]  }
0x2e: {  	s3 =	simm.s32 @!p0 $0x1082;
	s9 =	sld [smem:$0x3FB0]  }
0x2f: {  	lr =	sadd.s32 s0, s3;
	s0 =	sld [smem:$0x3FA7]  }
0x30: {  	s3 =	sld [smem:$0x3FAA]  }
0x31: {  	[smem:$0x3FB3] =	sst s10  }
0x32: {  	s10 =	sld [smem:$0x3FB1];
	_ =	sdelay $0x3  }
0x33: {  	p0 =	seq.s32 s10, $0x1;
	s10 =	sld [smem:$0x3FB3];
	_ =	sdelay $0x3  }
0x34: {  	[smem:$0x3FB3] =	sst s10  }
0x35: {  	s10 =	sld [smem:$0x3FB2];
	_ =	sdelay $0x3  }
0x36: {  	p1 =	seq.s32 s10, $0x1;
	s10 =	sld [smem:$0x3FB3];
	_ =	sdelay $0x3  }
0x37: {  	[smem:$0x3FB3] =	sst s10  }
0x38: {  	s10 =	sld [smem:$0x3FB4]  }
0x39: {  	_ = 	snop;
	(pc) =	sbr.ind lr, $3  }
0x3a: {  	_ = 	snop  }
0x3b: {  	_ = 	snop  }
0x3c: {  	p2 =	seq.s32 s10, $0x1;
	s10 =	sld [smem:$0x3FB3]  }
0x3d: {  	_ =	shalt  }
0x3e: {  	_ =	shalt  }
0x3f: {  	_ =	shalt  }
0x40: {  	_ =	shalt  }
0x41: {  	_ =	shalt  }
0x42: {  	_ =	shalt  }
0x43: {  	_ =	shalt  }
0x44: {  	_ =	shalt  }
0x45: {  	_ =	shalt  }
0x46: {  	_ =	shalt  }
0x47: {  	_ =	shalt  }
0x48: {  	_ =	shalt  }
0x49: {  	_ =	shalt  }
0x4a: {  	_ =	shalt  }
0x4b: {  	_ =	shalt  }
0x4c: {  	_ =	shalt  }
0x4d: {  	_ =	shalt  }
0x4e: {  	_ =	shalt  }
0x4f: {  	_ =	shalt  }
0x50: {  	_ =	shalt  }
0x51: {  	_ =	shalt  }
0x52: {  	_ =	shalt  }
0x53: {  	_ =	shalt  }
0x54: {  	_ =	shalt  }
0x55: {  	_ =	shalt  }
0x56: {  	_ =	shalt  }
0x57: {  	_ =	shalt  }
0x58: {  	_ =	shalt  }
0x59: {  	_ =	shalt  }
0x5a: {  	_ =	shalt  }
0x5b: {  	_ =	shalt  }
0x5c: {  	_ =	shalt  }
0x5d: {  	_ =	shalt  }
0x5e: {  	_ =	shalt  }
0x5f: {  	_ =	shalt  }
0x60: {  	_ =	shalt  }
0x61: {  	_ =	shalt  }
0x62: {  	_ =	shalt  }
0x63: {  	_ =	shalt  }
0x64: {  	_ =	shalt  }
0x65: {  	_ =	shalt  }
0x66: {  	_ =	shalt  }
0x67: {  	_ =	shalt  }
0x68: {  	_ =	shalt  }
0x69: {  	_ =	shalt  }
0x6a: {  	_ =	shalt  }
0x6b: {  	_ =	shalt  }
0x6c: {  	_ =	shalt  }
0x6d: {  	_ =	shalt  }
0x6e: {  	_ =	shalt  }
0x6f: {  	_ =	shalt  }
0x70: {  	_ =	shalt  }
0x71: {  	_ =	shalt  }
0x72: {  	_ =	shalt  }
0x73: {  	_ =	shalt  }
0x74: {  	_ =	shalt  }
0x75: {  	_ =	shalt  }
0x76: {  	_ =	shalt  }
0x77: {  	_ =	shalt  }
0x78: {  	_ =	shalt  }
0x79: {  	_ =	shalt  }
0x7a: {  	_ =	shalt  }
0x7b: {  	_ =	shalt  }
0x7c: {  	_ =	shalt  }
0x7d: {  	_ =	shalt  }
0x7e: {  	_ =	shalt  }
0x7f: {  	_ =	shalt  }
0x80: {  	_ =	shalt  }
0x81: {  	_ =	shalt  }
0x82: {  	_ =	shalt  }
0x83: {  	_ =	shalt  }
0x84: {  	_ =	shalt  }
0x85: {  	_ =	shalt  }
0x86: {  	_ =	shalt  }
0x87: {  	_ =	shalt  }
.Lfunc_end0:
.L_simem_size_0:
called_computation.2_lowered:
.L_overlay_start_0:
0x88: {  	s2 =	sld [smem:$0x3FD9]  }
0x89: {  	s3 =	sld [smem:$0x3FFE];
	_ =	sdelay $0x1  }
0x8a: {  	s1 =	srdreg.scid  }
0x8b: {  	s0 =	sand.u32 $0x1, s1  }
0x8c: {  	s16 =	sshll.u32 s0, $0xA;
	s2 =	sadd.s32 s3, s2  }
0x8d: {  	s2 =	sadd.s32 s2, s16  }
0x8e: {  	[smem:$0x3FBF] =	sst s2  }
0x8f: {  	_ = 	snop  }
0x90: {  	(tm) =	ssettm $0x1  }
0x91: {  	s17 =	sld [smem:$0x3FFB];
	_ =	sdelay $0x3  }
0x92: {  	_ =	strace s17  }
0x93: {  	s2 =	sld [smem:$0x3FFC];
	_ =	sdelay $0x3  }
0x94: {  	_ =	strace s2  }
0x95: {  	s2 =	sld [smem:$0x3FFD];
	_ =	sdelay $0x3  }
0x96: {  	_ =	strace s2  }
0x97: {  	_ =	strace $0x8FFFFFFF  }
0x98: {  	s18 =	sld [smem:$0x3FDB];
	_ =	sdelay $0x1  }
0x99: {  	s19 =	simm.s32 $_scs_section_size  }
0x9a: {  	s4 =	simm.s32 $_size__tile_overlayer_lowered;
	s5 =	simm.s32 $_tile_overlayer_lowered  }
0x9b: {  	s22 =	simm.s32 $0x1BFF;
	s21 =	sshll.u32 s5, $0x1;
	s2 =	sadd.s32 s19, s18  }
0x9c: {  	s6 =	simm.s32 $0x0;
	s20 =	sshll.u32 s4, $0x1;
	s4 =	sadd.s32 s21, s2  }
0x9d: {  	[timem:s6], [sflag:s22] =	dma.local [hbm:s4], s20  }
0x9e: {  	_ =	swait.ge [sflag:s22], s20  }
0x9f: {  	s3 =	ssub.s32 $0x0, s20;
	[sflag:s22] =	ssyncset.done $0x0  }
0xa0: {  	[sflag:s22] =	ssyncadd.s32 s3;
	_ =	sdelay $0x1  }
0xa1: {  	s23 =	simm.s32 $0x1B8B  }
0xa2: {  	_ =	swait.ge [sflag:s23], $0x1  }
0xa3: {  	[sflag:s23] =	ssyncset.done $0x0  }
0xa4: {  	s25 =	simm.s32 $0x1B8E;
	s24 =	sld [smem:$0x3FFE];
	[sflag:s23] =	ssyncadd.s32 $0xFFFFFFFF  }
0xa5: {  	s26 =	simm.s32 $execute0_lowered;
	[smem:$0x3FD2] =	sst s25  }
0xa6: {  	s4 =	sshll.u32 s26, $0x1;
	_ =	strace $0x8000004C;
	[dreg:$0x1] =	wrdreg $0xFFFFFFFF  }
0xa7: {  	s28 =	simm.s32 $_size_execute0_lowered;
	s2 =	sadd.s32 s2, s4;
	[dreg:$0x0] =	wrdreg $0x0  }
0xa8: {  	s4 =	sshll.u32 s28, $0x1;
	[dreg:$0x2] =	wrdreg s2  }
0xa9: {  	[dreg:$0x3] =	wrdreg s4  }
0xaa: {  	[dreg:$0x4] =	wrdreg $0xC0  }
0xab: {  	_ =	task [dreg:s6], $0x5FFFF  }
0xac: {  	[dreg:$0x1] =	wrdreg $0xFFFFFFFF  }
0xad: {  	[dreg:$0x0] =	wrdreg $0x60  }
0xae: {  	[dreg:$0x2] =	wrdreg s24  }
0xaf: {  	[dreg:$0x3] =	wrdreg $0x148C00  }
0xb0: {  	[dreg:$0x4] =	wrdreg $0x9  }
0xb1: {  	_ =	task.clear_ibuf [dreg:s6], $0x5FFFF;
	_ =	strace $0x9000004C  }
0xb2: {  	s29 =	simm.s32 $0x9;
	_ =	strace $0x8000004E  }
0xb3: {  	_ =	swait.ge [sflag:s29], $0x1  }
0xb4: {  	[sflag:s29] =	ssyncadd.s32 $0xFFFFFFFF  }
0xb5: {  	_ =	strace $0x9000004E  }
0xb6: {  	_ =	sfence  }
0xb7: {  	s30 =	sld [smem:$0x0];
	_ =	sdelay $0x2  }
0xb8: {  	s31 =	sshll.u32 s1, $0xD;
	s1 =	sshrl.u32 s1, $0x2  }
0xb9: {  	s3 =	sand.u32 $0x4000, s31;
	s1 =	sadd.s32 s1, s30  }
0xba: {  	s0 =	sor.u32 s3, s0;
	s1 =	sshll.u32 s1, $0x11  }
0xbb: {  	s0 =	sor.u32 s1, s0  }
0xbc: {  	s0 =	sadd.s32 $0x8F2B, s0  }
0xbd: {  	[sflag:s0] =	ssyncadd.remote.s32 $0x1  }
0xbe: {  	_ =	sfence.sel $0xFFFF  }
0xbf: {  	[dreg:$0x0] =	wrdreg $0xFFFFFFFF;
	(pc) =	sbr.abs _section_cstart, $3  }
0xc0: {  	[dreg:$0x1] =	wrdreg $0xFFFFFFFF  }
0xc1: {  	_ =	task.clear_ibuf [dreg:s6], $0x2FFFF;
	_ =	strace $0x9FFFFFFF  }
0xc2: {  	(tm) =	ssettm $0x7FFFFFFF  }
0xc3: {  	_ =	shalt  }
tec
execute0_lowered:
.L_overlay_start_1:
0x0: {  	(tag) =	ssettag $0x1  }
0x1: {  	s0 =	srdreg.scid;
	s5 =	rddreg [dreg:$0x0]  }
0x2: {  	s8 =	stileid.u32;
	s2 =	rddreg [dreg:$0x1]  }
0x3: {  	s3 =	simm.s32 $0x0;
	s14 =	simm.s32 $0x4EC0;
	s15 =	simm.s32 $0x9  }
0x4: {  	s16 =	simm.s32 $0x2760;
	s17 =	simm.s32 $0x1F4;
	s18 =	simm.s32 $0x1F8  }
0x5: {  	s19 =	simm.s32 $0x8D40;
	s20 =	simm.s32 $0x1;
	s22 =	simm.s32 $0xCBC0  }
0x6: {  	s23 =	simm.s32 $0x2;
	s28 =	simm.s32 $0x3;
	s30 =	simm.s32 $0x5  }
0x7: {  	s21 =	simm.s32 $0x6;
	s29 =	simm.s32 $0x7;
	s6 =	smul.u32 $0xA000, s8  }
0x8: {  	s0 =	sand.u32 $0x1, s0;
	s1 =	sshll.u32 s8, $0x1;
	s8 =	smul.u32 $0x14000, s8  }
0x9: {  	[smem:$0x7FF] =	sst s3;
	s1 =	sor.u32 s0, s1;
	s4 =	smul.u32 $0xA0000, s0  }
0xa: {  	_ =	strace $0x8000004D;
	s0 =	ssub.s32 $0x2, s0;
	s1 =	smul.u32 $0x4EC, s1  }
0xb: {  	s24 =	sshrl.u32 s0, $0x1;
	s25 =	sshrl.u32 s8, $0x2;
	s26 =	sshrl.u32 s6, $0x1  }
0xc: {  	s7 =	sadd.s32 s6, s4;
	s4 =	sadd.s32 $0x16200, s5;
	s0 =	ssub.s32 s0, s24  }
0xd: {  	s9 =	sadd.s32 s25, s2;
	s24 =	simm.s32 $0x8;
	s25 =	simm.s32 $0x0  }
0xe: {  	s1 =	sadd.s32 s1, s5;
	s7 =	sshrl.u32 s7, $0x4;
	s31 =	sadd.s32 $0x1000, s9  }
0xf: {  	s8 =	sadd.s32 $0x3000, s9;
	s13 =	smax.u32 s0, $0x1;
	s12 =	sadd.s32 s7, s5  }
0x10: {  	s5 =	sadd.s32 s26, s2;
	[dreg:$0x3] =	wrdreg s31;
	s7 =	sadd.s32 $0x2000, s9  }
0x11: {  	s9 =	sadd.s32 $0x4000, s9;
	s10 =	sadd.s32 $0xC400, s1;
	s11 =	sadd.s32 $0x1C00, s1  }
0x12: {  	v0 =	vimm.bf16 $0.0e+00;
	s26 =	simm.s32 $0x10A40;
	s1 =	simm.s32 $0x4;
	s12 =	sadd.s32 $0x20200, s12  }
.LBB2_1:
0x13: {  	s31 =	simm.s32 $0x80;
	s0 =	simm.s32 $0x0  }
.LBB2_2:
0x14: {  	p0 =	sne.s32 s31, $0x3F80;
	[tilespmem:s0+$0x4EC0] =	vst v0;
	s6 =	smov.u32 s31;
	s31 =	sadd.s32 $0x80, s31  }
.Ltmp0:
0x15: {  	[tilespmem:s0+$0x4ED0] =	vst v0;
	(pc) =	sbr.rel @p0 .LBB2_2-.Ltmp0, $2  }
0x16: {  	_ =	sdelay $0x2  }
0x17: {  	s0 =	sshra.s32 s6, $0x2  }
0x18: {  	[tilespmem:s0+$0x4EC0] =	vst v0  }
0x19: {  	[tilespmem:s0+$0x4ED0] =	vst v0  }
0x1a: {  	[spmem:s5] =	stream.linear.scatter [tilespmem:s14], [sflag:$0x9], $0x1000, $0x38;
	[tilespmem:$0x198C0] =	vst v63  }
0x1b: {  	_ =	swait.ge [sflag:s15], $0x1000  }
0x1c: {  	[sflag:s15] =	ssyncset.done $0x0  }
0x1d: {  	s31 =	rddreg [dreg:$0x3];
	[sflag:s15] =	ssyncadd.s32 $0xFFFFF000  }
0x1e: {  	[spmem:s31] =	stream.linear.scatter [tilespmem:s14], [sflag:$0x9], $0x1000, $0x38;
	[tilespmem:$0x198C0] =	vst v63  }
0x1f: {  	_ =	swait.ge [sflag:s15], $0x1000  }
0x20: {  	[sflag:s15] =	ssyncset.done $0x0  }
0x21: {  	[sflag:s15] =	ssyncadd.s32 $0xFFFFF000  }
0x22: {  	[spmem:s7] =	stream.linear.scatter [tilespmem:s14], [sflag:$0x9], $0x1000, $0x38;
	[tilespmem:$0x198C0] =	vst v63  }
0x23: {  	_ =	swait.ge [sflag:s15], $0x1000  }
0x24: {  	[sflag:s15] =	ssyncset.done $0x0  }
0x25: {  	[sflag:s15] =	ssyncadd.s32 $0xFFFFF000  }
0x26: {  	[spmem:s8] =	stream.linear.scatter [tilespmem:s14], [sflag:$0x9], $0x1000, $0x38;
	[tilespmem:$0x198C0] =	vst v63  }
0x27: {  	_ =	swait.ge [sflag:s15], $0x1000  }
0x28: {  	[sflag:s15] =	ssyncset.done $0x0  }
0x29: {  	[sflag:s15] =	ssyncadd.s32 $0xFFFFF000  }
0x2a: {  	[spmem:s9] =	stream.linear.scatter [tilespmem:s14], [sflag:$0x9], $0x1000, $0x38;
	[tilespmem:$0x198C0] =	vst v63  }
0x2b: {  	_ =	swait.ge [sflag:s15], $0x1000  }
0x2c: {  	[sflag:s15] =	ssyncset.done $0x0  }
0x2d: {  	[sflag:s15] =	ssyncadd.s32 $0xFFFFF000  }
0x2e: {  	[tilespmem:s3], [sflag:$0x9] =	stream.linear.gather [hbm4b:s10+s3], $0x2760, $0x38;
	[tilespmem:$0x198C0] =	vst v63  }
0x2f: {  	_ =	swait.ge [sflag:s15], $0x2760  }
0x30: {  	[sflag:s15] =	ssyncset.done $0x0  }
0x31: {  	[sflag:s15] =	ssyncadd.s32 $0xFFFFD8A0  }
0x32: {  	[tilespmem:s16], [sflag:$0x9] =	stream.linear.gather [hbm4b:s11+s3], $0x2760, $0x38;
	[tilespmem:$0x198C0] =	vst v63  }
0x33: {  	_ =	swait.ge [sflag:s15], $0x2760  }
0x34: {  	[sflag:s15] =	ssyncset.done $0x0  }
0x35: {  	[sflag:s15] =	ssyncadd.s32 $0xFFFFD8A0  }
0x36: {  	[bflag:$0x0] =	sbarrier.arrive $0xFFFF  }
0x37: {  	[tilespmem:s14], [sflag:$0x1] =	stream.indirect.gather [hbm4b:s4+s17], $0x20, s3, s17, $0xb8;
	[tilespmem:$0x198C0] =	vst v63  }
0x38: {  	_ = 	snop  }
0x39: {  	[tilespmem:s19], [sflag:$0x2] =	stream.indirect.gather [hbm4b:s4+s17], $0x20, s18, s17, $0xb8;
	[tilespmem:$0x198C0] =	vst v63  }
0x3a: {  	_ =	swait.ge [sflag:s20], $0x3E80  }
0x3b: {  	[sflag:s20] =	ssyncset.done $0x0  }
0x3c: {  	[sflag:s20] =	ssyncadd.s32 $0xFFFFC180  }
0x3d: {  	[spmem:s2] =	stream.indirect.scatter.add.bf16 [tilespmem:s14], [sflag:$0x5], $0x20, s16, s17, $0xb8;
	[tilespmem:$0x198C0] =	vst v63  }
0x3e: {  	s6 =	simm.s32 $0x3F0  }
0x3f: {  	[tilespmem:s22], [sflag:$0x3] =	stream.indirect.gather [hbm4b:s4+s17], $0x20, s6, s17, $0xb8;
	[tilespmem:$0x198C0] =	vst v63  }
0x40: {  	_ =	swait.ge [sflag:s23], $0x3E80  }
0x41: {  	[sflag:s23] =	ssyncset.done $0x0  }
0x42: {  	s31 =	simm.s32 $0x2958;
	[sflag:s23] =	ssyncadd.s32 $0xFFFFC180  }
0x43: {  	[spmem:s2] =	stream.indirect.scatter.add.bf16 [tilespmem:s19], [sflag:$0x6], $0x20, s31, s17, $0xb8;
	[tilespmem:$0x198C0] =	vst v63  }
0x44: {  	s6 =	simm.s32 $0x5E8  }
0x45: {  	[tilespmem:s26], [sflag:$0x4] =	stream.indirect.gather [hbm4b:s4+s17], $0x20, s6, s17, $0xb8;
	[tilespmem:$0x198C0] =	vst v63  }
0x46: {  	_ =	swait.ge [sflag:s28], $0x3E80  }
0x47: {  	[sflag:s28] =	ssyncset.done $0x0  }
0x48: {  	s31 =	simm.s32 $0x2B50;
	[sflag:s28] =	ssyncadd.s32 $0xFFFFC180  }
0x49: {  	[spmem:s2] =	stream.indirect.scatter.add.bf16 [tilespmem:s22], [sflag:$0x7], $0x20, s31, s17, $0xb8;
	[tilespmem:$0x198C0] =	vst v63  }
0x4a: {  	_ =	swait.ge [sflag:s30], $0x3E80  }
0x4b: {  	[sflag:s30] =	ssyncset.done $0x0  }
0x4c: {  	s6 =	simm.s32 $0x7E0;
	[sflag:s30] =	ssyncadd.s32 $0xFFFFC180  }
0x4d: {  	[tilespmem:s14], [sflag:$0x1] =	stream.indirect.gather [hbm4b:s4+s17], $0x20, s6, s17, $0xb8;
	[tilespmem:$0x198C0] =	vst v63  }
0x4e: {  	_ =	swait.ge [sflag:s1], $0x3E80  }
0x4f: {  	[sflag:s1] =	ssyncset.done $0x0  }
0x50: {  	s31 =	simm.s32 $0x2D48;
	[sflag:s1] =	ssyncadd.s32 $0xFFFFC180  }
0x51: {  	[spmem:s2] =	stream.indirect.scatter.add.bf16 [tilespmem:s26], [sflag:$0x8], $0x20, s31, s17, $0xb8;
	[tilespmem:$0x198C0] =	vst v63  }
0x52: {  	_ =	swait.ge [sflag:s21], $0x3E80  }
0x53: {  	[sflag:s21] =	ssyncset.done $0x0  }
0x54: {  	s6 =	simm.s32 $0x9D8;
	[sflag:s21] =	ssyncadd.s32 $0xFFFFC180  }
0x55: {  	[tilespmem:s19], [sflag:$0x2] =	stream.indirect.gather [hbm4b:s4+s17], $0x20, s6, s17, $0xb8;
	[tilespmem:$0x198C0] =	vst v63  }
0x56: {  	_ =	swait.ge [sflag:s20], $0x3E80  }
0x57: {  	[sflag:s20] =	ssyncset.done $0x0  }
0x58: {  	s31 =	simm.s32 $0x2F40;
	[sflag:s20] =	ssyncadd.s32 $0xFFFFC180  }
0x59: {  	[spmem:s2] =	stream.indirect.scatter.add.bf16 [tilespmem:s14], [sflag:$0x5], $0x20, s31, s17, $0xb8;
	[tilespmem:$0x198C0] =	vst v63  }
0x5a: {  	_ =	swait.ge [sflag:s29], $0x3E80  }
0x5b: {  	[sflag:s29] =	ssyncset.done $0x0  }
0x5c: {  	s6 =	simm.s32 $0xBD0;
	[sflag:s29] =	ssyncadd.s32 $0xFFFFC180  }
0x5d: {  	[tilespmem:s22], [sflag:$0x3] =	stream.indirect.gather [hbm4b:s4+s17], $0x20, s6, s17, $0xb8;
	[tilespmem:$0x198C0] =	vst v63  }
0x5e: {  	_ =	swait.ge [sflag:s23], $0x3E80  }
0x5f: {  	[sflag:s23] =	ssyncset.done $0x0  }
0x60: {  	s31 =	simm.s32 $0x3138;
	[sflag:s23] =	ssyncadd.s32 $0xFFFFC180  }
0x61: {  	[spmem:s2] =	stream.indirect.scatter.add.bf16 [tilespmem:s19], [sflag:$0x6], $0x20, s31, s17, $0xb8;
	[tilespmem:$0x198C0] =	vst v63  }
0x62: {  	_ =	swait.ge [sflag:s24], $0x3E80  }
0x63: {  	[sflag:s24] =	ssyncset.done $0x0  }
0x64: {  	s6 =	simm.s32 $0xDC8;
	[sflag:s24] =	ssyncadd.s32 $0xFFFFC180  }
0x65: {  	[tilespmem:s26], [sflag:$0x4] =	stream.indirect.gather [hbm4b:s4+s17], $0x20, s6, s17, $0xb8;
	[tilespmem:$0x198C0] =	vst v63  }
0x66: {  	_ =	swait.ge [sflag:s28], $0x3E80  }
0x67: {  	[sflag:s28] =	ssyncset.done $0x0  }
0x68: {  	s31 =	simm.s32 $0x3330;
	[sflag:s28] =	ssyncadd.s32 $0xFFFFC180  }
0x69: {  	[spmem:s2] =	stream.indirect.scatter.add.bf16 [tilespmem:s22], [sflag:$0x7], $0x20, s31, s17, $0xb8;
	[tilespmem:$0x198C0] =	vst v63  }
0x6a: {  	_ =	swait.ge [sflag:s30], $0x3E80  }
0x6b: {  	[sflag:s30] =	ssyncset.done $0x0  }
0x6c: {  	s6 =	simm.s32 $0xFC0;
	[sflag:s30] =	ssyncadd.s32 $0xFFFFC180  }
0x6d: {  	[tilespmem:s14], [sflag:$0x1] =	stream.indirect.gather [hbm4b:s4+s17], $0x20, s6, s17, $0xb8;
	[tilespmem:$0x198C0] =	vst v63  }
0x6e: {  	_ =	swait.ge [sflag:s1], $0x3E80  }
0x6f: {  	[sflag:s1] =	ssyncset.done $0x0  }
0x70: {  	s31 =	simm.s32 $0x3528;
	[sflag:s1] =	ssyncadd.s32 $0xFFFFC180  }
0x71: {  	[spmem:s2] =	stream.indirect.scatter.add.bf16 [tilespmem:s26], [sflag:$0x8], $0x20, s31, s17, $0xb8;
	[tilespmem:$0x198C0] =	vst v63  }
0x72: {  	_ =	swait.ge [sflag:s21], $0x3E80  }
0x73: {  	[sflag:s21] =	ssyncset.done $0x0  }
0x74: {  	s6 =	simm.s32 $0x11B8;
	[sflag:s21] =	ssyncadd.s32 $0xFFFFC180  }
0x75: {  	[tilespmem:s19], [sflag:$0x2] =	stream.indirect.gather [hbm4b:s4+s17], $0x20, s6, s17, $0xb8;
	[tilespmem:$0x198C0] =	vst v63  }
0x76: {  	_ =	swait.ge [sflag:s20], $0x3E80  }
0x77: {  	[sflag:s20] =	ssyncset.done $0x0  }
0x78: {  	s31 =	simm.s32 $0x3720;
	[sflag:s20] =	ssyncadd.s32 $0xFFFFC180  }
0x79: {  	[spmem:s2] =	stream.indirect.scatter.add.bf16 [tilespmem:s14], [sflag:$0x5], $0x20, s31, s17, $0xb8;
	[tilespmem:$0x198C0] =	vst v63  }
0x7a: {  	_ =	swait.ge [sflag:s29], $0x3E80  }
0x7b: {  	[sflag:s29] =	ssyncset.done $0x0  }
0x7c: {  	s6 =	simm.s32 $0x13B0;
	[sflag:s29] =	ssyncadd.s32 $0xFFFFC180  }
0x7d: {  	[tilespmem:s22], [sflag:$0x3] =	stream.indirect.gather [hbm4b:s4+s17], $0x20, s6, s17, $0xb8;
	[tilespmem:$0x198C0] =	vst v63  }
0x7e: {  	_ =	swait.ge [sflag:s23], $0x3E80  }
0x7f: {  	[sflag:s23] =	ssyncset.done $0x0  }
0x80: {  	s31 =	simm.s32 $0x3918;
	[sflag:s23] =	ssyncadd.s32 $0xFFFFC180  }
0x81: {  	[spmem:s2] =	stream.indirect.scatter.add.bf16 [tilespmem:s19], [sflag:$0x6], $0x20, s31, s17, $0xb8;
	[tilespmem:$0x198C0] =	vst v63  }
0x82: {  	_ =	swait.ge [sflag:s24], $0x3E80  }
0x83: {  	[sflag:s24] =	ssyncset.done $0x0  }
0x84: {  	s6 =	simm.s32 $0x15A8;
	[sflag:s24] =	ssyncadd.s32 $0xFFFFC180  }
0x85: {  	[tilespmem:s26], [sflag:$0x4] =	stream.indirect.gather [hbm4b:s4+s17], $0x20, s6, s17, $0xb8;
	[tilespmem:$0x198C0] =	vst v63  }
0x86: {  	_ =	swait.ge [sflag:s28], $0x3E80  }
0x87: {  	[sflag:s28] =	ssyncset.done $0x0  }
0x88: {  	s31 =	simm.s32 $0x3B10;
	[sflag:s28] =	ssyncadd.s32 $0xFFFFC180  }
0x89: {  	[spmem:s2] =	stream.indirect.scatter.add.bf16 [tilespmem:s22], [sflag:$0x7], $0x20, s31, s17, $0xb8;
	[tilespmem:$0x198C0] =	vst v63  }
0x8a: {  	_ =	swait.ge [sflag:s30], $0x3E80  }
0x8b: {  	[sflag:s30] =	ssyncset.done $0x0  }
0x8c: {  	s6 =	simm.s32 $0x17A0;
	[sflag:s30] =	ssyncadd.s32 $0xFFFFC180  }
0x8d: {  	[tilespmem:s14], [sflag:$0x1] =	stream.indirect.gather [hbm4b:s4+s17], $0x20, s6, s17, $0xb8;
	[tilespmem:$0x198C0] =	vst v63  }
0x8e: {  	_ =	swait.ge [sflag:s1], $0x3E80  }
0x8f: {  	[sflag:s1] =	ssyncset.done $0x0  }
0x90: {  	s31 =	simm.s32 $0x3D08;
	[sflag:s1] =	ssyncadd.s32 $0xFFFFC180  }
0x91: {  	[spmem:s2] =	stream.indirect.scatter.add.bf16 [tilespmem:s26], [sflag:$0x8], $0x20, s31, s17, $0xb8;
	[tilespmem:$0x198C0] =	vst v63  }
0x92: {  	_ =	swait.ge [sflag:s21], $0x3E80  }
0x93: {  	[sflag:s21] =	ssyncset.done $0x0  }
0x94: {  	s6 =	simm.s32 $0x1998;
	[sflag:s21] =	ssyncadd.s32 $0xFFFFC180  }
0x95: {  	[tilespmem:s19], [sflag:$0x2] =	stream.indirect.gather [hbm4b:s4+s17], $0x20, s6, s17, $0xb8;
	[tilespmem:$0x198C0] =	vst v63  }
0x96: {  	_ =	swait.ge [sflag:s20], $0x3E80  }
0x97: {  	[sflag:s20] =	ssyncset.done $0x0  }
0x98: {  	s31 =	simm.s32 $0x3F00;
	[sflag:s20] =	ssyncadd.s32 $0xFFFFC180  }
0x99: {  	[spmem:s2] =	stream.indirect.scatter.add.bf16 [tilespmem:s14], [sflag:$0x5], $0x20, s31, s17, $0xb8;
	[tilespmem:$0x198C0] =	vst v63  }
0x9a: {  	_ =	swait.ge [sflag:s29], $0x3E80  }
0x9b: {  	[sflag:s29] =	ssyncset.done $0x0  }
0x9c: {  	s6 =	simm.s32 $0x1B90;
	[sflag:s29] =	ssyncadd.s32 $0xFFFFC180  }
0x9d: {  	[tilespmem:s22], [sflag:$0x3] =	stream.indirect.gather [hbm4b:s4+s17], $0x20, s6, s17, $0xb8;
	[tilespmem:$0x198C0] =	vst v63  }
0x9e: {  	_ =	swait.ge [sflag:s23], $0x3E80  }
0x9f: {  	[sflag:s23] =	ssyncset.done $0x0  }
0xa0: {  	s31 =	simm.s32 $0x40F8;
	[sflag:s23] =	ssyncadd.s32 $0xFFFFC180  }
0xa1: {  	[spmem:s2] =	stream.indirect.scatter.add.bf16 [tilespmem:s19], [sflag:$0x6], $0x20, s31, s17, $0xb8;
	[tilespmem:$0x198C0] =	vst v63  }
0xa2: {  	_ =	swait.ge [sflag:s24], $0x3E80  }
0xa3: {  	[sflag:s24] =	ssyncset.done $0x0  }
0xa4: {  	s6 =	simm.s32 $0x1D88;
	[sflag:s24] =	ssyncadd.s32 $0xFFFFC180  }
0xa5: {  	[tilespmem:s26], [sflag:$0x4] =	stream.indirect.gather [hbm4b:s4+s17], $0x20, s6, s17, $0xb8;
	[tilespmem:$0x198C0] =	vst v63  }
0xa6: {  	_ =	swait.ge [sflag:s28], $0x3E80  }
0xa7: {  	[sflag:s28] =	ssyncset.done $0x0  }
0xa8: {  	s31 =	simm.s32 $0x42F0;
	[sflag:s28] =	ssyncadd.s32 $0xFFFFC180  }
0xa9: {  	[spmem:s2] =	stream.indirect.scatter.add.bf16 [tilespmem:s22], [sflag:$0x7], $0x20, s31, s17, $0xb8;
	[tilespmem:$0x198C0] =	vst v63  }
0xaa: {  	_ =	swait.ge [sflag:s30], $0x3E80  }
0xab: {  	[sflag:s30] =	ssyncset.done $0x0  }
0xac: {  	s6 =	simm.s32 $0x1F80;
	[sflag:s30] =	ssyncadd.s32 $0xFFFFC180  }
0xad: {  	[tilespmem:s14], [sflag:$0x1] =	stream.indirect.gather [hbm4b:s4+s17], $0x20, s6, s17, $0xb8;
	[tilespmem:$0x198C0] =	vst v63  }
0xae: {  	_ =	swait.ge [sflag:s1], $0x3E80  }
0xaf: {  	[sflag:s1] =	ssyncset.done $0x0  }
0xb0: {  	s31 =	simm.s32 $0x44E8;
	[sflag:s1] =	ssyncadd.s32 $0xFFFFC180  }
0xb1: {  	[spmem:s2] =	stream.indirect.scatter.add.bf16 [tilespmem:s26], [sflag:$0x8], $0x20, s31, s17, $0xb8;
	[tilespmem:$0x198C0] =	vst v63  }
0xb2: {  	_ =	swait.ge [sflag:s21], $0x3E80  }
0xb3: {  	[sflag:s21] =	ssyncset.done $0x0  }
0xb4: {  	s6 =	simm.s32 $0x2178;
	[sflag:s21] =	ssyncadd.s32 $0xFFFFC180  }
0xb5: {  	[tilespmem:s19], [sflag:$0x2] =	stream.indirect.gather [hbm4b:s4+s17], $0x20, s6, s17, $0xb8;
	[tilespmem:$0x198C0] =	vst v63  }
0xb6: {  	_ =	swait.ge [sflag:s20], $0x3E80  }
0xb7: {  	[sflag:s20] =	ssyncset.done $0x0  }
0xb8: {  	s31 =	simm.s32 $0x46E0;
	[sflag:s20] =	ssyncadd.s32 $0xFFFFC180  }
0xb9: {  	[spmem:s2] =	stream.indirect.scatter.add.bf16 [tilespmem:s14], [sflag:$0x5], $0x20, s31, s17, $0xb8;
	[tilespmem:$0x198C0] =	vst v63  }
0xba: {  	_ =	swait.ge [sflag:s29], $0x3E80  }
0xbb: {  	[sflag:s29] =	ssyncset.done $0x0  }
0xbc: {  	s6 =	simm.s32 $0x2370;
	[sflag:s29] =	ssyncadd.s32 $0xFFFFC180  }
0xbd: {  	[tilespmem:s22], [sflag:$0x3] =	stream.indirect.gather [hbm4b:s4+s17], $0x20, s6, s17, $0xb8;
	[tilespmem:$0x198C0] =	vst v63  }
0xbe: {  	_ =	swait.ge [sflag:s23], $0x3E80  }
0xbf: {  	[sflag:s23] =	ssyncset.done $0x0  }
0xc0: {  	s31 =	simm.s32 $0x48D8;
	[sflag:s23] =	ssyncadd.s32 $0xFFFFC180  }
0xc1: {  	[spmem:s2] =	stream.indirect.scatter.add.bf16 [tilespmem:s19], [sflag:$0x6], $0x20, s31, s17, $0xb8;
	[tilespmem:$0x198C0] =	vst v63  }
0xc2: {  	_ =	swait.ge [sflag:s24], $0x3E80  }
0xc3: {  	[sflag:s24] =	ssyncset.done $0x0  }
0xc4: {  	s6 =	simm.s32 $0x2568;
	[sflag:s24] =	ssyncadd.s32 $0xFFFFC180  }
0xc5: {  	[tilespmem:s26], [sflag:$0x4] =	stream.indirect.gather [hbm4b:s4+s17], $0x20, s6, s17, $0xb8;
	[tilespmem:$0x198C0] =	vst v63  }
0xc6: {  	_ =	swait.ge [sflag:s28], $0x3E80  }
0xc7: {  	[sflag:s28] =	ssyncset.done $0x0  }
0xc8: {  	s31 =	simm.s32 $0x4AD0;
	[sflag:s28] =	ssyncadd.s32 $0xFFFFC180  }
0xc9: {  	[spmem:s2] =	stream.indirect.scatter.add.bf16 [tilespmem:s22], [sflag:$0x7], $0x20, s31, s17, $0xb8;
	[tilespmem:$0x198C0] =	vst v63  }
0xca: {  	_ =	swait.ge [sflag:s30], $0x3E80  }
0xcb: {  	[sflag:s30] =	ssyncset.done $0x0  }
0xcc: {  	[sflag:s30] =	ssyncadd.s32 $0xFFFFC180  }
0xcd: {  	[tilespmem:s14], [sflag:$0x1] =	stream.indirect.gather [hbm4b:s4+s17], $0x20, s3, s17, $0xb8;
	[tilespmem:$0x198C0] =	vst v63  }
0xce: {  	_ =	swait.ge [sflag:s1], $0x3E80  }
0xcf: {  	[sflag:s1] =	ssyncset.done $0x0  }
0xd0: {  	s6 =	simm.s32 $0x4CC8;
	[sflag:s1] =	ssyncadd.s32 $0xFFFFC180  }
0xd1: {  	[spmem:s2] =	stream.indirect.scatter.add.bf16 [tilespmem:s26], [sflag:$0x8], $0x20, s6, s17, $0xb8;
	[tilespmem:$0x198C0] =	vst v63  }
0xd2: {  	_ =	swait.ge [sflag:s21], $0x3E80  }
0xd3: {  	[sflag:s21] =	ssyncset.done $0x0  }
0xd4: {  	[sflag:s21] =	ssyncadd.s32 $0xFFFFC180  }
0xd5: {  	[tilespmem:s19], [sflag:$0x2] =	stream.indirect.gather [hbm4b:s4+s17], $0x20, s18, s17, $0xb8;
	[tilespmem:$0x198C0] =	vst v63  }
0xd6: {  	_ =	swait.ge [sflag:s20], $0x3E80  }
0xd7: {  	[sflag:s20] =	ssyncset.done $0x0  }
0xd8: {  	[sflag:s20] =	ssyncadd.s32 $0xFFFFC180  }
0xd9: {  	_ =	swait.ge [sflag:s23], $0x3E80  }
0xda: {  	[sflag:s23] =	ssyncset.done $0x0  }
0xdb: {  	[sflag:s23] =	ssyncadd.s32 $0xFFFFC180  }
0xdc: {  	_ =	swait.ge [sflag:s29], $0x3E80  }
0xdd: {  	[sflag:s29] =	ssyncset.done $0x0  }
0xde: {  	[sflag:s29] =	ssyncadd.s32 $0xFFFFC180  }
0xdf: {  	s31 =	stileid.u32;
	_ =	swait.ge [sflag:s24], $0x3E80  }
0xe0: {  	s25 =	sadd.s32 $0x1, s25;
	s0 =	sshll.u32 s31, $0x6;
	[sflag:s24] =	ssyncset.done $0x0  }
0xe1: {  	p0 =	sne.s32 s25, s13;
	s0 =	sor.u32 $0x1C09, s0;
	[sflag:s24] =	ssyncadd.s32 $0xFFFFC180  }
.Ltmp1:
0xe2: {  	s6 =	sshrl.u32 s5, $0x3;
	[bflag:$0x0] =	sbarrier.arrive $0xFFFF;
	(pc) =	sbr.rel @p0 .LBB2_1-.Ltmp1, $4  }
0xe3: {  	[hbm:s12], [sflag:s0] =	dma.local [spmem:s6], $0xA00  }
0xe4: {  	_ =	swait.ge [sflag:s15], $0xA00  }
0xe5: {  	[sflag:s15] =	ssyncset.done $0x0  }
0xe6: {  	[sflag:s15] =	ssyncadd.s32 $0xFFFFF600  }
0xe7: {  	_ =	sfence.sel $0x180000  }
0xe8: {  	[bflag:$0x0] =	sbarrier.arrive $0xFFFF  }
0xe9: {  	_ =	strace $0x9000004D  }
0xea: {  	s0 =	stileid.u32;
	[bflag:$0x2] =	sbarrier.arrive $0xFFFF  }
0xeb: {  	p0 =	sne.s32 s0, $0x0;
	s0 =	rddreg [dreg:$0x2]  }
0xec: {  	s0 =	sadd.s32 @!p0 $0x100000, s0  }
0xed: {  	[sflag:s0] =	ssyncadd.tile.s32 @!p0 $0x1;
	_ =	shalt  }
.Lfunc_end2:
_tile_overlayer_lowered:
.L_overlay_start_2:
0xee: {  	(tag) =	ssettag $0x2  }
0xef: {  	s0 =	rddreg [dreg:$0x0];
	s2 =	stileid.u32  }
0xf0: {  	s1 =	rddreg [dreg:$0x1];
	p0 =	sne.s32 s2, $0x0  }
0xf1: {  	s3 =	rddreg [dreg:$0x2];
	[bflag:$0x3] =	sbarrier.arrive $0xFFFF;
	s2 =	simm.s32 @!p0 $0x1C09  }
0xf2: {  	[timem:s3], [sflag:s2] =	dma.local @!p0 [hbm:s0], s1  }
0xf3: {  	s0 =	simm.s32 @!p0 $0x9  }
0xf4: {  	_ =	swait.ge @!p0 [sflag:s0], s1  }
0xf5: {  	s1 =	ssub.s32 @!p0 $0x0, s1;
	[sflag:s0] =	ssyncset.done @!p0 $0x0  }
0xf6: {  	[sflag:s0] =	ssyncadd.s32 @!p0 s1  }
0xf7: {  	[bflag:$0x3] =	sbarrier.arrive $0xFFFF  }
0xf8: {  	_ =	shalt  }

// kernel: kernel.8.cloned.1.call-start
scs
__scs_entry_jumppad:
0x0: {  	(pc) =	sbr.rel $0x88, $3  }
0x1: {  	(tag) =	ssettag $0x0;
	lr =	simm.s32 $0x1  }
0x2: {  	[smem:$0x3F98] =	sst lr;
	_ =	strace $0xD0000000  }
0x3: {  	_ = 	snop  }
0x4: {  	_ = 	snop  }
0x5: {  	_ = 	snop  }
0x6: {  	_ = 	snop  }
0x7: {  	_ = 	snop  }
__scs_overlays_trampoline_lowered:
0x8: {  	[smem:$0x3FA7] =	sst s0  }
0x9: {  	[smem:$0x3FA8] =	sst s1  }
0xa: {  	[smem:$0x3FA9] =	sst s2  }
0xb: {  	[smem:$0x3FAA] =	sst s3  }
0xc: {  	[smem:$0x3FAB] =	sst s4  }
0xd: {  	[smem:$0x3FAC] =	sst s5  }
0xe: {  	[smem:$0x3FAD] =	sst s6  }
0xf: {  	[smem:$0x3FAE] =	sst s7  }
0x10: {  	[smem:$0x3FAF] =	sst s8  }
0x11: {  	[smem:$0x3FB0] =	sst s9;
	s0 =	simm.s32 @!p0 $0x0  }
0x12: {  	s1 =	sld [smem:$0x3F96];
	s0 =	simm.s32 @p0 $0x1  }
0x13: {  	[smem:$0x3FB1] =	sst s0;
	s0 =	simm.s32 @!p1 $0x0  }
0x14: {  	s2 =	sld [smem:$0x3F95];
	s0 =	simm.s32 @p1 $0x1  }
0x15: {  	[smem:$0x3FB2] =	sst s0;
	s0 =	simm.s32 @!p2 $0x0  }
0x16: {  	s3 =	sld [smem:$0x3FDB];
	s0 =	simm.s32 @p2 $0x1  }
0x17: {  	s4 =	simm.s32 $0x1BF5;
	[smem:$0x3FB4] =	sst s0  }
0x18: {  	s0 =	sld [smem:$0x3F97];
	_ =	swait.ge [sflag:s4], $0x0  }
0x19: {  	s7 =	sld [smem:$0x3F98]  }
0x1a: {  	s8 =	sadd.s32 $0xFFFFE003, lr  }
0x1b: {  	s9 =	sadd.s32 $0xFFFFFEF7, lr;
	s5 =	simm.s32 $0xFFFFFFFF;
	p2 =	slt.u32 s8, $0xFFFFF086  }
0x1c: {  	p1 =	slt.u32 s9, $0xF7A;
	s5 =	simm.s32 @!p2 $0x0  }
0x1d: {  	s5 =	simm.s32 @p1 $0x1;
	p0 =	seq.s32 s7, s2  }
0x1e: {  	s7 =	smul.u32 @!p0 $0xF7A, s2;
	p2 =	seq.s32 @!p0 s5, $0x0  }
0x1f: {  	s9 =	smul.u32 $0xF7A, s1;
	s8 =	simm.s32 @!p0 $0x1BF5;
	p2 =	por !p2, p0  }
0x20: {  	[sflag:s8] =	ssyncset.s32 @!p0 $0xFFFFF086;
	s6 =	sadd.s32 @!p0 s3, s7;
	s7 =	simm.s32 @!p0 $0x108  }
0x21: {  	s3 =	sadd.s32 s3, s9;
	s6 =	sadd.s32 @!p0 $0x88, s6;
	s7 =	simm.s32 @p2 $0x1082  }
0x22: {  	[simem:s7], [sflag:s8] =	dma.local @!p0 [hbm:s6], $0xF7A  }
0x23: {  	s9 =	sor.u32 $0xD0000000, s2;
	s6 =	simm.s32 $0x108;
	_ =	swait.ge @!p0 [sflag:s8], $0x0  }
0x24: {  	s3 =	sadd.s32 $0x88, s3;
	s6 =	simm.s32 @!p1 $0x1082;
	[sflag:s4] =	ssyncset.s32 $0xFFFFF086  }
0x25: {  	[simem:s6], [sflag:s4] =	dma.local [hbm:s3], $0xF7A  }
0x26: {  	[smem:$0x3F98] =	sst s1;
	(tag) =	ssettag s2;
	_ =	strace s9  }
0x27: {  	s1 =	sld [smem:$0x3FA8]  }
0x28: {  	s2 =	sld [smem:$0x3FA9]  }
0x29: {  	s4 =	sld [smem:$0x3FAB]  }
0x2a: {  	p0 =	seq.s32 s5, $0x0;
	s5 =	sld [smem:$0x3FAC]  }
0x2b: {  	s6 =	sld [smem:$0x3FAD]  }
0x2c: {  	s7 =	sld [smem:$0x3FAE]  }
0x2d: {  	s3 =	simm.s32 $0x108;
	s8 =	sld [smem:$0x3FAF]  }
0x2e: {  	s3 =	simm.s32 @!p0 $0x1082;
	s9 =	sld [smem:$0x3FB0]  }
0x2f: {  	lr =	sadd.s32 s0, s3;
	s0 =	sld [smem:$0x3FA7]  }
0x30: {  	s3 =	sld [smem:$0x3FAA]  }
0x31: {  	[smem:$0x3FB3] =	sst s10  }
0x32: {  	s10 =	sld [smem:$0x3FB1];
	_ =	sdelay $0x3  }
0x33: {  	p0 =	seq.s32 s10, $0x1;
	s10 =	sld [smem:$0x3FB3];
	_ =	sdelay $0x3  }
0x34: {  	[smem:$0x3FB3] =	sst s10  }
0x35: {  	s10 =	sld [smem:$0x3FB2];
	_ =	sdelay $0x3  }
0x36: {  	p1 =	seq.s32 s10, $0x1;
	s10 =	sld [smem:$0x3FB3];
	_ =	sdelay $0x3  }
0x37: {  	[smem:$0x3FB3] =	sst s10  }
0x38: {  	s10 =	sld [smem:$0x3FB4]  }
0x39: {  	_ = 	snop;
	(pc) =	sbr.ind lr, $3  }
0x3a: {  	_ = 	snop  }
0x3b: {  	_ = 	snop  }
0x3c: {  	p2 =	seq.s32 s10, $0x1;
	s10 =	sld [smem:$0x3FB3]  }
0x3d: {  	_ =	shalt  }
0x3e: {  	_ =	shalt  }
0x3f: {  	_ =	shalt  }
0x40: {  	_ =	shalt  }
0x41: {  	_ =	shalt  }
0x42: {  	_ =	shalt  }
0x43: {  	_ =	shalt  }
0x44: {  	_ =	shalt  }
0x45: {  	_ =	shalt  }
0x46: {  	_ =	shalt  }
0x47: {  	_ =	shalt  }
0x48: {  	_ =	shalt  }
0x49: {  	_ =	shalt  }
0x4a: {  	_ =	shalt  }
0x4b: {  	_ =	shalt  }
0x4c: {  	_ =	shalt  }
0x4d: {  	_ =	shalt  }
0x4e: {  	_ =	shalt  }
0x4f: {  	_ =	shalt  }
0x50: {  	_ =	shalt  }
0x51: {  	_ =	shalt  }
0x52: {  	_ =	shalt  }
0x53: {  	_ =	shalt  }
0x54: {  	_ =	shalt  }
0x55: {  	_ =	shalt  }
0x56: {  	_ =	shalt  }
0x57: {  	_ =	shalt  }
0x58: {  	_ =	shalt  }
0x59: {  	_ =	shalt  }
0x5a: {  	_ =	shalt  }
0x5b: {  	_ =	shalt  }
0x5c: {  	_ =	shalt  }
0x5d: {  	_ =	shalt  }
0x5e: {  	_ =	shalt  }
0x5f: {  	_ =	shalt  }
0x60: {  	_ =	shalt  }
0x61: {  	_ =	shalt  }
0x62: {  	_ =	shalt  }
0x63: {  	_ =	shalt  }
0x64: {  	_ =	shalt  }
0x65: {  	_ =	shalt  }
0x66: {  	_ =	shalt  }
0x67: {  	_ =	shalt  }
0x68: {  	_ =	shalt  }
0x69: {  	_ =	shalt  }
0x6a: {  	_ =	shalt  }
0x6b: {  	_ =	shalt  }
0x6c: {  	_ =	shalt  }
0x6d: {  	_ =	shalt  }
0x6e: {  	_ =	shalt  }
0x6f: {  	_ =	shalt  }
0x70: {  	_ =	shalt  }
0x71: {  	_ =	shalt  }
0x72: {  	_ =	shalt  }
0x73: {  	_ =	shalt  }
0x74: {  	_ =	shalt  }
0x75: {  	_ =	shalt  }
0x76: {  	_ =	shalt  }
0x77: {  	_ =	shalt  }
0x78: {  	_ =	shalt  }
0x79: {  	_ =	shalt  }
0x7a: {  	_ =	shalt  }
0x7b: {  	_ =	shalt  }
0x7c: {  	_ =	shalt  }
0x7d: {  	_ =	shalt  }
0x7e: {  	_ =	shalt  }
0x7f: {  	_ =	shalt  }
0x80: {  	_ =	shalt  }
0x81: {  	_ =	shalt  }
0x82: {  	_ =	shalt  }
0x83: {  	_ =	shalt  }
0x84: {  	_ =	shalt  }
0x85: {  	_ =	shalt  }
0x86: {  	_ =	shalt  }
0x87: {  	_ =	shalt  }
.Lfunc_end0:
.L_simem_size_0:
called_computation_lowered:
.L_overlay_start_0:
0x88: {  	s2 =	sld [smem:$0x3FD9]  }
0x89: {  	s3 =	sld [smem:$0x3FFE];
	_ =	sdelay $0x1  }
0x8a: {  	s1 =	srdreg.scid  }
0x8b: {  	s0 =	sand.u32 $0x1, s1  }
0x8c: {  	s16 =	sshll.u32 s0, $0xA;
	s2 =	sadd.s32 s3, s2  }
0x8d: {  	s2 =	sadd.s32 s2, s16  }
0x8e: {  	[smem:$0x3FBF] =	sst s2  }
0x8f: {  	_ = 	snop  }
0x90: {  	(tm) =	ssettm $0x1  }
0x91: {  	s17 =	sld [smem:$0x3FFB];
	_ =	sdelay $0x3  }
0x92: {  	_ =	strace s17  }
0x93: {  	s2 =	sld [smem:$0x3FFC];
	_ =	sdelay $0x3  }
0x94: {  	_ =	strace s2  }
0x95: {  	s2 =	sld [smem:$0x3FFD];
	_ =	sdelay $0x3  }
0x96: {  	_ =	strace s2  }
0x97: {  	_ =	strace $0x8FFFFFFF  }
0x98: {  	s18 =	sld [smem:$0x3FDB];
	_ =	sdelay $0x1  }
0x99: {  	s19 =	simm.s32 $_scs_section_size  }
0x9a: {  	s4 =	simm.s32 $_size__tile_overlayer_lowered;
	s5 =	simm.s32 $_tile_overlayer_lowered  }
0x9b: {  	s22 =	simm.s32 $0x1BFF;
	s21 =	sshll.u32 s5, $0x1;
	s2 =	sadd.s32 s19, s18  }
0x9c: {  	s6 =	simm.s32 $0x0;
	s20 =	sshll.u32 s4, $0x1;
	s4 =	sadd.s32 s21, s2  }
0x9d: {  	[timem:s6], [sflag:s22] =	dma.local [hbm:s4], s20  }
0x9e: {  	_ =	swait.ge [sflag:s22], s20  }
0x9f: {  	s3 =	ssub.s32 $0x0, s20;
	[sflag:s22] =	ssyncset.done $0x0  }
0xa0: {  	[sflag:s22] =	ssyncadd.s32 s3;
	_ =	sdelay $0x1  }
0xa1: {  	s23 =	simm.s32 $0x1B8B  }
0xa2: {  	_ =	swait.ge [sflag:s23], $0x1  }
0xa3: {  	[sflag:s23] =	ssyncset.done $0x0  }
0xa4: {  	s25 =	simm.s32 $0x1B8E;
	s24 =	sld [smem:$0x3FFE];
	[sflag:s23] =	ssyncadd.s32 $0xFFFFFFFF  }
0xa5: {  	s26 =	simm.s32 $execute0_lowered;
	[smem:$0x3FD2] =	sst s25  }
0xa6: {  	s4 =	sshll.u32 s26, $0x1;
	_ =	strace $0x80000046;
	[dreg:$0x1] =	wrdreg $0xFFFFFFFF  }
0xa7: {  	s28 =	simm.s32 $_size_execute0_lowered;
	s2 =	sadd.s32 s2, s4;
	[dreg:$0x0] =	wrdreg $0x0  }
0xa8: {  	s4 =	sshll.u32 s28, $0x1;
	[dreg:$0x2] =	wrdreg s2  }
0xa9: {  	[dreg:$0x3] =	wrdreg s4  }
0xaa: {  	[dreg:$0x4] =	wrdreg $0xC0  }
0xab: {  	_ =	task [dreg:s6], $0x5FFFF  }
0xac: {  	[dreg:$0x1] =	wrdreg $0xFFFFFFFF  }
0xad: {  	[dreg:$0x0] =	wrdreg $0x60  }
0xae: {  	[dreg:$0x2] =	wrdreg s24  }
0xaf: {  	[dreg:$0x3] =	wrdreg $0x2BE00  }
0xb0: {  	[dreg:$0x4] =	wrdreg $0x9  }
0xb1: {  	_ =	task.clear_ibuf [dreg:s6], $0x5FFFF;
	_ =	strace $0x90000046  }
0xb2: {  	s29 =	simm.s32 $0x9;
	_ =	strace $0x80000048  }
0xb3: {  	_ =	swait.ge [sflag:s29], $0x1  }
0xb4: {  	[sflag:s29] =	ssyncadd.s32 $0xFFFFFFFF  }
0xb5: {  	_ =	strace $0x90000048  }
0xb6: {  	_ =	sfence  }
0xb7: {  	s30 =	sld [smem:$0x0];
	_ =	sdelay $0x2  }
0xb8: {  	s31 =	sshll.u32 s1, $0xD;
	s1 =	sshrl.u32 s1, $0x2  }
0xb9: {  	s3 =	sand.u32 $0x4000, s31;
	s1 =	sadd.s32 s1, s30  }
0xba: {  	s0 =	sor.u32 s3, s0;
	s1 =	sshll.u32 s1, $0x11  }
0xbb: {  	s0 =	sor.u32 s1, s0  }
0xbc: {  	s0 =	sadd.s32 $0x8F2B, s0  }
0xbd: {  	[sflag:s0] =	ssyncadd.remote.s32 $0x1  }
0xbe: {  	_ =	sfence.sel $0xFFFF  }
0xbf: {  	[dreg:$0x0] =	wrdreg $0xFFFFFFFF;
	(pc) =	sbr.abs _section_cstart, $3  }
0xc0: {  	[dreg:$0x1] =	wrdreg $0xFFFFFFFF  }
0xc1: {  	_ =	task.clear_ibuf [dreg:s6], $0x2FFFF;
	_ =	strace $0x9FFFFFFF  }
0xc2: {  	(tm) =	ssettm $0x7FFFFFFF  }
0xc3: {  	_ =	shalt  }
tec
execute0_lowered:
.L_overlay_start_1:
0x0: {  	(tag) =	ssettag $0x1  }
0x1: {  	s4 =	rddreg [dreg:$0x0];
	s2 =	simm.s32 $0x0  }
0x2: {  	v0 =	vimm.f32 $1.000000000e+00;
	[smem:$0x7FF] =	sst s2  }
0x3: {  	s1 =	rddreg [dreg:$0x1];
	v1 =	vimm.f32 $0.0e+00;
	_ =	strace $0x80000047;
	[tilespmem:$0x2760] =	vst v0  }
0x4: {  	[tilespmem:$0x2BD0] =	vst v1  }
0x5: {  	[tilespmem:$0x2BC0] =	vst v1  }
0x6: {  	[tilespmem:$0x2BB0] =	vst v1  }
0x7: {  	[tilespmem:$0x2BA0] =	vst v1  }
0x8: {  	[tilespmem:$0x2B90] =	vst v1  }
0x9: {  	[tilespmem:$0x2B80] =	vst v1  }
0xa: {  	[tilespmem:$0x2B70] =	vst v1  }
0xb: {  	[tilespmem:$0x2B60] =	vst v1  }
0xc: {  	[tilespmem:$0x2B50] =	vst v1  }
0xd: {  	[tilespmem:$0x2B40] =	vst v1  }
0xe: {  	[tilespmem:$0x2B30] =	vst v1  }
0xf: {  	[tilespmem:$0x2B20] =	vst v1  }
0x10: {  	[tilespmem:$0x2B10] =	vst v1  }
0x11: {  	[tilespmem:$0x2B00] =	vst v1  }
0x12: {  	[tilespmem:$0x2AF0] =	vst v1  }
0x13: {  	[tilespmem:$0x2AE0] =	vst v1  }
0x14: {  	[tilespmem:$0x2AD0] =	vst v1  }
0x15: {  	[tilespmem:$0x2AC0] =	vst v1  }
0x16: {  	[tilespmem:$0x2AB0] =	vst v1  }
0x17: {  	[tilespmem:$0x2AA0] =	vst v1  }
0x18: {  	[tilespmem:$0x2A90] =	vst v1  }
0x19: {  	[tilespmem:$0x2A80] =	vst v1  }
0x1a: {  	[tilespmem:$0x2A70] =	vst v1  }
0x1b: {  	[tilespmem:$0x2A60] =	vst v1  }
0x1c: {  	[tilespmem:$0x2A50] =	vst v1  }
0x1d: {  	[tilespmem:$0x2A40] =	vst v1  }
0x1e: {  	[tilespmem:$0x2A30] =	vst v1  }
0x1f: {  	[tilespmem:$0x2A20] =	vst v1  }
0x20: {  	[tilespmem:$0x2A10] =	vst v1  }
0x21: {  	[tilespmem:$0x2A00] =	vst v1  }
0x22: {  	[tilespmem:$0x29F0] =	vst v1  }
0x23: {  	[tilespmem:$0x29E0] =	vst v1  }
0x24: {  	[tilespmem:$0x29D0] =	vst v1  }
0x25: {  	[tilespmem:$0x29C0] =	vst v1  }
0x26: {  	[tilespmem:$0x29B0] =	vst v1  }
0x27: {  	[tilespmem:$0x29A0] =	vst v1  }
0x28: {  	[tilespmem:$0x2990] =	vst v1  }
0x29: {  	[tilespmem:$0x2980] =	vst v1  }
0x2a: {  	[tilespmem:$0x2970] =	vst v1  }
0x2b: {  	[tilespmem:$0x2960] =	vst v1  }
0x2c: {  	[tilespmem:$0x2950] =	vst v0  }
0x2d: {  	[tilespmem:$0x2940] =	vst v0  }
0x2e: {  	[tilespmem:$0x2930] =	vst v0  }
0x2f: {  	[tilespmem:$0x2920] =	vst v0  }
0x30: {  	[tilespmem:$0x2910] =	vst v0  }
0x31: {  	[tilespmem:$0x2900] =	vst v0  }
0x32: {  	[tilespmem:$0x28F0] =	vst v0  }
0x33: {  	[tilespmem:$0x28E0] =	vst v0  }
0x34: {  	[tilespmem:$0x28D0] =	vst v0  }
0x35: {  	[tilespmem:$0x28C0] =	vst v0  }
0x36: {  	[tilespmem:$0x28B0] =	vst v0  }
0x37: {  	[tilespmem:$0x28A0] =	vst v0  }
0x38: {  	[tilespmem:$0x2890] =	vst v0  }
0x39: {  	[tilespmem:$0x2880] =	vst v0  }
0x3a: {  	[tilespmem:$0x2870] =	vst v0  }
0x3b: {  	[tilespmem:$0x2860] =	vst v0  }
0x3c: {  	[tilespmem:$0x2850] =	vst v0  }
0x3d: {  	[tilespmem:$0x2840] =	vst v0  }
0x3e: {  	[tilespmem:$0x2830] =	vst v0  }
0x3f: {  	[tilespmem:$0x2820] =	vst v0  }
0x40: {  	[tilespmem:$0x2810] =	vst v0  }
0x41: {  	[tilespmem:$0x2800] =	vst v0  }
0x42: {  	s5 =	srdreg.scid;
	s3 =	stileid.u32;
	[tilespmem:$0x27F0] =	vst v0  }
0x43: {  	s28 =	sand.u32 $0x1, s5;
	s24 =	sshll.u32 s3, $0x1;
	s6 =	smul.u32 $0x280, s3;
	[tilespmem:$0x27E0] =	vst v0  }
0x44: {  	s5 =	sor.u32 s28, s24;
	s7 =	smul.u32 $0x2800, s28;
	[tilespmem:$0x27D0] =	vst v0  }
0x45: {  	[tilespmem:$0x27C0] =	vst v0;
	s5 =	smul.u32 $0x4EC, s5  }
0x46: {  	s8 =	simm.s32 $0x2960;
	[tilespmem:$0x27B0] =	vst v0;
	s7 =	sadd.s32 s6, s7  }
0x47: {  	[dreg:$0x5] =	wrdreg s8;
	[tilespmem:$0x27A0] =	vst v0;
	s5 =	sadd.s32 s5, s4;
	s7 =	sshrl.u32 s7, $0x3  }
0x48: {  	[tilespmem:$0x2790] =	vst v0;
	s25 =	rddreg [dreg:$0x5];
	s4 =	sadd.s32 s7, s4;
	s5 =	sadd.s32 $0x1C00, s5  }
0x49: {  	[tilespmem:$0x2780] =	vst v0;
	[dreg:$0x3] =	wrdreg s5;
	s26 =	sadd.s32 $0xBA00, s4  }
0x4a: {  	[tilespmem:$0x2770] =	vst v0;
	s4 =	sadd.s32 s6, s1;
	s5 =	simm.s32 $0x1;
	[dreg:$0x4] =	wrdreg s26  }
0x4b: {  	[spmem:s4] =	stream.linear.scatter [tilespmem:s25], [sflag:$0x1], $0x280, $0x38;
	[tilespmem:$0x2E60] =	vst v63  }
0x4c: {  	_ =	swait.ge [sflag:s5], $0x280  }
0x4d: {  	[sflag:s5] =	ssyncset.done $0x0  }
0x4e: {  	s31 =	rddreg [dreg:$0x3];
	[sflag:s5] =	ssyncadd.s32 $0xFFFFFD80  }
0x4f: {  	[tilespmem:s2], [sflag:$0x1] =	stream.linear.gather [hbm4b:s31+s2], $0x2760, $0x38;
	[tilespmem:$0x2E60] =	vst v63  }
0x50: {  	_ =	swait.ge [sflag:s5], $0x2760  }
0x51: {  	[sflag:s5] =	ssyncset.done $0x0  }
0x52: {  	[sflag:s5] =	ssyncadd.s32 $0xFFFFD8A0  }
0x53: {  	s7 =	simm.s32 $0x2760;
	s6 =	simm.s32 $0x1F4;
	[bflag:$0x0] =	sbarrier.arrive $0xFFFF  }
0x54: {  	[spmem:s1] =	stream.indirect.scatter.add.f32 [tilespmem:s7], [sflag:$0x1], $0x1, s2, s6, $0xb8;
	[tilespmem:$0x2E60] =	vst v63  }
0x55: {  	_ =	swait.ge [sflag:s5], $0x1F4  }
0x56: {  	[sflag:s5] =	ssyncset.done $0x0  }
0x57: {  	s8 =	simm.s32 $0x1F8;
	[sflag:s5] =	ssyncadd.s32 $0xFFFFFE0C  }
0x58: {  	[spmem:s1] =	stream.indirect.scatter.add.f32 [tilespmem:s7], [sflag:$0x1], $0x1, s8, s6, $0xb8;
	[tilespmem:$0x2E60] =	vst v63  }
0x59: {  	_ =	swait.ge [sflag:s5], $0x1F4  }
0x5a: {  	[sflag:s5] =	ssyncset.done $0x0  }
0x5b: {  	s9 =	simm.s32 $0x3F0;
	[sflag:s5] =	ssyncadd.s32 $0xFFFFFE0C  }
0x5c: {  	[spmem:s1] =	stream.indirect.scatter.add.f32 [tilespmem:s7], [sflag:$0x1], $0x1, s9, s6, $0xb8;
	[tilespmem:$0x2E60] =	vst v63  }
0x5d: {  	_ =	swait.ge [sflag:s5], $0x1F4  }
0x5e: {  	[sflag:s5] =	ssyncset.done $0x0  }
0x5f: {  	s10 =	simm.s32 $0x5E8;
	[sflag:s5] =	ssyncadd.s32 $0xFFFFFE0C  }
0x60: {  	[spmem:s1] =	stream.indirect.scatter.add.f32 [tilespmem:s7], [sflag:$0x1], $0x1, s10, s6, $0xb8;
	[tilespmem:$0x2E60] =	vst v63  }
0x61: {  	_ =	swait.ge [sflag:s5], $0x1F4  }
0x62: {  	[sflag:s5] =	ssyncset.done $0x0  }
0x63: {  	s11 =	simm.s32 $0x7E0;
	[sflag:s5] =	ssyncadd.s32 $0xFFFFFE0C  }
0x64: {  	[spmem:s1] =	stream.indirect.scatter.add.f32 [tilespmem:s7], [sflag:$0x1], $0x1, s11, s6, $0xb8;
	[tilespmem:$0x2E60] =	vst v63  }
0x65: {  	_ =	swait.ge [sflag:s5], $0x1F4  }
0x66: {  	[sflag:s5] =	ssyncset.done $0x0  }
0x67: {  	s12 =	simm.s32 $0x9D8;
	[sflag:s5] =	ssyncadd.s32 $0xFFFFFE0C  }
0x68: {  	[spmem:s1] =	stream.indirect.scatter.add.f32 [tilespmem:s7], [sflag:$0x1], $0x1, s12, s6, $0xb8;
	[tilespmem:$0x2E60] =	vst v63  }
0x69: {  	_ =	swait.ge [sflag:s5], $0x1F4  }
0x6a: {  	[sflag:s5] =	ssyncset.done $0x0  }
0x6b: {  	s13 =	simm.s32 $0xBD0;
	[sflag:s5] =	ssyncadd.s32 $0xFFFFFE0C  }
0x6c: {  	[spmem:s1] =	stream.indirect.scatter.add.f32 [tilespmem:s7], [sflag:$0x1], $0x1, s13, s6, $0xb8;
	[tilespmem:$0x2E60] =	vst v63  }
0x6d: {  	_ =	swait.ge [sflag:s5], $0x1F4  }
0x6e: {  	[sflag:s5] =	ssyncset.done $0x0  }
0x6f: {  	s14 =	simm.s32 $0xDC8;
	[sflag:s5] =	ssyncadd.s32 $0xFFFFFE0C  }
0x70: {  	[spmem:s1] =	stream.indirect.scatter.add.f32 [tilespmem:s7], [sflag:$0x1], $0x1, s14, s6, $0xb8;
	[tilespmem:$0x2E60] =	vst v63  }
0x71: {  	_ =	swait.ge [sflag:s5], $0x1F4  }
0x72: {  	[sflag:s5] =	ssyncset.done $0x0  }
0x73: {  	s15 =	simm.s32 $0xFC0;
	[sflag:s5] =	ssyncadd.s32 $0xFFFFFE0C  }
0x74: {  	[spmem:s1] =	stream.indirect.scatter.add.f32 [tilespmem:s7], [sflag:$0x1], $0x1, s15, s6, $0xb8;
	[tilespmem:$0x2E60] =	vst v63  }
0x75: {  	_ =	swait.ge [sflag:s5], $0x1F4  }
0x76: {  	[sflag:s5] =	ssyncset.done $0x0  }
0x77: {  	s16 =	simm.s32 $0x11B8;
	[sflag:s5] =	ssyncadd.s32 $0xFFFFFE0C  }
0x78: {  	[spmem:s1] =	stream.indirect.scatter.add.f32 [tilespmem:s7], [sflag:$0x1], $0x1, s16, s6, $0xb8;
	[tilespmem:$0x2E60] =	vst v63  }
0x79: {  	_ =	swait.ge [sflag:s5], $0x1F4  }
0x7a: {  	[sflag:s5] =	ssyncset.done $0x0  }
0x7b: {  	s17 =	simm.s32 $0x13B0;
	[sflag:s5] =	ssyncadd.s32 $0xFFFFFE0C  }
0x7c: {  	[spmem:s1] =	stream.indirect.scatter.add.f32 [tilespmem:s7], [sflag:$0x1], $0x1, s17, s6, $0xb8;
	[tilespmem:$0x2E60] =	vst v63  }
0x7d: {  	_ =	swait.ge [sflag:s5], $0x1F4  }
0x7e: {  	[sflag:s5] =	ssyncset.done $0x0  }
0x7f: {  	s18 =	simm.s32 $0x15A8;
	[sflag:s5] =	ssyncadd.s32 $0xFFFFFE0C  }
0x80: {  	[spmem:s1] =	stream.indirect.scatter.add.f32 [tilespmem:s7], [sflag:$0x1], $0x1, s18, s6, $0xb8;
	[tilespmem:$0x2E60] =	vst v63  }
0x81: {  	_ =	swait.ge [sflag:s5], $0x1F4  }
0x82: {  	[sflag:s5] =	ssyncset.done $0x0  }
0x83: {  	s19 =	simm.s32 $0x17A0;
	[sflag:s5] =	ssyncadd.s32 $0xFFFFFE0C  }
0x84: {  	[spmem:s1] =	stream.indirect.scatter.add.f32 [tilespmem:s7], [sflag:$0x1], $0x1, s19, s6, $0xb8;
	[tilespmem:$0x2E60] =	vst v63  }
0x85: {  	_ =	swait.ge [sflag:s5], $0x1F4  }
0x86: {  	[sflag:s5] =	ssyncset.done $0x0  }
0x87: {  	s20 =	simm.s32 $0x1998;
	[sflag:s5] =	ssyncadd.s32 $0xFFFFFE0C  }
0x88: {  	[spmem:s1] =	stream.indirect.scatter.add.f32 [tilespmem:s7], [sflag:$0x1], $0x1, s20, s6, $0xb8;
	[tilespmem:$0x2E60] =	vst v63  }
0x89: {  	_ =	swait.ge [sflag:s5], $0x1F4  }
0x8a: {  	[sflag:s5] =	ssyncset.done $0x0  }
0x8b: {  	s21 =	simm.s32 $0x1B90;
	[sflag:s5] =	ssyncadd.s32 $0xFFFFFE0C  }
0x8c: {  	[spmem:s1] =	stream.indirect.scatter.add.f32 [tilespmem:s7], [sflag:$0x1], $0x1, s21, s6, $0xb8;
	[tilespmem:$0x2E60] =	vst v63  }
0x8d: {  	_ =	swait.ge [sflag:s5], $0x1F4  }
0x8e: {  	[sflag:s5] =	ssyncset.done $0x0  }
0x8f: {  	s22 =	simm.s32 $0x1D88;
	[sflag:s5] =	ssyncadd.s32 $0xFFFFFE0C  }
0x90: {  	[spmem:s1] =	stream.indirect.scatter.add.f32 [tilespmem:s7], [sflag:$0x1], $0x1, s22, s6, $0xb8;
	[tilespmem:$0x2E60] =	vst v63  }
0x91: {  	_ =	swait.ge [sflag:s5], $0x1F4  }
0x92: {  	[sflag:s5] =	ssyncset.done $0x0  }
0x93: {  	s23 =	simm.s32 $0x1F80;
	[sflag:s5] =	ssyncadd.s32 $0xFFFFFE0C  }
0x94: {  	[spmem:s1] =	stream.indirect.scatter.add.f32 [tilespmem:s7], [sflag:$0x1], $0x1, s23, s6, $0xb8;
	[tilespmem:$0x2E60] =	vst v63  }
0x95: {  	_ =	swait.ge [sflag:s5], $0x1F4  }
0x96: {  	[sflag:s5] =	ssyncset.done $0x0  }
0x97: {  	s24 =	simm.s32 $0x2178;
	[sflag:s5] =	ssyncadd.s32 $0xFFFFFE0C  }
0x98: {  	[spmem:s1] =	stream.indirect.scatter.add.f32 [tilespmem:s7], [sflag:$0x1], $0x1, s24, s6, $0xb8;
	[tilespmem:$0x2E60] =	vst v63  }
0x99: {  	_ =	swait.ge [sflag:s5], $0x1F4  }
0x9a: {  	[sflag:s5] =	ssyncset.done $0x0  }
0x9b: {  	s25 =	simm.s32 $0x2370;
	[sflag:s5] =	ssyncadd.s32 $0xFFFFFE0C  }
0x9c: {  	[spmem:s1] =	stream.indirect.scatter.add.f32 [tilespmem:s7], [sflag:$0x1], $0x1, s25, s6, $0xb8;
	[tilespmem:$0x2E60] =	vst v63  }
0x9d: {  	_ =	swait.ge [sflag:s5], $0x1F4  }
0x9e: {  	s28 =	ssub.s32 $0x2, s28;
	[sflag:s5] =	ssyncset.done $0x0  }
0x9f: {  	s29 =	sshrl.u32 s28, $0x1;
	s26 =	simm.s32 $0x2568;
	[sflag:s5] =	ssyncadd.s32 $0xFFFFFE0C  }
0xa0: {  	[spmem:s1] =	stream.indirect.scatter.add.f32 [tilespmem:s7], [sflag:$0x1], $0x1, s26, s6, $0xb8;
	[tilespmem:$0x2E60] =	vst v63  }
0xa1: {  	s0 =	ssub.s32 s28, s29;
	_ =	swait.ge [sflag:s5], $0x1F4  }
0xa2: {  	s0 =	smax.u32 s0, $0x1;
	[sflag:s5] =	ssyncset.done $0x0  }
0xa3: {  	p0 =	sne.s32 s0, $0x1;
	[sflag:s5] =	ssyncadd.s32 $0xFFFFFE0C  }
.Ltmp0:
0xa4: {  	s31 =	sshll.u32 s3, $0x6;
	[bflag:$0x0] =	sbarrier.arrive $0xFFFF;
	(pc) =	sbr.rel @!p0 .LBB2_2-.Ltmp0, $4  }
0xa5: {  	s29 =	sshrl.u32 s4, $0x3;
	s28 =	sor.u32 $0x1C01, s31;
	s30 =	rddreg [dreg:$0x4]  }
0xa6: {  	[hbm:s30], [sflag:s28] =	dma.local [spmem:s29], $0x50  }
0xa7: {  	_ =	swait.ge [sflag:s5], $0x50  }
0xa8: {  	s30 =	sadd.s32 $0xFFFFFFFF, s0;
	[sflag:s5] =	ssyncset.done $0x0  }
.LBB2_1:
0xa9: {  	[sflag:s5] =	ssyncadd.s32 $0xFFFFFFB0  }
0xaa: {  	[tilespmem:$0x2760] =	vst v0  }
0xab: {  	[tilespmem:$0x2BD0] =	vst v1  }
0xac: {  	[tilespmem:$0x2BC0] =	vst v1  }
0xad: {  	[tilespmem:$0x2BB0] =	vst v1  }
0xae: {  	[tilespmem:$0x2BA0] =	vst v1  }
0xaf: {  	[tilespmem:$0x2B90] =	vst v1  }
0xb0: {  	[tilespmem:$0x2B80] =	vst v1  }
0xb1: {  	[tilespmem:$0x2B70] =	vst v1  }
0xb2: {  	[tilespmem:$0x2B60] =	vst v1  }
0xb3: {  	[tilespmem:$0x2B50] =	vst v1  }
0xb4: {  	[tilespmem:$0x2B40] =	vst v1  }
0xb5: {  	[tilespmem:$0x2B30] =	vst v1  }
0xb6: {  	[tilespmem:$0x2B20] =	vst v1  }
0xb7: {  	[tilespmem:$0x2B10] =	vst v1  }
0xb8: {  	[tilespmem:$0x2B00] =	vst v1  }
0xb9: {  	[tilespmem:$0x2AF0] =	vst v1  }
0xba: {  	[tilespmem:$0x2AE0] =	vst v1  }
0xbb: {  	[tilespmem:$0x2AD0] =	vst v1  }
0xbc: {  	[tilespmem:$0x2AC0] =	vst v1  }
0xbd: {  	[tilespmem:$0x2AB0] =	vst v1  }
0xbe: {  	[tilespmem:$0x2AA0] =	vst v1  }
0xbf: {  	[tilespmem:$0x2A90] =	vst v1  }
0xc0: {  	[tilespmem:$0x2A80] =	vst v1  }
0xc1: {  	[tilespmem:$0x2A70] =	vst v1  }
0xc2: {  	[tilespmem:$0x2A60] =	vst v1  }
0xc3: {  	[tilespmem:$0x2A50] =	vst v1  }
0xc4: {  	[tilespmem:$0x2A40] =	vst v1  }
0xc5: {  	[tilespmem:$0x2A30] =	vst v1  }
0xc6: {  	[tilespmem:$0x2A20] =	vst v1  }
0xc7: {  	[tilespmem:$0x2A10] =	vst v1  }
0xc8: {  	[tilespmem:$0x2A00] =	vst v1  }
0xc9: {  	[tilespmem:$0x29F0] =	vst v1  }
0xca: {  	[tilespmem:$0x29E0] =	vst v1  }
0xcb: {  	[tilespmem:$0x29D0] =	vst v1  }
0xcc: {  	[tilespmem:$0x29C0] =	vst v1  }
0xcd: {  	[tilespmem:$0x29B0] =	vst v1  }
0xce: {  	[tilespmem:$0x29A0] =	vst v1  }
0xcf: {  	[tilespmem:$0x2990] =	vst v1  }
0xd0: {  	[tilespmem:$0x2980] =	vst v1  }
0xd1: {  	[tilespmem:$0x2970] =	vst v1  }
0xd2: {  	[tilespmem:$0x2960] =	vst v1  }
0xd3: {  	[tilespmem:$0x2950] =	vst v0  }
0xd4: {  	[tilespmem:$0x2940] =	vst v0  }
0xd5: {  	[tilespmem:$0x2930] =	vst v0  }
0xd6: {  	[tilespmem:$0x2920] =	vst v0  }
0xd7: {  	[tilespmem:$0x2910] =	vst v0  }
0xd8: {  	[tilespmem:$0x2900] =	vst v0  }
0xd9: {  	[tilespmem:$0x28F0] =	vst v0  }
0xda: {  	[tilespmem:$0x28E0] =	vst v0  }
0xdb: {  	[tilespmem:$0x28D0] =	vst v0  }
0xdc: {  	[tilespmem:$0x28C0] =	vst v0  }
0xdd: {  	[tilespmem:$0x28B0] =	vst v0  }
0xde: {  	[tilespmem:$0x28A0] =	vst v0  }
0xdf: {  	[tilespmem:$0x2890] =	vst v0  }
0xe0: {  	[tilespmem:$0x2880] =	vst v0  }
0xe1: {  	[tilespmem:$0x2870] =	vst v0  }
0xe2: {  	[tilespmem:$0x2860] =	vst v0  }
0xe3: {  	[tilespmem:$0x2850] =	vst v0  }
0xe4: {  	[tilespmem:$0x2840] =	vst v0  }
0xe5: {  	[tilespmem:$0x2830] =	vst v0  }
0xe6: {  	[tilespmem:$0x2820] =	vst v0  }
0xe7: {  	[tilespmem:$0x2810] =	vst v0  }
0xe8: {  	[tilespmem:$0x2800] =	vst v0  }
0xe9: {  	[tilespmem:$0x27F0] =	vst v0  }
0xea: {  	[tilespmem:$0x27E0] =	vst v0  }
0xeb: {  	[tilespmem:$0x27D0] =	vst v0  }
0xec: {  	[tilespmem:$0x27C0] =	vst v0  }
0xed: {  	[tilespmem:$0x27B0] =	vst v0  }
0xee: {  	[tilespmem:$0x27A0] =	vst v0  }
0xef: {  	[tilespmem:$0x2790] =	vst v0  }
0xf0: {  	[tilespmem:$0x2780] =	vst v0  }
0xf1: {  	s0 =	rddreg [dreg:$0x5];
	[tilespmem:$0x2770] =	vst v0  }
0xf2: {  	[spmem:s4] =	stream.linear.scatter [tilespmem:s0], [sflag:$0x1], $0x280, $0x38;
	[tilespmem:$0x2E60] =	vst v63  }
0xf3: {  	_ =	swait.ge [sflag:s5], $0x280  }
0xf4: {  	[sflag:s5] =	ssyncset.done $0x0  }
0xf5: {  	s31 =	rddreg [dreg:$0x3];
	[sflag:s5] =	ssyncadd.s32 $0xFFFFFD80  }
0xf6: {  	[tilespmem:s2], [sflag:$0x1] =	stream.linear.gather [hbm4b:s31+s2], $0x2760, $0x38;
	[tilespmem:$0x2E60] =	vst v63  }
0xf7: {  	_ =	swait.ge [sflag:s5], $0x2760  }
0xf8: {  	[sflag:s5] =	ssyncset.done $0x0  }
0xf9: {  	[sflag:s5] =	ssyncadd.s32 $0xFFFFD8A0  }
0xfa: {  	[bflag:$0x0] =	sbarrier.arrive $0xFFFF  }
0xfb: {  	[spmem:s1] =	stream.indirect.scatter.add.f32 [tilespmem:s7], [sflag:$0x1], $0x1, s2, s6, $0xb8;
	[tilespmem:$0x2E60] =	vst v63  }
0xfc: {  	_ =	swait.ge [sflag:s5], $0x1F4  }
0xfd: {  	[sflag:s5] =	ssyncset.done $0x0  }
0xfe: {  	[sflag:s5] =	ssyncadd.s32 $0xFFFFFE0C  }
0xff: {  	[spmem:s1] =	stream.indirect.scatter.add.f32 [tilespmem:s7], [sflag:$0x1], $0x1, s8, s6, $0xb8;
	[tilespmem:$0x2E60] =	vst v63  }
0x100: {  	_ =	swait.ge [sflag:s5], $0x1F4  }
0x101: {  	[sflag:s5] =	ssyncset.done $0x0  }
0x102: {  	[sflag:s5] =	ssyncadd.s32 $0xFFFFFE0C  }
0x103: {  	[spmem:s1] =	stream.indirect.scatter.add.f32 [tilespmem:s7], [sflag:$0x1], $0x1, s9, s6, $0xb8;
	[tilespmem:$0x2E60] =	vst v63  }
0x104: {  	_ =	swait.ge [sflag:s5], $0x1F4  }
0x105: {  	[sflag:s5] =	ssyncset.done $0x0  }
0x106: {  	[sflag:s5] =	ssyncadd.s32 $0xFFFFFE0C  }
0x107: {  	[spmem:s1] =	stream.indirect.scatter.add.f32 [tilespmem:s7], [sflag:$0x1], $0x1, s10, s6, $0xb8;
	[tilespmem:$0x2E60] =	vst v63  }
0x108: {  	_ =	swait.ge [sflag:s5], $0x1F4  }
0x109: {  	[sflag:s5] =	ssyncset.done $0x0  }
0x10a: {  	[sflag:s5] =	ssyncadd.s32 $0xFFFFFE0C  }
0x10b: {  	[spmem:s1] =	stream.indirect.scatter.add.f32 [tilespmem:s7], [sflag:$0x1], $0x1, s11, s6, $0xb8;
	[tilespmem:$0x2E60] =	vst v63  }
0x10c: {  	_ =	swait.ge [sflag:s5], $0x1F4  }
0x10d: {  	[sflag:s5] =	ssyncset.done $0x0  }
0x10e: {  	[sflag:s5] =	ssyncadd.s32 $0xFFFFFE0C  }
0x10f: {  	[spmem:s1] =	stream.indirect.scatter.add.f32 [tilespmem:s7], [sflag:$0x1], $0x1, s12, s6, $0xb8;
	[tilespmem:$0x2E60] =	vst v63  }
0x110: {  	_ =	swait.ge [sflag:s5], $0x1F4  }
0x111: {  	[sflag:s5] =	ssyncset.done $0x0  }
0x112: {  	[sflag:s5] =	ssyncadd.s32 $0xFFFFFE0C  }
0x113: {  	[spmem:s1] =	stream.indirect.scatter.add.f32 [tilespmem:s7], [sflag:$0x1], $0x1, s13, s6, $0xb8;
	[tilespmem:$0x2E60] =	vst v63  }
0x114: {  	_ =	swait.ge [sflag:s5], $0x1F4  }
0x115: {  	[sflag:s5] =	ssyncset.done $0x0  }
0x116: {  	[sflag:s5] =	ssyncadd.s32 $0xFFFFFE0C  }
0x117: {  	[spmem:s1] =	stream.indirect.scatter.add.f32 [tilespmem:s7], [sflag:$0x1], $0x1, s14, s6, $0xb8;
	[tilespmem:$0x2E60] =	vst v63  }
0x118: {  	_ =	swait.ge [sflag:s5], $0x1F4  }
0x119: {  	[sflag:s5] =	ssyncset.done $0x0  }
0x11a: {  	[sflag:s5] =	ssyncadd.s32 $0xFFFFFE0C  }
0x11b: {  	[spmem:s1] =	stream.indirect.scatter.add.f32 [tilespmem:s7], [sflag:$0x1], $0x1, s15, s6, $0xb8;
	[tilespmem:$0x2E60] =	vst v63  }
0x11c: {  	_ =	swait.ge [sflag:s5], $0x1F4  }
0x11d: {  	[sflag:s5] =	ssyncset.done $0x0  }
0x11e: {  	[sflag:s5] =	ssyncadd.s32 $0xFFFFFE0C  }
0x11f: {  	[spmem:s1] =	stream.indirect.scatter.add.f32 [tilespmem:s7], [sflag:$0x1], $0x1, s16, s6, $0xb8;
	[tilespmem:$0x2E60] =	vst v63  }
0x120: {  	_ =	swait.ge [sflag:s5], $0x1F4  }
0x121: {  	[sflag:s5] =	ssyncset.done $0x0  }
0x122: {  	[sflag:s5] =	ssyncadd.s32 $0xFFFFFE0C  }
0x123: {  	[spmem:s1] =	stream.indirect.scatter.add.f32 [tilespmem:s7], [sflag:$0x1], $0x1, s17, s6, $0xb8;
	[tilespmem:$0x2E60] =	vst v63  }
0x124: {  	_ =	swait.ge [sflag:s5], $0x1F4  }
0x125: {  	[sflag:s5] =	ssyncset.done $0x0  }
0x126: {  	[sflag:s5] =	ssyncadd.s32 $0xFFFFFE0C  }
0x127: {  	[spmem:s1] =	stream.indirect.scatter.add.f32 [tilespmem:s7], [sflag:$0x1], $0x1, s18, s6, $0xb8;
	[tilespmem:$0x2E60] =	vst v63  }
0x128: {  	_ =	swait.ge [sflag:s5], $0x1F4  }
0x129: {  	[sflag:s5] =	ssyncset.done $0x0  }
0x12a: {  	[sflag:s5] =	ssyncadd.s32 $0xFFFFFE0C  }
0x12b: {  	[spmem:s1] =	stream.indirect.scatter.add.f32 [tilespmem:s7], [sflag:$0x1], $0x1, s19, s6, $0xb8;
	[tilespmem:$0x2E60] =	vst v63  }
0x12c: {  	_ =	swait.ge [sflag:s5], $0x1F4  }
0x12d: {  	[sflag:s5] =	ssyncset.done $0x0  }
0x12e: {  	[sflag:s5] =	ssyncadd.s32 $0xFFFFFE0C  }
0x12f: {  	[spmem:s1] =	stream.indirect.scatter.add.f32 [tilespmem:s7], [sflag:$0x1], $0x1, s20, s6, $0xb8;
	[tilespmem:$0x2E60] =	vst v63  }
0x130: {  	_ =	swait.ge [sflag:s5], $0x1F4  }
0x131: {  	[sflag:s5] =	ssyncset.done $0x0  }
0x132: {  	[sflag:s5] =	ssyncadd.s32 $0xFFFFFE0C  }
0x133: {  	[spmem:s1] =	stream.indirect.scatter.add.f32 [tilespmem:s7], [sflag:$0x1], $0x1, s21, s6, $0xb8;
	[tilespmem:$0x2E60] =	vst v63  }
0x134: {  	_ =	swait.ge [sflag:s5], $0x1F4  }
0x135: {  	[sflag:s5] =	ssyncset.done $0x0  }
0x136: {  	[sflag:s5] =	ssyncadd.s32 $0xFFFFFE0C  }
0x137: {  	[spmem:s1] =	stream.indirect.scatter.add.f32 [tilespmem:s7], [sflag:$0x1], $0x1, s22, s6, $0xb8;
	[tilespmem:$0x2E60] =	vst v63  }
0x138: {  	_ =	swait.ge [sflag:s5], $0x1F4  }
0x139: {  	[sflag:s5] =	ssyncset.done $0x0  }
0x13a: {  	[sflag:s5] =	ssyncadd.s32 $0xFFFFFE0C  }
0x13b: {  	[spmem:s1] =	stream.indirect.scatter.add.f32 [tilespmem:s7], [sflag:$0x1], $0x1, s23, s6, $0xb8;
	[tilespmem:$0x2E60] =	vst v63  }
0x13c: {  	_ =	swait.ge [sflag:s5], $0x1F4  }
0x13d: {  	[sflag:s5] =	ssyncset.done $0x0  }
0x13e: {  	[sflag:s5] =	ssyncadd.s32 $0xFFFFFE0C  }
0x13f: {  	[spmem:s1] =	stream.indirect.scatter.add.f32 [tilespmem:s7], [sflag:$0x1], $0x1, s24, s6, $0xb8;
	[tilespmem:$0x2E60] =	vst v63  }
0x140: {  	_ =	swait.ge [sflag:s5], $0x1F4  }
0x141: {  	[sflag:s5] =	ssyncset.done $0x0  }
0x142: {  	[sflag:s5] =	ssyncadd.s32 $0xFFFFFE0C  }
0x143: {  	[spmem:s1] =	stream.indirect.scatter.add.f32 [tilespmem:s7], [sflag:$0x1], $0x1, s25, s6, $0xb8;
	[tilespmem:$0x2E60] =	vst v63  }
0x144: {  	_ =	swait.ge [sflag:s5], $0x1F4  }
0x145: {  	[sflag:s5] =	ssyncset.done $0x0  }
0x146: {  	[sflag:s5] =	ssyncadd.s32 $0xFFFFFE0C  }
0x147: {  	[spmem:s1] =	stream.indirect.scatter.add.f32 [tilespmem:s7], [sflag:$0x1], $0x1, s26, s6, $0xb8;
	[tilespmem:$0x2E60] =	vst v63  }
0x148: {  	_ =	swait.ge [sflag:s5], $0x1F4  }
0x149: {  	[sflag:s5] =	ssyncset.done $0x0  }
0x14a: {  	p0 =	sne.s32 s30, $0x1;
	[sflag:s5] =	ssyncadd.s32 $0xFFFFFE0C  }
.Ltmp1:
0x14b: {  	[bflag:$0x0] =	sbarrier.arrive $0xFFFF;
	(pc) =	sbr.rel @p0 .LBB2_1-.Ltmp1, $4  }
0x14c: {  	s31 =	rddreg [dreg:$0x4]  }
0x14d: {  	[hbm:s31], [sflag:s28] =	dma.local [spmem:s29], $0x50  }
0x14e: {  	_ =	swait.ge [sflag:s5], $0x50  }
0x14f: {  	s30 =	sadd.s32 $0xFFFFFFFF, s30;
	[sflag:s5] =	ssyncset.done $0x0  }
.LBB2_2:
0x150: {  	[sflag:s5] =	ssyncadd.s32 $0xFFFFFFB0  }
0x151: {  	_ =	sfence.sel $0x180000  }
0x152: {  	[bflag:$0x0] =	sbarrier.arrive $0xFFFF  }
0x153: {  	_ =	strace $0x90000047  }
0x154: {  	[bflag:$0x2] =	sbarrier.arrive $0xFFFF  }
0x155: {  	p0 =	sne.s32 s3, $0x0;
	s0 =	rddreg [dreg:$0x2]  }
0x156: {  	s0 =	sadd.s32 @!p0 $0x100000, s0  }
0x157: {  	[sflag:s0] =	ssyncadd.tile.s32 @!p0 $0x1;
	_ =	shalt  }
.Lfunc_end2:
_tile_overlayer_lowered:
.L_overlay_start_2:
0x158: {  	(tag) =	ssettag $0x2  }
0x159: {  	s0 =	rddreg [dreg:$0x0];
	s2 =	stileid.u32  }
0x15a: {  	s1 =	rddreg [dreg:$0x1];
	p0 =	sne.s32 s2, $0x0  }
0x15b: {  	s3 =	rddreg [dreg:$0x2];
	[bflag:$0x3] =	sbarrier.arrive $0xFFFF;
	s2 =	simm.s32 @!p0 $0x1C01  }
0x15c: {  	[timem:s3], [sflag:s2] =	dma.local @!p0 [hbm:s0], s1  }
0x15d: {  	s0 =	simm.s32 @!p0 $0x1  }
0x15e: {  	_ =	swait.ge @!p0 [sflag:s0], s1  }
0x15f: {  	s1 =	ssub.s32 @!p0 $0x0, s1;
	[sflag:s0] =	ssyncset.done @!p0 $0x0  }
0x160: {  	[sflag:s0] =	ssyncadd.s32 @!p0 s1  }
0x161: {  	[bflag:$0x3] =	sbarrier.arrive $0xFFFF  }
0x162: {  	_ =	shalt  }

</sc_bundles>
